<compile_context>
chip_gen: v7x
topology: tpu7x:2x2x1
jax: 0.10.2.dev20260603
libtpu: 0.0.44.dev20260713+nightly
codegen_flags: <defaults>
</compile_context>

<pallas_src>
import functools

import jax
import jax.numpy as jnp
from jax import lax
from jax.experimental import pallas as pl
from jax.experimental.pallas import tpu as pltpu
from jax.experimental.pallas import tpu_sc as plsc

N = 10000
E = 320000
D_IN = 128
D = 64
NC = 2
NS = 16
NW = NC * NS
STEP = 128
NSTEP = 80
EPT = NSTEP * STEP
EP = NW * EPT
NPAD = 10240
RPT = NPAD // NS
NBUF = 8
LEAD = 4

_mesh = plsc.VectorSubcoreMesh(
    core_axis_name="c", subcore_axis_name="s", num_cores=NC, num_subcores=NS
)
_sc_params = pltpu.CompilerParams(use_tc_tiling_on_sc=False)


@functools.partial(
    pl.kernel,
    out_type=jax.ShapeDtypeStruct((NC, NPAD), jnp.float32),
    mesh=_mesh,
    compiler_params=_sc_params,
    scratch_types=[
        pltpu.VMEM((NSTEP, STEP), jnp.int32),
        pltpu.VMEM((RPT,), jnp.float32),
        pltpu.VMEM_SHARED((NPAD,), jnp.float32),
    ],
)
def _sc_degree(dst_hbm, out_hbm, idx_v, ones_v, hist_s):
    c = lax.axis_index("c")
    s = lax.axis_index("s")
    wid = s * NC + c
    r0 = s * RPT

    def fill(i, _):
        ones_v[pl.ds(i * 16, 16)] = jnp.full((16,), 1.0, jnp.float32)
        return 0

    lax.fori_loop(0, RPT // 16, fill, 0)
    pltpu.sync_copy(ones_v, hist_s.at[pl.ds(r0, RPT)])
    pltpu.sync_copy(dst_hbm.at[wid], idx_v)
    plsc.subcore_barrier()

    def body(j, _):
        pltpu.sync_copy(
            ones_v.at[pl.ds(0, STEP)], hist_s.at[idx_v.at[j]], add=True
        )
        return 0

    lax.fori_loop(0, NSTEP, body, 0)
    plsc.subcore_barrier()
    pltpu.sync_copy(hist_s.at[pl.ds(r0, RPT)], out_hbm.at[c, pl.ds(r0, RPT)])


@functools.partial(
    pl.kernel,
    out_type=jax.ShapeDtypeStruct((NC, NPAD, D), jnp.float32),
    mesh=_mesh,
    compiler_params=_sc_params,
    scratch_types=[
        pltpu.VMEM((NSTEP, STEP), jnp.int32),
        pltpu.VMEM((NSTEP, STEP), jnp.int32),
        [pltpu.VMEM((STEP, D), jnp.float32)] * NBUF,
        pltpu.VMEM_SHARED((NPAD, D), jnp.float32),
        [pltpu.SemaphoreType.DMA] * NBUF,
    ],
)
def _sc_scatter(y_hbm, src_hbm, dst_hbm, out_hbm, si_v, di_v,
                bufs, acc_s, sems):
    c = lax.axis_index("c")
    s = lax.axis_index("s")
    wid = s * NC + c
    r0 = s * RPT

    pltpu.sync_copy(y_hbm.at[pl.ds(r0, RPT)], acc_s.at[pl.ds(r0, RPT)])
    pltpu.sync_copy(src_hbm.at[wid], si_v)
    pltpu.sync_copy(dst_hbm.at[wid], di_v)
    plsc.subcore_barrier()

    for i in range(LEAD):
        pltpu.async_copy(y_hbm.at[si_v.at[i]], bufs[i], sems[i])

    def step(i, k):
        nk = (k + LEAD) % NBUF

        @pl.when(i + LEAD < NSTEP)
        def _():
            @pl.when(i + LEAD >= NBUF)
            def _():
                pltpu.make_async_copy(
                    bufs[nk], acc_s.at[di_v.at[i + LEAD - NBUF]],
                    sems[nk]).wait()

            pltpu.async_copy(y_hbm.at[si_v.at[i + LEAD]], bufs[nk], sems[nk])

        pltpu.make_async_copy(y_hbm.at[si_v.at[i]], bufs[k], sems[k]).wait()
        pltpu.async_copy(bufs[k], acc_s.at[di_v.at[i]], sems[k], add=True)

    def body(j, _):
        base = NBUF * j
        for k in range(NBUF):
            step(base + k, k)
        return 0

    lax.fori_loop(0, NSTEP // NBUF, body, 0)
    for t in range(NSTEP - NBUF, NSTEP):
        pltpu.make_async_copy(
            bufs[t % NBUF], acc_s.at[di_v.at[t]], sems[t % NBUF]).wait()
    plsc.subcore_barrier()
    pltpu.sync_copy(acc_s.at[pl.ds(r0, RPT)], out_hbm.at[c, pl.ds(r0, RPT)])


def _dinv(deg2):
    return lax.rsqrt(deg2[:, 0:1] + deg2[:, 1:2] - 1.0)


NH = NPAD // 2


def _unpair(p):
    return jnp.concatenate([p[:, :D], p[:, D:]], axis=0)


def _store_paired(o_ref, y):
    o_ref[:, :D] = y[:NH]
    o_ref[: N - NH, D:] = y[NH:]


def _tc_first(x_ref, w_ref, deg2_ref, y_ref):
    di = _dinv(deg2_ref[...])
    h = jnp.dot(x_ref[...], w_ref[...], preferred_element_type=jnp.float32)
    _store_paired(y_ref, h * di[:N])


def _tc_mid(spp_ref, yp_ref, deg2_ref, b_ref, w_ref, o_ref):
    di = _dinv(deg2_ref[...])
    ssum = _unpair(spp_ref[0] + spp_ref[1] - yp_ref[...])
    z = jnp.maximum(ssum * di + b_ref[...], 0.0)
    h = jnp.dot(z[:N], w_ref[...], preferred_element_type=jnp.float32)
    _store_paired(o_ref, h * di[:N])


def _tc_last(spp_ref, yp_ref, deg2_ref, b_ref, o_ref):
    di = _dinv(deg2_ref[...])
    ssum = _unpair(spp_ref[0] + spp_ref[1] - yp_ref[...])[:N]
    o_ref[...] = jnp.maximum(ssum * di[:N] + b_ref[...], 0.0)


_pair = jax.ShapeDtypeStruct((NH, 2 * D), jnp.float32)
_t_first = pl.pallas_call(_tc_first, out_shape=_pair)
_t_mid = pl.pallas_call(_tc_mid, out_shape=_pair)
_t_last = pl.pallas_call(
    _tc_last, out_shape=jax.ShapeDtypeStruct((N, D), jnp.float32)
)


def kernel(x, edge_index, W1, b1, W2, b2, W3, b3):
    ei = edge_index.astype(jnp.int32)
    sv = jnp.where(ei[0] < NH, 2 * ei[0], 2 * ei[0] - (NPAD - 1))
    dv = jnp.where(ei[1] < NH, 2 * ei[1], 2 * ei[1] - (NPAD - 1))
    pad = jnp.arange(EP - E, dtype=jnp.int32)
    src = jnp.concatenate([sv, 2 * (pad % NH)]).reshape(NW, NSTEP, STEP)
    dst = jnp.concatenate(
        [dv, 2 * (N - NH) + 1 + 2 * (pad % (NPAD - N))]
    ).reshape(NW, NSTEP, STEP)

    degp = _sc_degree(dst)
    tau = jnp.concatenate(
        [2 * jnp.arange(NH, dtype=jnp.int32),
         2 * jnp.arange(NPAD - NH, dtype=jnp.int32) + 1])
    deg2 = jnp.transpose(degp)[tau]

    def scatter(yp):
        sp = _sc_scatter(yp.reshape(NPAD, D), src, dst)
        return sp.reshape(NC, NH, 2 * D)

    y1 = _t_first(x, W1, deg2)
    y2 = _t_mid(scatter(y1), y1, deg2, b1.reshape(1, D), W2)
    y3 = _t_mid(scatter(y2), y2, deg2, b2.reshape(1, D), W3)
    return _t_last(scatter(y3), y3, deg2, b3.reshape(1, D))

# --- scband reference (transcript-rebuilt; emitter-appended) ---
"""Pipeline reference for scband-base-gnn-21723944583206 (READ-ONLY COPY).

The authoritative reference and input builder live on the scoring server;
editing this copy changes nothing except your own understanding.
"""

import jax, jax.numpy as jnp
import numpy as np

N_NODES = 10000
N_EDGES = 320000
D_IN = 128
D_HID = 64
NUM_LAYERS = 3


def setup_inputs(seed: int = 0) -> dict:
    key = jax.random.key(seed)
    k_x, k_e, k_w = jax.random.split(key, 3)
    x = jax.random.normal(k_x, (N_NODES, D_IN), dtype=jnp.float32)
    edge_index = jax.random.randint(k_e, (2, N_EDGES), 0, N_NODES, dtype=jnp.int64)
    inp = {"x": x, "edge_index": edge_index}
    dims = [D_IN] + [D_HID] * NUM_LAYERS
    wkeys = jax.random.split(k_w, NUM_LAYERS)
    for i in range(NUM_LAYERS):
        fan_in = dims[i]
        scale = 1.0 / np.sqrt(fan_in)
        inp[f"W{i+1}"] = jax.random.uniform(wkeys[i], (dims[i], dims[i + 1]), minval=-scale, maxval=scale, dtype=jnp.float32)
        inp[f"b{i+1}"] = jnp.zeros((dims[i + 1],), dtype=jnp.float32)
    return inp


def gcn_conv(x, edge_index, W, b):
    # Standard GCNConv: x' = D^{-1/2} (A + I) D^{-1/2} x W + b
    n = x.shape[0]
    loop = jnp.arange(n, dtype=edge_index.dtype)
    src = jnp.concatenate([edge_index[0], loop])
    dst = jnp.concatenate([edge_index[1], loop])
    deg = jnp.zeros((n,), dtype=x.dtype).at[dst].add(1.0)
    dinv = jnp.where(deg > 0, jax.lax.rsqrt(deg), 0.0)
    norm = dinv[src] * dinv[dst]
    h = x @ W
    msgs = h[src] * norm[:, None]
    out = jnp.zeros((n, h.shape[1]), dtype=x.dtype).at[dst].add(msgs)
    return out + b


def reference(x, edge_index, W1, b1, W2, b2, W3, b3):
    # BaseGNN.bottleneck_layers in eval mode (dropout = identity):
    # for each GCNConv layer: x = relu(conv(dropout(x), edge_index))
    Ws = [W1, W2, W3]
    bs = [b1, b2, b3]
    h = x
    for W, b in zip(Ws, bs):
        h = gcn_conv(h, edge_index, W, b)
        h = jax.nn.relu(h)
    return h

if __name__ == "__main__":
    import jax
    _d = setup_inputs()
    print(jax.jit(kernel)(*tuple(_d.values())))

</pallas_src>

<mosaic_0001>
#map = affine_map<(d0, d1) -> (0, 0, 0)>
#map1 = affine_map<(d0, d1) -> (0, 0)>
module attributes {stable_mosaic.version = 14 : i64} {
  func.func @_sc_degree(%arg0: i32, %arg1: i32, %arg2: memref<32x80x128xi32, #tpu.memory_space<hbm>>, %arg3: memref<2x10240xf32, #tpu.memory_space<hbm>>, %arg4: memref<80x128xi32, #tpu.memory_space<vmem>>, %arg5: memref<640xf32, #tpu.memory_space<vmem>>, %arg6: memref<10240xf32, #tpu.memory_space<vmem_shared>>) attributes {dimension_semantics = [#tpu.dimension_semantics<core_parallel>, #tpu.dimension_semantics<subcore_parallel>], iteration_bounds = array<i64: 2, 16>, scalar_prefetch = 0 : i64, scratch_operands = 3 : i64, tpu.core_type = #tpu.core_type<sc_vector_subcore>, window_params = [{transform_indices = #map}, {transform_indices = #map1}]} {
    %mul3A = arith.constant 2 : i32
    %mul3A_0 = arith.muli %arg1, %mul3A : i32
    %add3A = arith.addi %mul3A_0, %arg0 : i32
    %mul3A_1 = arith.constant 640 : i32
    %mul3A_2 = arith.muli %arg1, %mul3A_1 : i32
    %scan3A = arith.constant 0 : i32
    %scan3A_3 = arith.constant 0 : i32
    %scan3A_4 = arith.constant 40 : i32
    %scan3A_5 = arith.addi %scan3A_3, %scan3A_4 : i32
    %scan3A_6 = arith.constant 1 : i32
    %scan3A_7 = scf.for %scan3A_17 = %scan3A_3 to %scan3A_5 step %scan3A_6 iter_args(%scan3A_18 = %scan3A) -> (i32)  : i32 {
      %broadcast_in_dim3A = arith.constant 1.000000e+00 : f32
      %broadcast_in_dim3A_19 = vector.broadcast %broadcast_in_dim3A : f32 to vector<16xf32>
      %mul3A_20 = arith.constant 16 : i32
      %mul3A_21 = arith.muli %scan3A_17, %mul3A_20 : i32
      %swap3A = arith.index_cast %mul3A_21 : i32 to index
      %swap3A_22 = tpu.vector_load %arg5[%swap3A] {strides = array<i32>} : memref<640xf32, #tpu.memory_space<vmem>>, vector<16xf32>,
      %swap3A_23 = vector.shape_cast %swap3A_22 : vector<16xf32> to vector<16xf32>
      %swap3A_24 = vector.shape_cast %broadcast_in_dim3A_19 : vector<16xf32> to vector<16xf32>
      tpu.vector_store %arg5[%swap3A], %swap3A_24 {strides = array<i32>} : memref<640xf32, #tpu.memory_space<vmem>>, vector<16xf32>,
      %scan3A_25 = arith.constant 0 : i32
      scf.yield %scan3A_25 : i32
    }
    %scan3A_8 = arith.constant 40 : i32
    "tpu.region"() ({
      %run_scoped3A = tpu.sem_alloc : memref<!tpu.dma_semaphore, #tpu.memory_space<semaphore_mem>>
      %dma_start3A = tpu.memref_slice %arg6[%mul3A_2] : memref<10240xf32, #tpu.memory_space<vmem_shared>> -> memref<640xf32, #tpu.memory_space<vmem_shared>>
      %dma_start3A_17 = tpu.memref_slice %arg6[%mul3A_2] : memref<10240xf32, #tpu.memory_space<vmem_shared>> -> memref<640xf32, #tpu.memory_space<vmem_shared>>
      tpu.enqueue_dma source(%arg5 : memref<640xf32, #tpu.memory_space<vmem>>) target(%dma_start3A_17 : memref<640xf32, #tpu.memory_space<vmem_shared>>) target_semaphore(%run_scoped3A : memref<!tpu.dma_semaphore, #tpu.memory_space<semaphore_mem>>)
      %dma_wait3A = tpu.memref_slice %arg6[%mul3A_2] : memref<10240xf32, #tpu.memory_space<vmem_shared>> -> memref<640xf32, #tpu.memory_space<vmem_shared>>
      %dma_wait3A_18 = tpu.memref_slice %arg6[%mul3A_2] : memref<10240xf32, #tpu.memory_space<vmem_shared>> -> memref<640xf32, #tpu.memory_space<vmem_shared>>
      tpu.wait_dma2 semaphore(%run_scoped3A : memref<!tpu.dma_semaphore, #tpu.memory_space<semaphore_mem>>) src(%arg5 : memref<640xf32, #tpu.memory_space<vmem>>) dst(%dma_wait3A_18 : memref<640xf32, #tpu.memory_space<vmem_shared>>)
      tpu.yield
    }) : () -> ()
    "tpu.region"() ({
      %run_scoped3A = tpu.sem_alloc : memref<!tpu.dma_semaphore, #tpu.memory_space<semaphore_mem>>
      %dma_start3A = arith.constant 0 : i32
      %dma_start3A_17 = arith.constant 0 : i32
      %dma_start3A_18 = tpu.memref_slice %arg2[%add3A, %dma_start3A, %dma_start3A_17] : memref<32x80x128xi32, #tpu.memory_space<hbm>> -> memref<1x80x128xi32, #tpu.memory_space<hbm>>
      %dma_start3A_19 = tpu.memref_squeeze %dma_start3A_18 : memref<1x80x128xi32, #tpu.memory_space<hbm>> -> memref<80x128xi32, #tpu.memory_space<hbm>>
      %dma_start3A_20 = arith.constant 0 : i32
      %dma_start3A_21 = arith.constant 0 : i32
      %dma_start3A_22 = tpu.memref_slice %arg2[%add3A, %dma_start3A_20, %dma_start3A_21] : memref<32x80x128xi32, #tpu.memory_space<hbm>> -> memref<1x80x128xi32, #tpu.memory_space<hbm>>
      %dma_start3A_23 = tpu.memref_squeeze %dma_start3A_22 : memref<1x80x128xi32, #tpu.memory_space<hbm>> -> memref<80x128xi32, #tpu.memory_space<hbm>>
      tpu.enqueue_dma source(%dma_start3A_23 : memref<80x128xi32, #tpu.memory_space<hbm>>) target(%arg4 : memref<80x128xi32, #tpu.memory_space<vmem>>) target_semaphore(%run_scoped3A : memref<!tpu.dma_semaphore, #tpu.memory_space<semaphore_mem>>)
      %dma_wait3A = arith.constant 0 : i32
      %dma_wait3A_24 = arith.constant 0 : i32
      %dma_wait3A_25 = tpu.memref_slice %arg2[%add3A, %dma_wait3A, %dma_wait3A_24] : memref<32x80x128xi32, #tpu.memory_space<hbm>> -> memref<1x80x128xi32, #tpu.memory_space<hbm>>
      %dma_wait3A_26 = tpu.memref_squeeze %dma_wait3A_25 : memref<1x80x128xi32, #tpu.memory_space<hbm>> -> memref<80x128xi32, #tpu.memory_space<hbm>>
      %dma_wait3A_27 = arith.constant 0 : i32
      %dma_wait3A_28 = arith.constant 0 : i32
      %dma_wait3A_29 = tpu.memref_slice %arg2[%add3A, %dma_wait3A_27, %dma_wait3A_28] : memref<32x80x128xi32, #tpu.memory_space<hbm>> -> memref<1x80x128xi32, #tpu.memory_space<hbm>>
      %dma_wait3A_30 = tpu.memref_squeeze %dma_wait3A_29 : memref<1x80x128xi32, #tpu.memory_space<hbm>> -> memref<80x128xi32, #tpu.memory_space<hbm>>
      tpu.wait_dma2 semaphore(%run_scoped3A : memref<!tpu.dma_semaphore, #tpu.memory_space<semaphore_mem>>) src(%dma_wait3A_30 : memref<80x128xi32, #tpu.memory_space<hbm>>) dst(%arg4 : memref<80x128xi32, #tpu.memory_space<vmem>>)
      tpu.yield
    }) : () -> ()
    %barrier3A = arith.constant 0 : index
    tpu.barrier barrier_id(%barrier3A)
    %scan3A_9 = arith.constant 0 : i32
    %scan3A_10 = arith.constant 0 : i32
    %scan3A_11 = arith.constant 80 : i32
    %scan3A_12 = arith.addi %scan3A_10, %scan3A_11 : i32
    %scan3A_13 = arith.constant 1 : i32
    %scan3A_14 = scf.for %scan3A_17 = %scan3A_10 to %scan3A_12 step %scan3A_13 iter_args(%scan3A_18 = %scan3A_9) -> (i32)  : i32 {
      "tpu.region"() ({
        %run_scoped3A = tpu.sem_alloc : memref<!tpu.dma_semaphore, #tpu.memory_space<semaphore_mem>>
        %dma_start3A = arith.constant 0 : i32
        %dma_start3A_20 = tpu.memref_slice %arg5[%dma_start3A] : memref<640xf32, #tpu.memory_space<vmem>> -> memref<128xf32, #tpu.memory_space<vmem>>
        %dma_start3A_21 = arith.constant 0 : i32
        %dma_start3A_22 = tpu.memref_slice %arg4[%scan3A_17, %dma_start3A_21] : memref<80x128xi32, #tpu.memory_space<vmem>> -> memref<1x128xi32, #tpu.memory_space<vmem>>
        %dma_start3A_23 = tpu.memref_squeeze %dma_start3A_22 : memref<1x128xi32, #tpu.memory_space<vmem>> -> memref<128xi32, #tpu.memory_space<vmem>>
        %dma_start3A_24 = arith.constant 0 : i32
        %dma_start3A_25 = tpu.memref_slice %arg6[%dma_start3A_24] : memref<10240xf32, #tpu.memory_space<vmem_shared>> -> memref<10240xf32, #tpu.memory_space<vmem_shared>>
        tpu.enqueue_indirect_dma source(%dma_start3A_20 : memref<128xf32, #tpu.memory_space<vmem>>) target(%dma_start3A_25 : memref<10240xf32, #tpu.memory_space<vmem_shared>>) offsets(%dma_start3A_23 : memref<128xi32, #tpu.memory_space<vmem>>) semaphore(%run_scoped3A : memref<!tpu.dma_semaphore, #tpu.memory_space<semaphore_mem>>) {add = true}
        %dma_wait3A = arith.constant 0 : i32
        %dma_wait3A_26 = tpu.memref_slice %arg5[%dma_wait3A] : memref<640xf32, #tpu.memory_space<vmem>> -> memref<128xf32, #tpu.memory_space<vmem>>
        %dma_wait3A_27 = arith.constant 0 : i32
        %dma_wait3A_28 = tpu.memref_slice %arg4[%scan3A_17, %dma_wait3A_27] : memref<80x128xi32, #tpu.memory_space<vmem>> -> memref<1x128xi32, #tpu.memory_space<vmem>>
        %dma_wait3A_29 = tpu.memref_squeeze %dma_wait3A_28 : memref<1x128xi32, #tpu.memory_space<vmem>> -> memref<128xi32, #tpu.memory_space<vmem>>
        %dma_wait3A_30 = arith.constant 0 : i32
        %dma_wait3A_31 = tpu.memref_slice %arg6[%dma_wait3A_30] : memref<10240xf32, #tpu.memory_space<vmem_shared>> -> memref<10240xf32, #tpu.memory_space<vmem_shared>>
        tpu.wait_indirect_dma semaphore(%run_scoped3A : memref<!tpu.dma_semaphore, #tpu.memory_space<semaphore_mem>>) src(%dma_wait3A_26 : memref<128xf32, #tpu.memory_space<vmem>>) dst(%dma_wait3A_31 : memref<10240xf32, #tpu.memory_space<vmem_shared>>)
        tpu.yield
      }) : () -> ()
      %scan3A_19 = arith.constant 0 : i32
      scf.yield %scan3A_19 : i32
    }
    %scan3A_15 = arith.constant 80 : i32
    %barrier3A_16 = arith.constant 0 : index
    tpu.barrier barrier_id(%barrier3A_16)
    "tpu.region"() ({
      %run_scoped3A = tpu.sem_alloc : memref<!tpu.dma_semaphore, #tpu.memory_space<semaphore_mem>>
      %dma_start3A = tpu.memref_slice %arg3[%arg0, %mul3A_2] : memref<2x10240xf32, #tpu.memory_space<hbm>> -> memref<1x640xf32, #tpu.memory_space<hbm>>
      %dma_start3A_17 = tpu.memref_squeeze %dma_start3A : memref<1x640xf32, #tpu.memory_space<hbm>> -> memref<640xf32, #tpu.memory_space<hbm>>
      %dma_start3A_18 = tpu.memref_slice %arg6[%mul3A_2] : memref<10240xf32, #tpu.memory_space<vmem_shared>> -> memref<640xf32, #tpu.memory_space<vmem_shared>>
      tpu.enqueue_dma source(%dma_start3A_18 : memref<640xf32, #tpu.memory_space<vmem_shared>>) target(%dma_start3A_17 : memref<640xf32, #tpu.memory_space<hbm>>) target_semaphore(%run_scoped3A : memref<!tpu.dma_semaphore, #tpu.memory_space<semaphore_mem>>)
      %dma_wait3A = tpu.memref_slice %arg3[%arg0, %mul3A_2] : memref<2x10240xf32, #tpu.memory_space<hbm>> -> memref<1x640xf32, #tpu.memory_space<hbm>>
      %dma_wait3A_19 = tpu.memref_squeeze %dma_wait3A : memref<1x640xf32, #tpu.memory_space<hbm>> -> memref<640xf32, #tpu.memory_space<hbm>>
      %dma_wait3A_20 = tpu.memref_slice %arg6[%mul3A_2] : memref<10240xf32, #tpu.memory_space<vmem_shared>> -> memref<640xf32, #tpu.memory_space<vmem_shared>>
      tpu.wait_dma2 semaphore(%run_scoped3A : memref<!tpu.dma_semaphore, #tpu.memory_space<semaphore_mem>>) src(%dma_wait3A_20 : memref<640xf32, #tpu.memory_space<vmem_shared>>) dst(%dma_wait3A_19 : memref<640xf32, #tpu.memory_space<hbm>>)
      tpu.yield
    }) : () -> ()
    return
  }
}

#map = affine_map<(d0, d1) -> (0, 0)>
#map1 = affine_map<(d0, d1) -> (0, 0, 0)>
module attributes {stable_mosaic.version = 14 : i64} {
  func.func @_sc_scatter(%arg0: i32, %arg1: i32, %arg2: memref<10240x64xf32, #tpu.memory_space<hbm>>, %arg3: memref<32x80x128xi32, #tpu.memory_space<hbm>>, %arg4: memref<32x80x128xi32, #tpu.memory_space<hbm>>, %arg5: memref<2x10240x64xf32, #tpu.memory_space<hbm>>, %arg6: memref<80x128xi32, #tpu.memory_space<vmem>>, %arg7: memref<80x128xi32, #tpu.memory_space<vmem>>, %arg8: memref<128x64xf32, #tpu.memory_space<vmem>>, %arg9: memref<128x64xf32, #tpu.memory_space<vmem>>, %arg10: memref<128x64xf32, #tpu.memory_space<vmem>>, %arg11: memref<128x64xf32, #tpu.memory_space<vmem>>, %arg12: memref<128x64xf32, #tpu.memory_space<vmem>>, %arg13: memref<128x64xf32, #tpu.memory_space<vmem>>, %arg14: memref<128x64xf32, #tpu.memory_space<vmem>>, %arg15: memref<128x64xf32, #tpu.memory_space<vmem>>, %arg16: memref<10240x64xf32, #tpu.memory_space<vmem_shared>>, %arg17: memref<!tpu.dma_semaphore, #tpu.memory_space<semaphore_mem>>, %arg18: memref<!tpu.dma_semaphore, #tpu.memory_space<semaphore_mem>>, %arg19: memref<!tpu.dma_semaphore, #tpu.memory_space<semaphore_mem>>, %arg20: memref<!tpu.dma_semaphore, #tpu.memory_space<semaphore_mem>>, %arg21: memref<!tpu.dma_semaphore, #tpu.memory_space<semaphore_mem>>, %arg22: memref<!tpu.dma_semaphore, #tpu.memory_space<semaphore_mem>>, %arg23: memref<!tpu.dma_semaphore, #tpu.memory_space<semaphore_mem>>, %arg24: memref<!tpu.dma_semaphore, #tpu.memory_space<semaphore_mem>>) attributes {dimension_semantics = [#tpu.dimension_semantics<core_parallel>, #tpu.dimension_semantics<subcore_parallel>], iteration_bounds = array<i64: 2, 16>, scalar_prefetch = 0 : i64, scratch_operands = 19 : i64, tpu.core_type = #tpu.core_type<sc_vector_subcore>, window_params = [{transform_indices = #map}, {transform_indices = #map1}, {transform_indices = #map1}, {transform_indices = #map1}]} {
    %mul3A = arith.constant 2 : i32
    %mul3A_0 = arith.muli %arg1, %mul3A : i32
    %add3A = arith.addi %mul3A_0, %arg0 : i32
    %mul3A_1 = arith.constant 640 : i32
    %mul3A_2 = arith.muli %arg1, %mul3A_1 : i32
    "tpu.region"() ({
      %run_scoped3A = tpu.sem_alloc : memref<!tpu.dma_semaphore, #tpu.memory_space<semaphore_mem>>
      %dma_start3A_92 = arith.constant 0 : i32
      %dma_start3A_93 = tpu.memref_slice %arg16[%mul3A_2, %dma_start3A_92] : memref<10240x64xf32, #tpu.memory_space<vmem_shared>> -> memref<640x64xf32, #tpu.memory_space<vmem_shared>>
      %dma_start3A_94 = arith.constant 0 : i32
      %dma_start3A_95 = tpu.memref_slice %arg2[%mul3A_2, %dma_start3A_94] : memref<10240x64xf32, #tpu.memory_space<hbm>> -> memref<640x64xf32, #tpu.memory_space<hbm>>
      tpu.enqueue_dma source(%dma_start3A_95 : memref<640x64xf32, #tpu.memory_space<hbm>>) target(%dma_start3A_93 : memref<640x64xf32, #tpu.memory_space<vmem_shared>>) target_semaphore(%run_scoped3A : memref<!tpu.dma_semaphore, #tpu.memory_space<semaphore_mem>>)
      %dma_wait3A_96 = arith.constant 0 : i32
      %dma_wait3A_97 = tpu.memref_slice %arg16[%mul3A_2, %dma_wait3A_96] : memref<10240x64xf32, #tpu.memory_space<vmem_shared>> -> memref<640x64xf32, #tpu.memory_space<vmem_shared>>
      %dma_wait3A_98 = arith.constant 0 : i32
      %dma_wait3A_99 = tpu.memref_slice %arg2[%mul3A_2, %dma_wait3A_98] : memref<10240x64xf32, #tpu.memory_space<hbm>> -> memref<640x64xf32, #tpu.memory_space<hbm>>
      tpu.wait_dma2 semaphore(%run_scoped3A : memref<!tpu.dma_semaphore, #tpu.memory_space<semaphore_mem>>) src(%dma_wait3A_99 : memref<640x64xf32, #tpu.memory_space<hbm>>) dst(%dma_wait3A_97 : memref<640x64xf32, #tpu.memory_space<vmem_shared>>)
      tpu.yield
    }) : () -> ()
    "tpu.region"() ({
      %run_scoped3A = tpu.sem_alloc : memref<!tpu.dma_semaphore, #tpu.memory_space<semaphore_mem>>
      %dma_start3A_92 = arith.constant 0 : i32
      %dma_start3A_93 = arith.constant 0 : i32
      %dma_start3A_94 = tpu.memref_slice %arg3[%add3A, %dma_start3A_92, %dma_start3A_93] : memref<32x80x128xi32, #tpu.memory_space<hbm>> -> memref<1x80x128xi32, #tpu.memory_space<hbm>>
      %dma_start3A_95 = tpu.memref_squeeze %dma_start3A_94 : memref<1x80x128xi32, #tpu.memory_space<hbm>> -> memref<80x128xi32, #tpu.memory_space<hbm>>
      %dma_start3A_96 = arith.constant 0 : i32
      %dma_start3A_97 = arith.constant 0 : i32
      %dma_start3A_98 = tpu.memref_slice %arg3[%add3A, %dma_start3A_96, %dma_start3A_97] : memref<32x80x128xi32, #tpu.memory_space<hbm>> -> memref<1x80x128xi32, #tpu.memory_space<hbm>>
      %dma_start3A_99 = tpu.memref_squeeze %dma_start3A_98 : memref<1x80x128xi32, #tpu.memory_space<hbm>> -> memref<80x128xi32, #tpu.memory_space<hbm>>
      tpu.enqueue_dma source(%dma_start3A_99 : memref<80x128xi32, #tpu.memory_space<hbm>>) target(%arg6 : memref<80x128xi32, #tpu.memory_space<vmem>>) target_semaphore(%run_scoped3A : memref<!tpu.dma_semaphore, #tpu.memory_space<semaphore_mem>>)
      %dma_wait3A_100 = arith.constant 0 : i32
      %dma_wait3A_101 = arith.constant 0 : i32
      %dma_wait3A_102 = tpu.memref_slice %arg3[%add3A, %dma_wait3A_100, %dma_wait3A_101] : memref<32x80x128xi32, #tpu.memory_space<hbm>> -> memref<1x80x128xi32, #tpu.memory_space<hbm>>
      %dma_wait3A_103 = tpu.memref_squeeze %dma_wait3A_102 : memref<1x80x128xi32, #tpu.memory_space<hbm>> -> memref<80x128xi32, #tpu.memory_space<hbm>>
      %dma_wait3A_104 = arith.constant 0 : i32
      %dma_wait3A_105 = arith.constant 0 : i32
      %dma_wait3A_106 = tpu.memref_slice %arg3[%add3A, %dma_wait3A_104, %dma_wait3A_105] : memref<32x80x128xi32, #tpu.memory_space<hbm>> -> memref<1x80x128xi32, #tpu.memory_space<hbm>>
      %dma_wait3A_107 = tpu.memref_squeeze %dma_wait3A_106 : memref<1x80x128xi32, #tpu.memory_space<hbm>> -> memref<80x128xi32, #tpu.memory_space<hbm>>
      tpu.wait_dma2 semaphore(%run_scoped3A : memref<!tpu.dma_semaphore, #tpu.memory_space<semaphore_mem>>) src(%dma_wait3A_107 : memref<80x128xi32, #tpu.memory_space<hbm>>) dst(%arg6 : memref<80x128xi32, #tpu.memory_space<vmem>>)
      tpu.yield
    }) : () -> ()
    "tpu.region"() ({
      %run_scoped3A = tpu.sem_alloc : memref<!tpu.dma_semaphore, #tpu.memory_space<semaphore_mem>>
      %dma_start3A_92 = arith.constant 0 : i32
      %dma_start3A_93 = arith.constant 0 : i32
      %dma_start3A_94 = tpu.memref_slice %arg4[%add3A, %dma_start3A_92, %dma_start3A_93] : memref<32x80x128xi32, #tpu.memory_space<hbm>> -> memref<1x80x128xi32, #tpu.memory_space<hbm>>
      %dma_start3A_95 = tpu.memref_squeeze %dma_start3A_94 : memref<1x80x128xi32, #tpu.memory_space<hbm>> -> memref<80x128xi32, #tpu.memory_space<hbm>>
      %dma_start3A_96 = arith.constant 0 : i32
      %dma_start3A_97 = arith.constant 0 : i32
      %dma_start3A_98 = tpu.memref_slice %arg4[%add3A, %dma_start3A_96, %dma_start3A_97] : memref<32x80x128xi32, #tpu.memory_space<hbm>> -> memref<1x80x128xi32, #tpu.memory_space<hbm>>
      %dma_start3A_99 = tpu.memref_squeeze %dma_start3A_98 : memref<1x80x128xi32, #tpu.memory_space<hbm>> -> memref<80x128xi32, #tpu.memory_space<hbm>>
      tpu.enqueue_dma source(%dma_start3A_99 : memref<80x128xi32, #tpu.memory_space<hbm>>) target(%arg7 : memref<80x128xi32, #tpu.memory_space<vmem>>) target_semaphore(%run_scoped3A : memref<!tpu.dma_semaphore, #tpu.memory_space<semaphore_mem>>)
      %dma_wait3A_100 = arith.constant 0 : i32
      %dma_wait3A_101 = arith.constant 0 : i32
      %dma_wait3A_102 = tpu.memref_slice %arg4[%add3A, %dma_wait3A_100, %dma_wait3A_101] : memref<32x80x128xi32, #tpu.memory_space<hbm>> -> memref<1x80x128xi32, #tpu.memory_space<hbm>>
      %dma_wait3A_103 = tpu.memref_squeeze %dma_wait3A_102 : memref<1x80x128xi32, #tpu.memory_space<hbm>> -> memref<80x128xi32, #tpu.memory_space<hbm>>
      %dma_wait3A_104 = arith.constant 0 : i32
      %dma_wait3A_105 = arith.constant 0 : i32
      %dma_wait3A_106 = tpu.memref_slice %arg4[%add3A, %dma_wait3A_104, %dma_wait3A_105] : memref<32x80x128xi32, #tpu.memory_space<hbm>> -> memref<1x80x128xi32, #tpu.memory_space<hbm>>
      %dma_wait3A_107 = tpu.memref_squeeze %dma_wait3A_106 : memref<1x80x128xi32, #tpu.memory_space<hbm>> -> memref<80x128xi32, #tpu.memory_space<hbm>>
      tpu.wait_dma2 semaphore(%run_scoped3A : memref<!tpu.dma_semaphore, #tpu.memory_space<semaphore_mem>>) src(%dma_wait3A_107 : memref<80x128xi32, #tpu.memory_space<hbm>>) dst(%arg7 : memref<80x128xi32, #tpu.memory_space<vmem>>)
      tpu.yield
    }) : () -> ()
    %barrier3A = arith.constant 0 : index
    tpu.barrier barrier_id(%barrier3A)
    %dma_start3A = arith.constant 0 : i32
    %dma_start3A_3 = arith.constant 0 : i32
    %dma_start3A_4 = tpu.memref_slice %arg6[%dma_start3A, %dma_start3A_3] : memref<80x128xi32, #tpu.memory_space<vmem>> -> memref<1x128xi32, #tpu.memory_space<vmem>>
    %dma_start3A_5 = tpu.memref_squeeze %dma_start3A_4 : memref<1x128xi32, #tpu.memory_space<vmem>> -> memref<128xi32, #tpu.memory_space<vmem>>
    %dma_start3A_6 = arith.constant 0 : i32
    %dma_start3A_7 = arith.constant 0 : i32
    %dma_start3A_8 = tpu.memref_slice %arg2[%dma_start3A_6, %dma_start3A_7] : memref<10240x64xf32, #tpu.memory_space<hbm>> -> memref<10240x64xf32, #tpu.memory_space<hbm>>
    tpu.enqueue_indirect_dma source(%dma_start3A_8 : memref<10240x64xf32, #tpu.memory_space<hbm>>) target(%arg8 : memref<128x64xf32, #tpu.memory_space<vmem>>) offsets(%dma_start3A_5 : memref<128xi32, #tpu.memory_space<vmem>>) semaphore(%arg17 : memref<!tpu.dma_semaphore, #tpu.memory_space<semaphore_mem>>)
    %dma_start3A_9 = arith.constant 1 : i32
    %dma_start3A_10 = arith.constant 0 : i32
    %dma_start3A_11 = tpu.memref_slice %arg6[%dma_start3A_9, %dma_start3A_10] : memref<80x128xi32, #tpu.memory_space<vmem>> -> memref<1x128xi32, #tpu.memory_space<vmem>>
    %dma_start3A_12 = tpu.memref_squeeze %dma_start3A_11 : memref<1x128xi32, #tpu.memory_space<vmem>> -> memref<128xi32, #tpu.memory_space<vmem>>
    %dma_start3A_13 = arith.constant 0 : i32
    %dma_start3A_14 = arith.constant 0 : i32
    %dma_start3A_15 = tpu.memref_slice %arg2[%dma_start3A_13, %dma_start3A_14] : memref<10240x64xf32, #tpu.memory_space<hbm>> -> memref<10240x64xf32, #tpu.memory_space<hbm>>
    tpu.enqueue_indirect_dma source(%dma_start3A_15 : memref<10240x64xf32, #tpu.memory_space<hbm>>) target(%arg9 : memref<128x64xf32, #tpu.memory_space<vmem>>) offsets(%dma_start3A_12 : memref<128xi32, #tpu.memory_space<vmem>>) semaphore(%arg18 : memref<!tpu.dma_semaphore, #tpu.memory_space<semaphore_mem>>)
    %dma_start3A_16 = arith.constant 2 : i32
    %dma_start3A_17 = arith.constant 0 : i32
    %dma_start3A_18 = tpu.memref_slice %arg6[%dma_start3A_16, %dma_start3A_17] : memref<80x128xi32, #tpu.memory_space<vmem>> -> memref<1x128xi32, #tpu.memory_space<vmem>>
    %dma_start3A_19 = tpu.memref_squeeze %dma_start3A_18 : memref<1x128xi32, #tpu.memory_space<vmem>> -> memref<128xi32, #tpu.memory_space<vmem>>
    %dma_start3A_20 = arith.constant 0 : i32
    %dma_start3A_21 = arith.constant 0 : i32
    %dma_start3A_22 = tpu.memref_slice %arg2[%dma_start3A_20, %dma_start3A_21] : memref<10240x64xf32, #tpu.memory_space<hbm>> -> memref<10240x64xf32, #tpu.memory_space<hbm>>
    tpu.enqueue_indirect_dma source(%dma_start3A_22 : memref<10240x64xf32, #tpu.memory_space<hbm>>) target(%arg10 : memref<128x64xf32, #tpu.memory_space<vmem>>) offsets(%dma_start3A_19 : memref<128xi32, #tpu.memory_space<vmem>>) semaphore(%arg19 : memref<!tpu.dma_semaphore, #tpu.memory_space<semaphore_mem>>)
    %dma_start3A_23 = arith.constant 3 : i32
    %dma_start3A_24 = arith.constant 0 : i32
    %dma_start3A_25 = tpu.memref_slice %arg6[%dma_start3A_23, %dma_start3A_24] : memref<80x128xi32, #tpu.memory_space<vmem>> -> memref<1x128xi32, #tpu.memory_space<vmem>>
    %dma_start3A_26 = tpu.memref_squeeze %dma_start3A_25 : memref<1x128xi32, #tpu.memory_space<vmem>> -> memref<128xi32, #tpu.memory_space<vmem>>
    %dma_start3A_27 = arith.constant 0 : i32
    %dma_start3A_28 = arith.constant 0 : i32
    %dma_start3A_29 = tpu.memref_slice %arg2[%dma_start3A_27, %dma_start3A_28] : memref<10240x64xf32, #tpu.memory_space<hbm>> -> memref<10240x64xf32, #tpu.memory_space<hbm>>
    tpu.enqueue_indirect_dma source(%dma_start3A_29 : memref<10240x64xf32, #tpu.memory_space<hbm>>) target(%arg11 : memref<128x64xf32, #tpu.memory_space<vmem>>) offsets(%dma_start3A_26 : memref<128xi32, #tpu.memory_space<vmem>>) semaphore(%arg20 : memref<!tpu.dma_semaphore, #tpu.memory_space<semaphore_mem>>)
    %scan3A = arith.constant 0 : i32
    %scan3A_30 = arith.constant 0 : i32
    %scan3A_31 = arith.constant 10 : i32
    %scan3A_32 = arith.addi %scan3A_30, %scan3A_31 : i32
    %scan3A_33 = arith.constant 1 : i32
    %scan3A_34 = scf.for %scan3A_92 = %scan3A_30 to %scan3A_32 step %scan3A_33 iter_args(%scan3A_93 = %scan3A) -> (i32)  : i32 {
      %mul3A_94 = arith.constant 8 : i32
      %mul3A_95 = arith.muli %mul3A_94, %scan3A_92 : i32
      %add3A_96 = arith.constant 0 : i32
      %add3A_97 = arith.addi %mul3A_95, %add3A_96 : i32
      %add3A_98 = arith.constant 4 : i32
      %add3A_99 = arith.addi %add3A_97, %add3A_98 : i32
      %lt3A = arith.constant 80 : i32
      %lt3A_100 = arith.cmpi slt, %add3A_99, %lt3A : i32
      %convert_element_type3A = arith.extui %lt3A_100 : i1 to i32
      %cond3A = arith.constant 0 : i32
      %cond3A_101 = arith.cmpi ne, %convert_element_type3A, %cond3A : i32
      scf.if %cond3A_101 {
        %add3A_262 = arith.constant 4 : i32
        %add3A_263 = arith.addi %add3A_97, %add3A_262 : i32
        %ge3A = arith.constant 8 : i32
        %ge3A_264 = arith.cmpi sge, %add3A_263, %ge3A : i32
        %convert_element_type3A_265 = arith.extui %ge3A_264 : i1 to i32
        %cond3A_266 = arith.constant 0 : i32
        %cond3A_267 = arith.cmpi ne, %convert_element_type3A_265, %cond3A_266 : i32
        scf.if %cond3A_267 {
          %add3A_276 = arith.constant 4 : i32
          %add3A_277 = arith.addi %add3A_97, %add3A_276 : i32
          %sub3A = arith.constant 8 : i32
          %sub3A_278 = arith.subi %add3A_277, %sub3A : i32
          %dma_wait3A_279 = arith.constant 0 : i32
          %dma_wait3A_280 = tpu.memref_slice %arg7[%sub3A_278, %dma_wait3A_279] : memref<80x128xi32, #tpu.memory_space<vmem>> -> memref<1x128xi32, #tpu.memory_space<vmem>>
          %dma_wait3A_281 = tpu.memref_squeeze %dma_wait3A_280 : memref<1x128xi32, #tpu.memory_space<vmem>> -> memref<128xi32, #tpu.memory_space<vmem>>
          %dma_wait3A_282 = arith.constant 0 : i32
          %dma_wait3A_283 = arith.constant 0 : i32
          %dma_wait3A_284 = tpu.memref_slice %arg16[%dma_wait3A_282, %dma_wait3A_283] : memref<10240x64xf32, #tpu.memory_space<vmem_shared>> -> memref<10240x64xf32, #tpu.memory_space<vmem_shared>>
          tpu.wait_indirect_dma semaphore(%arg21 : memref<!tpu.dma_semaphore, #tpu.memory_space<semaphore_mem>>) src(%arg12 : memref<128x64xf32, #tpu.memory_space<vmem>>) dst(%dma_wait3A_284 : memref<10240x64xf32, #tpu.memory_space<vmem_shared>>)
        } else {
        }
        %add3A_268 = arith.constant 4 : i32
        %add3A_269 = arith.addi %add3A_97, %add3A_268 : i32
        %dma_start3A_270 = arith.constant 0 : i32
        %dma_start3A_271 = tpu.memref_slice %arg6[%add3A_269, %dma_start3A_270] : memref<80x128xi32, #tpu.memory_space<vmem>> -> memref<1x128xi32, #tpu.memory_space<vmem>>
        %dma_start3A_272 = tpu.memref_squeeze %dma_start3A_271 : memref<1x128xi32, #tpu.memory_space<vmem>> -> memref<128xi32, #tpu.memory_space<vmem>>
        %dma_start3A_273 = arith.constant 0 : i32
        %dma_start3A_274 = arith.constant 0 : i32
        %dma_start3A_275 = tpu.memref_slice %arg2[%dma_start3A_273, %dma_start3A_274] : memref<10240x64xf32, #tpu.memory_space<hbm>> -> memref<10240x64xf32, #tpu.memory_space<hbm>>
        tpu.enqueue_indirect_dma source(%dma_start3A_275 : memref<10240x64xf32, #tpu.memory_space<hbm>>) target(%arg12 : memref<128x64xf32, #tpu.memory_space<vmem>>) offsets(%dma_start3A_272 : memref<128xi32, #tpu.memory_space<vmem>>) semaphore(%arg21 : memref<!tpu.dma_semaphore, #tpu.memory_space<semaphore_mem>>)
      } else {
      }
      %dma_wait3A_102 = arith.constant 0 : i32
      %dma_wait3A_103 = tpu.memref_slice %arg6[%add3A_97, %dma_wait3A_102] : memref<80x128xi32, #tpu.memory_space<vmem>> -> memref<1x128xi32, #tpu.memory_space<vmem>>
      %dma_wait3A_104 = tpu.memref_squeeze %dma_wait3A_103 : memref<1x128xi32, #tpu.memory_space<vmem>> -> memref<128xi32, #tpu.memory_space<vmem>>
      %dma_wait3A_105 = arith.constant 0 : i32
      %dma_wait3A_106 = arith.constant 0 : i32
      %dma_wait3A_107 = tpu.memref_slice %arg2[%dma_wait3A_105, %dma_wait3A_106] : memref<10240x64xf32, #tpu.memory_space<hbm>> -> memref<10240x64xf32, #tpu.memory_space<hbm>>
      tpu.wait_indirect_dma semaphore(%arg17 : memref<!tpu.dma_semaphore, #tpu.memory_space<semaphore_mem>>) src(%dma_wait3A_107 : memref<10240x64xf32, #tpu.memory_space<hbm>>) dst(%arg8 : memref<128x64xf32, #tpu.memory_space<vmem>>)
      %dma_start3A_108 = arith.constant 0 : i32
      %dma_start3A_109 = tpu.memref_slice %arg7[%add3A_97, %dma_start3A_108] : memref<80x128xi32, #tpu.memory_space<vmem>> -> memref<1x128xi32, #tpu.memory_space<vmem>>
      %dma_start3A_110 = tpu.memref_squeeze %dma_start3A_109 : memref<1x128xi32, #tpu.memory_space<vmem>> -> memref<128xi32, #tpu.memory_space<vmem>>
      %dma_start3A_111 = arith.constant 0 : i32
      %dma_start3A_112 = arith.constant 0 : i32
      %dma_start3A_113 = tpu.memref_slice %arg16[%dma_start3A_111, %dma_start3A_112] : memref<10240x64xf32, #tpu.memory_space<vmem_shared>> -> memref<10240x64xf32, #tpu.memory_space<vmem_shared>>
      tpu.enqueue_indirect_dma source(%arg8 : memref<128x64xf32, #tpu.memory_space<vmem>>) target(%dma_start3A_113 : memref<10240x64xf32, #tpu.memory_space<vmem_shared>>) offsets(%dma_start3A_110 : memref<128xi32, #tpu.memory_space<vmem>>) semaphore(%arg17 : memref<!tpu.dma_semaphore, #tpu.memory_space<semaphore_mem>>) {add = true}
      %add3A_114 = arith.constant 1 : i32
      %add3A_115 = arith.addi %mul3A_95, %add3A_114 : i32
      %add3A_116 = arith.constant 4 : i32
      %add3A_117 = arith.addi %add3A_115, %add3A_116 : i32
      %lt3A_118 = arith.constant 80 : i32
      %lt3A_119 = arith.cmpi slt, %add3A_117, %lt3A_118 : i32
      %convert_element_type3A_120 = arith.extui %lt3A_119 : i1 to i32
      %cond3A_121 = arith.constant 0 : i32
      %cond3A_122 = arith.cmpi ne, %convert_element_type3A_120, %cond3A_121 : i32
      scf.if %cond3A_122 {
        %add3A_262 = arith.constant 4 : i32
        %add3A_263 = arith.addi %add3A_115, %add3A_262 : i32
        %ge3A = arith.constant 8 : i32
        %ge3A_264 = arith.cmpi sge, %add3A_263, %ge3A : i32
        %convert_element_type3A_265 = arith.extui %ge3A_264 : i1 to i32
        %cond3A_266 = arith.constant 0 : i32
        %cond3A_267 = arith.cmpi ne, %convert_element_type3A_265, %cond3A_266 : i32
        scf.if %cond3A_267 {
          %add3A_276 = arith.constant 4 : i32
          %add3A_277 = arith.addi %add3A_115, %add3A_276 : i32
          %sub3A = arith.constant 8 : i32
          %sub3A_278 = arith.subi %add3A_277, %sub3A : i32
          %dma_wait3A_279 = arith.constant 0 : i32
          %dma_wait3A_280 = tpu.memref_slice %arg7[%sub3A_278, %dma_wait3A_279] : memref<80x128xi32, #tpu.memory_space<vmem>> -> memref<1x128xi32, #tpu.memory_space<vmem>>
          %dma_wait3A_281 = tpu.memref_squeeze %dma_wait3A_280 : memref<1x128xi32, #tpu.memory_space<vmem>> -> memref<128xi32, #tpu.memory_space<vmem>>
          %dma_wait3A_282 = arith.constant 0 : i32
          %dma_wait3A_283 = arith.constant 0 : i32
          %dma_wait3A_284 = tpu.memref_slice %arg16[%dma_wait3A_282, %dma_wait3A_283] : memref<10240x64xf32, #tpu.memory_space<vmem_shared>> -> memref<10240x64xf32, #tpu.memory_space<vmem_shared>>
          tpu.wait_indirect_dma semaphore(%arg22 : memref<!tpu.dma_semaphore, #tpu.memory_space<semaphore_mem>>) src(%arg13 : memref<128x64xf32, #tpu.memory_space<vmem>>) dst(%dma_wait3A_284 : memref<10240x64xf32, #tpu.memory_space<vmem_shared>>)
        } else {
        }
        %add3A_268 = arith.constant 4 : i32
        %add3A_269 = arith.addi %add3A_115, %add3A_268 : i32
        %dma_start3A_270 = arith.constant 0 : i32
        %dma_start3A_271 = tpu.memref_slice %arg6[%add3A_269, %dma_start3A_270] : memref<80x128xi32, #tpu.memory_space<vmem>> -> memref<1x128xi32, #tpu.memory_space<vmem>>
        %dma_start3A_272 = tpu.memref_squeeze %dma_start3A_271 : memref<1x128xi32, #tpu.memory_space<vmem>> -> memref<128xi32, #tpu.memory_space<vmem>>
        %dma_start3A_273 = arith.constant 0 : i32
        %dma_start3A_274 = arith.constant 0 : i32
        %dma_start3A_275 = tpu.memref_slice %arg2[%dma_start3A_273, %dma_start3A_274] : memref<10240x64xf32, #tpu.memory_space<hbm>> -> memref<10240x64xf32, #tpu.memory_space<hbm>>
        tpu.enqueue_indirect_dma source(%dma_start3A_275 : memref<10240x64xf32, #tpu.memory_space<hbm>>) target(%arg13 : memref<128x64xf32, #tpu.memory_space<vmem>>) offsets(%dma_start3A_272 : memref<128xi32, #tpu.memory_space<vmem>>) semaphore(%arg22 : memref<!tpu.dma_semaphore, #tpu.memory_space<semaphore_mem>>)
      } else {
      }
      %dma_wait3A_123 = arith.constant 0 : i32
      %dma_wait3A_124 = tpu.memref_slice %arg6[%add3A_115, %dma_wait3A_123] : memref<80x128xi32, #tpu.memory_space<vmem>> -> memref<1x128xi32, #tpu.memory_space<vmem>>
      %dma_wait3A_125 = tpu.memref_squeeze %dma_wait3A_124 : memref<1x128xi32, #tpu.memory_space<vmem>> -> memref<128xi32, #tpu.memory_space<vmem>>
      %dma_wait3A_126 = arith.constant 0 : i32
      %dma_wait3A_127 = arith.constant 0 : i32
      %dma_wait3A_128 = tpu.memref_slice %arg2[%dma_wait3A_126, %dma_wait3A_127] : memref<10240x64xf32, #tpu.memory_space<hbm>> -> memref<10240x64xf32, #tpu.memory_space<hbm>>
      tpu.wait_indirect_dma semaphore(%arg18 : memref<!tpu.dma_semaphore, #tpu.memory_space<semaphore_mem>>) src(%dma_wait3A_128 : memref<10240x64xf32, #tpu.memory_space<hbm>>) dst(%arg9 : memref<128x64xf32, #tpu.memory_space<vmem>>)
      %dma_start3A_129 = arith.constant 0 : i32
      %dma_start3A_130 = tpu.memref_slice %arg7[%add3A_115, %dma_start3A_129] : memref<80x128xi32, #tpu.memory_space<vmem>> -> memref<1x128xi32, #tpu.memory_space<vmem>>
      %dma_start3A_131 = tpu.memref_squeeze %dma_start3A_130 : memref<1x128xi32, #tpu.memory_space<vmem>> -> memref<128xi32, #tpu.memory_space<vmem>>
      %dma_start3A_132 = arith.constant 0 : i32
      %dma_start3A_133 = arith.constant 0 : i32
      %dma_start3A_134 = tpu.memref_slice %arg16[%dma_start3A_132, %dma_start3A_133] : memref<10240x64xf32, #tpu.memory_space<vmem_shared>> -> memref<10240x64xf32, #tpu.memory_space<vmem_shared>>
      tpu.enqueue_indirect_dma source(%arg9 : memref<128x64xf32, #tpu.memory_space<vmem>>) target(%dma_start3A_134 : memref<10240x64xf32, #tpu.memory_space<vmem_shared>>) offsets(%dma_start3A_131 : memref<128xi32, #tpu.memory_space<vmem>>) semaphore(%arg18 : memref<!tpu.dma_semaphore, #tpu.memory_space<semaphore_mem>>) {add = true}
      %add3A_135 = arith.constant 2 : i32
      %add3A_136 = arith.addi %mul3A_95, %add3A_135 : i32
      %add3A_137 = arith.constant 4 : i32
      %add3A_138 = arith.addi %add3A_136, %add3A_137 : i32
      %lt3A_139 = arith.constant 80 : i32
      %lt3A_140 = arith.cmpi slt, %add3A_138, %lt3A_139 : i32
      %convert_element_type3A_141 = arith.extui %lt3A_140 : i1 to i32
      %cond3A_142 = arith.constant 0 : i32
      %cond3A_143 = arith.cmpi ne, %convert_element_type3A_141, %cond3A_142 : i32
      scf.if %cond3A_143 {
        %add3A_262 = arith.constant 4 : i32
        %add3A_263 = arith.addi %add3A_136, %add3A_262 : i32
        %ge3A = arith.constant 8 : i32
        %ge3A_264 = arith.cmpi sge, %add3A_263, %ge3A : i32
        %convert_element_type3A_265 = arith.extui %ge3A_264 : i1 to i32
        %cond3A_266 = arith.constant 0 : i32
        %cond3A_267 = arith.cmpi ne, %convert_element_type3A_265, %cond3A_266 : i32
        scf.if %cond3A_267 {
          %add3A_276 = arith.constant 4 : i32
          %add3A_277 = arith.addi %add3A_136, %add3A_276 : i32
          %sub3A = arith.constant 8 : i32
          %sub3A_278 = arith.subi %add3A_277, %sub3A : i32
          %dma_wait3A_279 = arith.constant 0 : i32
          %dma_wait3A_280 = tpu.memref_slice %arg7[%sub3A_278, %dma_wait3A_279] : memref<80x128xi32, #tpu.memory_space<vmem>> -> memref<1x128xi32, #tpu.memory_space<vmem>>
          %dma_wait3A_281 = tpu.memref_squeeze %dma_wait3A_280 : memref<1x128xi32, #tpu.memory_space<vmem>> -> memref<128xi32, #tpu.memory_space<vmem>>
          %dma_wait3A_282 = arith.constant 0 : i32
          %dma_wait3A_283 = arith.constant 0 : i32
          %dma_wait3A_284 = tpu.memref_slice %arg16[%dma_wait3A_282, %dma_wait3A_283] : memref<10240x64xf32, #tpu.memory_space<vmem_shared>> -> memref<10240x64xf32, #tpu.memory_space<vmem_shared>>
          tpu.wait_indirect_dma semaphore(%arg23 : memref<!tpu.dma_semaphore, #tpu.memory_space<semaphore_mem>>) src(%arg14 : memref<128x64xf32, #tpu.memory_space<vmem>>) dst(%dma_wait3A_284 : memref<10240x64xf32, #tpu.memory_space<vmem_shared>>)
        } else {
        }
        %add3A_268 = arith.constant 4 : i32
        %add3A_269 = arith.addi %add3A_136, %add3A_268 : i32
        %dma_start3A_270 = arith.constant 0 : i32
        %dma_start3A_271 = tpu.memref_slice %arg6[%add3A_269, %dma_start3A_270] : memref<80x128xi32, #tpu.memory_space<vmem>> -> memref<1x128xi32, #tpu.memory_space<vmem>>
        %dma_start3A_272 = tpu.memref_squeeze %dma_start3A_271 : memref<1x128xi32, #tpu.memory_space<vmem>> -> memref<128xi32, #tpu.memory_space<vmem>>
        %dma_start3A_273 = arith.constant 0 : i32
        %dma_start3A_274 = arith.constant 0 : i32
        %dma_start3A_275 = tpu.memref_slice %arg2[%dma_start3A_273, %dma_start3A_274] : memref<10240x64xf32, #tpu.memory_space<hbm>> -> memref<10240x64xf32, #tpu.memory_space<hbm>>
        tpu.enqueue_indirect_dma source(%dma_start3A_275 : memref<10240x64xf32, #tpu.memory_space<hbm>>) target(%arg14 : memref<128x64xf32, #tpu.memory_space<vmem>>) offsets(%dma_start3A_272 : memref<128xi32, #tpu.memory_space<vmem>>) semaphore(%arg23 : memref<!tpu.dma_semaphore, #tpu.memory_space<semaphore_mem>>)
      } else {
      }
      %dma_wait3A_144 = arith.constant 0 : i32
      %dma_wait3A_145 = tpu.memref_slice %arg6[%add3A_136, %dma_wait3A_144] : memref<80x128xi32, #tpu.memory_space<vmem>> -> memref<1x128xi32, #tpu.memory_space<vmem>>
      %dma_wait3A_146 = tpu.memref_squeeze %dma_wait3A_145 : memref<1x128xi32, #tpu.memory_space<vmem>> -> memref<128xi32, #tpu.memory_space<vmem>>
      %dma_wait3A_147 = arith.constant 0 : i32
      %dma_wait3A_148 = arith.constant 0 : i32
      %dma_wait3A_149 = tpu.memref_slice %arg2[%dma_wait3A_147, %dma_wait3A_148] : memref<10240x64xf32, #tpu.memory_space<hbm>> -> memref<10240x64xf32, #tpu.memory_space<hbm>>
      tpu.wait_indirect_dma semaphore(%arg19 : memref<!tpu.dma_semaphore, #tpu.memory_space<semaphore_mem>>) src(%dma_wait3A_149 : memref<10240x64xf32, #tpu.memory_space<hbm>>) dst(%arg10 : memref<128x64xf32, #tpu.memory_space<vmem>>)
      %dma_start3A_150 = arith.constant 0 : i32
      %dma_start3A_151 = tpu.memref_slice %arg7[%add3A_136, %dma_start3A_150] : memref<80x128xi32, #tpu.memory_space<vmem>> -> memref<1x128xi32, #tpu.memory_space<vmem>>
      %dma_start3A_152 = tpu.memref_squeeze %dma_start3A_151 : memref<1x128xi32, #tpu.memory_space<vmem>> -> memref<128xi32, #tpu.memory_space<vmem>>
      %dma_start3A_153 = arith.constant 0 : i32
      %dma_start3A_154 = arith.constant 0 : i32
      %dma_start3A_155 = tpu.memref_slice %arg16[%dma_start3A_153, %dma_start3A_154] : memref<10240x64xf32, #tpu.memory_space<vmem_shared>> -> memref<10240x64xf32, #tpu.memory_space<vmem_shared>>
      tpu.enqueue_indirect_dma source(%arg10 : memref<128x64xf32, #tpu.memory_space<vmem>>) target(%dma_start3A_155 : memref<10240x64xf32, #tpu.memory_space<vmem_shared>>) offsets(%dma_start3A_152 : memref<128xi32, #tpu.memory_space<vmem>>) semaphore(%arg19 : memref<!tpu.dma_semaphore, #tpu.memory_space<semaphore_mem>>) {add = true}
      %add3A_156 = arith.constant 3 : i32
      %add3A_157 = arith.addi %mul3A_95, %add3A_156 : i32
      %add3A_158 = arith.constant 4 : i32
      %add3A_159 = arith.addi %add3A_157, %add3A_158 : i32
      %lt3A_160 = arith.constant 80 : i32
      %lt3A_161 = arith.cmpi slt, %add3A_159, %lt3A_160 : i32
      %convert_element_type3A_162 = arith.extui %lt3A_161 : i1 to i32
      %cond3A_163 = arith.constant 0 : i32
      %cond3A_164 = arith.cmpi ne, %convert_element_type3A_162, %cond3A_163 : i32
      scf.if %cond3A_164 {
        %add3A_262 = arith.constant 4 : i32
        %add3A_263 = arith.addi %add3A_157, %add3A_262 : i32
        %ge3A = arith.constant 8 : i32
        %ge3A_264 = arith.cmpi sge, %add3A_263, %ge3A : i32
        %convert_element_type3A_265 = arith.extui %ge3A_264 : i1 to i32
        %cond3A_266 = arith.constant 0 : i32
        %cond3A_267 = arith.cmpi ne, %convert_element_type3A_265, %cond3A_266 : i32
        scf.if %cond3A_267 {
          %add3A_276 = arith.constant 4 : i32
          %add3A_277 = arith.addi %add3A_157, %add3A_276 : i32
          %sub3A = arith.constant 8 : i32
          %sub3A_278 = arith.subi %add3A_277, %sub3A : i32
          %dma_wait3A_279 = arith.constant 0 : i32
          %dma_wait3A_280 = tpu.memref_slice %arg7[%sub3A_278, %dma_wait3A_279] : memref<80x128xi32, #tpu.memory_space<vmem>> -> memref<1x128xi32, #tpu.memory_space<vmem>>
          %dma_wait3A_281 = tpu.memref_squeeze %dma_wait3A_280 : memref<1x128xi32, #tpu.memory_space<vmem>> -> memref<128xi32, #tpu.memory_space<vmem>>
          %dma_wait3A_282 = arith.constant 0 : i32
          %dma_wait3A_283 = arith.constant 0 : i32
          %dma_wait3A_284 = tpu.memref_slice %arg16[%dma_wait3A_282, %dma_wait3A_283] : memref<10240x64xf32, #tpu.memory_space<vmem_shared>> -> memref<10240x64xf32, #tpu.memory_space<vmem_shared>>
          tpu.wait_indirect_dma semaphore(%arg24 : memref<!tpu.dma_semaphore, #tpu.memory_space<semaphore_mem>>) src(%arg15 : memref<128x64xf32, #tpu.memory_space<vmem>>) dst(%dma_wait3A_284 : memref<10240x64xf32, #tpu.memory_space<vmem_shared>>)
        } else {
        }
        %add3A_268 = arith.constant 4 : i32
        %add3A_269 = arith.addi %add3A_157, %add3A_268 : i32
        %dma_start3A_270 = arith.constant 0 : i32
        %dma_start3A_271 = tpu.memref_slice %arg6[%add3A_269, %dma_start3A_270] : memref<80x128xi32, #tpu.memory_space<vmem>> -> memref<1x128xi32, #tpu.memory_space<vmem>>
        %dma_start3A_272 = tpu.memref_squeeze %dma_start3A_271 : memref<1x128xi32, #tpu.memory_space<vmem>> -> memref<128xi32, #tpu.memory_space<vmem>>
        %dma_start3A_273 = arith.constant 0 : i32
        %dma_start3A_274 = arith.constant 0 : i32
        %dma_start3A_275 = tpu.memref_slice %arg2[%dma_start3A_273, %dma_start3A_274] : memref<10240x64xf32, #tpu.memory_space<hbm>> -> memref<10240x64xf32, #tpu.memory_space<hbm>>
        tpu.enqueue_indirect_dma source(%dma_start3A_275 : memref<10240x64xf32, #tpu.memory_space<hbm>>) target(%arg15 : memref<128x64xf32, #tpu.memory_space<vmem>>) offsets(%dma_start3A_272 : memref<128xi32, #tpu.memory_space<vmem>>) semaphore(%arg24 : memref<!tpu.dma_semaphore, #tpu.memory_space<semaphore_mem>>)
      } else {
      }
      %dma_wait3A_165 = arith.constant 0 : i32
      %dma_wait3A_166 = tpu.memref_slice %arg6[%add3A_157, %dma_wait3A_165] : memref<80x128xi32, #tpu.memory_space<vmem>> -> memref<1x128xi32, #tpu.memory_space<vmem>>
      %dma_wait3A_167 = tpu.memref_squeeze %dma_wait3A_166 : memref<1x128xi32, #tpu.memory_space<vmem>> -> memref<128xi32, #tpu.memory_space<vmem>>
      %dma_wait3A_168 = arith.constant 0 : i32
      %dma_wait3A_169 = arith.constant 0 : i32
      %dma_wait3A_170 = tpu.memref_slice %arg2[%dma_wait3A_168, %dma_wait3A_169] : memref<10240x64xf32, #tpu.memory_space<hbm>> -> memref<10240x64xf32, #tpu.memory_space<hbm>>
      tpu.wait_indirect_dma semaphore(%arg20 : memref<!tpu.dma_semaphore, #tpu.memory_space<semaphore_mem>>) src(%dma_wait3A_170 : memref<10240x64xf32, #tpu.memory_space<hbm>>) dst(%arg11 : memref<128x64xf32, #tpu.memory_space<vmem>>)
      %dma_start3A_171 = arith.constant 0 : i32
      %dma_start3A_172 = tpu.memref_slice %arg7[%add3A_157, %dma_start3A_171] : memref<80x128xi32, #tpu.memory_space<vmem>> -> memref<1x128xi32, #tpu.memory_space<vmem>>
      %dma_start3A_173 = tpu.memref_squeeze %dma_start3A_172 : memref<1x128xi32, #tpu.memory_space<vmem>> -> memref<128xi32, #tpu.memory_space<vmem>>
      %dma_start3A_174 = arith.constant 0 : i32
      %dma_start3A_175 = arith.constant 0 : i32
      %dma_start3A_176 = tpu.memref_slice %arg16[%dma_start3A_174, %dma_start3A_175] : memref<10240x64xf32, #tpu.memory_space<vmem_shared>> -> memref<10240x64xf32, #tpu.memory_space<vmem_shared>>
      tpu.enqueue_indirect_dma source(%arg11 : memref<128x64xf32, #tpu.memory_space<vmem>>) target(%dma_start3A_176 : memref<10240x64xf32, #tpu.memory_space<vmem_shared>>) offsets(%dma_start3A_173 : memref<128xi32, #tpu.memory_space<vmem>>) semaphore(%arg20 : memref<!tpu.dma_semaphore, #tpu.memory_space<semaphore_mem>>) {add = true}
      %add3A_177 = arith.constant 4 : i32
      %add3A_178 = arith.addi %mul3A_95, %add3A_177 : i32
      %add3A_179 = arith.constant 4 : i32
      %add3A_180 = arith.addi %add3A_178, %add3A_179 : i32
      %lt3A_181 = arith.constant 80 : i32
      %lt3A_182 = arith.cmpi slt, %add3A_180, %lt3A_181 : i32
      %convert_element_type3A_183 = arith.extui %lt3A_182 : i1 to i32
      %cond3A_184 = arith.constant 0 : i32
      %cond3A_185 = arith.cmpi ne, %convert_element_type3A_183, %cond3A_184 : i32
      scf.if %cond3A_185 {
        %add3A_262 = arith.constant 4 : i32
        %add3A_263 = arith.addi %add3A_178, %add3A_262 : i32
        %ge3A = arith.constant 8 : i32
        %ge3A_264 = arith.cmpi sge, %add3A_263, %ge3A : i32
        %convert_element_type3A_265 = arith.extui %ge3A_264 : i1 to i32
        %cond3A_266 = arith.constant 0 : i32
        %cond3A_267 = arith.cmpi ne, %convert_element_type3A_265, %cond3A_266 : i32
        scf.if %cond3A_267 {
          %add3A_276 = arith.constant 4 : i32
          %add3A_277 = arith.addi %add3A_178, %add3A_276 : i32
          %sub3A = arith.constant 8 : i32
          %sub3A_278 = arith.subi %add3A_277, %sub3A : i32
          %dma_wait3A_279 = arith.constant 0 : i32
          %dma_wait3A_280 = tpu.memref_slice %arg7[%sub3A_278, %dma_wait3A_279] : memref<80x128xi32, #tpu.memory_space<vmem>> -> memref<1x128xi32, #tpu.memory_space<vmem>>
          %dma_wait3A_281 = tpu.memref_squeeze %dma_wait3A_280 : memref<1x128xi32, #tpu.memory_space<vmem>> -> memref<128xi32, #tpu.memory_space<vmem>>
          %dma_wait3A_282 = arith.constant 0 : i32
          %dma_wait3A_283 = arith.constant 0 : i32
          %dma_wait3A_284 = tpu.memref_slice %arg16[%dma_wait3A_282, %dma_wait3A_283] : memref<10240x64xf32, #tpu.memory_space<vmem_shared>> -> memref<10240x64xf32, #tpu.memory_space<vmem_shared>>
          tpu.wait_indirect_dma semaphore(%arg17 : memref<!tpu.dma_semaphore, #tpu.memory_space<semaphore_mem>>) src(%arg8 : memref<128x64xf32, #tpu.memory_space<vmem>>) dst(%dma_wait3A_284 : memref<10240x64xf32, #tpu.memory_space<vmem_shared>>)
        } else {
        }
        %add3A_268 = arith.constant 4 : i32
        %add3A_269 = arith.addi %add3A_178, %add3A_268 : i32
        %dma_start3A_270 = arith.constant 0 : i32
        %dma_start3A_271 = tpu.memref_slice %arg6[%add3A_269, %dma_start3A_270] : memref<80x128xi32, #tpu.memory_space<vmem>> -> memref<1x128xi32, #tpu.memory_space<vmem>>
        %dma_start3A_272 = tpu.memref_squeeze %dma_start3A_271 : memref<1x128xi32, #tpu.memory_space<vmem>> -> memref<128xi32, #tpu.memory_space<vmem>>
        %dma_start3A_273 = arith.constant 0 : i32
        %dma_start3A_274 = arith.constant 0 : i32
        %dma_start3A_275 = tpu.memref_slice %arg2[%dma_start3A_273, %dma_start3A_274] : memref<10240x64xf32, #tpu.memory_space<hbm>> -> memref<10240x64xf32, #tpu.memory_space<hbm>>
        tpu.enqueue_indirect_dma source(%dma_start3A_275 : memref<10240x64xf32, #tpu.memory_space<hbm>>) target(%arg8 : memref<128x64xf32, #tpu.memory_space<vmem>>) offsets(%dma_start3A_272 : memref<128xi32, #tpu.memory_space<vmem>>) semaphore(%arg17 : memref<!tpu.dma_semaphore, #tpu.memory_space<semaphore_mem>>)
      } else {
      }
      %dma_wait3A_186 = arith.constant 0 : i32
      %dma_wait3A_187 = tpu.memref_slice %arg6[%add3A_178, %dma_wait3A_186] : memref<80x128xi32, #tpu.memory_space<vmem>> -> memref<1x128xi32, #tpu.memory_space<vmem>>
      %dma_wait3A_188 = tpu.memref_squeeze %dma_wait3A_187 : memref<1x128xi32, #tpu.memory_space<vmem>> -> memref<128xi32, #tpu.memory_space<vmem>>
      %dma_wait3A_189 = arith.constant 0 : i32
      %dma_wait3A_190 = arith.constant 0 : i32
      %dma_wait3A_191 = tpu.memref_slice %arg2[%dma_wait3A_189, %dma_wait3A_190] : memref<10240x64xf32, #tpu.memory_space<hbm>> -> memref<10240x64xf32, #tpu.memory_space<hbm>>
      tpu.wait_indirect_dma semaphore(%arg21 : memref<!tpu.dma_semaphore, #tpu.memory_space<semaphore_mem>>) src(%dma_wait3A_191 : memref<10240x64xf32, #tpu.memory_space<hbm>>) dst(%arg12 : memref<128x64xf32, #tpu.memory_space<vmem>>)
      %dma_start3A_192 = arith.constant 0 : i32
      %dma_start3A_193 = tpu.memref_slice %arg7[%add3A_178, %dma_start3A_192] : memref<80x128xi32, #tpu.memory_space<vmem>> -> memref<1x128xi32, #tpu.memory_space<vmem>>
      %dma_start3A_194 = tpu.memref_squeeze %dma_start3A_193 : memref<1x128xi32, #tpu.memory_space<vmem>> -> memref<128xi32, #tpu.memory_space<vmem>>
      %dma_start3A_195 = arith.constant 0 : i32
      %dma_start3A_196 = arith.constant 0 : i32
      %dma_start3A_197 = tpu.memref_slice %arg16[%dma_start3A_195, %dma_start3A_196] : memref<10240x64xf32, #tpu.memory_space<vmem_shared>> -> memref<10240x64xf32, #tpu.memory_space<vmem_shared>>
      tpu.enqueue_indirect_dma source(%arg12 : memref<128x64xf32, #tpu.memory_space<vmem>>) target(%dma_start3A_197 : memref<10240x64xf32, #tpu.memory_space<vmem_shared>>) offsets(%dma_start3A_194 : memref<128xi32, #tpu.memory_space<vmem>>) semaphore(%arg21 : memref<!tpu.dma_semaphore, #tpu.memory_space<semaphore_mem>>) {add = true}
      %add3A_198 = arith.constant 5 : i32
      %add3A_199 = arith.addi %mul3A_95, %add3A_198 : i32
      %add3A_200 = arith.constant 4 : i32
      %add3A_201 = arith.addi %add3A_199, %add3A_200 : i32
      %lt3A_202 = arith.constant 80 : i32
      %lt3A_203 = arith.cmpi slt, %add3A_201, %lt3A_202 : i32
      %convert_element_type3A_204 = arith.extui %lt3A_203 : i1 to i32
      %cond3A_205 = arith.constant 0 : i32
      %cond3A_206 = arith.cmpi ne, %convert_element_type3A_204, %cond3A_205 : i32
      scf.if %cond3A_206 {
        %add3A_262 = arith.constant 4 : i32
        %add3A_263 = arith.addi %add3A_199, %add3A_262 : i32
        %ge3A = arith.constant 8 : i32
        %ge3A_264 = arith.cmpi sge, %add3A_263, %ge3A : i32
        %convert_element_type3A_265 = arith.extui %ge3A_264 : i1 to i32
        %cond3A_266 = arith.constant 0 : i32
        %cond3A_267 = arith.cmpi ne, %convert_element_type3A_265, %cond3A_266 : i32
        scf.if %cond3A_267 {
          %add3A_276 = arith.constant 4 : i32
          %add3A_277 = arith.addi %add3A_199, %add3A_276 : i32
          %sub3A = arith.constant 8 : i32
          %sub3A_278 = arith.subi %add3A_277, %sub3A : i32
          %dma_wait3A_279 = arith.constant 0 : i32
          %dma_wait3A_280 = tpu.memref_slice %arg7[%sub3A_278, %dma_wait3A_279] : memref<80x128xi32, #tpu.memory_space<vmem>> -> memref<1x128xi32, #tpu.memory_space<vmem>>
          %dma_wait3A_281 = tpu.memref_squeeze %dma_wait3A_280 : memref<1x128xi32, #tpu.memory_space<vmem>> -> memref<128xi32, #tpu.memory_space<vmem>>
          %dma_wait3A_282 = arith.constant 0 : i32
          %dma_wait3A_283 = arith.constant 0 : i32
          %dma_wait3A_284 = tpu.memref_slice %arg16[%dma_wait3A_282, %dma_wait3A_283] : memref<10240x64xf32, #tpu.memory_space<vmem_shared>> -> memref<10240x64xf32, #tpu.memory_space<vmem_shared>>
          tpu.wait_indirect_dma semaphore(%arg18 : memref<!tpu.dma_semaphore, #tpu.memory_space<semaphore_mem>>) src(%arg9 : memref<128x64xf32, #tpu.memory_space<vmem>>) dst(%dma_wait3A_284 : memref<10240x64xf32, #tpu.memory_space<vmem_shared>>)
        } else {
        }
        %add3A_268 = arith.constant 4 : i32
        %add3A_269 = arith.addi %add3A_199, %add3A_268 : i32
        %dma_start3A_270 = arith.constant 0 : i32
        %dma_start3A_271 = tpu.memref_slice %arg6[%add3A_269, %dma_start3A_270] : memref<80x128xi32, #tpu.memory_space<vmem>> -> memref<1x128xi32, #tpu.memory_space<vmem>>
        %dma_start3A_272 = tpu.memref_squeeze %dma_start3A_271 : memref<1x128xi32, #tpu.memory_space<vmem>> -> memref<128xi32, #tpu.memory_space<vmem>>
        %dma_start3A_273 = arith.constant 0 : i32
        %dma_start3A_274 = arith.constant 0 : i32
        %dma_start3A_275 = tpu.memref_slice %arg2[%dma_start3A_273, %dma_start3A_274] : memref<10240x64xf32, #tpu.memory_space<hbm>> -> memref<10240x64xf32, #tpu.memory_space<hbm>>
        tpu.enqueue_indirect_dma source(%dma_start3A_275 : memref<10240x64xf32, #tpu.memory_space<hbm>>) target(%arg9 : memref<128x64xf32, #tpu.memory_space<vmem>>) offsets(%dma_start3A_272 : memref<128xi32, #tpu.memory_space<vmem>>) semaphore(%arg18 : memref<!tpu.dma_semaphore, #tpu.memory_space<semaphore_mem>>)
      } else {
      }
      %dma_wait3A_207 = arith.constant 0 : i32
      %dma_wait3A_208 = tpu.memref_slice %arg6[%add3A_199, %dma_wait3A_207] : memref<80x128xi32, #tpu.memory_space<vmem>> -> memref<1x128xi32, #tpu.memory_space<vmem>>
      %dma_wait3A_209 = tpu.memref_squeeze %dma_wait3A_208 : memref<1x128xi32, #tpu.memory_space<vmem>> -> memref<128xi32, #tpu.memory_space<vmem>>
      %dma_wait3A_210 = arith.constant 0 : i32
      %dma_wait3A_211 = arith.constant 0 : i32
      %dma_wait3A_212 = tpu.memref_slice %arg2[%dma_wait3A_210, %dma_wait3A_211] : memref<10240x64xf32, #tpu.memory_space<hbm>> -> memref<10240x64xf32, #tpu.memory_space<hbm>>
      tpu.wait_indirect_dma semaphore(%arg22 : memref<!tpu.dma_semaphore, #tpu.memory_space<semaphore_mem>>) src(%dma_wait3A_212 : memref<10240x64xf32, #tpu.memory_space<hbm>>) dst(%arg13 : memref<128x64xf32, #tpu.memory_space<vmem>>)
      %dma_start3A_213 = arith.constant 0 : i32
      %dma_start3A_214 = tpu.memref_slice %arg7[%add3A_199, %dma_start3A_213] : memref<80x128xi32, #tpu.memory_space<vmem>> -> memref<1x128xi32, #tpu.memory_space<vmem>>
      %dma_start3A_215 = tpu.memref_squeeze %dma_start3A_214 : memref<1x128xi32, #tpu.memory_space<vmem>> -> memref<128xi32, #tpu.memory_space<vmem>>
      %dma_start3A_216 = arith.constant 0 : i32
      %dma_start3A_217 = arith.constant 0 : i32
      %dma_start3A_218 = tpu.memref_slice %arg16[%dma_start3A_216, %dma_start3A_217] : memref<10240x64xf32, #tpu.memory_space<vmem_shared>> -> memref<10240x64xf32, #tpu.memory_space<vmem_shared>>
      tpu.enqueue_indirect_dma source(%arg13 : memref<128x64xf32, #tpu.memory_space<vmem>>) target(%dma_start3A_218 : memref<10240x64xf32, #tpu.memory_space<vmem_shared>>) offsets(%dma_start3A_215 : memref<128xi32, #tpu.memory_space<vmem>>) semaphore(%arg22 : memref<!tpu.dma_semaphore, #tpu.memory_space<semaphore_mem>>) {add = true}
      %add3A_219 = arith.constant 6 : i32
      %add3A_220 = arith.addi %mul3A_95, %add3A_219 : i32
      %add3A_221 = arith.constant 4 : i32
      %add3A_222 = arith.addi %add3A_220, %add3A_221 : i32
      %lt3A_223 = arith.constant 80 : i32
      %lt3A_224 = arith.cmpi slt, %add3A_222, %lt3A_223 : i32
      %convert_element_type3A_225 = arith.extui %lt3A_224 : i1 to i32
      %cond3A_226 = arith.constant 0 : i32
      %cond3A_227 = arith.cmpi ne, %convert_element_type3A_225, %cond3A_226 : i32
      scf.if %cond3A_227 {
        %add3A_262 = arith.constant 4 : i32
        %add3A_263 = arith.addi %add3A_220, %add3A_262 : i32
        %ge3A = arith.constant 8 : i32
        %ge3A_264 = arith.cmpi sge, %add3A_263, %ge3A : i32
        %convert_element_type3A_265 = arith.extui %ge3A_264 : i1 to i32
        %cond3A_266 = arith.constant 0 : i32
        %cond3A_267 = arith.cmpi ne, %convert_element_type3A_265, %cond3A_266 : i32
        scf.if %cond3A_267 {
          %add3A_276 = arith.constant 4 : i32
          %add3A_277 = arith.addi %add3A_220, %add3A_276 : i32
          %sub3A = arith.constant 8 : i32
          %sub3A_278 = arith.subi %add3A_277, %sub3A : i32
          %dma_wait3A_279 = arith.constant 0 : i32
          %dma_wait3A_280 = tpu.memref_slice %arg7[%sub3A_278, %dma_wait3A_279] : memref<80x128xi32, #tpu.memory_space<vmem>> -> memref<1x128xi32, #tpu.memory_space<vmem>>
          %dma_wait3A_281 = tpu.memref_squeeze %dma_wait3A_280 : memref<1x128xi32, #tpu.memory_space<vmem>> -> memref<128xi32, #tpu.memory_space<vmem>>
          %dma_wait3A_282 = arith.constant 0 : i32
          %dma_wait3A_283 = arith.constant 0 : i32
          %dma_wait3A_284 = tpu.memref_slice %arg16[%dma_wait3A_282, %dma_wait3A_283] : memref<10240x64xf32, #tpu.memory_space<vmem_shared>> -> memref<10240x64xf32, #tpu.memory_space<vmem_shared>>
          tpu.wait_indirect_dma semaphore(%arg19 : memref<!tpu.dma_semaphore, #tpu.memory_space<semaphore_mem>>) src(%arg10 : memref<128x64xf32, #tpu.memory_space<vmem>>) dst(%dma_wait3A_284 : memref<10240x64xf32, #tpu.memory_space<vmem_shared>>)
        } else {
        }
        %add3A_268 = arith.constant 4 : i32
        %add3A_269 = arith.addi %add3A_220, %add3A_268 : i32
        %dma_start3A_270 = arith.constant 0 : i32
        %dma_start3A_271 = tpu.memref_slice %arg6[%add3A_269, %dma_start3A_270] : memref<80x128xi32, #tpu.memory_space<vmem>> -> memref<1x128xi32, #tpu.memory_space<vmem>>
        %dma_start3A_272 = tpu.memref_squeeze %dma_start3A_271 : memref<1x128xi32, #tpu.memory_space<vmem>> -> memref<128xi32, #tpu.memory_space<vmem>>
        %dma_start3A_273 = arith.constant 0 : i32
        %dma_start3A_274 = arith.constant 0 : i32
        %dma_start3A_275 = tpu.memref_slice %arg2[%dma_start3A_273, %dma_start3A_274] : memref<10240x64xf32, #tpu.memory_space<hbm>> -> memref<10240x64xf32, #tpu.memory_space<hbm>>
        tpu.enqueue_indirect_dma source(%dma_start3A_275 : memref<10240x64xf32, #tpu.memory_space<hbm>>) target(%arg10 : memref<128x64xf32, #tpu.memory_space<vmem>>) offsets(%dma_start3A_272 : memref<128xi32, #tpu.memory_space<vmem>>) semaphore(%arg19 : memref<!tpu.dma_semaphore, #tpu.memory_space<semaphore_mem>>)
      } else {
      }
      %dma_wait3A_228 = arith.constant 0 : i32
      %dma_wait3A_229 = tpu.memref_slice %arg6[%add3A_220, %dma_wait3A_228] : memref<80x128xi32, #tpu.memory_space<vmem>> -> memref<1x128xi32, #tpu.memory_space<vmem>>
      %dma_wait3A_230 = tpu.memref_squeeze %dma_wait3A_229 : memref<1x128xi32, #tpu.memory_space<vmem>> -> memref<128xi32, #tpu.memory_space<vmem>>
      %dma_wait3A_231 = arith.constant 0 : i32
      %dma_wait3A_232 = arith.constant 0 : i32
      %dma_wait3A_233 = tpu.memref_slice %arg2[%dma_wait3A_231, %dma_wait3A_232] : memref<10240x64xf32, #tpu.memory_space<hbm>> -> memref<10240x64xf32, #tpu.memory_space<hbm>>
      tpu.wait_indirect_dma semaphore(%arg23 : memref<!tpu.dma_semaphore, #tpu.memory_space<semaphore_mem>>) src(%dma_wait3A_233 : memref<10240x64xf32, #tpu.memory_space<hbm>>) dst(%arg14 : memref<128x64xf32, #tpu.memory_space<vmem>>)
      %dma_start3A_234 = arith.constant 0 : i32
      %dma_start3A_235 = tpu.memref_slice %arg7[%add3A_220, %dma_start3A_234] : memref<80x128xi32, #tpu.memory_space<vmem>> -> memref<1x128xi32, #tpu.memory_space<vmem>>
      %dma_start3A_236 = tpu.memref_squeeze %dma_start3A_235 : memref<1x128xi32, #tpu.memory_space<vmem>> -> memref<128xi32, #tpu.memory_space<vmem>>
      %dma_start3A_237 = arith.constant 0 : i32
      %dma_start3A_238 = arith.constant 0 : i32
      %dma_start3A_239 = tpu.memref_slice %arg16[%dma_start3A_237, %dma_start3A_238] : memref<10240x64xf32, #tpu.memory_space<vmem_shared>> -> memref<10240x64xf32, #tpu.memory_space<vmem_shared>>
      tpu.enqueue_indirect_dma source(%arg14 : memref<128x64xf32, #tpu.memory_space<vmem>>) target(%dma_start3A_239 : memref<10240x64xf32, #tpu.memory_space<vmem_shared>>) offsets(%dma_start3A_236 : memref<128xi32, #tpu.memory_space<vmem>>) semaphore(%arg23 : memref<!tpu.dma_semaphore, #tpu.memory_space<semaphore_mem>>) {add = true}
      %add3A_240 = arith.constant 7 : i32
      %add3A_241 = arith.addi %mul3A_95, %add3A_240 : i32
      %add3A_242 = arith.constant 4 : i32
      %add3A_243 = arith.addi %add3A_241, %add3A_242 : i32
      %lt3A_244 = arith.constant 80 : i32
      %lt3A_245 = arith.cmpi slt, %add3A_243, %lt3A_244 : i32
      %convert_element_type3A_246 = arith.extui %lt3A_245 : i1 to i32
      %cond3A_247 = arith.constant 0 : i32
      %cond3A_248 = arith.cmpi ne, %convert_element_type3A_246, %cond3A_247 : i32
      scf.if %cond3A_248 {
        %add3A_262 = arith.constant 4 : i32
        %add3A_263 = arith.addi %add3A_241, %add3A_262 : i32
        %ge3A = arith.constant 8 : i32
        %ge3A_264 = arith.cmpi sge, %add3A_263, %ge3A : i32
        %convert_element_type3A_265 = arith.extui %ge3A_264 : i1 to i32
        %cond3A_266 = arith.constant 0 : i32
        %cond3A_267 = arith.cmpi ne, %convert_element_type3A_265, %cond3A_266 : i32
        scf.if %cond3A_267 {
          %add3A_276 = arith.constant 4 : i32
          %add3A_277 = arith.addi %add3A_241, %add3A_276 : i32
          %sub3A = arith.constant 8 : i32
          %sub3A_278 = arith.subi %add3A_277, %sub3A : i32
          %dma_wait3A_279 = arith.constant 0 : i32
          %dma_wait3A_280 = tpu.memref_slice %arg7[%sub3A_278, %dma_wait3A_279] : memref<80x128xi32, #tpu.memory_space<vmem>> -> memref<1x128xi32, #tpu.memory_space<vmem>>
          %dma_wait3A_281 = tpu.memref_squeeze %dma_wait3A_280 : memref<1x128xi32, #tpu.memory_space<vmem>> -> memref<128xi32, #tpu.memory_space<vmem>>
          %dma_wait3A_282 = arith.constant 0 : i32
          %dma_wait3A_283 = arith.constant 0 : i32
          %dma_wait3A_284 = tpu.memref_slice %arg16[%dma_wait3A_282, %dma_wait3A_283] : memref<10240x64xf32, #tpu.memory_space<vmem_shared>> -> memref<10240x64xf32, #tpu.memory_space<vmem_shared>>
          tpu.wait_indirect_dma semaphore(%arg20 : memref<!tpu.dma_semaphore, #tpu.memory_space<semaphore_mem>>) src(%arg11 : memref<128x64xf32, #tpu.memory_space<vmem>>) dst(%dma_wait3A_284 : memref<10240x64xf32, #tpu.memory_space<vmem_shared>>)
        } else {
        }
        %add3A_268 = arith.constant 4 : i32
        %add3A_269 = arith.addi %add3A_241, %add3A_268 : i32
        %dma_start3A_270 = arith.constant 0 : i32
        %dma_start3A_271 = tpu.memref_slice %arg6[%add3A_269, %dma_start3A_270] : memref<80x128xi32, #tpu.memory_space<vmem>> -> memref<1x128xi32, #tpu.memory_space<vmem>>
        %dma_start3A_272 = tpu.memref_squeeze %dma_start3A_271 : memref<1x128xi32, #tpu.memory_space<vmem>> -> memref<128xi32, #tpu.memory_space<vmem>>
        %dma_start3A_273 = arith.constant 0 : i32
        %dma_start3A_274 = arith.constant 0 : i32
        %dma_start3A_275 = tpu.memref_slice %arg2[%dma_start3A_273, %dma_start3A_274] : memref<10240x64xf32, #tpu.memory_space<hbm>> -> memref<10240x64xf32, #tpu.memory_space<hbm>>
        tpu.enqueue_indirect_dma source(%dma_start3A_275 : memref<10240x64xf32, #tpu.memory_space<hbm>>) target(%arg11 : memref<128x64xf32, #tpu.memory_space<vmem>>) offsets(%dma_start3A_272 : memref<128xi32, #tpu.memory_space<vmem>>) semaphore(%arg20 : memref<!tpu.dma_semaphore, #tpu.memory_space<semaphore_mem>>)
      } else {
      }
      %dma_wait3A_249 = arith.constant 0 : i32
      %dma_wait3A_250 = tpu.memref_slice %arg6[%add3A_241, %dma_wait3A_249] : memref<80x128xi32, #tpu.memory_space<vmem>> -> memref<1x128xi32, #tpu.memory_space<vmem>>
      %dma_wait3A_251 = tpu.memref_squeeze %dma_wait3A_250 : memref<1x128xi32, #tpu.memory_space<vmem>> -> memref<128xi32, #tpu.memory_space<vmem>>
      %dma_wait3A_252 = arith.constant 0 : i32
      %dma_wait3A_253 = arith.constant 0 : i32
      %dma_wait3A_254 = tpu.memref_slice %arg2[%dma_wait3A_252, %dma_wait3A_253] : memref<10240x64xf32, #tpu.memory_space<hbm>> -> memref<10240x64xf32, #tpu.memory_space<hbm>>
      tpu.wait_indirect_dma semaphore(%arg24 : memref<!tpu.dma_semaphore, #tpu.memory_space<semaphore_mem>>) src(%dma_wait3A_254 : memref<10240x64xf32, #tpu.memory_space<hbm>>) dst(%arg15 : memref<128x64xf32, #tpu.memory_space<vmem>>)
      %dma_start3A_255 = arith.constant 0 : i32
      %dma_start3A_256 = tpu.memref_slice %arg7[%add3A_241, %dma_start3A_255] : memref<80x128xi32, #tpu.memory_space<vmem>> -> memref<1x128xi32, #tpu.memory_space<vmem>>
      %dma_start3A_257 = tpu.memref_squeeze %dma_start3A_256 : memref<1x128xi32, #tpu.memory_space<vmem>> -> memref<128xi32, #tpu.memory_space<vmem>>
      %dma_start3A_258 = arith.constant 0 : i32
      %dma_start3A_259 = arith.constant 0 : i32
      %dma_start3A_260 = tpu.memref_slice %arg16[%dma_start3A_258, %dma_start3A_259] : memref<10240x64xf32, #tpu.memory_space<vmem_shared>> -> memref<10240x64xf32, #tpu.memory_space<vmem_shared>>
      tpu.enqueue_indirect_dma source(%arg15 : memref<128x64xf32, #tpu.memory_space<vmem>>) target(%dma_start3A_260 : memref<10240x64xf32, #tpu.memory_space<vmem_shared>>) offsets(%dma_start3A_257 : memref<128xi32, #tpu.memory_space<vmem>>) semaphore(%arg24 : memref<!tpu.dma_semaphore, #tpu.memory_space<semaphore_mem>>) {add = true}
      %scan3A_261 = arith.constant 0 : i32
      scf.yield %scan3A_261 : i32
    }
    %scan3A_35 = arith.constant 10 : i32
    %dma_wait3A = arith.constant 72 : i32
    %dma_wait3A_36 = arith.constant 0 : i32
    %dma_wait3A_37 = tpu.memref_slice %arg7[%dma_wait3A, %dma_wait3A_36] : memref<80x128xi32, #tpu.memory_space<vmem>> -> memref<1x128xi32, #tpu.memory_space<vmem>>
    %dma_wait3A_38 = tpu.memref_squeeze %dma_wait3A_37 : memref<1x128xi32, #tpu.memory_space<vmem>> -> memref<128xi32, #tpu.memory_space<vmem>>
    %dma_wait3A_39 = arith.constant 0 : i32
    %dma_wait3A_40 = arith.constant 0 : i32
    %dma_wait3A_41 = tpu.memref_slice %arg16[%dma_wait3A_39, %dma_wait3A_40] : memref<10240x64xf32, #tpu.memory_space<vmem_shared>> -> memref<10240x64xf32, #tpu.memory_space<vmem_shared>>
    tpu.wait_indirect_dma semaphore(%arg17 : memref<!tpu.dma_semaphore, #tpu.memory_space<semaphore_mem>>) src(%arg8 : memref<128x64xf32, #tpu.memory_space<vmem>>) dst(%dma_wait3A_41 : memref<10240x64xf32, #tpu.memory_space<vmem_shared>>)
    %dma_wait3A_42 = arith.constant 73 : i32
    %dma_wait3A_43 = arith.constant 0 : i32
    %dma_wait3A_44 = tpu.memref_slice %arg7[%dma_wait3A_42, %dma_wait3A_43] : memref<80x128xi32, #tpu.memory_space<vmem>> -> memref<1x128xi32, #tpu.memory_space<vmem>>
    %dma_wait3A_45 = tpu.memref_squeeze %dma_wait3A_44 : memref<1x128xi32, #tpu.memory_space<vmem>> -> memref<128xi32, #tpu.memory_space<vmem>>
    %dma_wait3A_46 = arith.constant 0 : i32
    %dma_wait3A_47 = arith.constant 0 : i32
    %dma_wait3A_48 = tpu.memref_slice %arg16[%dma_wait3A_46, %dma_wait3A_47] : memref<10240x64xf32, #tpu.memory_space<vmem_shared>> -> memref<10240x64xf32, #tpu.memory_space<vmem_shared>>
    tpu.wait_indirect_dma semaphore(%arg18 : memref<!tpu.dma_semaphore, #tpu.memory_space<semaphore_mem>>) src(%arg9 : memref<128x64xf32, #tpu.memory_space<vmem>>) dst(%dma_wait3A_48 : memref<10240x64xf32, #tpu.memory_space<vmem_shared>>)
    %dma_wait3A_49 = arith.constant 74 : i32
    %dma_wait3A_50 = arith.constant 0 : i32
    %dma_wait3A_51 = tpu.memref_slice %arg7[%dma_wait3A_49, %dma_wait3A_50] : memref<80x128xi32, #tpu.memory_space<vmem>> -> memref<1x128xi32, #tpu.memory_space<vmem>>
    %dma_wait3A_52 = tpu.memref_squeeze %dma_wait3A_51 : memref<1x128xi32, #tpu.memory_space<vmem>> -> memref<128xi32, #tpu.memory_space<vmem>>
    %dma_wait3A_53 = arith.constant 0 : i32
    %dma_wait3A_54 = arith.constant 0 : i32
    %dma_wait3A_55 = tpu.memref_slice %arg16[%dma_wait3A_53, %dma_wait3A_54] : memref<10240x64xf32, #tpu.memory_space<vmem_shared>> -> memref<10240x64xf32, #tpu.memory_space<vmem_shared>>
    tpu.wait_indirect_dma semaphore(%arg19 : memref<!tpu.dma_semaphore, #tpu.memory_space<semaphore_mem>>) src(%arg10 : memref<128x64xf32, #tpu.memory_space<vmem>>) dst(%dma_wait3A_55 : memref<10240x64xf32, #tpu.memory_space<vmem_shared>>)
    %dma_wait3A_56 = arith.constant 75 : i32
    %dma_wait3A_57 = arith.constant 0 : i32
    %dma_wait3A_58 = tpu.memref_slice %arg7[%dma_wait3A_56, %dma_wait3A_57] : memref<80x128xi32, #tpu.memory_space<vmem>> -> memref<1x128xi32, #tpu.memory_space<vmem>>
    %dma_wait3A_59 = tpu.memref_squeeze %dma_wait3A_58 : memref<1x128xi32, #tpu.memory_space<vmem>> -> memref<128xi32, #tpu.memory_space<vmem>>
    %dma_wait3A_60 = arith.constant 0 : i32
    %dma_wait3A_61 = arith.constant 0 : i32
    %dma_wait3A_62 = tpu.memref_slice %arg16[%dma_wait3A_60, %dma_wait3A_61] : memref<10240x64xf32, #tpu.memory_space<vmem_shared>> -> memref<10240x64xf32, #tpu.memory_space<vmem_shared>>
    tpu.wait_indirect_dma semaphore(%arg20 : memref<!tpu.dma_semaphore, #tpu.memory_space<semaphore_mem>>) src(%arg11 : memref<128x64xf32, #tpu.memory_space<vmem>>) dst(%dma_wait3A_62 : memref<10240x64xf32, #tpu.memory_space<vmem_shared>>)
    %dma_wait3A_63 = arith.constant 76 : i32
    %dma_wait3A_64 = arith.constant 0 : i32
    %dma_wait3A_65 = tpu.memref_slice %arg7[%dma_wait3A_63, %dma_wait3A_64] : memref<80x128xi32, #tpu.memory_space<vmem>> -> memref<1x128xi32, #tpu.memory_space<vmem>>
    %dma_wait3A_66 = tpu.memref_squeeze %dma_wait3A_65 : memref<1x128xi32, #tpu.memory_space<vmem>> -> memref<128xi32, #tpu.memory_space<vmem>>
    %dma_wait3A_67 = arith.constant 0 : i32
    %dma_wait3A_68 = arith.constant 0 : i32
    %dma_wait3A_69 = tpu.memref_slice %arg16[%dma_wait3A_67, %dma_wait3A_68] : memref<10240x64xf32, #tpu.memory_space<vmem_shared>> -> memref<10240x64xf32, #tpu.memory_space<vmem_shared>>
    tpu.wait_indirect_dma semaphore(%arg21 : memref<!tpu.dma_semaphore, #tpu.memory_space<semaphore_mem>>) src(%arg12 : memref<128x64xf32, #tpu.memory_space<vmem>>) dst(%dma_wait3A_69 : memref<10240x64xf32, #tpu.memory_space<vmem_shared>>)
    %dma_wait3A_70 = arith.constant 77 : i32
    %dma_wait3A_71 = arith.constant 0 : i32
    %dma_wait3A_72 = tpu.memref_slice %arg7[%dma_wait3A_70, %dma_wait3A_71] : memref<80x128xi32, #tpu.memory_space<vmem>> -> memref<1x128xi32, #tpu.memory_space<vmem>>
    %dma_wait3A_73 = tpu.memref_squeeze %dma_wait3A_72 : memref<1x128xi32, #tpu.memory_space<vmem>> -> memref<128xi32, #tpu.memory_space<vmem>>
    %dma_wait3A_74 = arith.constant 0 : i32
    %dma_wait3A_75 = arith.constant 0 : i32
    %dma_wait3A_76 = tpu.memref_slice %arg16[%dma_wait3A_74, %dma_wait3A_75] : memref<10240x64xf32, #tpu.memory_space<vmem_shared>> -> memref<10240x64xf32, #tpu.memory_space<vmem_shared>>
    tpu.wait_indirect_dma semaphore(%arg22 : memref<!tpu.dma_semaphore, #tpu.memory_space<semaphore_mem>>) src(%arg13 : memref<128x64xf32, #tpu.memory_space<vmem>>) dst(%dma_wait3A_76 : memref<10240x64xf32, #tpu.memory_space<vmem_shared>>)
    %dma_wait3A_77 = arith.constant 78 : i32
    %dma_wait3A_78 = arith.constant 0 : i32
    %dma_wait3A_79 = tpu.memref_slice %arg7[%dma_wait3A_77, %dma_wait3A_78] : memref<80x128xi32, #tpu.memory_space<vmem>> -> memref<1x128xi32, #tpu.memory_space<vmem>>
    %dma_wait3A_80 = tpu.memref_squeeze %dma_wait3A_79 : memref<1x128xi32, #tpu.memory_space<vmem>> -> memref<128xi32, #tpu.memory_space<vmem>>
    %dma_wait3A_81 = arith.constant 0 : i32
    %dma_wait3A_82 = arith.constant 0 : i32
    %dma_wait3A_83 = tpu.memref_slice %arg16[%dma_wait3A_81, %dma_wait3A_82] : memref<10240x64xf32, #tpu.memory_space<vmem_shared>> -> memref<10240x64xf32, #tpu.memory_space<vmem_shared>>
    tpu.wait_indirect_dma semaphore(%arg23 : memref<!tpu.dma_semaphore, #tpu.memory_space<semaphore_mem>>) src(%arg14 : memref<128x64xf32, #tpu.memory_space<vmem>>) dst(%dma_wait3A_83 : memref<10240x64xf32, #tpu.memory_space<vmem_shared>>)
    %dma_wait3A_84 = arith.constant 79 : i32
    %dma_wait3A_85 = arith.constant 0 : i32
    %dma_wait3A_86 = tpu.memref_slice %arg7[%dma_wait3A_84, %dma_wait3A_85] : memref<80x128xi32, #tpu.memory_space<vmem>> -> memref<1x128xi32, #tpu.memory_space<vmem>>
    %dma_wait3A_87 = tpu.memref_squeeze %dma_wait3A_86 : memref<1x128xi32, #tpu.memory_space<vmem>> -> memref<128xi32, #tpu.memory_space<vmem>>
    %dma_wait3A_88 = arith.constant 0 : i32
    %dma_wait3A_89 = arith.constant 0 : i32
    %dma_wait3A_90 = tpu.memref_slice %arg16[%dma_wait3A_88, %dma_wait3A_89] : memref<10240x64xf32, #tpu.memory_space<vmem_shared>> -> memref<10240x64xf32, #tpu.memory_space<vmem_shared>>
    tpu.wait_indirect_dma semaphore(%arg24 : memref<!tpu.dma_semaphore, #tpu.memory_space<semaphore_mem>>) src(%arg15 : memref<128x64xf32, #tpu.memory_space<vmem>>) dst(%dma_wait3A_90 : memref<10240x64xf32, #tpu.memory_space<vmem_shared>>)
    %barrier3A_91 = arith.constant 0 : index
    tpu.barrier barrier_id(%barrier3A_91)
    "tpu.region"() ({
      %run_scoped3A = tpu.sem_alloc : memref<!tpu.dma_semaphore, #tpu.memory_space<semaphore_mem>>
      %dma_start3A_92 = arith.constant 0 : i32
      %dma_start3A_93 = tpu.memref_slice %arg5[%arg0, %mul3A_2, %dma_start3A_92] : memref<2x10240x64xf32, #tpu.memory_space<hbm>> -> memref<1x640x64xf32, #tpu.memory_space<hbm>>
      %dma_start3A_94 = tpu.memref_squeeze %dma_start3A_93 : memref<1x640x64xf32, #tpu.memory_space<hbm>> -> memref<640x64xf32, #tpu.memory_space<hbm>>
      %dma_start3A_95 = arith.constant 0 : i32
      %dma_start3A_96 = tpu.memref_slice %arg16[%mul3A_2, %dma_start3A_95] : memref<10240x64xf32, #tpu.memory_space<vmem_shared>> -> memref<640x64xf32, #tpu.memory_space<vmem_shared>>
      tpu.enqueue_dma source(%dma_start3A_96 : memref<640x64xf32, #tpu.memory_space<vmem_shared>>) target(%dma_start3A_94 : memref<640x64xf32, #tpu.memory_space<hbm>>) target_semaphore(%run_scoped3A : memref<!tpu.dma_semaphore, #tpu.memory_space<semaphore_mem>>)
      %dma_wait3A_97 = arith.constant 0 : i32
      %dma_wait3A_98 = tpu.memref_slice %arg5[%arg0, %mul3A_2, %dma_wait3A_97] : memref<2x10240x64xf32, #tpu.memory_space<hbm>> -> memref<1x640x64xf32, #tpu.memory_space<hbm>>
      %dma_wait3A_99 = tpu.memref_squeeze %dma_wait3A_98 : memref<1x640x64xf32, #tpu.memory_space<hbm>> -> memref<640x64xf32, #tpu.memory_space<hbm>>
      %dma_wait3A_100 = arith.constant 0 : i32
      %dma_wait3A_101 = tpu.memref_slice %arg16[%mul3A_2, %dma_wait3A_100] : memref<10240x64xf32, #tpu.memory_space<vmem_shared>> -> memref<640x64xf32, #tpu.memory_space<vmem_shared>>
      tpu.wait_dma2 semaphore(%run_scoped3A : memref<!tpu.dma_semaphore, #tpu.memory_space<semaphore_mem>>) src(%dma_wait3A_101 : memref<640x64xf32, #tpu.memory_space<vmem_shared>>) dst(%dma_wait3A_99 : memref<640x64xf32, #tpu.memory_space<hbm>>)
      tpu.yield
    }) : () -> ()
    return
  }
}

#map = affine_map<(d0, d1) -> (0, 0)>
#map1 = affine_map<(d0, d1) -> (0, 0, 0)>
module attributes {stable_mosaic.version = 14 : i64} {
  func.func @_sc_scatter(%arg0: i32, %arg1: i32, %arg2: memref<10240x64xf32, #tpu.memory_space<hbm>>, %arg3: memref<32x80x128xi32, #tpu.memory_space<hbm>>, %arg4: memref<32x80x128xi32, #tpu.memory_space<hbm>>, %arg5: memref<2x10240x64xf32, #tpu.memory_space<hbm>>, %arg6: memref<80x128xi32, #tpu.memory_space<vmem>>, %arg7: memref<80x128xi32, #tpu.memory_space<vmem>>, %arg8: memref<128x64xf32, #tpu.memory_space<vmem>>, %arg9: memref<128x64xf32, #tpu.memory_space<vmem>>, %arg10: memref<128x64xf32, #tpu.memory_space<vmem>>, %arg11: memref<128x64xf32, #tpu.memory_space<vmem>>, %arg12: memref<128x64xf32, #tpu.memory_space<vmem>>, %arg13: memref<128x64xf32, #tpu.memory_space<vmem>>, %arg14: memref<128x64xf32, #tpu.memory_space<vmem>>, %arg15: memref<128x64xf32, #tpu.memory_space<vmem>>, %arg16: memref<10240x64xf32, #tpu.memory_space<vmem_shared>>, %arg17: memref<!tpu.dma_semaphore, #tpu.memory_space<semaphore_mem>>, %arg18: memref<!tpu.dma_semaphore, #tpu.memory_space<semaphore_mem>>, %arg19: memref<!tpu.dma_semaphore, #tpu.memory_space<semaphore_mem>>, %arg20: memref<!tpu.dma_semaphore, #tpu.memory_space<semaphore_mem>>, %arg21: memref<!tpu.dma_semaphore, #tpu.memory_space<semaphore_mem>>, %arg22: memref<!tpu.dma_semaphore, #tpu.memory_space<semaphore_mem>>, %arg23: memref<!tpu.dma_semaphore, #tpu.memory_space<semaphore_mem>>, %arg24: memref<!tpu.dma_semaphore, #tpu.memory_space<semaphore_mem>>) attributes {dimension_semantics = [#tpu.dimension_semantics<core_parallel>, #tpu.dimension_semantics<subcore_parallel>], iteration_bounds = array<i64: 2, 16>, scalar_prefetch = 0 : i64, scratch_operands = 19 : i64, tpu.core_type = #tpu.core_type<sc_vector_subcore>, window_params = [{transform_indices = #map}, {transform_indices = #map1}, {transform_indices = #map1}, {transform_indices = #map1}]} {
    %mul3A = arith.constant 2 : i32
    %mul3A_0 = arith.muli %arg1, %mul3A : i32
    %add3A = arith.addi %mul3A_0, %arg0 : i32
    %mul3A_1 = arith.constant 640 : i32
    %mul3A_2 = arith.muli %arg1, %mul3A_1 : i32
    "tpu.region"() ({
      %run_scoped3A = tpu.sem_alloc : memref<!tpu.dma_semaphore, #tpu.memory_space<semaphore_mem>>
      %dma_start3A_92 = arith.constant 0 : i32
      %dma_start3A_93 = tpu.memref_slice %arg16[%mul3A_2, %dma_start3A_92] : memref<10240x64xf32, #tpu.memory_space<vmem_shared>> -> memref<640x64xf32, #tpu.memory_space<vmem_shared>>
      %dma_start3A_94 = arith.constant 0 : i32
      %dma_start3A_95 = tpu.memref_slice %arg2[%mul3A_2, %dma_start3A_94] : memref<10240x64xf32, #tpu.memory_space<hbm>> -> memref<640x64xf32, #tpu.memory_space<hbm>>
      tpu.enqueue_dma source(%dma_start3A_95 : memref<640x64xf32, #tpu.memory_space<hbm>>) target(%dma_start3A_93 : memref<640x64xf32, #tpu.memory_space<vmem_shared>>) target_semaphore(%run_scoped3A : memref<!tpu.dma_semaphore, #tpu.memory_space<semaphore_mem>>)
      %dma_wait3A_96 = arith.constant 0 : i32
      %dma_wait3A_97 = tpu.memref_slice %arg16[%mul3A_2, %dma_wait3A_96] : memref<10240x64xf32, #tpu.memory_space<vmem_shared>> -> memref<640x64xf32, #tpu.memory_space<vmem_shared>>
      %dma_wait3A_98 = arith.constant 0 : i32
      %dma_wait3A_99 = tpu.memref_slice %arg2[%mul3A_2, %dma_wait3A_98] : memref<10240x64xf32, #tpu.memory_space<hbm>> -> memref<640x64xf32, #tpu.memory_space<hbm>>
      tpu.wait_dma2 semaphore(%run_scoped3A : memref<!tpu.dma_semaphore, #tpu.memory_space<semaphore_mem>>) src(%dma_wait3A_99 : memref<640x64xf32, #tpu.memory_space<hbm>>) dst(%dma_wait3A_97 : memref<640x64xf32, #tpu.memory_space<vmem_shared>>)
      tpu.yield
    }) : () -> ()
    "tpu.region"() ({
      %run_scoped3A = tpu.sem_alloc : memref<!tpu.dma_semaphore, #tpu.memory_space<semaphore_mem>>
      %dma_start3A_92 = arith.constant 0 : i32
      %dma_start3A_93 = arith.constant 0 : i32
      %dma_start3A_94 = tpu.memref_slice %arg3[%add3A, %dma_start3A_92, %dma_start3A_93] : memref<32x80x128xi32, #tpu.memory_space<hbm>> -> memref<1x80x128xi32, #tpu.memory_space<hbm>>
      %dma_start3A_95 = tpu.memref_squeeze %dma_start3A_94 : memref<1x80x128xi32, #tpu.memory_space<hbm>> -> memref<80x128xi32, #tpu.memory_space<hbm>>
      %dma_start3A_96 = arith.constant 0 : i32
      %dma_start3A_97 = arith.constant 0 : i32
      %dma_start3A_98 = tpu.memref_slice %arg3[%add3A, %dma_start3A_96, %dma_start3A_97] : memref<32x80x128xi32, #tpu.memory_space<hbm>> -> memref<1x80x128xi32, #tpu.memory_space<hbm>>
      %dma_start3A_99 = tpu.memref_squeeze %dma_start3A_98 : memref<1x80x128xi32, #tpu.memory_space<hbm>> -> memref<80x128xi32, #tpu.memory_space<hbm>>
      tpu.enqueue_dma source(%dma_start3A_99 : memref<80x128xi32, #tpu.memory_space<hbm>>) target(%arg6 : memref<80x128xi32, #tpu.memory_space<vmem>>) target_semaphore(%run_scoped3A : memref<!tpu.dma_semaphore, #tpu.memory_space<semaphore_mem>>)
      %dma_wait3A_100 = arith.constant 0 : i32
      %dma_wait3A_101 = arith.constant 0 : i32
      %dma_wait3A_102 = tpu.memref_slice %arg3[%add3A, %dma_wait3A_100, %dma_wait3A_101] : memref<32x80x128xi32, #tpu.memory_space<hbm>> -> memref<1x80x128xi32, #tpu.memory_space<hbm>>
      %dma_wait3A_103 = tpu.memref_squeeze %dma_wait3A_102 : memref<1x80x128xi32, #tpu.memory_space<hbm>> -> memref<80x128xi32, #tpu.memory_space<hbm>>
      %dma_wait3A_104 = arith.constant 0 : i32
      %dma_wait3A_105 = arith.constant 0 : i32
      %dma_wait3A_106 = tpu.memref_slice %arg3[%add3A, %dma_wait3A_104, %dma_wait3A_105] : memref<32x80x128xi32, #tpu.memory_space<hbm>> -> memref<1x80x128xi32, #tpu.memory_space<hbm>>
      %dma_wait3A_107 = tpu.memref_squeeze %dma_wait3A_106 : memref<1x80x128xi32, #tpu.memory_space<hbm>> -> memref<80x128xi32, #tpu.memory_space<hbm>>
      tpu.wait_dma2 semaphore(%run_scoped3A : memref<!tpu.dma_semaphore, #tpu.memory_space<semaphore_mem>>) src(%dma_wait3A_107 : memref<80x128xi32, #tpu.memory_space<hbm>>) dst(%arg6 : memref<80x128xi32, #tpu.memory_space<vmem>>)
      tpu.yield
    }) : () -> ()
    "tpu.region"() ({
      %run_scoped3A = tpu.sem_alloc : memref<!tpu.dma_semaphore, #tpu.memory_space<semaphore_mem>>
      %dma_start3A_92 = arith.constant 0 : i32
      %dma_start3A_93 = arith.constant 0 : i32
      %dma_start3A_94 = tpu.memref_slice %arg4[%add3A, %dma_start3A_92, %dma_start3A_93] : memref<32x80x128xi32, #tpu.memory_space<hbm>> -> memref<1x80x128xi32, #tpu.memory_space<hbm>>
      %dma_start3A_95 = tpu.memref_squeeze %dma_start3A_94 : memref<1x80x128xi32, #tpu.memory_space<hbm>> -> memref<80x128xi32, #tpu.memory_space<hbm>>
      %dma_start3A_96 = arith.constant 0 : i32
      %dma_start3A_97 = arith.constant 0 : i32
      %dma_start3A_98 = tpu.memref_slice %arg4[%add3A, %dma_start3A_96, %dma_start3A_97] : memref<32x80x128xi32, #tpu.memory_space<hbm>> -> memref<1x80x128xi32, #tpu.memory_space<hbm>>
      %dma_start3A_99 = tpu.memref_squeeze %dma_start3A_98 : memref<1x80x128xi32, #tpu.memory_space<hbm>> -> memref<80x128xi32, #tpu.memory_space<hbm>>
      tpu.enqueue_dma source(%dma_start3A_99 : memref<80x128xi32, #tpu.memory_space<hbm>>) target(%arg7 : memref<80x128xi32, #tpu.memory_space<vmem>>) target_semaphore(%run_scoped3A : memref<!tpu.dma_semaphore, #tpu.memory_space<semaphore_mem>>)
      %dma_wait3A_100 = arith.constant 0 : i32
      %dma_wait3A_101 = arith.constant 0 : i32
      %dma_wait3A_102 = tpu.memref_slice %arg4[%add3A, %dma_wait3A_100, %dma_wait3A_101] : memref<32x80x128xi32, #tpu.memory_space<hbm>> -> memref<1x80x128xi32, #tpu.memory_space<hbm>>
      %dma_wait3A_103 = tpu.memref_squeeze %dma_wait3A_102 : memref<1x80x128xi32, #tpu.memory_space<hbm>> -> memref<80x128xi32, #tpu.memory_space<hbm>>
      %dma_wait3A_104 = arith.constant 0 : i32
      %dma_wait3A_105 = arith.constant 0 : i32
      %dma_wait3A_106 = tpu.memref_slice %arg4[%add3A, %dma_wait3A_104, %dma_wait3A_105] : memref<32x80x128xi32, #tpu.memory_space<hbm>> -> memref<1x80x128xi32, #tpu.memory_space<hbm>>
      %dma_wait3A_107 = tpu.memref_squeeze %dma_wait3A_106 : memref<1x80x128xi32, #tpu.memory_space<hbm>> -> memref<80x128xi32, #tpu.memory_space<hbm>>
      tpu.wait_dma2 semaphore(%run_scoped3A : memref<!tpu.dma_semaphore, #tpu.memory_space<semaphore_mem>>) src(%dma_wait3A_107 : memref<80x128xi32, #tpu.memory_space<hbm>>) dst(%arg7 : memref<80x128xi32, #tpu.memory_space<vmem>>)
      tpu.yield
    }) : () -> ()
    %barrier3A = arith.constant 0 : index
    tpu.barrier barrier_id(%barrier3A)
    %dma_start3A = arith.constant 0 : i32
    %dma_start3A_3 = arith.constant 0 : i32
    %dma_start3A_4 = tpu.memref_slice %arg6[%dma_start3A, %dma_start3A_3] : memref<80x128xi32, #tpu.memory_space<vmem>> -> memref<1x128xi32, #tpu.memory_space<vmem>>
    %dma_start3A_5 = tpu.memref_squeeze %dma_start3A_4 : memref<1x128xi32, #tpu.memory_space<vmem>> -> memref<128xi32, #tpu.memory_space<vmem>>
    %dma_start3A_6 = arith.constant 0 : i32
    %dma_start3A_7 = arith.constant 0 : i32
    %dma_start3A_8 = tpu.memref_slice %arg2[%dma_start3A_6, %dma_start3A_7] : memref<10240x64xf32, #tpu.memory_space<hbm>> -> memref<10240x64xf32, #tpu.memory_space<hbm>>
    tpu.enqueue_indirect_dma source(%dma_start3A_8 : memref<10240x64xf32, #tpu.memory_space<hbm>>) target(%arg8 : memref<128x64xf32, #tpu.memory_space<vmem>>) offsets(%dma_start3A_5 : memref<128xi32, #tpu.memory_space<vmem>>) semaphore(%arg17 : memref<!tpu.dma_semaphore, #tpu.memory_space<semaphore_mem>>)
    %dma_start3A_9 = arith.constant 1 : i32
    %dma_start3A_10 = arith.constant 0 : i32
    %dma_start3A_11 = tpu.memref_slice %arg6[%dma_start3A_9, %dma_start3A_10] : memref<80x128xi32, #tpu.memory_space<vmem>> -> memref<1x128xi32, #tpu.memory_space<vmem>>
    %dma_start3A_12 = tpu.memref_squeeze %dma_start3A_11 : memref<1x128xi32, #tpu.memory_space<vmem>> -> memref<128xi32, #tpu.memory_space<vmem>>
    %dma_start3A_13 = arith.constant 0 : i32
    %dma_start3A_14 = arith.constant 0 : i32
    %dma_start3A_15 = tpu.memref_slice %arg2[%dma_start3A_13, %dma_start3A_14] : memref<10240x64xf32, #tpu.memory_space<hbm>> -> memref<10240x64xf32, #tpu.memory_space<hbm>>
    tpu.enqueue_indirect_dma source(%dma_start3A_15 : memref<10240x64xf32, #tpu.memory_space<hbm>>) target(%arg9 : memref<128x64xf32, #tpu.memory_space<vmem>>) offsets(%dma_start3A_12 : memref<128xi32, #tpu.memory_space<vmem>>) semaphore(%arg18 : memref<!tpu.dma_semaphore, #tpu.memory_space<semaphore_mem>>)
    %dma_start3A_16 = arith.constant 2 : i32
    %dma_start3A_17 = arith.constant 0 : i32
    %dma_start3A_18 = tpu.memref_slice %arg6[%dma_start3A_16, %dma_start3A_17] : memref<80x128xi32, #tpu.memory_space<vmem>> -> memref<1x128xi32, #tpu.memory_space<vmem>>
    %dma_start3A_19 = tpu.memref_squeeze %dma_start3A_18 : memref<1x128xi32, #tpu.memory_space<vmem>> -> memref<128xi32, #tpu.memory_space<vmem>>
    %dma_start3A_20 = arith.constant 0 : i32
    %dma_start3A_21 = arith.constant 0 : i32
    %dma_start3A_22 = tpu.memref_slice %arg2[%dma_start3A_20, %dma_start3A_21] : memref<10240x64xf32, #tpu.memory_space<hbm>> -> memref<10240x64xf32, #tpu.memory_space<hbm>>
    tpu.enqueue_indirect_dma source(%dma_start3A_22 : memref<10240x64xf32, #tpu.memory_space<hbm>>) target(%arg10 : memref<128x64xf32, #tpu.memory_space<vmem>>) offsets(%dma_start3A_19 : memref<128xi32, #tpu.memory_space<vmem>>) semaphore(%arg19 : memref<!tpu.dma_semaphore, #tpu.memory_space<semaphore_mem>>)
    %dma_start3A_23 = arith.constant 3 : i32
    %dma_start3A_24 = arith.constant 0 : i32
    %dma_start3A_25 = tpu.memref_slice %arg6[%dma_start3A_23, %dma_start3A_24] : memref<80x128xi32, #tpu.memory_space<vmem>> -> memref<1x128xi32, #tpu.memory_space<vmem>>
    %dma_start3A_26 = tpu.memref_squeeze %dma_start3A_25 : memref<1x128xi32, #tpu.memory_space<vmem>> -> memref<128xi32, #tpu.memory_space<vmem>>
    %dma_start3A_27 = arith.constant 0 : i32
    %dma_start3A_28 = arith.constant 0 : i32
    %dma_start3A_29 = tpu.memref_slice %arg2[%dma_start3A_27, %dma_start3A_28] : memref<10240x64xf32, #tpu.memory_space<hbm>> -> memref<10240x64xf32, #tpu.memory_space<hbm>>
    tpu.enqueue_indirect_dma source(%dma_start3A_29 : memref<10240x64xf32, #tpu.memory_space<hbm>>) target(%arg11 : memref<128x64xf32, #tpu.memory_space<vmem>>) offsets(%dma_start3A_26 : memref<128xi32, #tpu.memory_space<vmem>>) semaphore(%arg20 : memref<!tpu.dma_semaphore, #tpu.memory_space<semaphore_mem>>)
    %scan3A = arith.constant 0 : i32
    %scan3A_30 = arith.constant 0 : i32
    %scan3A_31 = arith.constant 10 : i32
    %scan3A_32 = arith.addi %scan3A_30, %scan3A_31 : i32
    %scan3A_33 = arith.constant 1 : i32
    %scan3A_34 = scf.for %scan3A_92 = %scan3A_30 to %scan3A_32 step %scan3A_33 iter_args(%scan3A_93 = %scan3A) -> (i32)  : i32 {
      %mul3A_94 = arith.constant 8 : i32
      %mul3A_95 = arith.muli %mul3A_94, %scan3A_92 : i32
      %add3A_96 = arith.constant 0 : i32
      %add3A_97 = arith.addi %mul3A_95, %add3A_96 : i32
      %add3A_98 = arith.constant 4 : i32
      %add3A_99 = arith.addi %add3A_97, %add3A_98 : i32
      %lt3A = arith.constant 80 : i32
      %lt3A_100 = arith.cmpi slt, %add3A_99, %lt3A : i32
      %convert_element_type3A = arith.extui %lt3A_100 : i1 to i32
      %cond3A = arith.constant 0 : i32
      %cond3A_101 = arith.cmpi ne, %convert_element_type3A, %cond3A : i32
      scf.if %cond3A_101 {
        %add3A_262 = arith.constant 4 : i32
        %add3A_263 = arith.addi %add3A_97, %add3A_262 : i32
        %ge3A = arith.constant 8 : i32
        %ge3A_264 = arith.cmpi sge, %add3A_263, %ge3A : i32
        %convert_element_type3A_265 = arith.extui %ge3A_264 : i1 to i32
        %cond3A_266 = arith.constant 0 : i32
        %cond3A_267 = arith.cmpi ne, %convert_element_type3A_265, %cond3A_266 : i32
        scf.if %cond3A_267 {
          %add3A_276 = arith.constant 4 : i32
          %add3A_277 = arith.addi %add3A_97, %add3A_276 : i32
          %sub3A = arith.constant 8 : i32
          %sub3A_278 = arith.subi %add3A_277, %sub3A : i32
          %dma_wait3A_279 = arith.constant 0 : i32
          %dma_wait3A_280 = tpu.memref_slice %arg7[%sub3A_278, %dma_wait3A_279] : memref<80x128xi32, #tpu.memory_space<vmem>> -> memref<1x128xi32, #tpu.memory_space<vmem>>
          %dma_wait3A_281 = tpu.memref_squeeze %dma_wait3A_280 : memref<1x128xi32, #tpu.memory_space<vmem>> -> memref<128xi32, #tpu.memory_space<vmem>>
          %dma_wait3A_282 = arith.constant 0 : i32
          %dma_wait3A_283 = arith.constant 0 : i32
          %dma_wait3A_284 = tpu.memref_slice %arg16[%dma_wait3A_282, %dma_wait3A_283] : memref<10240x64xf32, #tpu.memory_space<vmem_shared>> -> memref<10240x64xf32, #tpu.memory_space<vmem_shared>>
          tpu.wait_indirect_dma semaphore(%arg21 : memref<!tpu.dma_semaphore, #tpu.memory_space<semaphore_mem>>) src(%arg12 : memref<128x64xf32, #tpu.memory_space<vmem>>) dst(%dma_wait3A_284 : memref<10240x64xf32, #tpu.memory_space<vmem_shared>>)
        } else {
        }
        %add3A_268 = arith.constant 4 : i32
        %add3A_269 = arith.addi %add3A_97, %add3A_268 : i32
        %dma_start3A_270 = arith.constant 0 : i32
        %dma_start3A_271 = tpu.memref_slice %arg6[%add3A_269, %dma_start3A_270] : memref<80x128xi32, #tpu.memory_space<vmem>> -> memref<1x128xi32, #tpu.memory_space<vmem>>
        %dma_start3A_272 = tpu.memref_squeeze %dma_start3A_271 : memref<1x128xi32, #tpu.memory_space<vmem>> -> memref<128xi32, #tpu.memory_space<vmem>>
        %dma_start3A_273 = arith.constant 0 : i32
        %dma_start3A_274 = arith.constant 0 : i32
        %dma_start3A_275 = tpu.memref_slice %arg2[%dma_start3A_273, %dma_start3A_274] : memref<10240x64xf32, #tpu.memory_space<hbm>> -> memref<10240x64xf32, #tpu.memory_space<hbm>>
        tpu.enqueue_indirect_dma source(%dma_start3A_275 : memref<10240x64xf32, #tpu.memory_space<hbm>>) target(%arg12 : memref<128x64xf32, #tpu.memory_space<vmem>>) offsets(%dma_start3A_272 : memref<128xi32, #tpu.memory_space<vmem>>) semaphore(%arg21 : memref<!tpu.dma_semaphore, #tpu.memory_space<semaphore_mem>>)
      } else {
      }
      %dma_wait3A_102 = arith.constant 0 : i32
      %dma_wait3A_103 = tpu.memref_slice %arg6[%add3A_97, %dma_wait3A_102] : memref<80x128xi32, #tpu.memory_space<vmem>> -> memref<1x128xi32, #tpu.memory_space<vmem>>
      %dma_wait3A_104 = tpu.memref_squeeze %dma_wait3A_103 : memref<1x128xi32, #tpu.memory_space<vmem>> -> memref<128xi32, #tpu.memory_space<vmem>>
      %dma_wait3A_105 = arith.constant 0 : i32
      %dma_wait3A_106 = arith.constant 0 : i32
      %dma_wait3A_107 = tpu.memref_slice %arg2[%dma_wait3A_105, %dma_wait3A_106] : memref<10240x64xf32, #tpu.memory_space<hbm>> -> memref<10240x64xf32, #tpu.memory_space<hbm>>
      tpu.wait_indirect_dma semaphore(%arg17 : memref<!tpu.dma_semaphore, #tpu.memory_space<semaphore_mem>>) src(%dma_wait3A_107 : memref<10240x64xf32, #tpu.memory_space<hbm>>) dst(%arg8 : memref<128x64xf32, #tpu.memory_space<vmem>>)
      %dma_start3A_108 = arith.constant 0 : i32
      %dma_start3A_109 = tpu.memref_slice %arg7[%add3A_97, %dma_start3A_108] : memref<80x128xi32, #tpu.memory_space<vmem>> -> memref<1x128xi32, #tpu.memory_space<vmem>>
      %dma_start3A_110 = tpu.memref_squeeze %dma_start3A_109 : memref<1x128xi32, #tpu.memory_space<vmem>> -> memref<128xi32, #tpu.memory_space<vmem>>
      %dma_start3A_111 = arith.constant 0 : i32
      %dma_start3A_112 = arith.constant 0 : i32
      %dma_start3A_113 = tpu.memref_slice %arg16[%dma_start3A_111, %dma_start3A_112] : memref<10240x64xf32, #tpu.memory_space<vmem_shared>> -> memref<10240x64xf32, #tpu.memory_space<vmem_shared>>
      tpu.enqueue_indirect_dma source(%arg8 : memref<128x64xf32, #tpu.memory_space<vmem>>) target(%dma_start3A_113 : memref<10240x64xf32, #tpu.memory_space<vmem_shared>>) offsets(%dma_start3A_110 : memref<128xi32, #tpu.memory_space<vmem>>) semaphore(%arg17 : memref<!tpu.dma_semaphore, #tpu.memory_space<semaphore_mem>>) {add = true}
      %add3A_114 = arith.constant 1 : i32
      %add3A_115 = arith.addi %mul3A_95, %add3A_114 : i32
      %add3A_116 = arith.constant 4 : i32
      %add3A_117 = arith.addi %add3A_115, %add3A_116 : i32
      %lt3A_118 = arith.constant 80 : i32
      %lt3A_119 = arith.cmpi slt, %add3A_117, %lt3A_118 : i32
      %convert_element_type3A_120 = arith.extui %lt3A_119 : i1 to i32
      %cond3A_121 = arith.constant 0 : i32
      %cond3A_122 = arith.cmpi ne, %convert_element_type3A_120, %cond3A_121 : i32
      scf.if %cond3A_122 {
        %add3A_262 = arith.constant 4 : i32
        %add3A_263 = arith.addi %add3A_115, %add3A_262 : i32
        %ge3A = arith.constant 8 : i32
        %ge3A_264 = arith.cmpi sge, %add3A_263, %ge3A : i32
        %convert_element_type3A_265 = arith.extui %ge3A_264 : i1 to i32
        %cond3A_266 = arith.constant 0 : i32
        %cond3A_267 = arith.cmpi ne, %convert_element_type3A_265, %cond3A_266 : i32
        scf.if %cond3A_267 {
          %add3A_276 = arith.constant 4 : i32
          %add3A_277 = arith.addi %add3A_115, %add3A_276 : i32
          %sub3A = arith.constant 8 : i32
          %sub3A_278 = arith.subi %add3A_277, %sub3A : i32
          %dma_wait3A_279 = arith.constant 0 : i32
          %dma_wait3A_280 = tpu.memref_slice %arg7[%sub3A_278, %dma_wait3A_279] : memref<80x128xi32, #tpu.memory_space<vmem>> -> memref<1x128xi32, #tpu.memory_space<vmem>>
          %dma_wait3A_281 = tpu.memref_squeeze %dma_wait3A_280 : memref<1x128xi32, #tpu.memory_space<vmem>> -> memref<128xi32, #tpu.memory_space<vmem>>
          %dma_wait3A_282 = arith.constant 0 : i32
          %dma_wait3A_283 = arith.constant 0 : i32
          %dma_wait3A_284 = tpu.memref_slice %arg16[%dma_wait3A_282, %dma_wait3A_283] : memref<10240x64xf32, #tpu.memory_space<vmem_shared>> -> memref<10240x64xf32, #tpu.memory_space<vmem_shared>>
          tpu.wait_indirect_dma semaphore(%arg22 : memref<!tpu.dma_semaphore, #tpu.memory_space<semaphore_mem>>) src(%arg13 : memref<128x64xf32, #tpu.memory_space<vmem>>) dst(%dma_wait3A_284 : memref<10240x64xf32, #tpu.memory_space<vmem_shared>>)
        } else {
        }
        %add3A_268 = arith.constant 4 : i32
        %add3A_269 = arith.addi %add3A_115, %add3A_268 : i32
        %dma_start3A_270 = arith.constant 0 : i32
        %dma_start3A_271 = tpu.memref_slice %arg6[%add3A_269, %dma_start3A_270] : memref<80x128xi32, #tpu.memory_space<vmem>> -> memref<1x128xi32, #tpu.memory_space<vmem>>
        %dma_start3A_272 = tpu.memref_squeeze %dma_start3A_271 : memref<1x128xi32, #tpu.memory_space<vmem>> -> memref<128xi32, #tpu.memory_space<vmem>>
        %dma_start3A_273 = arith.constant 0 : i32
        %dma_start3A_274 = arith.constant 0 : i32
        %dma_start3A_275 = tpu.memref_slice %arg2[%dma_start3A_273, %dma_start3A_274] : memref<10240x64xf32, #tpu.memory_space<hbm>> -> memref<10240x64xf32, #tpu.memory_space<hbm>>
        tpu.enqueue_indirect_dma source(%dma_start3A_275 : memref<10240x64xf32, #tpu.memory_space<hbm>>) target(%arg13 : memref<128x64xf32, #tpu.memory_space<vmem>>) offsets(%dma_start3A_272 : memref<128xi32, #tpu.memory_space<vmem>>) semaphore(%arg22 : memref<!tpu.dma_semaphore, #tpu.memory_space<semaphore_mem>>)
      } else {
      }
      %dma_wait3A_123 = arith.constant 0 : i32
      %dma_wait3A_124 = tpu.memref_slice %arg6[%add3A_115, %dma_wait3A_123] : memref<80x128xi32, #tpu.memory_space<vmem>> -> memref<1x128xi32, #tpu.memory_space<vmem>>
      %dma_wait3A_125 = tpu.memref_squeeze %dma_wait3A_124 : memref<1x128xi32, #tpu.memory_space<vmem>> -> memref<128xi32, #tpu.memory_space<vmem>>
      %dma_wait3A_126 = arith.constant 0 : i32
      %dma_wait3A_127 = arith.constant 0 : i32
      %dma_wait3A_128 = tpu.memref_slice %arg2[%dma_wait3A_126, %dma_wait3A_127] : memref<10240x64xf32, #tpu.memory_space<hbm>> -> memref<10240x64xf32, #tpu.memory_space<hbm>>
      tpu.wait_indirect_dma semaphore(%arg18 : memref<!tpu.dma_semaphore, #tpu.memory_space<semaphore_mem>>) src(%dma_wait3A_128 : memref<10240x64xf32, #tpu.memory_space<hbm>>) dst(%arg9 : memref<128x64xf32, #tpu.memory_space<vmem>>)
      %dma_start3A_129 = arith.constant 0 : i32
      %dma_start3A_130 = tpu.memref_slice %arg7[%add3A_115, %dma_start3A_129] : memref<80x128xi32, #tpu.memory_space<vmem>> -> memref<1x128xi32, #tpu.memory_space<vmem>>
      %dma_start3A_131 = tpu.memref_squeeze %dma_start3A_130 : memref<1x128xi32, #tpu.memory_space<vmem>> -> memref<128xi32, #tpu.memory_space<vmem>>
      %dma_start3A_132 = arith.constant 0 : i32
      %dma_start3A_133 = arith.constant 0 : i32
      %dma_start3A_134 = tpu.memref_slice %arg16[%dma_start3A_132, %dma_start3A_133] : memref<10240x64xf32, #tpu.memory_space<vmem_shared>> -> memref<10240x64xf32, #tpu.memory_space<vmem_shared>>
      tpu.enqueue_indirect_dma source(%arg9 : memref<128x64xf32, #tpu.memory_space<vmem>>) target(%dma_start3A_134 : memref<10240x64xf32, #tpu.memory_space<vmem_shared>>) offsets(%dma_start3A_131 : memref<128xi32, #tpu.memory_space<vmem>>) semaphore(%arg18 : memref<!tpu.dma_semaphore, #tpu.memory_space<semaphore_mem>>) {add = true}
      %add3A_135 = arith.constant 2 : i32
      %add3A_136 = arith.addi %mul3A_95, %add3A_135 : i32
      %add3A_137 = arith.constant 4 : i32
      %add3A_138 = arith.addi %add3A_136, %add3A_137 : i32
      %lt3A_139 = arith.constant 80 : i32
      %lt3A_140 = arith.cmpi slt, %add3A_138, %lt3A_139 : i32
      %convert_element_type3A_141 = arith.extui %lt3A_140 : i1 to i32
      %cond3A_142 = arith.constant 0 : i32
      %cond3A_143 = arith.cmpi ne, %convert_element_type3A_141, %cond3A_142 : i32
      scf.if %cond3A_143 {
        %add3A_262 = arith.constant 4 : i32
        %add3A_263 = arith.addi %add3A_136, %add3A_262 : i32
        %ge3A = arith.constant 8 : i32
        %ge3A_264 = arith.cmpi sge, %add3A_263, %ge3A : i32
        %convert_element_type3A_265 = arith.extui %ge3A_264 : i1 to i32
        %cond3A_266 = arith.constant 0 : i32
        %cond3A_267 = arith.cmpi ne, %convert_element_type3A_265, %cond3A_266 : i32
        scf.if %cond3A_267 {
          %add3A_276 = arith.constant 4 : i32
          %add3A_277 = arith.addi %add3A_136, %add3A_276 : i32
          %sub3A = arith.constant 8 : i32
          %sub3A_278 = arith.subi %add3A_277, %sub3A : i32
          %dma_wait3A_279 = arith.constant 0 : i32
          %dma_wait3A_280 = tpu.memref_slice %arg7[%sub3A_278, %dma_wait3A_279] : memref<80x128xi32, #tpu.memory_space<vmem>> -> memref<1x128xi32, #tpu.memory_space<vmem>>
          %dma_wait3A_281 = tpu.memref_squeeze %dma_wait3A_280 : memref<1x128xi32, #tpu.memory_space<vmem>> -> memref<128xi32, #tpu.memory_space<vmem>>
          %dma_wait3A_282 = arith.constant 0 : i32
          %dma_wait3A_283 = arith.constant 0 : i32
          %dma_wait3A_284 = tpu.memref_slice %arg16[%dma_wait3A_282, %dma_wait3A_283] : memref<10240x64xf32, #tpu.memory_space<vmem_shared>> -> memref<10240x64xf32, #tpu.memory_space<vmem_shared>>
          tpu.wait_indirect_dma semaphore(%arg23 : memref<!tpu.dma_semaphore, #tpu.memory_space<semaphore_mem>>) src(%arg14 : memref<128x64xf32, #tpu.memory_space<vmem>>) dst(%dma_wait3A_284 : memref<10240x64xf32, #tpu.memory_space<vmem_shared>>)
        } else {
        }
        %add3A_268 = arith.constant 4 : i32
        %add3A_269 = arith.addi %add3A_136, %add3A_268 : i32
        %dma_start3A_270 = arith.constant 0 : i32
        %dma_start3A_271 = tpu.memref_slice %arg6[%add3A_269, %dma_start3A_270] : memref<80x128xi32, #tpu.memory_space<vmem>> -> memref<1x128xi32, #tpu.memory_space<vmem>>
        %dma_start3A_272 = tpu.memref_squeeze %dma_start3A_271 : memref<1x128xi32, #tpu.memory_space<vmem>> -> memref<128xi32, #tpu.memory_space<vmem>>
        %dma_start3A_273 = arith.constant 0 : i32
        %dma_start3A_274 = arith.constant 0 : i32
        %dma_start3A_275 = tpu.memref_slice %arg2[%dma_start3A_273, %dma_start3A_274] : memref<10240x64xf32, #tpu.memory_space<hbm>> -> memref<10240x64xf32, #tpu.memory_space<hbm>>
        tpu.enqueue_indirect_dma source(%dma_start3A_275 : memref<10240x64xf32, #tpu.memory_space<hbm>>) target(%arg14 : memref<128x64xf32, #tpu.memory_space<vmem>>) offsets(%dma_start3A_272 : memref<128xi32, #tpu.memory_space<vmem>>) semaphore(%arg23 : memref<!tpu.dma_semaphore, #tpu.memory_space<semaphore_mem>>)
      } else {
      }
      %dma_wait3A_144 = arith.constant 0 : i32
      %dma_wait3A_145 = tpu.memref_slice %arg6[%add3A_136, %dma_wait3A_144] : memref<80x128xi32, #tpu.memory_space<vmem>> -> memref<1x128xi32, #tpu.memory_space<vmem>>
      %dma_wait3A_146 = tpu.memref_squeeze %dma_wait3A_145 : memref<1x128xi32, #tpu.memory_space<vmem>> -> memref<128xi32, #tpu.memory_space<vmem>>
      %dma_wait3A_147 = arith.constant 0 : i32
      %dma_wait3A_148 = arith.constant 0 : i32
      %dma_wait3A_149 = tpu.memref_slice %arg2[%dma_wait3A_147, %dma_wait3A_148] : memref<10240x64xf32, #tpu.memory_space<hbm>> -> memref<10240x64xf32, #tpu.memory_space<hbm>>
      tpu.wait_indirect_dma semaphore(%arg19 : memref<!tpu.dma_semaphore, #tpu.memory_space<semaphore_mem>>) src(%dma_wait3A_149 : memref<10240x64xf32, #tpu.memory_space<hbm>>) dst(%arg10 : memref<128x64xf32, #tpu.memory_space<vmem>>)
      %dma_start3A_150 = arith.constant 0 : i32
      %dma_start3A_151 = tpu.memref_slice %arg7[%add3A_136, %dma_start3A_150] : memref<80x128xi32, #tpu.memory_space<vmem>> -> memref<1x128xi32, #tpu.memory_space<vmem>>
      %dma_start3A_152 = tpu.memref_squeeze %dma_start3A_151 : memref<1x128xi32, #tpu.memory_space<vmem>> -> memref<128xi32, #tpu.memory_space<vmem>>
      %dma_start3A_153 = arith.constant 0 : i32
      %dma_start3A_154 = arith.constant 0 : i32
      %dma_start3A_155 = tpu.memref_slice %arg16[%dma_start3A_153, %dma_start3A_154] : memref<10240x64xf32, #tpu.memory_space<vmem_shared>> -> memref<10240x64xf32, #tpu.memory_space<vmem_shared>>
      tpu.enqueue_indirect_dma source(%arg10 : memref<128x64xf32, #tpu.memory_space<vmem>>) target(%dma_start3A_155 : memref<10240x64xf32, #tpu.memory_space<vmem_shared>>) offsets(%dma_start3A_152 : memref<128xi32, #tpu.memory_space<vmem>>) semaphore(%arg19 : memref<!tpu.dma_semaphore, #tpu.memory_space<semaphore_mem>>) {add = true}
      %add3A_156 = arith.constant 3 : i32
      %add3A_157 = arith.addi %mul3A_95, %add3A_156 : i32
      %add3A_158 = arith.constant 4 : i32
      %add3A_159 = arith.addi %add3A_157, %add3A_158 : i32
      %lt3A_160 = arith.constant 80 : i32
      %lt3A_161 = arith.cmpi slt, %add3A_159, %lt3A_160 : i32
      %convert_element_type3A_162 = arith.extui %lt3A_161 : i1 to i32
      %cond3A_163 = arith.constant 0 : i32
      %cond3A_164 = arith.cmpi ne, %convert_element_type3A_162, %cond3A_163 : i32
      scf.if %cond3A_164 {
        %add3A_262 = arith.constant 4 : i32
        %add3A_263 = arith.addi %add3A_157, %add3A_262 : i32
        %ge3A = arith.constant 8 : i32
        %ge3A_264 = arith.cmpi sge, %add3A_263, %ge3A : i32
        %convert_element_type3A_265 = arith.extui %ge3A_264 : i1 to i32
        %cond3A_266 = arith.constant 0 : i32
        %cond3A_267 = arith.cmpi ne, %convert_element_type3A_265, %cond3A_266 : i32
        scf.if %cond3A_267 {
          %add3A_276 = arith.constant 4 : i32
          %add3A_277 = arith.addi %add3A_157, %add3A_276 : i32
          %sub3A = arith.constant 8 : i32
          %sub3A_278 = arith.subi %add3A_277, %sub3A : i32
          %dma_wait3A_279 = arith.constant 0 : i32
          %dma_wait3A_280 = tpu.memref_slice %arg7[%sub3A_278, %dma_wait3A_279] : memref<80x128xi32, #tpu.memory_space<vmem>> -> memref<1x128xi32, #tpu.memory_space<vmem>>
          %dma_wait3A_281 = tpu.memref_squeeze %dma_wait3A_280 : memref<1x128xi32, #tpu.memory_space<vmem>> -> memref<128xi32, #tpu.memory_space<vmem>>
          %dma_wait3A_282 = arith.constant 0 : i32
          %dma_wait3A_283 = arith.constant 0 : i32
          %dma_wait3A_284 = tpu.memref_slice %arg16[%dma_wait3A_282, %dma_wait3A_283] : memref<10240x64xf32, #tpu.memory_space<vmem_shared>> -> memref<10240x64xf32, #tpu.memory_space<vmem_shared>>
          tpu.wait_indirect_dma semaphore(%arg24 : memref<!tpu.dma_semaphore, #tpu.memory_space<semaphore_mem>>) src(%arg15 : memref<128x64xf32, #tpu.memory_space<vmem>>) dst(%dma_wait3A_284 : memref<10240x64xf32, #tpu.memory_space<vmem_shared>>)
        } else {
        }
        %add3A_268 = arith.constant 4 : i32
        %add3A_269 = arith.addi %add3A_157, %add3A_268 : i32
        %dma_start3A_270 = arith.constant 0 : i32
        %dma_start3A_271 = tpu.memref_slice %arg6[%add3A_269, %dma_start3A_270] : memref<80x128xi32, #tpu.memory_space<vmem>> -> memref<1x128xi32, #tpu.memory_space<vmem>>
        %dma_start3A_272 = tpu.memref_squeeze %dma_start3A_271 : memref<1x128xi32, #tpu.memory_space<vmem>> -> memref<128xi32, #tpu.memory_space<vmem>>
        %dma_start3A_273 = arith.constant 0 : i32
        %dma_start3A_274 = arith.constant 0 : i32
        %dma_start3A_275 = tpu.memref_slice %arg2[%dma_start3A_273, %dma_start3A_274] : memref<10240x64xf32, #tpu.memory_space<hbm>> -> memref<10240x64xf32, #tpu.memory_space<hbm>>
        tpu.enqueue_indirect_dma source(%dma_start3A_275 : memref<10240x64xf32, #tpu.memory_space<hbm>>) target(%arg15 : memref<128x64xf32, #tpu.memory_space<vmem>>) offsets(%dma_start3A_272 : memref<128xi32, #tpu.memory_space<vmem>>) semaphore(%arg24 : memref<!tpu.dma_semaphore, #tpu.memory_space<semaphore_mem>>)
      } else {
      }
      %dma_wait3A_165 = arith.constant 0 : i32
      %dma_wait3A_166 = tpu.memref_slice %arg6[%add3A_157, %dma_wait3A_165] : memref<80x128xi32, #tpu.memory_space<vmem>> -> memref<1x128xi32, #tpu.memory_space<vmem>>
      %dma_wait3A_167 = tpu.memref_squeeze %dma_wait3A_166 : memref<1x128xi32, #tpu.memory_space<vmem>> -> memref<128xi32, #tpu.memory_space<vmem>>
      %dma_wait3A_168 = arith.constant 0 : i32
      %dma_wait3A_169 = arith.constant 0 : i32
      %dma_wait3A_170 = tpu.memref_slice %arg2[%dma_wait3A_168, %dma_wait3A_169] : memref<10240x64xf32, #tpu.memory_space<hbm>> -> memref<10240x64xf32, #tpu.memory_space<hbm>>
      tpu.wait_indirect_dma semaphore(%arg20 : memref<!tpu.dma_semaphore, #tpu.memory_space<semaphore_mem>>) src(%dma_wait3A_170 : memref<10240x64xf32, #tpu.memory_space<hbm>>) dst(%arg11 : memref<128x64xf32, #tpu.memory_space<vmem>>)
      %dma_start3A_171 = arith.constant 0 : i32
      %dma_start3A_172 = tpu.memref_slice %arg7[%add3A_157, %dma_start3A_171] : memref<80x128xi32, #tpu.memory_space<vmem>> -> memref<1x128xi32, #tpu.memory_space<vmem>>
      %dma_start3A_173 = tpu.memref_squeeze %dma_start3A_172 : memref<1x128xi32, #tpu.memory_space<vmem>> -> memref<128xi32, #tpu.memory_space<vmem>>
      %dma_start3A_174 = arith.constant 0 : i32
      %dma_start3A_175 = arith.constant 0 : i32
      %dma_start3A_176 = tpu.memref_slice %arg16[%dma_start3A_174, %dma_start3A_175] : memref<10240x64xf32, #tpu.memory_space<vmem_shared>> -> memref<10240x64xf32, #tpu.memory_space<vmem_shared>>
      tpu.enqueue_indirect_dma source(%arg11 : memref<128x64xf32, #tpu.memory_space<vmem>>) target(%dma_start3A_176 : memref<10240x64xf32, #tpu.memory_space<vmem_shared>>) offsets(%dma_start3A_173 : memref<128xi32, #tpu.memory_space<vmem>>) semaphore(%arg20 : memref<!tpu.dma_semaphore, #tpu.memory_space<semaphore_mem>>) {add = true}
      %add3A_177 = arith.constant 4 : i32
      %add3A_178 = arith.addi %mul3A_95, %add3A_177 : i32
      %add3A_179 = arith.constant 4 : i32
      %add3A_180 = arith.addi %add3A_178, %add3A_179 : i32
      %lt3A_181 = arith.constant 80 : i32
      %lt3A_182 = arith.cmpi slt, %add3A_180, %lt3A_181 : i32
      %convert_element_type3A_183 = arith.extui %lt3A_182 : i1 to i32
      %cond3A_184 = arith.constant 0 : i32
      %cond3A_185 = arith.cmpi ne, %convert_element_type3A_183, %cond3A_184 : i32
      scf.if %cond3A_185 {
        %add3A_262 = arith.constant 4 : i32
        %add3A_263 = arith.addi %add3A_178, %add3A_262 : i32
        %ge3A = arith.constant 8 : i32
        %ge3A_264 = arith.cmpi sge, %add3A_263, %ge3A : i32
        %convert_element_type3A_265 = arith.extui %ge3A_264 : i1 to i32
        %cond3A_266 = arith.constant 0 : i32
        %cond3A_267 = arith.cmpi ne, %convert_element_type3A_265, %cond3A_266 : i32
        scf.if %cond3A_267 {
          %add3A_276 = arith.constant 4 : i32
          %add3A_277 = arith.addi %add3A_178, %add3A_276 : i32
          %sub3A = arith.constant 8 : i32
          %sub3A_278 = arith.subi %add3A_277, %sub3A : i32
          %dma_wait3A_279 = arith.constant 0 : i32
          %dma_wait3A_280 = tpu.memref_slice %arg7[%sub3A_278, %dma_wait3A_279] : memref<80x128xi32, #tpu.memory_space<vmem>> -> memref<1x128xi32, #tpu.memory_space<vmem>>
          %dma_wait3A_281 = tpu.memref_squeeze %dma_wait3A_280 : memref<1x128xi32, #tpu.memory_space<vmem>> -> memref<128xi32, #tpu.memory_space<vmem>>
          %dma_wait3A_282 = arith.constant 0 : i32
          %dma_wait3A_283 = arith.constant 0 : i32
          %dma_wait3A_284 = tpu.memref_slice %arg16[%dma_wait3A_282, %dma_wait3A_283] : memref<10240x64xf32, #tpu.memory_space<vmem_shared>> -> memref<10240x64xf32, #tpu.memory_space<vmem_shared>>
          tpu.wait_indirect_dma semaphore(%arg17 : memref<!tpu.dma_semaphore, #tpu.memory_space<semaphore_mem>>) src(%arg8 : memref<128x64xf32, #tpu.memory_space<vmem>>) dst(%dma_wait3A_284 : memref<10240x64xf32, #tpu.memory_space<vmem_shared>>)
        } else {
        }
        %add3A_268 = arith.constant 4 : i32
        %add3A_269 = arith.addi %add3A_178, %add3A_268 : i32
        %dma_start3A_270 = arith.constant 0 : i32
        %dma_start3A_271 = tpu.memref_slice %arg6[%add3A_269, %dma_start3A_270] : memref<80x128xi32, #tpu.memory_space<vmem>> -> memref<1x128xi32, #tpu.memory_space<vmem>>
        %dma_start3A_272 = tpu.memref_squeeze %dma_start3A_271 : memref<1x128xi32, #tpu.memory_space<vmem>> -> memref<128xi32, #tpu.memory_space<vmem>>
        %dma_start3A_273 = arith.constant 0 : i32
        %dma_start3A_274 = arith.constant 0 : i32
        %dma_start3A_275 = tpu.memref_slice %arg2[%dma_start3A_273, %dma_start3A_274] : memref<10240x64xf32, #tpu.memory_space<hbm>> -> memref<10240x64xf32, #tpu.memory_space<hbm>>
        tpu.enqueue_indirect_dma source(%dma_start3A_275 : memref<10240x64xf32, #tpu.memory_space<hbm>>) target(%arg8 : memref<128x64xf32, #tpu.memory_space<vmem>>) offsets(%dma_start3A_272 : memref<128xi32, #tpu.memory_space<vmem>>) semaphore(%arg17 : memref<!tpu.dma_semaphore, #tpu.memory_space<semaphore_mem>>)
      } else {
      }
      %dma_wait3A_186 = arith.constant 0 : i32
      %dma_wait3A_187 = tpu.memref_slice %arg6[%add3A_178, %dma_wait3A_186] : memref<80x128xi32, #tpu.memory_space<vmem>> -> memref<1x128xi32, #tpu.memory_space<vmem>>
      %dma_wait3A_188 = tpu.memref_squeeze %dma_wait3A_187 : memref<1x128xi32, #tpu.memory_space<vmem>> -> memref<128xi32, #tpu.memory_space<vmem>>
      %dma_wait3A_189 = arith.constant 0 : i32
      %dma_wait3A_190 = arith.constant 0 : i32
      %dma_wait3A_191 = tpu.memref_slice %arg2[%dma_wait3A_189, %dma_wait3A_190] : memref<10240x64xf32, #tpu.memory_space<hbm>> -> memref<10240x64xf32, #tpu.memory_space<hbm>>
      tpu.wait_indirect_dma semaphore(%arg21 : memref<!tpu.dma_semaphore, #tpu.memory_space<semaphore_mem>>) src(%dma_wait3A_191 : memref<10240x64xf32, #tpu.memory_space<hbm>>) dst(%arg12 : memref<128x64xf32, #tpu.memory_space<vmem>>)
      %dma_start3A_192 = arith.constant 0 : i32
      %dma_start3A_193 = tpu.memref_slice %arg7[%add3A_178, %dma_start3A_192] : memref<80x128xi32, #tpu.memory_space<vmem>> -> memref<1x128xi32, #tpu.memory_space<vmem>>
      %dma_start3A_194 = tpu.memref_squeeze %dma_start3A_193 : memref<1x128xi32, #tpu.memory_space<vmem>> -> memref<128xi32, #tpu.memory_space<vmem>>
      %dma_start3A_195 = arith.constant 0 : i32
      %dma_start3A_196 = arith.constant 0 : i32
      %dma_start3A_197 = tpu.memref_slice %arg16[%dma_start3A_195, %dma_start3A_196] : memref<10240x64xf32, #tpu.memory_space<vmem_shared>> -> memref<10240x64xf32, #tpu.memory_space<vmem_shared>>
      tpu.enqueue_indirect_dma source(%arg12 : memref<128x64xf32, #tpu.memory_space<vmem>>) target(%dma_start3A_197 : memref<10240x64xf32, #tpu.memory_space<vmem_shared>>) offsets(%dma_start3A_194 : memref<128xi32, #tpu.memory_space<vmem>>) semaphore(%arg21 : memref<!tpu.dma_semaphore, #tpu.memory_space<semaphore_mem>>) {add = true}
      %add3A_198 = arith.constant 5 : i32
      %add3A_199 = arith.addi %mul3A_95, %add3A_198 : i32
      %add3A_200 = arith.constant 4 : i32
      %add3A_201 = arith.addi %add3A_199, %add3A_200 : i32
      %lt3A_202 = arith.constant 80 : i32
      %lt3A_203 = arith.cmpi slt, %add3A_201, %lt3A_202 : i32
      %convert_element_type3A_204 = arith.extui %lt3A_203 : i1 to i32
      %cond3A_205 = arith.constant 0 : i32
      %cond3A_206 = arith.cmpi ne, %convert_element_type3A_204, %cond3A_205 : i32
      scf.if %cond3A_206 {
        %add3A_262 = arith.constant 4 : i32
        %add3A_263 = arith.addi %add3A_199, %add3A_262 : i32
        %ge3A = arith.constant 8 : i32
        %ge3A_264 = arith.cmpi sge, %add3A_263, %ge3A : i32
        %convert_element_type3A_265 = arith.extui %ge3A_264 : i1 to i32
        %cond3A_266 = arith.constant 0 : i32
        %cond3A_267 = arith.cmpi ne, %convert_element_type3A_265, %cond3A_266 : i32
        scf.if %cond3A_267 {
          %add3A_276 = arith.constant 4 : i32
          %add3A_277 = arith.addi %add3A_199, %add3A_276 : i32
          %sub3A = arith.constant 8 : i32
          %sub3A_278 = arith.subi %add3A_277, %sub3A : i32
          %dma_wait3A_279 = arith.constant 0 : i32
          %dma_wait3A_280 = tpu.memref_slice %arg7[%sub3A_278, %dma_wait3A_279] : memref<80x128xi32, #tpu.memory_space<vmem>> -> memref<1x128xi32, #tpu.memory_space<vmem>>
          %dma_wait3A_281 = tpu.memref_squeeze %dma_wait3A_280 : memref<1x128xi32, #tpu.memory_space<vmem>> -> memref<128xi32, #tpu.memory_space<vmem>>
          %dma_wait3A_282 = arith.constant 0 : i32
          %dma_wait3A_283 = arith.constant 0 : i32
          %dma_wait3A_284 = tpu.memref_slice %arg16[%dma_wait3A_282, %dma_wait3A_283] : memref<10240x64xf32, #tpu.memory_space<vmem_shared>> -> memref<10240x64xf32, #tpu.memory_space<vmem_shared>>
          tpu.wait_indirect_dma semaphore(%arg18 : memref<!tpu.dma_semaphore, #tpu.memory_space<semaphore_mem>>) src(%arg9 : memref<128x64xf32, #tpu.memory_space<vmem>>) dst(%dma_wait3A_284 : memref<10240x64xf32, #tpu.memory_space<vmem_shared>>)
        } else {
        }
        %add3A_268 = arith.constant 4 : i32
        %add3A_269 = arith.addi %add3A_199, %add3A_268 : i32
        %dma_start3A_270 = arith.constant 0 : i32
        %dma_start3A_271 = tpu.memref_slice %arg6[%add3A_269, %dma_start3A_270] : memref<80x128xi32, #tpu.memory_space<vmem>> -> memref<1x128xi32, #tpu.memory_space<vmem>>
        %dma_start3A_272 = tpu.memref_squeeze %dma_start3A_271 : memref<1x128xi32, #tpu.memory_space<vmem>> -> memref<128xi32, #tpu.memory_space<vmem>>
        %dma_start3A_273 = arith.constant 0 : i32
        %dma_start3A_274 = arith.constant 0 : i32
        %dma_start3A_275 = tpu.memref_slice %arg2[%dma_start3A_273, %dma_start3A_274] : memref<10240x64xf32, #tpu.memory_space<hbm>> -> memref<10240x64xf32, #tpu.memory_space<hbm>>
        tpu.enqueue_indirect_dma source(%dma_start3A_275 : memref<10240x64xf32, #tpu.memory_space<hbm>>) target(%arg9 : memref<128x64xf32, #tpu.memory_space<vmem>>) offsets(%dma_start3A_272 : memref<128xi32, #tpu.memory_space<vmem>>) semaphore(%arg18 : memref<!tpu.dma_semaphore, #tpu.memory_space<semaphore_mem>>)
      } else {
      }
      %dma_wait3A_207 = arith.constant 0 : i32
      %dma_wait3A_208 = tpu.memref_slice %arg6[%add3A_199, %dma_wait3A_207] : memref<80x128xi32, #tpu.memory_space<vmem>> -> memref<1x128xi32, #tpu.memory_space<vmem>>
      %dma_wait3A_209 = tpu.memref_squeeze %dma_wait3A_208 : memref<1x128xi32, #tpu.memory_space<vmem>> -> memref<128xi32, #tpu.memory_space<vmem>>
      %dma_wait3A_210 = arith.constant 0 : i32
      %dma_wait3A_211 = arith.constant 0 : i32
      %dma_wait3A_212 = tpu.memref_slice %arg2[%dma_wait3A_210, %dma_wait3A_211] : memref<10240x64xf32, #tpu.memory_space<hbm>> -> memref<10240x64xf32, #tpu.memory_space<hbm>>
      tpu.wait_indirect_dma semaphore(%arg22 : memref<!tpu.dma_semaphore, #tpu.memory_space<semaphore_mem>>) src(%dma_wait3A_212 : memref<10240x64xf32, #tpu.memory_space<hbm>>) dst(%arg13 : memref<128x64xf32, #tpu.memory_space<vmem>>)
      %dma_start3A_213 = arith.constant 0 : i32
      %dma_start3A_214 = tpu.memref_slice %arg7[%add3A_199, %dma_start3A_213] : memref<80x128xi32, #tpu.memory_space<vmem>> -> memref<1x128xi32, #tpu.memory_space<vmem>>
      %dma_start3A_215 = tpu.memref_squeeze %dma_start3A_214 : memref<1x128xi32, #tpu.memory_space<vmem>> -> memref<128xi32, #tpu.memory_space<vmem>>
      %dma_start3A_216 = arith.constant 0 : i32
      %dma_start3A_217 = arith.constant 0 : i32
      %dma_start3A_218 = tpu.memref_slice %arg16[%dma_start3A_216, %dma_start3A_217] : memref<10240x64xf32, #tpu.memory_space<vmem_shared>> -> memref<10240x64xf32, #tpu.memory_space<vmem_shared>>
      tpu.enqueue_indirect_dma source(%arg13 : memref<128x64xf32, #tpu.memory_space<vmem>>) target(%dma_start3A_218 : memref<10240x64xf32, #tpu.memory_space<vmem_shared>>) offsets(%dma_start3A_215 : memref<128xi32, #tpu.memory_space<vmem>>) semaphore(%arg22 : memref<!tpu.dma_semaphore, #tpu.memory_space<semaphore_mem>>) {add = true}
      %add3A_219 = arith.constant 6 : i32
      %add3A_220 = arith.addi %mul3A_95, %add3A_219 : i32
      %add3A_221 = arith.constant 4 : i32
      %add3A_222 = arith.addi %add3A_220, %add3A_221 : i32
      %lt3A_223 = arith.constant 80 : i32
      %lt3A_224 = arith.cmpi slt, %add3A_222, %lt3A_223 : i32
      %convert_element_type3A_225 = arith.extui %lt3A_224 : i1 to i32
      %cond3A_226 = arith.constant 0 : i32
      %cond3A_227 = arith.cmpi ne, %convert_element_type3A_225, %cond3A_226 : i32
      scf.if %cond3A_227 {
        %add3A_262 = arith.constant 4 : i32
        %add3A_263 = arith.addi %add3A_220, %add3A_262 : i32
        %ge3A = arith.constant 8 : i32
        %ge3A_264 = arith.cmpi sge, %add3A_263, %ge3A : i32
        %convert_element_type3A_265 = arith.extui %ge3A_264 : i1 to i32
        %cond3A_266 = arith.constant 0 : i32
        %cond3A_267 = arith.cmpi ne, %convert_element_type3A_265, %cond3A_266 : i32
        scf.if %cond3A_267 {
          %add3A_276 = arith.constant 4 : i32
          %add3A_277 = arith.addi %add3A_220, %add3A_276 : i32
          %sub3A = arith.constant 8 : i32
          %sub3A_278 = arith.subi %add3A_277, %sub3A : i32
          %dma_wait3A_279 = arith.constant 0 : i32
          %dma_wait3A_280 = tpu.memref_slice %arg7[%sub3A_278, %dma_wait3A_279] : memref<80x128xi32, #tpu.memory_space<vmem>> -> memref<1x128xi32, #tpu.memory_space<vmem>>
          %dma_wait3A_281 = tpu.memref_squeeze %dma_wait3A_280 : memref<1x128xi32, #tpu.memory_space<vmem>> -> memref<128xi32, #tpu.memory_space<vmem>>
          %dma_wait3A_282 = arith.constant 0 : i32
          %dma_wait3A_283 = arith.constant 0 : i32
          %dma_wait3A_284 = tpu.memref_slice %arg16[%dma_wait3A_282, %dma_wait3A_283] : memref<10240x64xf32, #tpu.memory_space<vmem_shared>> -> memref<10240x64xf32, #tpu.memory_space<vmem_shared>>
          tpu.wait_indirect_dma semaphore(%arg19 : memref<!tpu.dma_semaphore, #tpu.memory_space<semaphore_mem>>) src(%arg10 : memref<128x64xf32, #tpu.memory_space<vmem>>) dst(%dma_wait3A_284 : memref<10240x64xf32, #tpu.memory_space<vmem_shared>>)
        } else {
        }
        %add3A_268 = arith.constant 4 : i32
        %add3A_269 = arith.addi %add3A_220, %add3A_268 : i32
        %dma_start3A_270 = arith.constant 0 : i32
        %dma_start3A_271 = tpu.memref_slice %arg6[%add3A_269, %dma_start3A_270] : memref<80x128xi32, #tpu.memory_space<vmem>> -> memref<1x128xi32, #tpu.memory_space<vmem>>
        %dma_start3A_272 = tpu.memref_squeeze %dma_start3A_271 : memref<1x128xi32, #tpu.memory_space<vmem>> -> memref<128xi32, #tpu.memory_space<vmem>>
        %dma_start3A_273 = arith.constant 0 : i32
        %dma_start3A_274 = arith.constant 0 : i32
        %dma_start3A_275 = tpu.memref_slice %arg2[%dma_start3A_273, %dma_start3A_274] : memref<10240x64xf32, #tpu.memory_space<hbm>> -> memref<10240x64xf32, #tpu.memory_space<hbm>>
        tpu.enqueue_indirect_dma source(%dma_start3A_275 : memref<10240x64xf32, #tpu.memory_space<hbm>>) target(%arg10 : memref<128x64xf32, #tpu.memory_space<vmem>>) offsets(%dma_start3A_272 : memref<128xi32, #tpu.memory_space<vmem>>) semaphore(%arg19 : memref<!tpu.dma_semaphore, #tpu.memory_space<semaphore_mem>>)
      } else {
      }
      %dma_wait3A_228 = arith.constant 0 : i32
      %dma_wait3A_229 = tpu.memref_slice %arg6[%add3A_220, %dma_wait3A_228] : memref<80x128xi32, #tpu.memory_space<vmem>> -> memref<1x128xi32, #tpu.memory_space<vmem>>
      %dma_wait3A_230 = tpu.memref_squeeze %dma_wait3A_229 : memref<1x128xi32, #tpu.memory_space<vmem>> -> memref<128xi32, #tpu.memory_space<vmem>>
      %dma_wait3A_231 = arith.constant 0 : i32
      %dma_wait3A_232 = arith.constant 0 : i32
      %dma_wait3A_233 = tpu.memref_slice %arg2[%dma_wait3A_231, %dma_wait3A_232] : memref<10240x64xf32, #tpu.memory_space<hbm>> -> memref<10240x64xf32, #tpu.memory_space<hbm>>
      tpu.wait_indirect_dma semaphore(%arg23 : memref<!tpu.dma_semaphore, #tpu.memory_space<semaphore_mem>>) src(%dma_wait3A_233 : memref<10240x64xf32, #tpu.memory_space<hbm>>) dst(%arg14 : memref<128x64xf32, #tpu.memory_space<vmem>>)
      %dma_start3A_234 = arith.constant 0 : i32
      %dma_start3A_235 = tpu.memref_slice %arg7[%add3A_220, %dma_start3A_234] : memref<80x128xi32, #tpu.memory_space<vmem>> -> memref<1x128xi32, #tpu.memory_space<vmem>>
      %dma_start3A_236 = tpu.memref_squeeze %dma_start3A_235 : memref<1x128xi32, #tpu.memory_space<vmem>> -> memref<128xi32, #tpu.memory_space<vmem>>
      %dma_start3A_237 = arith.constant 0 : i32
      %dma_start3A_238 = arith.constant 0 : i32
      %dma_start3A_239 = tpu.memref_slice %arg16[%dma_start3A_237, %dma_start3A_238] : memref<10240x64xf32, #tpu.memory_space<vmem_shared>> -> memref<10240x64xf32, #tpu.memory_space<vmem_shared>>
      tpu.enqueue_indirect_dma source(%arg14 : memref<128x64xf32, #tpu.memory_space<vmem>>) target(%dma_start3A_239 : memref<10240x64xf32, #tpu.memory_space<vmem_shared>>) offsets(%dma_start3A_236 : memref<128xi32, #tpu.memory_space<vmem>>) semaphore(%arg23 : memref<!tpu.dma_semaphore, #tpu.memory_space<semaphore_mem>>) {add = true}
      %add3A_240 = arith.constant 7 : i32
      %add3A_241 = arith.addi %mul3A_95, %add3A_240 : i32
      %add3A_242 = arith.constant 4 : i32
      %add3A_243 = arith.addi %add3A_241, %add3A_242 : i32
      %lt3A_244 = arith.constant 80 : i32
      %lt3A_245 = arith.cmpi slt, %add3A_243, %lt3A_244 : i32
      %convert_element_type3A_246 = arith.extui %lt3A_245 : i1 to i32
      %cond3A_247 = arith.constant 0 : i32
      %cond3A_248 = arith.cmpi ne, %convert_element_type3A_246, %cond3A_247 : i32
      scf.if %cond3A_248 {
        %add3A_262 = arith.constant 4 : i32
        %add3A_263 = arith.addi %add3A_241, %add3A_262 : i32
        %ge3A = arith.constant 8 : i32
        %ge3A_264 = arith.cmpi sge, %add3A_263, %ge3A : i32
        %convert_element_type3A_265 = arith.extui %ge3A_264 : i1 to i32
        %cond3A_266 = arith.constant 0 : i32
        %cond3A_267 = arith.cmpi ne, %convert_element_type3A_265, %cond3A_266 : i32
        scf.if %cond3A_267 {
          %add3A_276 = arith.constant 4 : i32
          %add3A_277 = arith.addi %add3A_241, %add3A_276 : i32
          %sub3A = arith.constant 8 : i32
          %sub3A_278 = arith.subi %add3A_277, %sub3A : i32
          %dma_wait3A_279 = arith.constant 0 : i32
          %dma_wait3A_280 = tpu.memref_slice %arg7[%sub3A_278, %dma_wait3A_279] : memref<80x128xi32, #tpu.memory_space<vmem>> -> memref<1x128xi32, #tpu.memory_space<vmem>>
          %dma_wait3A_281 = tpu.memref_squeeze %dma_wait3A_280 : memref<1x128xi32, #tpu.memory_space<vmem>> -> memref<128xi32, #tpu.memory_space<vmem>>
          %dma_wait3A_282 = arith.constant 0 : i32
          %dma_wait3A_283 = arith.constant 0 : i32
          %dma_wait3A_284 = tpu.memref_slice %arg16[%dma_wait3A_282, %dma_wait3A_283] : memref<10240x64xf32, #tpu.memory_space<vmem_shared>> -> memref<10240x64xf32, #tpu.memory_space<vmem_shared>>
          tpu.wait_indirect_dma semaphore(%arg20 : memref<!tpu.dma_semaphore, #tpu.memory_space<semaphore_mem>>) src(%arg11 : memref<128x64xf32, #tpu.memory_space<vmem>>) dst(%dma_wait3A_284 : memref<10240x64xf32, #tpu.memory_space<vmem_shared>>)
        } else {
        }
        %add3A_268 = arith.constant 4 : i32
        %add3A_269 = arith.addi %add3A_241, %add3A_268 : i32
        %dma_start3A_270 = arith.constant 0 : i32
        %dma_start3A_271 = tpu.memref_slice %arg6[%add3A_269, %dma_start3A_270] : memref<80x128xi32, #tpu.memory_space<vmem>> -> memref<1x128xi32, #tpu.memory_space<vmem>>
        %dma_start3A_272 = tpu.memref_squeeze %dma_start3A_271 : memref<1x128xi32, #tpu.memory_space<vmem>> -> memref<128xi32, #tpu.memory_space<vmem>>
        %dma_start3A_273 = arith.constant 0 : i32
        %dma_start3A_274 = arith.constant 0 : i32
        %dma_start3A_275 = tpu.memref_slice %arg2[%dma_start3A_273, %dma_start3A_274] : memref<10240x64xf32, #tpu.memory_space<hbm>> -> memref<10240x64xf32, #tpu.memory_space<hbm>>
        tpu.enqueue_indirect_dma source(%dma_start3A_275 : memref<10240x64xf32, #tpu.memory_space<hbm>>) target(%arg11 : memref<128x64xf32, #tpu.memory_space<vmem>>) offsets(%dma_start3A_272 : memref<128xi32, #tpu.memory_space<vmem>>) semaphore(%arg20 : memref<!tpu.dma_semaphore, #tpu.memory_space<semaphore_mem>>)
      } else {
      }
      %dma_wait3A_249 = arith.constant 0 : i32
      %dma_wait3A_250 = tpu.memref_slice %arg6[%add3A_241, %dma_wait3A_249] : memref<80x128xi32, #tpu.memory_space<vmem>> -> memref<1x128xi32, #tpu.memory_space<vmem>>
      %dma_wait3A_251 = tpu.memref_squeeze %dma_wait3A_250 : memref<1x128xi32, #tpu.memory_space<vmem>> -> memref<128xi32, #tpu.memory_space<vmem>>
      %dma_wait3A_252 = arith.constant 0 : i32
      %dma_wait3A_253 = arith.constant 0 : i32
      %dma_wait3A_254 = tpu.memref_slice %arg2[%dma_wait3A_252, %dma_wait3A_253] : memref<10240x64xf32, #tpu.memory_space<hbm>> -> memref<10240x64xf32, #tpu.memory_space<hbm>>
      tpu.wait_indirect_dma semaphore(%arg24 : memref<!tpu.dma_semaphore, #tpu.memory_space<semaphore_mem>>) src(%dma_wait3A_254 : memref<10240x64xf32, #tpu.memory_space<hbm>>) dst(%arg15 : memref<128x64xf32, #tpu.memory_space<vmem>>)
      %dma_start3A_255 = arith.constant 0 : i32
      %dma_start3A_256 = tpu.memref_slice %arg7[%add3A_241, %dma_start3A_255] : memref<80x128xi32, #tpu.memory_space<vmem>> -> memref<1x128xi32, #tpu.memory_space<vmem>>
      %dma_start3A_257 = tpu.memref_squeeze %dma_start3A_256 : memref<1x128xi32, #tpu.memory_space<vmem>> -> memref<128xi32, #tpu.memory_space<vmem>>
      %dma_start3A_258 = arith.constant 0 : i32
      %dma_start3A_259 = arith.constant 0 : i32
      %dma_start3A_260 = tpu.memref_slice %arg16[%dma_start3A_258, %dma_start3A_259] : memref<10240x64xf32, #tpu.memory_space<vmem_shared>> -> memref<10240x64xf32, #tpu.memory_space<vmem_shared>>
      tpu.enqueue_indirect_dma source(%arg15 : memref<128x64xf32, #tpu.memory_space<vmem>>) target(%dma_start3A_260 : memref<10240x64xf32, #tpu.memory_space<vmem_shared>>) offsets(%dma_start3A_257 : memref<128xi32, #tpu.memory_space<vmem>>) semaphore(%arg24 : memref<!tpu.dma_semaphore, #tpu.memory_space<semaphore_mem>>) {add = true}
      %scan3A_261 = arith.constant 0 : i32
      scf.yield %scan3A_261 : i32
    }
    %scan3A_35 = arith.constant 10 : i32
    %dma_wait3A = arith.constant 72 : i32
    %dma_wait3A_36 = arith.constant 0 : i32
    %dma_wait3A_37 = tpu.memref_slice %arg7[%dma_wait3A, %dma_wait3A_36] : memref<80x128xi32, #tpu.memory_space<vmem>> -> memref<1x128xi32, #tpu.memory_space<vmem>>
    %dma_wait3A_38 = tpu.memref_squeeze %dma_wait3A_37 : memref<1x128xi32, #tpu.memory_space<vmem>> -> memref<128xi32, #tpu.memory_space<vmem>>
    %dma_wait3A_39 = arith.constant 0 : i32
    %dma_wait3A_40 = arith.constant 0 : i32
    %dma_wait3A_41 = tpu.memref_slice %arg16[%dma_wait3A_39, %dma_wait3A_40] : memref<10240x64xf32, #tpu.memory_space<vmem_shared>> -> memref<10240x64xf32, #tpu.memory_space<vmem_shared>>
    tpu.wait_indirect_dma semaphore(%arg17 : memref<!tpu.dma_semaphore, #tpu.memory_space<semaphore_mem>>) src(%arg8 : memref<128x64xf32, #tpu.memory_space<vmem>>) dst(%dma_wait3A_41 : memref<10240x64xf32, #tpu.memory_space<vmem_shared>>)
    %dma_wait3A_42 = arith.constant 73 : i32
    %dma_wait3A_43 = arith.constant 0 : i32
    %dma_wait3A_44 = tpu.memref_slice %arg7[%dma_wait3A_42, %dma_wait3A_43] : memref<80x128xi32, #tpu.memory_space<vmem>> -> memref<1x128xi32, #tpu.memory_space<vmem>>
    %dma_wait3A_45 = tpu.memref_squeeze %dma_wait3A_44 : memref<1x128xi32, #tpu.memory_space<vmem>> -> memref<128xi32, #tpu.memory_space<vmem>>
    %dma_wait3A_46 = arith.constant 0 : i32
    %dma_wait3A_47 = arith.constant 0 : i32
    %dma_wait3A_48 = tpu.memref_slice %arg16[%dma_wait3A_46, %dma_wait3A_47] : memref<10240x64xf32, #tpu.memory_space<vmem_shared>> -> memref<10240x64xf32, #tpu.memory_space<vmem_shared>>
    tpu.wait_indirect_dma semaphore(%arg18 : memref<!tpu.dma_semaphore, #tpu.memory_space<semaphore_mem>>) src(%arg9 : memref<128x64xf32, #tpu.memory_space<vmem>>) dst(%dma_wait3A_48 : memref<10240x64xf32, #tpu.memory_space<vmem_shared>>)
    %dma_wait3A_49 = arith.constant 74 : i32
    %dma_wait3A_50 = arith.constant 0 : i32
    %dma_wait3A_51 = tpu.memref_slice %arg7[%dma_wait3A_49, %dma_wait3A_50] : memref<80x128xi32, #tpu.memory_space<vmem>> -> memref<1x128xi32, #tpu.memory_space<vmem>>
    %dma_wait3A_52 = tpu.memref_squeeze %dma_wait3A_51 : memref<1x128xi32, #tpu.memory_space<vmem>> -> memref<128xi32, #tpu.memory_space<vmem>>
    %dma_wait3A_53 = arith.constant 0 : i32
    %dma_wait3A_54 = arith.constant 0 : i32
    %dma_wait3A_55 = tpu.memref_slice %arg16[%dma_wait3A_53, %dma_wait3A_54] : memref<10240x64xf32, #tpu.memory_space<vmem_shared>> -> memref<10240x64xf32, #tpu.memory_space<vmem_shared>>
    tpu.wait_indirect_dma semaphore(%arg19 : memref<!tpu.dma_semaphore, #tpu.memory_space<semaphore_mem>>) src(%arg10 : memref<128x64xf32, #tpu.memory_space<vmem>>) dst(%dma_wait3A_55 : memref<10240x64xf32, #tpu.memory_space<vmem_shared>>)
    %dma_wait3A_56 = arith.constant 75 : i32
    %dma_wait3A_57 = arith.constant 0 : i32
    %dma_wait3A_58 = tpu.memref_slice %arg7[%dma_wait3A_56, %dma_wait3A_57] : memref<80x128xi32, #tpu.memory_space<vmem>> -> memref<1x128xi32, #tpu.memory_space<vmem>>
    %dma_wait3A_59 = tpu.memref_squeeze %dma_wait3A_58 : memref<1x128xi32, #tpu.memory_space<vmem>> -> memref<128xi32, #tpu.memory_space<vmem>>
    %dma_wait3A_60 = arith.constant 0 : i32
    %dma_wait3A_61 = arith.constant 0 : i32
    %dma_wait3A_62 = tpu.memref_slice %arg16[%dma_wait3A_60, %dma_wait3A_61] : memref<10240x64xf32, #tpu.memory_space<vmem_shared>> -> memref<10240x64xf32, #tpu.memory_space<vmem_shared>>
    tpu.wait_indirect_dma semaphore(%arg20 : memref<!tpu.dma_semaphore, #tpu.memory_space<semaphore_mem>>) src(%arg11 : memref<128x64xf32, #tpu.memory_space<vmem>>) dst(%dma_wait3A_62 : memref<10240x64xf32, #tpu.memory_space<vmem_shared>>)
    %dma_wait3A_63 = arith.constant 76 : i32
    %dma_wait3A_64 = arith.constant 0 : i32
    %dma_wait3A_65 = tpu.memref_slice %arg7[%dma_wait3A_63, %dma_wait3A_64] : memref<80x128xi32, #tpu.memory_space<vmem>> -> memref<1x128xi32, #tpu.memory_space<vmem>>
    %dma_wait3A_66 = tpu.memref_squeeze %dma_wait3A_65 : memref<1x128xi32, #tpu.memory_space<vmem>> -> memref<128xi32, #tpu.memory_space<vmem>>
    %dma_wait3A_67 = arith.constant 0 : i32
    %dma_wait3A_68 = arith.constant 0 : i32
    %dma_wait3A_69 = tpu.memref_slice %arg16[%dma_wait3A_67, %dma_wait3A_68] : memref<10240x64xf32, #tpu.memory_space<vmem_shared>> -> memref<10240x64xf32, #tpu.memory_space<vmem_shared>>
    tpu.wait_indirect_dma semaphore(%arg21 : memref<!tpu.dma_semaphore, #tpu.memory_space<semaphore_mem>>) src(%arg12 : memref<128x64xf32, #tpu.memory_space<vmem>>) dst(%dma_wait3A_69 : memref<10240x64xf32, #tpu.memory_space<vmem_shared>>)
    %dma_wait3A_70 = arith.constant 77 : i32
    %dma_wait3A_71 = arith.constant 0 : i32
    %dma_wait3A_72 = tpu.memref_slice %arg7[%dma_wait3A_70, %dma_wait3A_71] : memref<80x128xi32, #tpu.memory_space<vmem>> -> memref<1x128xi32, #tpu.memory_space<vmem>>
    %dma_wait3A_73 = tpu.memref_squeeze %dma_wait3A_72 : memref<1x128xi32, #tpu.memory_space<vmem>> -> memref<128xi32, #tpu.memory_space<vmem>>
    %dma_wait3A_74 = arith.constant 0 : i32
    %dma_wait3A_75 = arith.constant 0 : i32
    %dma_wait3A_76 = tpu.memref_slice %arg16[%dma_wait3A_74, %dma_wait3A_75] : memref<10240x64xf32, #tpu.memory_space<vmem_shared>> -> memref<10240x64xf32, #tpu.memory_space<vmem_shared>>
    tpu.wait_indirect_dma semaphore(%arg22 : memref<!tpu.dma_semaphore, #tpu.memory_space<semaphore_mem>>) src(%arg13 : memref<128x64xf32, #tpu.memory_space<vmem>>) dst(%dma_wait3A_76 : memref<10240x64xf32, #tpu.memory_space<vmem_shared>>)
    %dma_wait3A_77 = arith.constant 78 : i32
    %dma_wait3A_78 = arith.constant 0 : i32
    %dma_wait3A_79 = tpu.memref_slice %arg7[%dma_wait3A_77, %dma_wait3A_78] : memref<80x128xi32, #tpu.memory_space<vmem>> -> memref<1x128xi32, #tpu.memory_space<vmem>>
    %dma_wait3A_80 = tpu.memref_squeeze %dma_wait3A_79 : memref<1x128xi32, #tpu.memory_space<vmem>> -> memref<128xi32, #tpu.memory_space<vmem>>
    %dma_wait3A_81 = arith.constant 0 : i32
    %dma_wait3A_82 = arith.constant 0 : i32
    %dma_wait3A_83 = tpu.memref_slice %arg16[%dma_wait3A_81, %dma_wait3A_82] : memref<10240x64xf32, #tpu.memory_space<vmem_shared>> -> memref<10240x64xf32, #tpu.memory_space<vmem_shared>>
    tpu.wait_indirect_dma semaphore(%arg23 : memref<!tpu.dma_semaphore, #tpu.memory_space<semaphore_mem>>) src(%arg14 : memref<128x64xf32, #tpu.memory_space<vmem>>) dst(%dma_wait3A_83 : memref<10240x64xf32, #tpu.memory_space<vmem_shared>>)
    %dma_wait3A_84 = arith.constant 79 : i32
    %dma_wait3A_85 = arith.constant 0 : i32
    %dma_wait3A_86 = tpu.memref_slice %arg7[%dma_wait3A_84, %dma_wait3A_85] : memref<80x128xi32, #tpu.memory_space<vmem>> -> memref<1x128xi32, #tpu.memory_space<vmem>>
    %dma_wait3A_87 = tpu.memref_squeeze %dma_wait3A_86 : memref<1x128xi32, #tpu.memory_space<vmem>> -> memref<128xi32, #tpu.memory_space<vmem>>
    %dma_wait3A_88 = arith.constant 0 : i32
    %dma_wait3A_89 = arith.constant 0 : i32
    %dma_wait3A_90 = tpu.memref_slice %arg16[%dma_wait3A_88, %dma_wait3A_89] : memref<10240x64xf32, #tpu.memory_space<vmem_shared>> -> memref<10240x64xf32, #tpu.memory_space<vmem_shared>>
    tpu.wait_indirect_dma semaphore(%arg24 : memref<!tpu.dma_semaphore, #tpu.memory_space<semaphore_mem>>) src(%arg15 : memref<128x64xf32, #tpu.memory_space<vmem>>) dst(%dma_wait3A_90 : memref<10240x64xf32, #tpu.memory_space<vmem_shared>>)
    %barrier3A_91 = arith.constant 0 : index
    tpu.barrier barrier_id(%barrier3A_91)
    "tpu.region"() ({
      %run_scoped3A = tpu.sem_alloc : memref<!tpu.dma_semaphore, #tpu.memory_space<semaphore_mem>>
      %dma_start3A_92 = arith.constant 0 : i32
      %dma_start3A_93 = tpu.memref_slice %arg5[%arg0, %mul3A_2, %dma_start3A_92] : memref<2x10240x64xf32, #tpu.memory_space<hbm>> -> memref<1x640x64xf32, #tpu.memory_space<hbm>>
      %dma_start3A_94 = tpu.memref_squeeze %dma_start3A_93 : memref<1x640x64xf32, #tpu.memory_space<hbm>> -> memref<640x64xf32, #tpu.memory_space<hbm>>
      %dma_start3A_95 = arith.constant 0 : i32
      %dma_start3A_96 = tpu.memref_slice %arg16[%mul3A_2, %dma_start3A_95] : memref<10240x64xf32, #tpu.memory_space<vmem_shared>> -> memref<640x64xf32, #tpu.memory_space<vmem_shared>>
      tpu.enqueue_dma source(%dma_start3A_96 : memref<640x64xf32, #tpu.memory_space<vmem_shared>>) target(%dma_start3A_94 : memref<640x64xf32, #tpu.memory_space<hbm>>) target_semaphore(%run_scoped3A : memref<!tpu.dma_semaphore, #tpu.memory_space<semaphore_mem>>)
      %dma_wait3A_97 = arith.constant 0 : i32
      %dma_wait3A_98 = tpu.memref_slice %arg5[%arg0, %mul3A_2, %dma_wait3A_97] : memref<2x10240x64xf32, #tpu.memory_space<hbm>> -> memref<1x640x64xf32, #tpu.memory_space<hbm>>
      %dma_wait3A_99 = tpu.memref_squeeze %dma_wait3A_98 : memref<1x640x64xf32, #tpu.memory_space<hbm>> -> memref<640x64xf32, #tpu.memory_space<hbm>>
      %dma_wait3A_100 = arith.constant 0 : i32
      %dma_wait3A_101 = tpu.memref_slice %arg16[%mul3A_2, %dma_wait3A_100] : memref<10240x64xf32, #tpu.memory_space<vmem_shared>> -> memref<640x64xf32, #tpu.memory_space<vmem_shared>>
      tpu.wait_dma2 semaphore(%run_scoped3A : memref<!tpu.dma_semaphore, #tpu.memory_space<semaphore_mem>>) src(%dma_wait3A_101 : memref<640x64xf32, #tpu.memory_space<vmem_shared>>) dst(%dma_wait3A_99 : memref<640x64xf32, #tpu.memory_space<hbm>>)
      tpu.yield
    }) : () -> ()
    return
  }
}

#map = affine_map<(d0, d1) -> (0, 0)>
#map1 = affine_map<(d0, d1) -> (0, 0, 0)>
module attributes {stable_mosaic.version = 14 : i64} {
  func.func @_sc_scatter(%arg0: i32, %arg1: i32, %arg2: memref<10240x64xf32, #tpu.memory_space<hbm>>, %arg3: memref<32x80x128xi32, #tpu.memory_space<hbm>>, %arg4: memref<32x80x128xi32, #tpu.memory_space<hbm>>, %arg5: memref<2x10240x64xf32, #tpu.memory_space<hbm>>, %arg6: memref<80x128xi32, #tpu.memory_space<vmem>>, %arg7: memref<80x128xi32, #tpu.memory_space<vmem>>, %arg8: memref<128x64xf32, #tpu.memory_space<vmem>>, %arg9: memref<128x64xf32, #tpu.memory_space<vmem>>, %arg10: memref<128x64xf32, #tpu.memory_space<vmem>>, %arg11: memref<128x64xf32, #tpu.memory_space<vmem>>, %arg12: memref<128x64xf32, #tpu.memory_space<vmem>>, %arg13: memref<128x64xf32, #tpu.memory_space<vmem>>, %arg14: memref<128x64xf32, #tpu.memory_space<vmem>>, %arg15: memref<128x64xf32, #tpu.memory_space<vmem>>, %arg16: memref<10240x64xf32, #tpu.memory_space<vmem_shared>>, %arg17: memref<!tpu.dma_semaphore, #tpu.memory_space<semaphore_mem>>, %arg18: memref<!tpu.dma_semaphore, #tpu.memory_space<semaphore_mem>>, %arg19: memref<!tpu.dma_semaphore, #tpu.memory_space<semaphore_mem>>, %arg20: memref<!tpu.dma_semaphore, #tpu.memory_space<semaphore_mem>>, %arg21: memref<!tpu.dma_semaphore, #tpu.memory_space<semaphore_mem>>, %arg22: memref<!tpu.dma_semaphore, #tpu.memory_space<semaphore_mem>>, %arg23: memref<!tpu.dma_semaphore, #tpu.memory_space<semaphore_mem>>, %arg24: memref<!tpu.dma_semaphore, #tpu.memory_space<semaphore_mem>>) attributes {dimension_semantics = [#tpu.dimension_semantics<core_parallel>, #tpu.dimension_semantics<subcore_parallel>], iteration_bounds = array<i64: 2, 16>, scalar_prefetch = 0 : i64, scratch_operands = 19 : i64, tpu.core_type = #tpu.core_type<sc_vector_subcore>, window_params = [{transform_indices = #map}, {transform_indices = #map1}, {transform_indices = #map1}, {transform_indices = #map1}]} {
    %mul3A = arith.constant 2 : i32
    %mul3A_0 = arith.muli %arg1, %mul3A : i32
    %add3A = arith.addi %mul3A_0, %arg0 : i32
    %mul3A_1 = arith.constant 640 : i32
    %mul3A_2 = arith.muli %arg1, %mul3A_1 : i32
    "tpu.region"() ({
      %run_scoped3A = tpu.sem_alloc : memref<!tpu.dma_semaphore, #tpu.memory_space<semaphore_mem>>
      %dma_start3A_92 = arith.constant 0 : i32
      %dma_start3A_93 = tpu.memref_slice %arg16[%mul3A_2, %dma_start3A_92] : memref<10240x64xf32, #tpu.memory_space<vmem_shared>> -> memref<640x64xf32, #tpu.memory_space<vmem_shared>>
      %dma_start3A_94 = arith.constant 0 : i32
      %dma_start3A_95 = tpu.memref_slice %arg2[%mul3A_2, %dma_start3A_94] : memref<10240x64xf32, #tpu.memory_space<hbm>> -> memref<640x64xf32, #tpu.memory_space<hbm>>
      tpu.enqueue_dma source(%dma_start3A_95 : memref<640x64xf32, #tpu.memory_space<hbm>>) target(%dma_start3A_93 : memref<640x64xf32, #tpu.memory_space<vmem_shared>>) target_semaphore(%run_scoped3A : memref<!tpu.dma_semaphore, #tpu.memory_space<semaphore_mem>>)
      %dma_wait3A_96 = arith.constant 0 : i32
      %dma_wait3A_97 = tpu.memref_slice %arg16[%mul3A_2, %dma_wait3A_96] : memref<10240x64xf32, #tpu.memory_space<vmem_shared>> -> memref<640x64xf32, #tpu.memory_space<vmem_shared>>
      %dma_wait3A_98 = arith.constant 0 : i32
      %dma_wait3A_99 = tpu.memref_slice %arg2[%mul3A_2, %dma_wait3A_98] : memref<10240x64xf32, #tpu.memory_space<hbm>> -> memref<640x64xf32, #tpu.memory_space<hbm>>
      tpu.wait_dma2 semaphore(%run_scoped3A : memref<!tpu.dma_semaphore, #tpu.memory_space<semaphore_mem>>) src(%dma_wait3A_99 : memref<640x64xf32, #tpu.memory_space<hbm>>) dst(%dma_wait3A_97 : memref<640x64xf32, #tpu.memory_space<vmem_shared>>)
      tpu.yield
    }) : () -> ()
    "tpu.region"() ({
      %run_scoped3A = tpu.sem_alloc : memref<!tpu.dma_semaphore, #tpu.memory_space<semaphore_mem>>
      %dma_start3A_92 = arith.constant 0 : i32
      %dma_start3A_93 = arith.constant 0 : i32
      %dma_start3A_94 = tpu.memref_slice %arg3[%add3A, %dma_start3A_92, %dma_start3A_93] : memref<32x80x128xi32, #tpu.memory_space<hbm>> -> memref<1x80x128xi32, #tpu.memory_space<hbm>>
      %dma_start3A_95 = tpu.memref_squeeze %dma_start3A_94 : memref<1x80x128xi32, #tpu.memory_space<hbm>> -> memref<80x128xi32, #tpu.memory_space<hbm>>
      %dma_start3A_96 = arith.constant 0 : i32
      %dma_start3A_97 = arith.constant 0 : i32
      %dma_start3A_98 = tpu.memref_slice %arg3[%add3A, %dma_start3A_96, %dma_start3A_97] : memref<32x80x128xi32, #tpu.memory_space<hbm>> -> memref<1x80x128xi32, #tpu.memory_space<hbm>>
      %dma_start3A_99 = tpu.memref_squeeze %dma_start3A_98 : memref<1x80x128xi32, #tpu.memory_space<hbm>> -> memref<80x128xi32, #tpu.memory_space<hbm>>
      tpu.enqueue_dma source(%dma_start3A_99 : memref<80x128xi32, #tpu.memory_space<hbm>>) target(%arg6 : memref<80x128xi32, #tpu.memory_space<vmem>>) target_semaphore(%run_scoped3A : memref<!tpu.dma_semaphore, #tpu.memory_space<semaphore_mem>>)
      %dma_wait3A_100 = arith.constant 0 : i32
      %dma_wait3A_101 = arith.constant 0 : i32
      %dma_wait3A_102 = tpu.memref_slice %arg3[%add3A, %dma_wait3A_100, %dma_wait3A_101] : memref<32x80x128xi32, #tpu.memory_space<hbm>> -> memref<1x80x128xi32, #tpu.memory_space<hbm>>
      %dma_wait3A_103 = tpu.memref_squeeze %dma_wait3A_102 : memref<1x80x128xi32, #tpu.memory_space<hbm>> -> memref<80x128xi32, #tpu.memory_space<hbm>>
      %dma_wait3A_104 = arith.constant 0 : i32
      %dma_wait3A_105 = arith.constant 0 : i32
      %dma_wait3A_106 = tpu.memref_slice %arg3[%add3A, %dma_wait3A_104, %dma_wait3A_105] : memref<32x80x128xi32, #tpu.memory_space<hbm>> -> memref<1x80x128xi32, #tpu.memory_space<hbm>>
      %dma_wait3A_107 = tpu.memref_squeeze %dma_wait3A_106 : memref<1x80x128xi32, #tpu.memory_space<hbm>> -> memref<80x128xi32, #tpu.memory_space<hbm>>
      tpu.wait_dma2 semaphore(%run_scoped3A : memref<!tpu.dma_semaphore, #tpu.memory_space<semaphore_mem>>) src(%dma_wait3A_107 : memref<80x128xi32, #tpu.memory_space<hbm>>) dst(%arg6 : memref<80x128xi32, #tpu.memory_space<vmem>>)
      tpu.yield
    }) : () -> ()
    "tpu.region"() ({
      %run_scoped3A = tpu.sem_alloc : memref<!tpu.dma_semaphore, #tpu.memory_space<semaphore_mem>>
      %dma_start3A_92 = arith.constant 0 : i32
      %dma_start3A_93 = arith.constant 0 : i32
      %dma_start3A_94 = tpu.memref_slice %arg4[%add3A, %dma_start3A_92, %dma_start3A_93] : memref<32x80x128xi32, #tpu.memory_space<hbm>> -> memref<1x80x128xi32, #tpu.memory_space<hbm>>
      %dma_start3A_95 = tpu.memref_squeeze %dma_start3A_94 : memref<1x80x128xi32, #tpu.memory_space<hbm>> -> memref<80x128xi32, #tpu.memory_space<hbm>>
      %dma_start3A_96 = arith.constant 0 : i32
      %dma_start3A_97 = arith.constant 0 : i32
      %dma_start3A_98 = tpu.memref_slice %arg4[%add3A, %dma_start3A_96, %dma_start3A_97] : memref<32x80x128xi32, #tpu.memory_space<hbm>> -> memref<1x80x128xi32, #tpu.memory_space<hbm>>
      %dma_start3A_99 = tpu.memref_squeeze %dma_start3A_98 : memref<1x80x128xi32, #tpu.memory_space<hbm>> -> memref<80x128xi32, #tpu.memory_space<hbm>>
      tpu.enqueue_dma source(%dma_start3A_99 : memref<80x128xi32, #tpu.memory_space<hbm>>) target(%arg7 : memref<80x128xi32, #tpu.memory_space<vmem>>) target_semaphore(%run_scoped3A : memref<!tpu.dma_semaphore, #tpu.memory_space<semaphore_mem>>)
      %dma_wait3A_100 = arith.constant 0 : i32
      %dma_wait3A_101 = arith.constant 0 : i32
      %dma_wait3A_102 = tpu.memref_slice %arg4[%add3A, %dma_wait3A_100, %dma_wait3A_101] : memref<32x80x128xi32, #tpu.memory_space<hbm>> -> memref<1x80x128xi32, #tpu.memory_space<hbm>>
      %dma_wait3A_103 = tpu.memref_squeeze %dma_wait3A_102 : memref<1x80x128xi32, #tpu.memory_space<hbm>> -> memref<80x128xi32, #tpu.memory_space<hbm>>
      %dma_wait3A_104 = arith.constant 0 : i32
      %dma_wait3A_105 = arith.constant 0 : i32
      %dma_wait3A_106 = tpu.memref_slice %arg4[%add3A, %dma_wait3A_104, %dma_wait3A_105] : memref<32x80x128xi32, #tpu.memory_space<hbm>> -> memref<1x80x128xi32, #tpu.memory_space<hbm>>
      %dma_wait3A_107 = tpu.memref_squeeze %dma_wait3A_106 : memref<1x80x128xi32, #tpu.memory_space<hbm>> -> memref<80x128xi32, #tpu.memory_space<hbm>>
      tpu.wait_dma2 semaphore(%run_scoped3A : memref<!tpu.dma_semaphore, #tpu.memory_space<semaphore_mem>>) src(%dma_wait3A_107 : memref<80x128xi32, #tpu.memory_space<hbm>>) dst(%arg7 : memref<80x128xi32, #tpu.memory_space<vmem>>)
      tpu.yield
    }) : () -> ()
    %barrier3A = arith.constant 0 : index
    tpu.barrier barrier_id(%barrier3A)
    %dma_start3A = arith.constant 0 : i32
    %dma_start3A_3 = arith.constant 0 : i32
    %dma_start3A_4 = tpu.memref_slice %arg6[%dma_start3A, %dma_start3A_3] : memref<80x128xi32, #tpu.memory_space<vmem>> -> memref<1x128xi32, #tpu.memory_space<vmem>>
    %dma_start3A_5 = tpu.memref_squeeze %dma_start3A_4 : memref<1x128xi32, #tpu.memory_space<vmem>> -> memref<128xi32, #tpu.memory_space<vmem>>
    %dma_start3A_6 = arith.constant 0 : i32
    %dma_start3A_7 = arith.constant 0 : i32
    %dma_start3A_8 = tpu.memref_slice %arg2[%dma_start3A_6, %dma_start3A_7] : memref<10240x64xf32, #tpu.memory_space<hbm>> -> memref<10240x64xf32, #tpu.memory_space<hbm>>
    tpu.enqueue_indirect_dma source(%dma_start3A_8 : memref<10240x64xf32, #tpu.memory_space<hbm>>) target(%arg8 : memref<128x64xf32, #tpu.memory_space<vmem>>) offsets(%dma_start3A_5 : memref<128xi32, #tpu.memory_space<vmem>>) semaphore(%arg17 : memref<!tpu.dma_semaphore, #tpu.memory_space<semaphore_mem>>)
    %dma_start3A_9 = arith.constant 1 : i32
    %dma_start3A_10 = arith.constant 0 : i32
    %dma_start3A_11 = tpu.memref_slice %arg6[%dma_start3A_9, %dma_start3A_10] : memref<80x128xi32, #tpu.memory_space<vmem>> -> memref<1x128xi32, #tpu.memory_space<vmem>>
    %dma_start3A_12 = tpu.memref_squeeze %dma_start3A_11 : memref<1x128xi32, #tpu.memory_space<vmem>> -> memref<128xi32, #tpu.memory_space<vmem>>
    %dma_start3A_13 = arith.constant 0 : i32
    %dma_start3A_14 = arith.constant 0 : i32
    %dma_start3A_15 = tpu.memref_slice %arg2[%dma_start3A_13, %dma_start3A_14] : memref<10240x64xf32, #tpu.memory_space<hbm>> -> memref<10240x64xf32, #tpu.memory_space<hbm>>
    tpu.enqueue_indirect_dma source(%dma_start3A_15 : memref<10240x64xf32, #tpu.memory_space<hbm>>) target(%arg9 : memref<128x64xf32, #tpu.memory_space<vmem>>) offsets(%dma_start3A_12 : memref<128xi32, #tpu.memory_space<vmem>>) semaphore(%arg18 : memref<!tpu.dma_semaphore, #tpu.memory_space<semaphore_mem>>)
    %dma_start3A_16 = arith.constant 2 : i32
    %dma_start3A_17 = arith.constant 0 : i32
    %dma_start3A_18 = tpu.memref_slice %arg6[%dma_start3A_16, %dma_start3A_17] : memref<80x128xi32, #tpu.memory_space<vmem>> -> memref<1x128xi32, #tpu.memory_space<vmem>>
    %dma_start3A_19 = tpu.memref_squeeze %dma_start3A_18 : memref<1x128xi32, #tpu.memory_space<vmem>> -> memref<128xi32, #tpu.memory_space<vmem>>
    %dma_start3A_20 = arith.constant 0 : i32
    %dma_start3A_21 = arith.constant 0 : i32
    %dma_start3A_22 = tpu.memref_slice %arg2[%dma_start3A_20, %dma_start3A_21] : memref<10240x64xf32, #tpu.memory_space<hbm>> -> memref<10240x64xf32, #tpu.memory_space<hbm>>
    tpu.enqueue_indirect_dma source(%dma_start3A_22 : memref<10240x64xf32, #tpu.memory_space<hbm>>) target(%arg10 : memref<128x64xf32, #tpu.memory_space<vmem>>) offsets(%dma_start3A_19 : memref<128xi32, #tpu.memory_space<vmem>>) semaphore(%arg19 : memref<!tpu.dma_semaphore, #tpu.memory_space<semaphore_mem>>)
    %dma_start3A_23 = arith.constant 3 : i32
    %dma_start3A_24 = arith.constant 0 : i32
    %dma_start3A_25 = tpu.memref_slice %arg6[%dma_start3A_23, %dma_start3A_24] : memref<80x128xi32, #tpu.memory_space<vmem>> -> memref<1x128xi32, #tpu.memory_space<vmem>>
    %dma_start3A_26 = tpu.memref_squeeze %dma_start3A_25 : memref<1x128xi32, #tpu.memory_space<vmem>> -> memref<128xi32, #tpu.memory_space<vmem>>
    %dma_start3A_27 = arith.constant 0 : i32
    %dma_start3A_28 = arith.constant 0 : i32
    %dma_start3A_29 = tpu.memref_slice %arg2[%dma_start3A_27, %dma_start3A_28] : memref<10240x64xf32, #tpu.memory_space<hbm>> -> memref<10240x64xf32, #tpu.memory_space<hbm>>
    tpu.enqueue_indirect_dma source(%dma_start3A_29 : memref<10240x64xf32, #tpu.memory_space<hbm>>) target(%arg11 : memref<128x64xf32, #tpu.memory_space<vmem>>) offsets(%dma_start3A_26 : memref<128xi32, #tpu.memory_space<vmem>>) semaphore(%arg20 : memref<!tpu.dma_semaphore, #tpu.memory_space<semaphore_mem>>)
    %scan3A = arith.constant 0 : i32
    %scan3A_30 = arith.constant 0 : i32
    %scan3A_31 = arith.constant 10 : i32
    %scan3A_32 = arith.addi %scan3A_30, %scan3A_31 : i32
    %scan3A_33 = arith.constant 1 : i32
    %scan3A_34 = scf.for %scan3A_92 = %scan3A_30 to %scan3A_32 step %scan3A_33 iter_args(%scan3A_93 = %scan3A) -> (i32)  : i32 {
      %mul3A_94 = arith.constant 8 : i32
      %mul3A_95 = arith.muli %mul3A_94, %scan3A_92 : i32
      %add3A_96 = arith.constant 0 : i32
      %add3A_97 = arith.addi %mul3A_95, %add3A_96 : i32
      %add3A_98 = arith.constant 4 : i32
      %add3A_99 = arith.addi %add3A_97, %add3A_98 : i32
      %lt3A = arith.constant 80 : i32
      %lt3A_100 = arith.cmpi slt, %add3A_99, %lt3A : i32
      %convert_element_type3A = arith.extui %lt3A_100 : i1 to i32
      %cond3A = arith.constant 0 : i32
      %cond3A_101 = arith.cmpi ne, %convert_element_type3A, %cond3A : i32
      scf.if %cond3A_101 {
        %add3A_262 = arith.constant 4 : i32
        %add3A_263 = arith.addi %add3A_97, %add3A_262 : i32
        %ge3A = arith.constant 8 : i32
        %ge3A_264 = arith.cmpi sge, %add3A_263, %ge3A : i32
        %convert_element_type3A_265 = arith.extui %ge3A_264 : i1 to i32
        %cond3A_266 = arith.constant 0 : i32
        %cond3A_267 = arith.cmpi ne, %convert_element_type3A_265, %cond3A_266 : i32
        scf.if %cond3A_267 {
          %add3A_276 = arith.constant 4 : i32
          %add3A_277 = arith.addi %add3A_97, %add3A_276 : i32
          %sub3A = arith.constant 8 : i32
          %sub3A_278 = arith.subi %add3A_277, %sub3A : i32
          %dma_wait3A_279 = arith.constant 0 : i32
          %dma_wait3A_280 = tpu.memref_slice %arg7[%sub3A_278, %dma_wait3A_279] : memref<80x128xi32, #tpu.memory_space<vmem>> -> memref<1x128xi32, #tpu.memory_space<vmem>>
          %dma_wait3A_281 = tpu.memref_squeeze %dma_wait3A_280 : memref<1x128xi32, #tpu.memory_space<vmem>> -> memref<128xi32, #tpu.memory_space<vmem>>
          %dma_wait3A_282 = arith.constant 0 : i32
          %dma_wait3A_283 = arith.constant 0 : i32
          %dma_wait3A_284 = tpu.memref_slice %arg16[%dma_wait3A_282, %dma_wait3A_283] : memref<10240x64xf32, #tpu.memory_space<vmem_shared>> -> memref<10240x64xf32, #tpu.memory_space<vmem_shared>>
          tpu.wait_indirect_dma semaphore(%arg21 : memref<!tpu.dma_semaphore, #tpu.memory_space<semaphore_mem>>) src(%arg12 : memref<128x64xf32, #tpu.memory_space<vmem>>) dst(%dma_wait3A_284 : memref<10240x64xf32, #tpu.memory_space<vmem_shared>>)
        } else {
        }
        %add3A_268 = arith.constant 4 : i32
        %add3A_269 = arith.addi %add3A_97, %add3A_268 : i32
        %dma_start3A_270 = arith.constant 0 : i32
        %dma_start3A_271 = tpu.memref_slice %arg6[%add3A_269, %dma_start3A_270] : memref<80x128xi32, #tpu.memory_space<vmem>> -> memref<1x128xi32, #tpu.memory_space<vmem>>
        %dma_start3A_272 = tpu.memref_squeeze %dma_start3A_271 : memref<1x128xi32, #tpu.memory_space<vmem>> -> memref<128xi32, #tpu.memory_space<vmem>>
        %dma_start3A_273 = arith.constant 0 : i32
        %dma_start3A_274 = arith.constant 0 : i32
        %dma_start3A_275 = tpu.memref_slice %arg2[%dma_start3A_273, %dma_start3A_274] : memref<10240x64xf32, #tpu.memory_space<hbm>> -> memref<10240x64xf32, #tpu.memory_space<hbm>>
        tpu.enqueue_indirect_dma source(%dma_start3A_275 : memref<10240x64xf32, #tpu.memory_space<hbm>>) target(%arg12 : memref<128x64xf32, #tpu.memory_space<vmem>>) offsets(%dma_start3A_272 : memref<128xi32, #tpu.memory_space<vmem>>) semaphore(%arg21 : memref<!tpu.dma_semaphore, #tpu.memory_space<semaphore_mem>>)
      } else {
      }
      %dma_wait3A_102 = arith.constant 0 : i32
      %dma_wait3A_103 = tpu.memref_slice %arg6[%add3A_97, %dma_wait3A_102] : memref<80x128xi32, #tpu.memory_space<vmem>> -> memref<1x128xi32, #tpu.memory_space<vmem>>
      %dma_wait3A_104 = tpu.memref_squeeze %dma_wait3A_103 : memref<1x128xi32, #tpu.memory_space<vmem>> -> memref<128xi32, #tpu.memory_space<vmem>>
      %dma_wait3A_105 = arith.constant 0 : i32
      %dma_wait3A_106 = arith.constant 0 : i32
      %dma_wait3A_107 = tpu.memref_slice %arg2[%dma_wait3A_105, %dma_wait3A_106] : memref<10240x64xf32, #tpu.memory_space<hbm>> -> memref<10240x64xf32, #tpu.memory_space<hbm>>
      tpu.wait_indirect_dma semaphore(%arg17 : memref<!tpu.dma_semaphore, #tpu.memory_space<semaphore_mem>>) src(%dma_wait3A_107 : memref<10240x64xf32, #tpu.memory_space<hbm>>) dst(%arg8 : memref<128x64xf32, #tpu.memory_space<vmem>>)
      %dma_start3A_108 = arith.constant 0 : i32
      %dma_start3A_109 = tpu.memref_slice %arg7[%add3A_97, %dma_start3A_108] : memref<80x128xi32, #tpu.memory_space<vmem>> -> memref<1x128xi32, #tpu.memory_space<vmem>>
      %dma_start3A_110 = tpu.memref_squeeze %dma_start3A_109 : memref<1x128xi32, #tpu.memory_space<vmem>> -> memref<128xi32, #tpu.memory_space<vmem>>
      %dma_start3A_111 = arith.constant 0 : i32
      %dma_start3A_112 = arith.constant 0 : i32
      %dma_start3A_113 = tpu.memref_slice %arg16[%dma_start3A_111, %dma_start3A_112] : memref<10240x64xf32, #tpu.memory_space<vmem_shared>> -> memref<10240x64xf32, #tpu.memory_space<vmem_shared>>
      tpu.enqueue_indirect_dma source(%arg8 : memref<128x64xf32, #tpu.memory_space<vmem>>) target(%dma_start3A_113 : memref<10240x64xf32, #tpu.memory_space<vmem_shared>>) offsets(%dma_start3A_110 : memref<128xi32, #tpu.memory_space<vmem>>) semaphore(%arg17 : memref<!tpu.dma_semaphore, #tpu.memory_space<semaphore_mem>>) {add = true}
      %add3A_114 = arith.constant 1 : i32
      %add3A_115 = arith.addi %mul3A_95, %add3A_114 : i32
      %add3A_116 = arith.constant 4 : i32
      %add3A_117 = arith.addi %add3A_115, %add3A_116 : i32
      %lt3A_118 = arith.constant 80 : i32
      %lt3A_119 = arith.cmpi slt, %add3A_117, %lt3A_118 : i32
      %convert_element_type3A_120 = arith.extui %lt3A_119 : i1 to i32
      %cond3A_121 = arith.constant 0 : i32
      %cond3A_122 = arith.cmpi ne, %convert_element_type3A_120, %cond3A_121 : i32
      scf.if %cond3A_122 {
        %add3A_262 = arith.constant 4 : i32
        %add3A_263 = arith.addi %add3A_115, %add3A_262 : i32
        %ge3A = arith.constant 8 : i32
        %ge3A_264 = arith.cmpi sge, %add3A_263, %ge3A : i32
        %convert_element_type3A_265 = arith.extui %ge3A_264 : i1 to i32
        %cond3A_266 = arith.constant 0 : i32
        %cond3A_267 = arith.cmpi ne, %convert_element_type3A_265, %cond3A_266 : i32
        scf.if %cond3A_267 {
          %add3A_276 = arith.constant 4 : i32
          %add3A_277 = arith.addi %add3A_115, %add3A_276 : i32
          %sub3A = arith.constant 8 : i32
          %sub3A_278 = arith.subi %add3A_277, %sub3A : i32
          %dma_wait3A_279 = arith.constant 0 : i32
          %dma_wait3A_280 = tpu.memref_slice %arg7[%sub3A_278, %dma_wait3A_279] : memref<80x128xi32, #tpu.memory_space<vmem>> -> memref<1x128xi32, #tpu.memory_space<vmem>>
          %dma_wait3A_281 = tpu.memref_squeeze %dma_wait3A_280 : memref<1x128xi32, #tpu.memory_space<vmem>> -> memref<128xi32, #tpu.memory_space<vmem>>
          %dma_wait3A_282 = arith.constant 0 : i32
          %dma_wait3A_283 = arith.constant 0 : i32
          %dma_wait3A_284 = tpu.memref_slice %arg16[%dma_wait3A_282, %dma_wait3A_283] : memref<10240x64xf32, #tpu.memory_space<vmem_shared>> -> memref<10240x64xf32, #tpu.memory_space<vmem_shared>>
          tpu.wait_indirect_dma semaphore(%arg22 : memref<!tpu.dma_semaphore, #tpu.memory_space<semaphore_mem>>) src(%arg13 : memref<128x64xf32, #tpu.memory_space<vmem>>) dst(%dma_wait3A_284 : memref<10240x64xf32, #tpu.memory_space<vmem_shared>>)
        } else {
        }
        %add3A_268 = arith.constant 4 : i32
        %add3A_269 = arith.addi %add3A_115, %add3A_268 : i32
        %dma_start3A_270 = arith.constant 0 : i32
        %dma_start3A_271 = tpu.memref_slice %arg6[%add3A_269, %dma_start3A_270] : memref<80x128xi32, #tpu.memory_space<vmem>> -> memref<1x128xi32, #tpu.memory_space<vmem>>
        %dma_start3A_272 = tpu.memref_squeeze %dma_start3A_271 : memref<1x128xi32, #tpu.memory_space<vmem>> -> memref<128xi32, #tpu.memory_space<vmem>>
        %dma_start3A_273 = arith.constant 0 : i32
        %dma_start3A_274 = arith.constant 0 : i32
        %dma_start3A_275 = tpu.memref_slice %arg2[%dma_start3A_273, %dma_start3A_274] : memref<10240x64xf32, #tpu.memory_space<hbm>> -> memref<10240x64xf32, #tpu.memory_space<hbm>>
        tpu.enqueue_indirect_dma source(%dma_start3A_275 : memref<10240x64xf32, #tpu.memory_space<hbm>>) target(%arg13 : memref<128x64xf32, #tpu.memory_space<vmem>>) offsets(%dma_start3A_272 : memref<128xi32, #tpu.memory_space<vmem>>) semaphore(%arg22 : memref<!tpu.dma_semaphore, #tpu.memory_space<semaphore_mem>>)
      } else {
      }
      %dma_wait3A_123 = arith.constant 0 : i32
      %dma_wait3A_124 = tpu.memref_slice %arg6[%add3A_115, %dma_wait3A_123] : memref<80x128xi32, #tpu.memory_space<vmem>> -> memref<1x128xi32, #tpu.memory_space<vmem>>
      %dma_wait3A_125 = tpu.memref_squeeze %dma_wait3A_124 : memref<1x128xi32, #tpu.memory_space<vmem>> -> memref<128xi32, #tpu.memory_space<vmem>>
      %dma_wait3A_126 = arith.constant 0 : i32
      %dma_wait3A_127 = arith.constant 0 : i32
      %dma_wait3A_128 = tpu.memref_slice %arg2[%dma_wait3A_126, %dma_wait3A_127] : memref<10240x64xf32, #tpu.memory_space<hbm>> -> memref<10240x64xf32, #tpu.memory_space<hbm>>
      tpu.wait_indirect_dma semaphore(%arg18 : memref<!tpu.dma_semaphore, #tpu.memory_space<semaphore_mem>>) src(%dma_wait3A_128 : memref<10240x64xf32, #tpu.memory_space<hbm>>) dst(%arg9 : memref<128x64xf32, #tpu.memory_space<vmem>>)
      %dma_start3A_129 = arith.constant 0 : i32
      %dma_start3A_130 = tpu.memref_slice %arg7[%add3A_115, %dma_start3A_129] : memref<80x128xi32, #tpu.memory_space<vmem>> -> memref<1x128xi32, #tpu.memory_space<vmem>>
      %dma_start3A_131 = tpu.memref_squeeze %dma_start3A_130 : memref<1x128xi32, #tpu.memory_space<vmem>> -> memref<128xi32, #tpu.memory_space<vmem>>
      %dma_start3A_132 = arith.constant 0 : i32
      %dma_start3A_133 = arith.constant 0 : i32
      %dma_start3A_134 = tpu.memref_slice %arg16[%dma_start3A_132, %dma_start3A_133] : memref<10240x64xf32, #tpu.memory_space<vmem_shared>> -> memref<10240x64xf32, #tpu.memory_space<vmem_shared>>
      tpu.enqueue_indirect_dma source(%arg9 : memref<128x64xf32, #tpu.memory_space<vmem>>) target(%dma_start3A_134 : memref<10240x64xf32, #tpu.memory_space<vmem_shared>>) offsets(%dma_start3A_131 : memref<128xi32, #tpu.memory_space<vmem>>) semaphore(%arg18 : memref<!tpu.dma_semaphore, #tpu.memory_space<semaphore_mem>>) {add = true}
      %add3A_135 = arith.constant 2 : i32
      %add3A_136 = arith.addi %mul3A_95, %add3A_135 : i32
      %add3A_137 = arith.constant 4 : i32
      %add3A_138 = arith.addi %add3A_136, %add3A_137 : i32
      %lt3A_139 = arith.constant 80 : i32
      %lt3A_140 = arith.cmpi slt, %add3A_138, %lt3A_139 : i32
      %convert_element_type3A_141 = arith.extui %lt3A_140 : i1 to i32
      %cond3A_142 = arith.constant 0 : i32
      %cond3A_143 = arith.cmpi ne, %convert_element_type3A_141, %cond3A_142 : i32
      scf.if %cond3A_143 {
        %add3A_262 = arith.constant 4 : i32
        %add3A_263 = arith.addi %add3A_136, %add3A_262 : i32
        %ge3A = arith.constant 8 : i32
        %ge3A_264 = arith.cmpi sge, %add3A_263, %ge3A : i32
        %convert_element_type3A_265 = arith.extui %ge3A_264 : i1 to i32
        %cond3A_266 = arith.constant 0 : i32
        %cond3A_267 = arith.cmpi ne, %convert_element_type3A_265, %cond3A_266 : i32
        scf.if %cond3A_267 {
          %add3A_276 = arith.constant 4 : i32
          %add3A_277 = arith.addi %add3A_136, %add3A_276 : i32
          %sub3A = arith.constant 8 : i32
          %sub3A_278 = arith.subi %add3A_277, %sub3A : i32
          %dma_wait3A_279 = arith.constant 0 : i32
          %dma_wait3A_280 = tpu.memref_slice %arg7[%sub3A_278, %dma_wait3A_279] : memref<80x128xi32, #tpu.memory_space<vmem>> -> memref<1x128xi32, #tpu.memory_space<vmem>>
          %dma_wait3A_281 = tpu.memref_squeeze %dma_wait3A_280 : memref<1x128xi32, #tpu.memory_space<vmem>> -> memref<128xi32, #tpu.memory_space<vmem>>
          %dma_wait3A_282 = arith.constant 0 : i32
          %dma_wait3A_283 = arith.constant 0 : i32
          %dma_wait3A_284 = tpu.memref_slice %arg16[%dma_wait3A_282, %dma_wait3A_283] : memref<10240x64xf32, #tpu.memory_space<vmem_shared>> -> memref<10240x64xf32, #tpu.memory_space<vmem_shared>>
          tpu.wait_indirect_dma semaphore(%arg23 : memref<!tpu.dma_semaphore, #tpu.memory_space<semaphore_mem>>) src(%arg14 : memref<128x64xf32, #tpu.memory_space<vmem>>) dst(%dma_wait3A_284 : memref<10240x64xf32, #tpu.memory_space<vmem_shared>>)
        } else {
        }
        %add3A_268 = arith.constant 4 : i32
        %add3A_269 = arith.addi %add3A_136, %add3A_268 : i32
        %dma_start3A_270 = arith.constant 0 : i32
        %dma_start3A_271 = tpu.memref_slice %arg6[%add3A_269, %dma_start3A_270] : memref<80x128xi32, #tpu.memory_space<vmem>> -> memref<1x128xi32, #tpu.memory_space<vmem>>
        %dma_start3A_272 = tpu.memref_squeeze %dma_start3A_271 : memref<1x128xi32, #tpu.memory_space<vmem>> -> memref<128xi32, #tpu.memory_space<vmem>>
        %dma_start3A_273 = arith.constant 0 : i32
        %dma_start3A_274 = arith.constant 0 : i32
        %dma_start3A_275 = tpu.memref_slice %arg2[%dma_start3A_273, %dma_start3A_274] : memref<10240x64xf32, #tpu.memory_space<hbm>> -> memref<10240x64xf32, #tpu.memory_space<hbm>>
        tpu.enqueue_indirect_dma source(%dma_start3A_275 : memref<10240x64xf32, #tpu.memory_space<hbm>>) target(%arg14 : memref<128x64xf32, #tpu.memory_space<vmem>>) offsets(%dma_start3A_272 : memref<128xi32, #tpu.memory_space<vmem>>) semaphore(%arg23 : memref<!tpu.dma_semaphore, #tpu.memory_space<semaphore_mem>>)
      } else {
      }
      %dma_wait3A_144 = arith.constant 0 : i32
      %dma_wait3A_145 = tpu.memref_slice %arg6[%add3A_136, %dma_wait3A_144] : memref<80x128xi32, #tpu.memory_space<vmem>> -> memref<1x128xi32, #tpu.memory_space<vmem>>
      %dma_wait3A_146 = tpu.memref_squeeze %dma_wait3A_145 : memref<1x128xi32, #tpu.memory_space<vmem>> -> memref<128xi32, #tpu.memory_space<vmem>>
      %dma_wait3A_147 = arith.constant 0 : i32
      %dma_wait3A_148 = arith.constant 0 : i32
      %dma_wait3A_149 = tpu.memref_slice %arg2[%dma_wait3A_147, %dma_wait3A_148] : memref<10240x64xf32, #tpu.memory_space<hbm>> -> memref<10240x64xf32, #tpu.memory_space<hbm>>
      tpu.wait_indirect_dma semaphore(%arg19 : memref<!tpu.dma_semaphore, #tpu.memory_space<semaphore_mem>>) src(%dma_wait3A_149 : memref<10240x64xf32, #tpu.memory_space<hbm>>) dst(%arg10 : memref<128x64xf32, #tpu.memory_space<vmem>>)
      %dma_start3A_150 = arith.constant 0 : i32
      %dma_start3A_151 = tpu.memref_slice %arg7[%add3A_136, %dma_start3A_150] : memref<80x128xi32, #tpu.memory_space<vmem>> -> memref<1x128xi32, #tpu.memory_space<vmem>>
      %dma_start3A_152 = tpu.memref_squeeze %dma_start3A_151 : memref<1x128xi32, #tpu.memory_space<vmem>> -> memref<128xi32, #tpu.memory_space<vmem>>
      %dma_start3A_153 = arith.constant 0 : i32
      %dma_start3A_154 = arith.constant 0 : i32
      %dma_start3A_155 = tpu.memref_slice %arg16[%dma_start3A_153, %dma_start3A_154] : memref<10240x64xf32, #tpu.memory_space<vmem_shared>> -> memref<10240x64xf32, #tpu.memory_space<vmem_shared>>
      tpu.enqueue_indirect_dma source(%arg10 : memref<128x64xf32, #tpu.memory_space<vmem>>) target(%dma_start3A_155 : memref<10240x64xf32, #tpu.memory_space<vmem_shared>>) offsets(%dma_start3A_152 : memref<128xi32, #tpu.memory_space<vmem>>) semaphore(%arg19 : memref<!tpu.dma_semaphore, #tpu.memory_space<semaphore_mem>>) {add = true}
      %add3A_156 = arith.constant 3 : i32
      %add3A_157 = arith.addi %mul3A_95, %add3A_156 : i32
      %add3A_158 = arith.constant 4 : i32
      %add3A_159 = arith.addi %add3A_157, %add3A_158 : i32
      %lt3A_160 = arith.constant 80 : i32
      %lt3A_161 = arith.cmpi slt, %add3A_159, %lt3A_160 : i32
      %convert_element_type3A_162 = arith.extui %lt3A_161 : i1 to i32
      %cond3A_163 = arith.constant 0 : i32
      %cond3A_164 = arith.cmpi ne, %convert_element_type3A_162, %cond3A_163 : i32
      scf.if %cond3A_164 {
        %add3A_262 = arith.constant 4 : i32
        %add3A_263 = arith.addi %add3A_157, %add3A_262 : i32
        %ge3A = arith.constant 8 : i32
        %ge3A_264 = arith.cmpi sge, %add3A_263, %ge3A : i32
        %convert_element_type3A_265 = arith.extui %ge3A_264 : i1 to i32
        %cond3A_266 = arith.constant 0 : i32
        %cond3A_267 = arith.cmpi ne, %convert_element_type3A_265, %cond3A_266 : i32
        scf.if %cond3A_267 {
          %add3A_276 = arith.constant 4 : i32
          %add3A_277 = arith.addi %add3A_157, %add3A_276 : i32
          %sub3A = arith.constant 8 : i32
          %sub3A_278 = arith.subi %add3A_277, %sub3A : i32
          %dma_wait3A_279 = arith.constant 0 : i32
          %dma_wait3A_280 = tpu.memref_slice %arg7[%sub3A_278, %dma_wait3A_279] : memref<80x128xi32, #tpu.memory_space<vmem>> -> memref<1x128xi32, #tpu.memory_space<vmem>>
          %dma_wait3A_281 = tpu.memref_squeeze %dma_wait3A_280 : memref<1x128xi32, #tpu.memory_space<vmem>> -> memref<128xi32, #tpu.memory_space<vmem>>
          %dma_wait3A_282 = arith.constant 0 : i32
          %dma_wait3A_283 = arith.constant 0 : i32
          %dma_wait3A_284 = tpu.memref_slice %arg16[%dma_wait3A_282, %dma_wait3A_283] : memref<10240x64xf32, #tpu.memory_space<vmem_shared>> -> memref<10240x64xf32, #tpu.memory_space<vmem_shared>>
          tpu.wait_indirect_dma semaphore(%arg24 : memref<!tpu.dma_semaphore, #tpu.memory_space<semaphore_mem>>) src(%arg15 : memref<128x64xf32, #tpu.memory_space<vmem>>) dst(%dma_wait3A_284 : memref<10240x64xf32, #tpu.memory_space<vmem_shared>>)
        } else {
        }
        %add3A_268 = arith.constant 4 : i32
        %add3A_269 = arith.addi %add3A_157, %add3A_268 : i32
        %dma_start3A_270 = arith.constant 0 : i32
        %dma_start3A_271 = tpu.memref_slice %arg6[%add3A_269, %dma_start3A_270] : memref<80x128xi32, #tpu.memory_space<vmem>> -> memref<1x128xi32, #tpu.memory_space<vmem>>
        %dma_start3A_272 = tpu.memref_squeeze %dma_start3A_271 : memref<1x128xi32, #tpu.memory_space<vmem>> -> memref<128xi32, #tpu.memory_space<vmem>>
        %dma_start3A_273 = arith.constant 0 : i32
        %dma_start3A_274 = arith.constant 0 : i32
        %dma_start3A_275 = tpu.memref_slice %arg2[%dma_start3A_273, %dma_start3A_274] : memref<10240x64xf32, #tpu.memory_space<hbm>> -> memref<10240x64xf32, #tpu.memory_space<hbm>>
        tpu.enqueue_indirect_dma source(%dma_start3A_275 : memref<10240x64xf32, #tpu.memory_space<hbm>>) target(%arg15 : memref<128x64xf32, #tpu.memory_space<vmem>>) offsets(%dma_start3A_272 : memref<128xi32, #tpu.memory_space<vmem>>) semaphore(%arg24 : memref<!tpu.dma_semaphore, #tpu.memory_space<semaphore_mem>>)
      } else {
      }
      %dma_wait3A_165 = arith.constant 0 : i32
      %dma_wait3A_166 = tpu.memref_slice %arg6[%add3A_157, %dma_wait3A_165] : memref<80x128xi32, #tpu.memory_space<vmem>> -> memref<1x128xi32, #tpu.memory_space<vmem>>
      %dma_wait3A_167 = tpu.memref_squeeze %dma_wait3A_166 : memref<1x128xi32, #tpu.memory_space<vmem>> -> memref<128xi32, #tpu.memory_space<vmem>>
      %dma_wait3A_168 = arith.constant 0 : i32
      %dma_wait3A_169 = arith.constant 0 : i32
      %dma_wait3A_170 = tpu.memref_slice %arg2[%dma_wait3A_168, %dma_wait3A_169] : memref<10240x64xf32, #tpu.memory_space<hbm>> -> memref<10240x64xf32, #tpu.memory_space<hbm>>
      tpu.wait_indirect_dma semaphore(%arg20 : memref<!tpu.dma_semaphore, #tpu.memory_space<semaphore_mem>>) src(%dma_wait3A_170 : memref<10240x64xf32, #tpu.memory_space<hbm>>) dst(%arg11 : memref<128x64xf32, #tpu.memory_space<vmem>>)
      %dma_start3A_171 = arith.constant 0 : i32
      %dma_start3A_172 = tpu.memref_slice %arg7[%add3A_157, %dma_start3A_171] : memref<80x128xi32, #tpu.memory_space<vmem>> -> memref<1x128xi32, #tpu.memory_space<vmem>>
      %dma_start3A_173 = tpu.memref_squeeze %dma_start3A_172 : memref<1x128xi32, #tpu.memory_space<vmem>> -> memref<128xi32, #tpu.memory_space<vmem>>
      %dma_start3A_174 = arith.constant 0 : i32
      %dma_start3A_175 = arith.constant 0 : i32
      %dma_start3A_176 = tpu.memref_slice %arg16[%dma_start3A_174, %dma_start3A_175] : memref<10240x64xf32, #tpu.memory_space<vmem_shared>> -> memref<10240x64xf32, #tpu.memory_space<vmem_shared>>
      tpu.enqueue_indirect_dma source(%arg11 : memref<128x64xf32, #tpu.memory_space<vmem>>) target(%dma_start3A_176 : memref<10240x64xf32, #tpu.memory_space<vmem_shared>>) offsets(%dma_start3A_173 : memref<128xi32, #tpu.memory_space<vmem>>) semaphore(%arg20 : memref<!tpu.dma_semaphore, #tpu.memory_space<semaphore_mem>>) {add = true}
      %add3A_177 = arith.constant 4 : i32
      %add3A_178 = arith.addi %mul3A_95, %add3A_177 : i32
      %add3A_179 = arith.constant 4 : i32
      %add3A_180 = arith.addi %add3A_178, %add3A_179 : i32
      %lt3A_181 = arith.constant 80 : i32
      %lt3A_182 = arith.cmpi slt, %add3A_180, %lt3A_181 : i32
      %convert_element_type3A_183 = arith.extui %lt3A_182 : i1 to i32
      %cond3A_184 = arith.constant 0 : i32
      %cond3A_185 = arith.cmpi ne, %convert_element_type3A_183, %cond3A_184 : i32
      scf.if %cond3A_185 {
        %add3A_262 = arith.constant 4 : i32
        %add3A_263 = arith.addi %add3A_178, %add3A_262 : i32
        %ge3A = arith.constant 8 : i32
        %ge3A_264 = arith.cmpi sge, %add3A_263, %ge3A : i32
        %convert_element_type3A_265 = arith.extui %ge3A_264 : i1 to i32
        %cond3A_266 = arith.constant 0 : i32
        %cond3A_267 = arith.cmpi ne, %convert_element_type3A_265, %cond3A_266 : i32
        scf.if %cond3A_267 {
          %add3A_276 = arith.constant 4 : i32
          %add3A_277 = arith.addi %add3A_178, %add3A_276 : i32
          %sub3A = arith.constant 8 : i32
          %sub3A_278 = arith.subi %add3A_277, %sub3A : i32
          %dma_wait3A_279 = arith.constant 0 : i32
          %dma_wait3A_280 = tpu.memref_slice %arg7[%sub3A_278, %dma_wait3A_279] : memref<80x128xi32, #tpu.memory_space<vmem>> -> memref<1x128xi32, #tpu.memory_space<vmem>>
          %dma_wait3A_281 = tpu.memref_squeeze %dma_wait3A_280 : memref<1x128xi32, #tpu.memory_space<vmem>> -> memref<128xi32, #tpu.memory_space<vmem>>
          %dma_wait3A_282 = arith.constant 0 : i32
          %dma_wait3A_283 = arith.constant 0 : i32
          %dma_wait3A_284 = tpu.memref_slice %arg16[%dma_wait3A_282, %dma_wait3A_283] : memref<10240x64xf32, #tpu.memory_space<vmem_shared>> -> memref<10240x64xf32, #tpu.memory_space<vmem_shared>>
          tpu.wait_indirect_dma semaphore(%arg17 : memref<!tpu.dma_semaphore, #tpu.memory_space<semaphore_mem>>) src(%arg8 : memref<128x64xf32, #tpu.memory_space<vmem>>) dst(%dma_wait3A_284 : memref<10240x64xf32, #tpu.memory_space<vmem_shared>>)
        } else {
        }
        %add3A_268 = arith.constant 4 : i32
        %add3A_269 = arith.addi %add3A_178, %add3A_268 : i32
        %dma_start3A_270 = arith.constant 0 : i32
        %dma_start3A_271 = tpu.memref_slice %arg6[%add3A_269, %dma_start3A_270] : memref<80x128xi32, #tpu.memory_space<vmem>> -> memref<1x128xi32, #tpu.memory_space<vmem>>
        %dma_start3A_272 = tpu.memref_squeeze %dma_start3A_271 : memref<1x128xi32, #tpu.memory_space<vmem>> -> memref<128xi32, #tpu.memory_space<vmem>>
        %dma_start3A_273 = arith.constant 0 : i32
        %dma_start3A_274 = arith.constant 0 : i32
        %dma_start3A_275 = tpu.memref_slice %arg2[%dma_start3A_273, %dma_start3A_274] : memref<10240x64xf32, #tpu.memory_space<hbm>> -> memref<10240x64xf32, #tpu.memory_space<hbm>>
        tpu.enqueue_indirect_dma source(%dma_start3A_275 : memref<10240x64xf32, #tpu.memory_space<hbm>>) target(%arg8 : memref<128x64xf32, #tpu.memory_space<vmem>>) offsets(%dma_start3A_272 : memref<128xi32, #tpu.memory_space<vmem>>) semaphore(%arg17 : memref<!tpu.dma_semaphore, #tpu.memory_space<semaphore_mem>>)
      } else {
      }
      %dma_wait3A_186 = arith.constant 0 : i32
      %dma_wait3A_187 = tpu.memref_slice %arg6[%add3A_178, %dma_wait3A_186] : memref<80x128xi32, #tpu.memory_space<vmem>> -> memref<1x128xi32, #tpu.memory_space<vmem>>
      %dma_wait3A_188 = tpu.memref_squeeze %dma_wait3A_187 : memref<1x128xi32, #tpu.memory_space<vmem>> -> memref<128xi32, #tpu.memory_space<vmem>>
      %dma_wait3A_189 = arith.constant 0 : i32
      %dma_wait3A_190 = arith.constant 0 : i32
      %dma_wait3A_191 = tpu.memref_slice %arg2[%dma_wait3A_189, %dma_wait3A_190] : memref<10240x64xf32, #tpu.memory_space<hbm>> -> memref<10240x64xf32, #tpu.memory_space<hbm>>
      tpu.wait_indirect_dma semaphore(%arg21 : memref<!tpu.dma_semaphore, #tpu.memory_space<semaphore_mem>>) src(%dma_wait3A_191 : memref<10240x64xf32, #tpu.memory_space<hbm>>) dst(%arg12 : memref<128x64xf32, #tpu.memory_space<vmem>>)
      %dma_start3A_192 = arith.constant 0 : i32
      %dma_start3A_193 = tpu.memref_slice %arg7[%add3A_178, %dma_start3A_192] : memref<80x128xi32, #tpu.memory_space<vmem>> -> memref<1x128xi32, #tpu.memory_space<vmem>>
      %dma_start3A_194 = tpu.memref_squeeze %dma_start3A_193 : memref<1x128xi32, #tpu.memory_space<vmem>> -> memref<128xi32, #tpu.memory_space<vmem>>
      %dma_start3A_195 = arith.constant 0 : i32
      %dma_start3A_196 = arith.constant 0 : i32
      %dma_start3A_197 = tpu.memref_slice %arg16[%dma_start3A_195, %dma_start3A_196] : memref<10240x64xf32, #tpu.memory_space<vmem_shared>> -> memref<10240x64xf32, #tpu.memory_space<vmem_shared>>
      tpu.enqueue_indirect_dma source(%arg12 : memref<128x64xf32, #tpu.memory_space<vmem>>) target(%dma_start3A_197 : memref<10240x64xf32, #tpu.memory_space<vmem_shared>>) offsets(%dma_start3A_194 : memref<128xi32, #tpu.memory_space<vmem>>) semaphore(%arg21 : memref<!tpu.dma_semaphore, #tpu.memory_space<semaphore_mem>>) {add = true}
      %add3A_198 = arith.constant 5 : i32
      %add3A_199 = arith.addi %mul3A_95, %add3A_198 : i32
      %add3A_200 = arith.constant 4 : i32
      %add3A_201 = arith.addi %add3A_199, %add3A_200 : i32
      %lt3A_202 = arith.constant 80 : i32
      %lt3A_203 = arith.cmpi slt, %add3A_201, %lt3A_202 : i32
      %convert_element_type3A_204 = arith.extui %lt3A_203 : i1 to i32
      %cond3A_205 = arith.constant 0 : i32
      %cond3A_206 = arith.cmpi ne, %convert_element_type3A_204, %cond3A_205 : i32
      scf.if %cond3A_206 {
        %add3A_262 = arith.constant 4 : i32
        %add3A_263 = arith.addi %add3A_199, %add3A_262 : i32
        %ge3A = arith.constant 8 : i32
        %ge3A_264 = arith.cmpi sge, %add3A_263, %ge3A : i32
        %convert_element_type3A_265 = arith.extui %ge3A_264 : i1 to i32
        %cond3A_266 = arith.constant 0 : i32
        %cond3A_267 = arith.cmpi ne, %convert_element_type3A_265, %cond3A_266 : i32
        scf.if %cond3A_267 {
          %add3A_276 = arith.constant 4 : i32
          %add3A_277 = arith.addi %add3A_199, %add3A_276 : i32
          %sub3A = arith.constant 8 : i32
          %sub3A_278 = arith.subi %add3A_277, %sub3A : i32
          %dma_wait3A_279 = arith.constant 0 : i32
          %dma_wait3A_280 = tpu.memref_slice %arg7[%sub3A_278, %dma_wait3A_279] : memref<80x128xi32, #tpu.memory_space<vmem>> -> memref<1x128xi32, #tpu.memory_space<vmem>>
          %dma_wait3A_281 = tpu.memref_squeeze %dma_wait3A_280 : memref<1x128xi32, #tpu.memory_space<vmem>> -> memref<128xi32, #tpu.memory_space<vmem>>
          %dma_wait3A_282 = arith.constant 0 : i32
          %dma_wait3A_283 = arith.constant 0 : i32
          %dma_wait3A_284 = tpu.memref_slice %arg16[%dma_wait3A_282, %dma_wait3A_283] : memref<10240x64xf32, #tpu.memory_space<vmem_shared>> -> memref<10240x64xf32, #tpu.memory_space<vmem_shared>>
          tpu.wait_indirect_dma semaphore(%arg18 : memref<!tpu.dma_semaphore, #tpu.memory_space<semaphore_mem>>) src(%arg9 : memref<128x64xf32, #tpu.memory_space<vmem>>) dst(%dma_wait3A_284 : memref<10240x64xf32, #tpu.memory_space<vmem_shared>>)
        } else {
        }
        %add3A_268 = arith.constant 4 : i32
        %add3A_269 = arith.addi %add3A_199, %add3A_268 : i32
        %dma_start3A_270 = arith.constant 0 : i32
        %dma_start3A_271 = tpu.memref_slice %arg6[%add3A_269, %dma_start3A_270] : memref<80x128xi32, #tpu.memory_space<vmem>> -> memref<1x128xi32, #tpu.memory_space<vmem>>
        %dma_start3A_272 = tpu.memref_squeeze %dma_start3A_271 : memref<1x128xi32, #tpu.memory_space<vmem>> -> memref<128xi32, #tpu.memory_space<vmem>>
        %dma_start3A_273 = arith.constant 0 : i32
        %dma_start3A_274 = arith.constant 0 : i32
        %dma_start3A_275 = tpu.memref_slice %arg2[%dma_start3A_273, %dma_start3A_274] : memref<10240x64xf32, #tpu.memory_space<hbm>> -> memref<10240x64xf32, #tpu.memory_space<hbm>>
        tpu.enqueue_indirect_dma source(%dma_start3A_275 : memref<10240x64xf32, #tpu.memory_space<hbm>>) target(%arg9 : memref<128x64xf32, #tpu.memory_space<vmem>>) offsets(%dma_start3A_272 : memref<128xi32, #tpu.memory_space<vmem>>) semaphore(%arg18 : memref<!tpu.dma_semaphore, #tpu.memory_space<semaphore_mem>>)
      } else {
      }
      %dma_wait3A_207 = arith.constant 0 : i32
      %dma_wait3A_208 = tpu.memref_slice %arg6[%add3A_199, %dma_wait3A_207] : memref<80x128xi32, #tpu.memory_space<vmem>> -> memref<1x128xi32, #tpu.memory_space<vmem>>
      %dma_wait3A_209 = tpu.memref_squeeze %dma_wait3A_208 : memref<1x128xi32, #tpu.memory_space<vmem>> -> memref<128xi32, #tpu.memory_space<vmem>>
      %dma_wait3A_210 = arith.constant 0 : i32
      %dma_wait3A_211 = arith.constant 0 : i32
      %dma_wait3A_212 = tpu.memref_slice %arg2[%dma_wait3A_210, %dma_wait3A_211] : memref<10240x64xf32, #tpu.memory_space<hbm>> -> memref<10240x64xf32, #tpu.memory_space<hbm>>
      tpu.wait_indirect_dma semaphore(%arg22 : memref<!tpu.dma_semaphore, #tpu.memory_space<semaphore_mem>>) src(%dma_wait3A_212 : memref<10240x64xf32, #tpu.memory_space<hbm>>) dst(%arg13 : memref<128x64xf32, #tpu.memory_space<vmem>>)
      %dma_start3A_213 = arith.constant 0 : i32
      %dma_start3A_214 = tpu.memref_slice %arg7[%add3A_199, %dma_start3A_213] : memref<80x128xi32, #tpu.memory_space<vmem>> -> memref<1x128xi32, #tpu.memory_space<vmem>>
      %dma_start3A_215 = tpu.memref_squeeze %dma_start3A_214 : memref<1x128xi32, #tpu.memory_space<vmem>> -> memref<128xi32, #tpu.memory_space<vmem>>
      %dma_start3A_216 = arith.constant 0 : i32
      %dma_start3A_217 = arith.constant 0 : i32
      %dma_start3A_218 = tpu.memref_slice %arg16[%dma_start3A_216, %dma_start3A_217] : memref<10240x64xf32, #tpu.memory_space<vmem_shared>> -> memref<10240x64xf32, #tpu.memory_space<vmem_shared>>
      tpu.enqueue_indirect_dma source(%arg13 : memref<128x64xf32, #tpu.memory_space<vmem>>) target(%dma_start3A_218 : memref<10240x64xf32, #tpu.memory_space<vmem_shared>>) offsets(%dma_start3A_215 : memref<128xi32, #tpu.memory_space<vmem>>) semaphore(%arg22 : memref<!tpu.dma_semaphore, #tpu.memory_space<semaphore_mem>>) {add = true}
      %add3A_219 = arith.constant 6 : i32
      %add3A_220 = arith.addi %mul3A_95, %add3A_219 : i32
      %add3A_221 = arith.constant 4 : i32
      %add3A_222 = arith.addi %add3A_220, %add3A_221 : i32
      %lt3A_223 = arith.constant 80 : i32
      %lt3A_224 = arith.cmpi slt, %add3A_222, %lt3A_223 : i32
      %convert_element_type3A_225 = arith.extui %lt3A_224 : i1 to i32
      %cond3A_226 = arith.constant 0 : i32
      %cond3A_227 = arith.cmpi ne, %convert_element_type3A_225, %cond3A_226 : i32
      scf.if %cond3A_227 {
        %add3A_262 = arith.constant 4 : i32
        %add3A_263 = arith.addi %add3A_220, %add3A_262 : i32
        %ge3A = arith.constant 8 : i32
        %ge3A_264 = arith.cmpi sge, %add3A_263, %ge3A : i32
        %convert_element_type3A_265 = arith.extui %ge3A_264 : i1 to i32
        %cond3A_266 = arith.constant 0 : i32
        %cond3A_267 = arith.cmpi ne, %convert_element_type3A_265, %cond3A_266 : i32
        scf.if %cond3A_267 {
          %add3A_276 = arith.constant 4 : i32
          %add3A_277 = arith.addi %add3A_220, %add3A_276 : i32
          %sub3A = arith.constant 8 : i32
          %sub3A_278 = arith.subi %add3A_277, %sub3A : i32
          %dma_wait3A_279 = arith.constant 0 : i32
          %dma_wait3A_280 = tpu.memref_slice %arg7[%sub3A_278, %dma_wait3A_279] : memref<80x128xi32, #tpu.memory_space<vmem>> -> memref<1x128xi32, #tpu.memory_space<vmem>>
          %dma_wait3A_281 = tpu.memref_squeeze %dma_wait3A_280 : memref<1x128xi32, #tpu.memory_space<vmem>> -> memref<128xi32, #tpu.memory_space<vmem>>
          %dma_wait3A_282 = arith.constant 0 : i32
          %dma_wait3A_283 = arith.constant 0 : i32
          %dma_wait3A_284 = tpu.memref_slice %arg16[%dma_wait3A_282, %dma_wait3A_283] : memref<10240x64xf32, #tpu.memory_space<vmem_shared>> -> memref<10240x64xf32, #tpu.memory_space<vmem_shared>>
          tpu.wait_indirect_dma semaphore(%arg19 : memref<!tpu.dma_semaphore, #tpu.memory_space<semaphore_mem>>) src(%arg10 : memref<128x64xf32, #tpu.memory_space<vmem>>) dst(%dma_wait3A_284 : memref<10240x64xf32, #tpu.memory_space<vmem_shared>>)
        } else {
        }
        %add3A_268 = arith.constant 4 : i32
        %add3A_269 = arith.addi %add3A_220, %add3A_268 : i32
        %dma_start3A_270 = arith.constant 0 : i32
        %dma_start3A_271 = tpu.memref_slice %arg6[%add3A_269, %dma_start3A_270] : memref<80x128xi32, #tpu.memory_space<vmem>> -> memref<1x128xi32, #tpu.memory_space<vmem>>
        %dma_start3A_272 = tpu.memref_squeeze %dma_start3A_271 : memref<1x128xi32, #tpu.memory_space<vmem>> -> memref<128xi32, #tpu.memory_space<vmem>>
        %dma_start3A_273 = arith.constant 0 : i32
        %dma_start3A_274 = arith.constant 0 : i32
        %dma_start3A_275 = tpu.memref_slice %arg2[%dma_start3A_273, %dma_start3A_274] : memref<10240x64xf32, #tpu.memory_space<hbm>> -> memref<10240x64xf32, #tpu.memory_space<hbm>>
        tpu.enqueue_indirect_dma source(%dma_start3A_275 : memref<10240x64xf32, #tpu.memory_space<hbm>>) target(%arg10 : memref<128x64xf32, #tpu.memory_space<vmem>>) offsets(%dma_start3A_272 : memref<128xi32, #tpu.memory_space<vmem>>) semaphore(%arg19 : memref<!tpu.dma_semaphore, #tpu.memory_space<semaphore_mem>>)
      } else {
      }
      %dma_wait3A_228 = arith.constant 0 : i32
      %dma_wait3A_229 = tpu.memref_slice %arg6[%add3A_220, %dma_wait3A_228] : memref<80x128xi32, #tpu.memory_space<vmem>> -> memref<1x128xi32, #tpu.memory_space<vmem>>
      %dma_wait3A_230 = tpu.memref_squeeze %dma_wait3A_229 : memref<1x128xi32, #tpu.memory_space<vmem>> -> memref<128xi32, #tpu.memory_space<vmem>>
      %dma_wait3A_231 = arith.constant 0 : i32
      %dma_wait3A_232 = arith.constant 0 : i32
      %dma_wait3A_233 = tpu.memref_slice %arg2[%dma_wait3A_231, %dma_wait3A_232] : memref<10240x64xf32, #tpu.memory_space<hbm>> -> memref<10240x64xf32, #tpu.memory_space<hbm>>
      tpu.wait_indirect_dma semaphore(%arg23 : memref<!tpu.dma_semaphore, #tpu.memory_space<semaphore_mem>>) src(%dma_wait3A_233 : memref<10240x64xf32, #tpu.memory_space<hbm>>) dst(%arg14 : memref<128x64xf32, #tpu.memory_space<vmem>>)
      %dma_start3A_234 = arith.constant 0 : i32
      %dma_start3A_235 = tpu.memref_slice %arg7[%add3A_220, %dma_start3A_234] : memref<80x128xi32, #tpu.memory_space<vmem>> -> memref<1x128xi32, #tpu.memory_space<vmem>>
      %dma_start3A_236 = tpu.memref_squeeze %dma_start3A_235 : memref<1x128xi32, #tpu.memory_space<vmem>> -> memref<128xi32, #tpu.memory_space<vmem>>
      %dma_start3A_237 = arith.constant 0 : i32
      %dma_start3A_238 = arith.constant 0 : i32
      %dma_start3A_239 = tpu.memref_slice %arg16[%dma_start3A_237, %dma_start3A_238] : memref<10240x64xf32, #tpu.memory_space<vmem_shared>> -> memref<10240x64xf32, #tpu.memory_space<vmem_shared>>
      tpu.enqueue_indirect_dma source(%arg14 : memref<128x64xf32, #tpu.memory_space<vmem>>) target(%dma_start3A_239 : memref<10240x64xf32, #tpu.memory_space<vmem_shared>>) offsets(%dma_start3A_236 : memref<128xi32, #tpu.memory_space<vmem>>) semaphore(%arg23 : memref<!tpu.dma_semaphore, #tpu.memory_space<semaphore_mem>>) {add = true}
      %add3A_240 = arith.constant 7 : i32
      %add3A_241 = arith.addi %mul3A_95, %add3A_240 : i32
      %add3A_242 = arith.constant 4 : i32
      %add3A_243 = arith.addi %add3A_241, %add3A_242 : i32
      %lt3A_244 = arith.constant 80 : i32
      %lt3A_245 = arith.cmpi slt, %add3A_243, %lt3A_244 : i32
      %convert_element_type3A_246 = arith.extui %lt3A_245 : i1 to i32
      %cond3A_247 = arith.constant 0 : i32
      %cond3A_248 = arith.cmpi ne, %convert_element_type3A_246, %cond3A_247 : i32
      scf.if %cond3A_248 {
        %add3A_262 = arith.constant 4 : i32
        %add3A_263 = arith.addi %add3A_241, %add3A_262 : i32
        %ge3A = arith.constant 8 : i32
        %ge3A_264 = arith.cmpi sge, %add3A_263, %ge3A : i32
        %convert_element_type3A_265 = arith.extui %ge3A_264 : i1 to i32
        %cond3A_266 = arith.constant 0 : i32
        %cond3A_267 = arith.cmpi ne, %convert_element_type3A_265, %cond3A_266 : i32
        scf.if %cond3A_267 {
          %add3A_276 = arith.constant 4 : i32
          %add3A_277 = arith.addi %add3A_241, %add3A_276 : i32
          %sub3A = arith.constant 8 : i32
          %sub3A_278 = arith.subi %add3A_277, %sub3A : i32
          %dma_wait3A_279 = arith.constant 0 : i32
          %dma_wait3A_280 = tpu.memref_slice %arg7[%sub3A_278, %dma_wait3A_279] : memref<80x128xi32, #tpu.memory_space<vmem>> -> memref<1x128xi32, #tpu.memory_space<vmem>>
          %dma_wait3A_281 = tpu.memref_squeeze %dma_wait3A_280 : memref<1x128xi32, #tpu.memory_space<vmem>> -> memref<128xi32, #tpu.memory_space<vmem>>
          %dma_wait3A_282 = arith.constant 0 : i32
          %dma_wait3A_283 = arith.constant 0 : i32
          %dma_wait3A_284 = tpu.memref_slice %arg16[%dma_wait3A_282, %dma_wait3A_283] : memref<10240x64xf32, #tpu.memory_space<vmem_shared>> -> memref<10240x64xf32, #tpu.memory_space<vmem_shared>>
          tpu.wait_indirect_dma semaphore(%arg20 : memref<!tpu.dma_semaphore, #tpu.memory_space<semaphore_mem>>) src(%arg11 : memref<128x64xf32, #tpu.memory_space<vmem>>) dst(%dma_wait3A_284 : memref<10240x64xf32, #tpu.memory_space<vmem_shared>>)
        } else {
        }
        %add3A_268 = arith.constant 4 : i32
        %add3A_269 = arith.addi %add3A_241, %add3A_268 : i32
        %dma_start3A_270 = arith.constant 0 : i32
        %dma_start3A_271 = tpu.memref_slice %arg6[%add3A_269, %dma_start3A_270] : memref<80x128xi32, #tpu.memory_space<vmem>> -> memref<1x128xi32, #tpu.memory_space<vmem>>
        %dma_start3A_272 = tpu.memref_squeeze %dma_start3A_271 : memref<1x128xi32, #tpu.memory_space<vmem>> -> memref<128xi32, #tpu.memory_space<vmem>>
        %dma_start3A_273 = arith.constant 0 : i32
        %dma_start3A_274 = arith.constant 0 : i32
        %dma_start3A_275 = tpu.memref_slice %arg2[%dma_start3A_273, %dma_start3A_274] : memref<10240x64xf32, #tpu.memory_space<hbm>> -> memref<10240x64xf32, #tpu.memory_space<hbm>>
        tpu.enqueue_indirect_dma source(%dma_start3A_275 : memref<10240x64xf32, #tpu.memory_space<hbm>>) target(%arg11 : memref<128x64xf32, #tpu.memory_space<vmem>>) offsets(%dma_start3A_272 : memref<128xi32, #tpu.memory_space<vmem>>) semaphore(%arg20 : memref<!tpu.dma_semaphore, #tpu.memory_space<semaphore_mem>>)
      } else {
      }
      %dma_wait3A_249 = arith.constant 0 : i32
      %dma_wait3A_250 = tpu.memref_slice %arg6[%add3A_241, %dma_wait3A_249] : memref<80x128xi32, #tpu.memory_space<vmem>> -> memref<1x128xi32, #tpu.memory_space<vmem>>
      %dma_wait3A_251 = tpu.memref_squeeze %dma_wait3A_250 : memref<1x128xi32, #tpu.memory_space<vmem>> -> memref<128xi32, #tpu.memory_space<vmem>>
      %dma_wait3A_252 = arith.constant 0 : i32
      %dma_wait3A_253 = arith.constant 0 : i32
      %dma_wait3A_254 = tpu.memref_slice %arg2[%dma_wait3A_252, %dma_wait3A_253] : memref<10240x64xf32, #tpu.memory_space<hbm>> -> memref<10240x64xf32, #tpu.memory_space<hbm>>
      tpu.wait_indirect_dma semaphore(%arg24 : memref<!tpu.dma_semaphore, #tpu.memory_space<semaphore_mem>>) src(%dma_wait3A_254 : memref<10240x64xf32, #tpu.memory_space<hbm>>) dst(%arg15 : memref<128x64xf32, #tpu.memory_space<vmem>>)
      %dma_start3A_255 = arith.constant 0 : i32
      %dma_start3A_256 = tpu.memref_slice %arg7[%add3A_241, %dma_start3A_255] : memref<80x128xi32, #tpu.memory_space<vmem>> -> memref<1x128xi32, #tpu.memory_space<vmem>>
      %dma_start3A_257 = tpu.memref_squeeze %dma_start3A_256 : memref<1x128xi32, #tpu.memory_space<vmem>> -> memref<128xi32, #tpu.memory_space<vmem>>
      %dma_start3A_258 = arith.constant 0 : i32
      %dma_start3A_259 = arith.constant 0 : i32
      %dma_start3A_260 = tpu.memref_slice %arg16[%dma_start3A_258, %dma_start3A_259] : memref<10240x64xf32, #tpu.memory_space<vmem_shared>> -> memref<10240x64xf32, #tpu.memory_space<vmem_shared>>
      tpu.enqueue_indirect_dma source(%arg15 : memref<128x64xf32, #tpu.memory_space<vmem>>) target(%dma_start3A_260 : memref<10240x64xf32, #tpu.memory_space<vmem_shared>>) offsets(%dma_start3A_257 : memref<128xi32, #tpu.memory_space<vmem>>) semaphore(%arg24 : memref<!tpu.dma_semaphore, #tpu.memory_space<semaphore_mem>>) {add = true}
      %scan3A_261 = arith.constant 0 : i32
      scf.yield %scan3A_261 : i32
    }
    %scan3A_35 = arith.constant 10 : i32
    %dma_wait3A = arith.constant 72 : i32
    %dma_wait3A_36 = arith.constant 0 : i32
    %dma_wait3A_37 = tpu.memref_slice %arg7[%dma_wait3A, %dma_wait3A_36] : memref<80x128xi32, #tpu.memory_space<vmem>> -> memref<1x128xi32, #tpu.memory_space<vmem>>
    %dma_wait3A_38 = tpu.memref_squeeze %dma_wait3A_37 : memref<1x128xi32, #tpu.memory_space<vmem>> -> memref<128xi32, #tpu.memory_space<vmem>>
    %dma_wait3A_39 = arith.constant 0 : i32
    %dma_wait3A_40 = arith.constant 0 : i32
    %dma_wait3A_41 = tpu.memref_slice %arg16[%dma_wait3A_39, %dma_wait3A_40] : memref<10240x64xf32, #tpu.memory_space<vmem_shared>> -> memref<10240x64xf32, #tpu.memory_space<vmem_shared>>
    tpu.wait_indirect_dma semaphore(%arg17 : memref<!tpu.dma_semaphore, #tpu.memory_space<semaphore_mem>>) src(%arg8 : memref<128x64xf32, #tpu.memory_space<vmem>>) dst(%dma_wait3A_41 : memref<10240x64xf32, #tpu.memory_space<vmem_shared>>)
    %dma_wait3A_42 = arith.constant 73 : i32
    %dma_wait3A_43 = arith.constant 0 : i32
    %dma_wait3A_44 = tpu.memref_slice %arg7[%dma_wait3A_42, %dma_wait3A_43] : memref<80x128xi32, #tpu.memory_space<vmem>> -> memref<1x128xi32, #tpu.memory_space<vmem>>
    %dma_wait3A_45 = tpu.memref_squeeze %dma_wait3A_44 : memref<1x128xi32, #tpu.memory_space<vmem>> -> memref<128xi32, #tpu.memory_space<vmem>>
    %dma_wait3A_46 = arith.constant 0 : i32
    %dma_wait3A_47 = arith.constant 0 : i32
    %dma_wait3A_48 = tpu.memref_slice %arg16[%dma_wait3A_46, %dma_wait3A_47] : memref<10240x64xf32, #tpu.memory_space<vmem_shared>> -> memref<10240x64xf32, #tpu.memory_space<vmem_shared>>
    tpu.wait_indirect_dma semaphore(%arg18 : memref<!tpu.dma_semaphore, #tpu.memory_space<semaphore_mem>>) src(%arg9 : memref<128x64xf32, #tpu.memory_space<vmem>>) dst(%dma_wait3A_48 : memref<10240x64xf32, #tpu.memory_space<vmem_shared>>)
    %dma_wait3A_49 = arith.constant 74 : i32
    %dma_wait3A_50 = arith.constant 0 : i32
    %dma_wait3A_51 = tpu.memref_slice %arg7[%dma_wait3A_49, %dma_wait3A_50] : memref<80x128xi32, #tpu.memory_space<vmem>> -> memref<1x128xi32, #tpu.memory_space<vmem>>
    %dma_wait3A_52 = tpu.memref_squeeze %dma_wait3A_51 : memref<1x128xi32, #tpu.memory_space<vmem>> -> memref<128xi32, #tpu.memory_space<vmem>>
    %dma_wait3A_53 = arith.constant 0 : i32
    %dma_wait3A_54 = arith.constant 0 : i32
    %dma_wait3A_55 = tpu.memref_slice %arg16[%dma_wait3A_53, %dma_wait3A_54] : memref<10240x64xf32, #tpu.memory_space<vmem_shared>> -> memref<10240x64xf32, #tpu.memory_space<vmem_shared>>
    tpu.wait_indirect_dma semaphore(%arg19 : memref<!tpu.dma_semaphore, #tpu.memory_space<semaphore_mem>>) src(%arg10 : memref<128x64xf32, #tpu.memory_space<vmem>>) dst(%dma_wait3A_55 : memref<10240x64xf32, #tpu.memory_space<vmem_shared>>)
    %dma_wait3A_56 = arith.constant 75 : i32
    %dma_wait3A_57 = arith.constant 0 : i32
    %dma_wait3A_58 = tpu.memref_slice %arg7[%dma_wait3A_56, %dma_wait3A_57] : memref<80x128xi32, #tpu.memory_space<vmem>> -> memref<1x128xi32, #tpu.memory_space<vmem>>
    %dma_wait3A_59 = tpu.memref_squeeze %dma_wait3A_58 : memref<1x128xi32, #tpu.memory_space<vmem>> -> memref<128xi32, #tpu.memory_space<vmem>>
    %dma_wait3A_60 = arith.constant 0 : i32
    %dma_wait3A_61 = arith.constant 0 : i32
    %dma_wait3A_62 = tpu.memref_slice %arg16[%dma_wait3A_60, %dma_wait3A_61] : memref<10240x64xf32, #tpu.memory_space<vmem_shared>> -> memref<10240x64xf32, #tpu.memory_space<vmem_shared>>
    tpu.wait_indirect_dma semaphore(%arg20 : memref<!tpu.dma_semaphore, #tpu.memory_space<semaphore_mem>>) src(%arg11 : memref<128x64xf32, #tpu.memory_space<vmem>>) dst(%dma_wait3A_62 : memref<10240x64xf32, #tpu.memory_space<vmem_shared>>)
    %dma_wait3A_63 = arith.constant 76 : i32
    %dma_wait3A_64 = arith.constant 0 : i32
    %dma_wait3A_65 = tpu.memref_slice %arg7[%dma_wait3A_63, %dma_wait3A_64] : memref<80x128xi32, #tpu.memory_space<vmem>> -> memref<1x128xi32, #tpu.memory_space<vmem>>
    %dma_wait3A_66 = tpu.memref_squeeze %dma_wait3A_65 : memref<1x128xi32, #tpu.memory_space<vmem>> -> memref<128xi32, #tpu.memory_space<vmem>>
    %dma_wait3A_67 = arith.constant 0 : i32
    %dma_wait3A_68 = arith.constant 0 : i32
    %dma_wait3A_69 = tpu.memref_slice %arg16[%dma_wait3A_67, %dma_wait3A_68] : memref<10240x64xf32, #tpu.memory_space<vmem_shared>> -> memref<10240x64xf32, #tpu.memory_space<vmem_shared>>
    tpu.wait_indirect_dma semaphore(%arg21 : memref<!tpu.dma_semaphore, #tpu.memory_space<semaphore_mem>>) src(%arg12 : memref<128x64xf32, #tpu.memory_space<vmem>>) dst(%dma_wait3A_69 : memref<10240x64xf32, #tpu.memory_space<vmem_shared>>)
    %dma_wait3A_70 = arith.constant 77 : i32
    %dma_wait3A_71 = arith.constant 0 : i32
    %dma_wait3A_72 = tpu.memref_slice %arg7[%dma_wait3A_70, %dma_wait3A_71] : memref<80x128xi32, #tpu.memory_space<vmem>> -> memref<1x128xi32, #tpu.memory_space<vmem>>
    %dma_wait3A_73 = tpu.memref_squeeze %dma_wait3A_72 : memref<1x128xi32, #tpu.memory_space<vmem>> -> memref<128xi32, #tpu.memory_space<vmem>>
    %dma_wait3A_74 = arith.constant 0 : i32
    %dma_wait3A_75 = arith.constant 0 : i32
    %dma_wait3A_76 = tpu.memref_slice %arg16[%dma_wait3A_74, %dma_wait3A_75] : memref<10240x64xf32, #tpu.memory_space<vmem_shared>> -> memref<10240x64xf32, #tpu.memory_space<vmem_shared>>
    tpu.wait_indirect_dma semaphore(%arg22 : memref<!tpu.dma_semaphore, #tpu.memory_space<semaphore_mem>>) src(%arg13 : memref<128x64xf32, #tpu.memory_space<vmem>>) dst(%dma_wait3A_76 : memref<10240x64xf32, #tpu.memory_space<vmem_shared>>)
    %dma_wait3A_77 = arith.constant 78 : i32
    %dma_wait3A_78 = arith.constant 0 : i32
    %dma_wait3A_79 = tpu.memref_slice %arg7[%dma_wait3A_77, %dma_wait3A_78] : memref<80x128xi32, #tpu.memory_space<vmem>> -> memref<1x128xi32, #tpu.memory_space<vmem>>
    %dma_wait3A_80 = tpu.memref_squeeze %dma_wait3A_79 : memref<1x128xi32, #tpu.memory_space<vmem>> -> memref<128xi32, #tpu.memory_space<vmem>>
    %dma_wait3A_81 = arith.constant 0 : i32
    %dma_wait3A_82 = arith.constant 0 : i32
    %dma_wait3A_83 = tpu.memref_slice %arg16[%dma_wait3A_81, %dma_wait3A_82] : memref<10240x64xf32, #tpu.memory_space<vmem_shared>> -> memref<10240x64xf32, #tpu.memory_space<vmem_shared>>
    tpu.wait_indirect_dma semaphore(%arg23 : memref<!tpu.dma_semaphore, #tpu.memory_space<semaphore_mem>>) src(%arg14 : memref<128x64xf32, #tpu.memory_space<vmem>>) dst(%dma_wait3A_83 : memref<10240x64xf32, #tpu.memory_space<vmem_shared>>)
    %dma_wait3A_84 = arith.constant 79 : i32
    %dma_wait3A_85 = arith.constant 0 : i32
    %dma_wait3A_86 = tpu.memref_slice %arg7[%dma_wait3A_84, %dma_wait3A_85] : memref<80x128xi32, #tpu.memory_space<vmem>> -> memref<1x128xi32, #tpu.memory_space<vmem>>
    %dma_wait3A_87 = tpu.memref_squeeze %dma_wait3A_86 : memref<1x128xi32, #tpu.memory_space<vmem>> -> memref<128xi32, #tpu.memory_space<vmem>>
    %dma_wait3A_88 = arith.constant 0 : i32
    %dma_wait3A_89 = arith.constant 0 : i32
    %dma_wait3A_90 = tpu.memref_slice %arg16[%dma_wait3A_88, %dma_wait3A_89] : memref<10240x64xf32, #tpu.memory_space<vmem_shared>> -> memref<10240x64xf32, #tpu.memory_space<vmem_shared>>
    tpu.wait_indirect_dma semaphore(%arg24 : memref<!tpu.dma_semaphore, #tpu.memory_space<semaphore_mem>>) src(%arg15 : memref<128x64xf32, #tpu.memory_space<vmem>>) dst(%dma_wait3A_90 : memref<10240x64xf32, #tpu.memory_space<vmem_shared>>)
    %barrier3A_91 = arith.constant 0 : index
    tpu.barrier barrier_id(%barrier3A_91)
    "tpu.region"() ({
      %run_scoped3A = tpu.sem_alloc : memref<!tpu.dma_semaphore, #tpu.memory_space<semaphore_mem>>
      %dma_start3A_92 = arith.constant 0 : i32
      %dma_start3A_93 = tpu.memref_slice %arg5[%arg0, %mul3A_2, %dma_start3A_92] : memref<2x10240x64xf32, #tpu.memory_space<hbm>> -> memref<1x640x64xf32, #tpu.memory_space<hbm>>
      %dma_start3A_94 = tpu.memref_squeeze %dma_start3A_93 : memref<1x640x64xf32, #tpu.memory_space<hbm>> -> memref<640x64xf32, #tpu.memory_space<hbm>>
      %dma_start3A_95 = arith.constant 0 : i32
      %dma_start3A_96 = tpu.memref_slice %arg16[%mul3A_2, %dma_start3A_95] : memref<10240x64xf32, #tpu.memory_space<vmem_shared>> -> memref<640x64xf32, #tpu.memory_space<vmem_shared>>
      tpu.enqueue_dma source(%dma_start3A_96 : memref<640x64xf32, #tpu.memory_space<vmem_shared>>) target(%dma_start3A_94 : memref<640x64xf32, #tpu.memory_space<hbm>>) target_semaphore(%run_scoped3A : memref<!tpu.dma_semaphore, #tpu.memory_space<semaphore_mem>>)
      %dma_wait3A_97 = arith.constant 0 : i32
      %dma_wait3A_98 = tpu.memref_slice %arg5[%arg0, %mul3A_2, %dma_wait3A_97] : memref<2x10240x64xf32, #tpu.memory_space<hbm>> -> memref<1x640x64xf32, #tpu.memory_space<hbm>>
      %dma_wait3A_99 = tpu.memref_squeeze %dma_wait3A_98 : memref<1x640x64xf32, #tpu.memory_space<hbm>> -> memref<640x64xf32, #tpu.memory_space<hbm>>
      %dma_wait3A_100 = arith.constant 0 : i32
      %dma_wait3A_101 = tpu.memref_slice %arg16[%mul3A_2, %dma_wait3A_100] : memref<10240x64xf32, #tpu.memory_space<vmem_shared>> -> memref<640x64xf32, #tpu.memory_space<vmem_shared>>
      tpu.wait_dma2 semaphore(%run_scoped3A : memref<!tpu.dma_semaphore, #tpu.memory_space<semaphore_mem>>) src(%dma_wait3A_101 : memref<640x64xf32, #tpu.memory_space<vmem_shared>>) dst(%dma_wait3A_99 : memref<640x64xf32, #tpu.memory_space<hbm>>)
      tpu.yield
    }) : () -> ()
    return
  }
}

module attributes {stable_mosaic.version = 14 : i64} {
  func.func @_tc_first(%arg0: memref<10000x128xf32, #tpu.memory_space<vmem>>, %arg1: memref<128x64xf32, #tpu.memory_space<vmem>>, %arg2: memref<10240x2xf32, #tpu.memory_space<vmem>>, %arg3: memref<5120x128xf32, #tpu.memory_space<vmem>>) attributes {dimension_semantics = [], scalar_prefetch = 0 : i64, scratch_operands = 0 : i64, tpu.core_type = #tpu.core_type<tc>} {
    %get3A = arith.constant 0 : index
    %get3A_0 = arith.constant 0 : index
    %get3A_1 = vector.load %arg2[%get3A, %get3A_0] : memref<10240x2xf32, #tpu.memory_space<vmem>>, vector<10240x2xf32>
    %slice3A = vector.extract_strided_slice %get3A_1 {offsets = [0, 0], sizes = [10240, 1], strides = [1, 1]} : vector<10240x2xf32> to vector<10240x1xf32>
    %slice3A_2 = vector.extract_strided_slice %get3A_1 {offsets = [0, 1], sizes = [10240, 1], strides = [1, 1]} : vector<10240x2xf32> to vector<10240x1xf32>
    %add3A = arith.addf %slice3A, %slice3A_2 : vector<10240x1xf32>
    %sub3A = arith.constant 1.000000e+00 : f32
    %sub3A_3 = vector.broadcast %sub3A : f32 to vector<10240x1xf32>
    %sub3A_4 = arith.subf %add3A, %sub3A_3 : vector<10240x1xf32>
    %rsqrt3A = math.rsqrt %sub3A_4 : vector<10240x1xf32>
    %get3A_5 = arith.constant 0 : index
    %get3A_6 = arith.constant 0 : index
    %get3A_7 = vector.load %arg0[%get3A_5, %get3A_6] : memref<10000x128xf32, #tpu.memory_space<vmem>>, vector<10000x128xf32>
    %get3A_8 = arith.constant 0 : index
    %get3A_9 = arith.constant 0 : index
    %get3A_10 = vector.load %arg1[%get3A_8, %get3A_9] : memref<128x64xf32, #tpu.memory_space<vmem>>, vector<128x64xf32>
    %dot_general3A = arith.constant dense<0.000000e+00> : vector<10000x64xf32>
    %dot_general3A_11 = tpu.matmul %get3A_7, %get3A_10, %dot_general3A {dimension_numbers = #tpu.dot_dimension_numbers<[1], [0], [0], [1], [0, 0, 1, 1], [], []>, transpose_lhs_hint = false} : vector<10000x128xf32>, vector<128x64xf32>, vector<10000x64xf32> -> vector<10000x64xf32>
    %slice3A_12 = vector.extract_strided_slice %rsqrt3A {offsets = [0, 0], sizes = [10000, 1], strides = [1, 1]} : vector<10240x1xf32> to vector<10000x1xf32>
    %mul3A = vector.broadcast %slice3A_12 : vector<10000x1xf32> to vector<10000x64xf32>
    %mul3A_13 = arith.mulf %dot_general3A_11, %mul3A : vector<10000x64xf32>
    %slice3A_14 = vector.extract_strided_slice %mul3A_13 {offsets = [0, 0], sizes = [5120, 64], strides = [1, 1]} : vector<10000x64xf32> to vector<5120x64xf32>
    %swap3A = arith.constant 0 : index
    %swap3A_15 = arith.constant 0 : index
    %swap3A_16 = vector.load %arg3[%swap3A, %swap3A_15] : memref<5120x128xf32, #tpu.memory_space<vmem>>, vector<5120x64xf32>
    tpu.vector_store %arg3[%swap3A, %swap3A_15], %slice3A_14 {strides = array<i32>} : memref<5120x128xf32, #tpu.memory_space<vmem>>, vector<5120x64xf32>,
    %slice3A_17 = vector.extract_strided_slice %mul3A_13 {offsets = [5120, 0], sizes = [4880, 64], strides = [1, 1]} : vector<10000x64xf32> to vector<4880x64xf32>
    %swap3A_18 = arith.constant 0 : index
    %swap3A_19 = arith.constant 64 : index
    %swap3A_20 = vector.load %arg3[%swap3A_18, %swap3A_19] : memref<5120x128xf32, #tpu.memory_space<vmem>>, vector<4880x64xf32>
    tpu.vector_store %arg3[%swap3A_18, %swap3A_19], %slice3A_17 {strides = array<i32>} : memref<5120x128xf32, #tpu.memory_space<vmem>>, vector<4880x64xf32>,
    return
  }
}

module attributes {stable_mosaic.version = 14 : i64} {
  func.func @_tc_mid(%arg0: memref<2x5120x128xf32, #tpu.memory_space<vmem>>, %arg1: memref<5120x128xf32, #tpu.memory_space<vmem>>, %arg2: memref<10240x2xf32, #tpu.memory_space<vmem>>, %arg3: memref<1x64xf32, #tpu.memory_space<vmem>>, %arg4: memref<64x64xf32, #tpu.memory_space<vmem>>, %arg5: memref<5120x128xf32, #tpu.memory_space<vmem>>) attributes {dimension_semantics = [], scalar_prefetch = 0 : i64, scratch_operands = 0 : i64, tpu.core_type = #tpu.core_type<tc>} {
    %get3A = arith.constant 0 : index
    %get3A_0 = arith.constant 0 : index
    %get3A_1 = vector.load %arg2[%get3A, %get3A_0] : memref<10240x2xf32, #tpu.memory_space<vmem>>, vector<10240x2xf32>
    %slice3A = vector.extract_strided_slice %get3A_1 {offsets = [0, 0], sizes = [10240, 1], strides = [1, 1]} : vector<10240x2xf32> to vector<10240x1xf32>
    %slice3A_2 = vector.extract_strided_slice %get3A_1 {offsets = [0, 1], sizes = [10240, 1], strides = [1, 1]} : vector<10240x2xf32> to vector<10240x1xf32>
    %add3A = arith.addf %slice3A, %slice3A_2 : vector<10240x1xf32>
    %sub3A = arith.constant 1.000000e+00 : f32
    %sub3A_3 = vector.broadcast %sub3A : f32 to vector<10240x1xf32>
    %sub3A_4 = arith.subf %add3A, %sub3A_3 : vector<10240x1xf32>
    %rsqrt3A = math.rsqrt %sub3A_4 : vector<10240x1xf32>
    %get3A_5 = arith.constant 0 : index
    %get3A_6 = arith.constant 0 : index
    %get3A_7 = arith.constant 0 : index
    %get3A_8 = vector.load %arg0[%get3A_5, %get3A_6, %get3A_7] : memref<2x5120x128xf32, #tpu.memory_space<vmem>>, vector<1x5120x128xf32>
    %get3A_9 = vector.shape_cast %get3A_8 : vector<1x5120x128xf32> to vector<5120x128xf32>
    %get3A_10 = arith.constant 1 : index
    %get3A_11 = arith.constant 0 : index
    %get3A_12 = arith.constant 0 : index
    %get3A_13 = vector.load %arg0[%get3A_10, %get3A_11, %get3A_12] : memref<2x5120x128xf32, #tpu.memory_space<vmem>>, vector<1x5120x128xf32>
    %get3A_14 = vector.shape_cast %get3A_13 : vector<1x5120x128xf32> to vector<5120x128xf32>
    %add3A_15 = arith.addf %get3A_9, %get3A_14 : vector<5120x128xf32>
    %get3A_16 = arith.constant 0 : index
    %get3A_17 = arith.constant 0 : index
    %get3A_18 = vector.load %arg1[%get3A_16, %get3A_17] : memref<5120x128xf32, #tpu.memory_space<vmem>>, vector<5120x128xf32>
    %sub3A_19 = arith.subf %add3A_15, %get3A_18 : vector<5120x128xf32>
    %slice3A_20 = vector.extract_strided_slice %sub3A_19 {offsets = [0, 0], sizes = [5120, 64], strides = [1, 1]} : vector<5120x128xf32> to vector<5120x64xf32>
    %slice3A_21 = vector.extract_strided_slice %sub3A_19 {offsets = [0, 64], sizes = [5120, 64], strides = [1, 1]} : vector<5120x128xf32> to vector<5120x64xf32>
    %concatenate3A = tpu.concatenate %slice3A_20, %slice3A_21 in 0 : vector<5120x64xf32>, vector<5120x64xf32> -> vector<10240x64xf32>
    %mul3A = vector.broadcast %rsqrt3A : vector<10240x1xf32> to vector<10240x64xf32>
    %mul3A_22 = arith.mulf %concatenate3A, %mul3A : vector<10240x64xf32>
    %get3A_23 = arith.constant 0 : index
    %get3A_24 = arith.constant 0 : index
    %get3A_25 = vector.load %arg3[%get3A_23, %get3A_24] : memref<1x64xf32, #tpu.memory_space<vmem>>, vector<1x64xf32>
    %add3A_26 = vector.broadcast %get3A_25 : vector<1x64xf32> to vector<10240x64xf32>
    %add3A_27 = arith.addf %mul3A_22, %add3A_26 : vector<10240x64xf32>
    %max3A = arith.constant 0.000000e+00 : f32
    %max3A_28 = vector.broadcast %max3A : f32 to vector<10240x64xf32>
    %max3A_29 = arith.maximumf %add3A_27, %max3A_28 : vector<10240x64xf32>
    %slice3A_30 = vector.extract_strided_slice %max3A_29 {offsets = [0, 0], sizes = [10000, 64], strides = [1, 1]} : vector<10240x64xf32> to vector<10000x64xf32>
    %get3A_31 = arith.constant 0 : index
    %get3A_32 = arith.constant 0 : index
    %get3A_33 = vector.load %arg4[%get3A_31, %get3A_32] : memref<64x64xf32, #tpu.memory_space<vmem>>, vector<64x64xf32>
    %dot_general3A = arith.constant dense<0.000000e+00> : vector<10000x64xf32>
    %dot_general3A_34 = tpu.matmul %slice3A_30, %get3A_33, %dot_general3A {dimension_numbers = #tpu.dot_dimension_numbers<[1], [0], [0], [1], [0, 0, 1, 1], [], []>, transpose_lhs_hint = false} : vector<10000x64xf32>, vector<64x64xf32>, vector<10000x64xf32> -> vector<10000x64xf32>
    %slice3A_35 = vector.extract_strided_slice %rsqrt3A {offsets = [0, 0], sizes = [10000, 1], strides = [1, 1]} : vector<10240x1xf32> to vector<10000x1xf32>
    %mul3A_36 = vector.broadcast %slice3A_35 : vector<10000x1xf32> to vector<10000x64xf32>
    %mul3A_37 = arith.mulf %dot_general3A_34, %mul3A_36 : vector<10000x64xf32>
    %slice3A_38 = vector.extract_strided_slice %mul3A_37 {offsets = [0, 0], sizes = [5120, 64], strides = [1, 1]} : vector<10000x64xf32> to vector<5120x64xf32>
    %swap3A = arith.constant 0 : index
    %swap3A_39 = arith.constant 0 : index
    %swap3A_40 = vector.load %arg5[%swap3A, %swap3A_39] : memref<5120x128xf32, #tpu.memory_space<vmem>>, vector<5120x64xf32>
    tpu.vector_store %arg5[%swap3A, %swap3A_39], %slice3A_38 {strides = array<i32>} : memref<5120x128xf32, #tpu.memory_space<vmem>>, vector<5120x64xf32>,
    %slice3A_41 = vector.extract_strided_slice %mul3A_37 {offsets = [5120, 0], sizes = [4880, 64], strides = [1, 1]} : vector<10000x64xf32> to vector<4880x64xf32>
    %swap3A_42 = arith.constant 0 : index
    %swap3A_43 = arith.constant 64 : index
    %swap3A_44 = vector.load %arg5[%swap3A_42, %swap3A_43] : memref<5120x128xf32, #tpu.memory_space<vmem>>, vector<4880x64xf32>
    tpu.vector_store %arg5[%swap3A_42, %swap3A_43], %slice3A_41 {strides = array<i32>} : memref<5120x128xf32, #tpu.memory_space<vmem>>, vector<4880x64xf32>,
    return
  }
}

module attributes {stable_mosaic.version = 14 : i64} {
  func.func @_tc_last(%arg0: memref<2x5120x128xf32, #tpu.memory_space<vmem>>, %arg1: memref<5120x128xf32, #tpu.memory_space<vmem>>, %arg2: memref<10240x2xf32, #tpu.memory_space<vmem>>, %arg3: memref<1x64xf32, #tpu.memory_space<vmem>>, %arg4: memref<10000x64xf32, #tpu.memory_space<vmem>>) attributes {dimension_semantics = [], scalar_prefetch = 0 : i64, scratch_operands = 0 : i64, tpu.core_type = #tpu.core_type<tc>} {
    %get3A = arith.constant 0 : index
    %get3A_0 = arith.constant 0 : index
    %get3A_1 = vector.load %arg2[%get3A, %get3A_0] : memref<10240x2xf32, #tpu.memory_space<vmem>>, vector<10240x2xf32>
    %slice3A = vector.extract_strided_slice %get3A_1 {offsets = [0, 0], sizes = [10240, 1], strides = [1, 1]} : vector<10240x2xf32> to vector<10240x1xf32>
    %slice3A_2 = vector.extract_strided_slice %get3A_1 {offsets = [0, 1], sizes = [10240, 1], strides = [1, 1]} : vector<10240x2xf32> to vector<10240x1xf32>
    %add3A = arith.addf %slice3A, %slice3A_2 : vector<10240x1xf32>
    %sub3A = arith.constant 1.000000e+00 : f32
    %sub3A_3 = vector.broadcast %sub3A : f32 to vector<10240x1xf32>
    %sub3A_4 = arith.subf %add3A, %sub3A_3 : vector<10240x1xf32>
    %rsqrt3A = math.rsqrt %sub3A_4 : vector<10240x1xf32>
    %get3A_5 = arith.constant 0 : index
    %get3A_6 = arith.constant 0 : index
    %get3A_7 = arith.constant 0 : index
    %get3A_8 = vector.load %arg0[%get3A_5, %get3A_6, %get3A_7] : memref<2x5120x128xf32, #tpu.memory_space<vmem>>, vector<1x5120x128xf32>
    %get3A_9 = vector.shape_cast %get3A_8 : vector<1x5120x128xf32> to vector<5120x128xf32>
    %get3A_10 = arith.constant 1 : index
    %get3A_11 = arith.constant 0 : index
    %get3A_12 = arith.constant 0 : index
    %get3A_13 = vector.load %arg0[%get3A_10, %get3A_11, %get3A_12] : memref<2x5120x128xf32, #tpu.memory_space<vmem>>, vector<1x5120x128xf32>
    %get3A_14 = vector.shape_cast %get3A_13 : vector<1x5120x128xf32> to vector<5120x128xf32>
    %add3A_15 = arith.addf %get3A_9, %get3A_14 : vector<5120x128xf32>
    %get3A_16 = arith.constant 0 : index
    %get3A_17 = arith.constant 0 : index
    %get3A_18 = vector.load %arg1[%get3A_16, %get3A_17] : memref<5120x128xf32, #tpu.memory_space<vmem>>, vector<5120x128xf32>
    %sub3A_19 = arith.subf %add3A_15, %get3A_18 : vector<5120x128xf32>
    %slice3A_20 = vector.extract_strided_slice %sub3A_19 {offsets = [0, 0], sizes = [5120, 64], strides = [1, 1]} : vector<5120x128xf32> to vector<5120x64xf32>
    %slice3A_21 = vector.extract_strided_slice %sub3A_19 {offsets = [0, 64], sizes = [5120, 64], strides = [1, 1]} : vector<5120x128xf32> to vector<5120x64xf32>
    %concatenate3A = tpu.concatenate %slice3A_20, %slice3A_21 in 0 : vector<5120x64xf32>, vector<5120x64xf32> -> vector<10240x64xf32>
    %slice3A_22 = vector.extract_strided_slice %concatenate3A {offsets = [0, 0], sizes = [10000, 64], strides = [1, 1]} : vector<10240x64xf32> to vector<10000x64xf32>
    %slice3A_23 = vector.extract_strided_slice %rsqrt3A {offsets = [0, 0], sizes = [10000, 1], strides = [1, 1]} : vector<10240x1xf32> to vector<10000x1xf32>
    %mul3A = vector.broadcast %slice3A_23 : vector<10000x1xf32> to vector<10000x64xf32>
    %mul3A_24 = arith.mulf %slice3A_22, %mul3A : vector<10000x64xf32>
    %get3A_25 = arith.constant 0 : index
    %get3A_26 = arith.constant 0 : index
    %get3A_27 = vector.load %arg3[%get3A_25, %get3A_26] : memref<1x64xf32, #tpu.memory_space<vmem>>, vector<1x64xf32>
    %add3A_28 = vector.broadcast %get3A_27 : vector<1x64xf32> to vector<10000x64xf32>
    %add3A_29 = arith.addf %mul3A_24, %add3A_28 : vector<10000x64xf32>
    %max3A = arith.constant 0.000000e+00 : f32
    %max3A_30 = vector.broadcast %max3A : f32 to vector<10000x64xf32>
    %max3A_31 = arith.maximumf %add3A_29, %max3A_30 : vector<10000x64xf32>
    %swap3A = arith.constant 0 : index
    %swap3A_32 = arith.constant 0 : index
    %swap3A_33 = vector.load %arg4[%swap3A, %swap3A_32] : memref<10000x64xf32, #tpu.memory_space<vmem>>, vector<10000x64xf32>
    tpu.vector_store %arg4[%swap3A, %swap3A_32], %max3A_31 {strides = array<i32>} : memref<10000x64xf32, #tpu.memory_space<vmem>>, vector<10000x64xf32>,
    return
  }
}

</mosaic_0001>

<sc_bundles>
// kernel: gather_offload_async_start
scs
__scs_entry_jumppad:
0x0: {  	(pc) =	sbr.rel $0x88, $3  }
0x1: {  	(tag) =	ssettag $0x0;
	lr =	simm.s32 $0x1  }
0x2: {  	[smem:$0x3F99] =	sst lr;
	_ =	strace $0xD0000000  }
0x3: {  	_ = 	snop  }
0x4: {  	_ = 	snop  }
0x5: {  	_ = 	snop  }
0x6: {  	_ = 	snop  }
0x7: {  	_ = 	snop  }
__scs_overlays_trampoline_lowered:
0x8: {  	[smem:$0x3FA8] =	sst s0  }
0x9: {  	[smem:$0x3FA9] =	sst s1  }
0xa: {  	[smem:$0x3FAA] =	sst s2  }
0xb: {  	[smem:$0x3FAB] =	sst s3  }
0xc: {  	[smem:$0x3FAC] =	sst s4  }
0xd: {  	[smem:$0x3FAD] =	sst s5  }
0xe: {  	[smem:$0x3FAE] =	sst s6  }
0xf: {  	[smem:$0x3FAF] =	sst s7  }
0x10: {  	[smem:$0x3FB0] =	sst s8  }
0x11: {  	[smem:$0x3FB1] =	sst s9;
	s0 =	simm.s32 @!p0 $0x0  }
0x12: {  	s1 =	sld [smem:$0x3F97];
	s0 =	simm.s32 @p0 $0x1  }
0x13: {  	[smem:$0x3FB2] =	sst s0;
	s0 =	simm.s32 @!p1 $0x0  }
0x14: {  	s2 =	sld [smem:$0x3F96];
	s0 =	simm.s32 @p1 $0x1  }
0x15: {  	[smem:$0x3FB3] =	sst s0;
	s0 =	simm.s32 @!p2 $0x0  }
0x16: {  	s3 =	sld [smem:$0x3FDB];
	s0 =	simm.s32 @p2 $0x1  }
0x17: {  	s4 =	simm.s32 $0x1BF5;
	[smem:$0x3FB5] =	sst s0  }
0x18: {  	s0 =	sld [smem:$0x3F98];
	_ =	swait.ge [sflag:s4], $0x0  }
0x19: {  	s7 =	sld [smem:$0x3F99]  }
0x1a: {  	s8 =	sadd.s32 $0xFFFFE003, lr  }
0x1b: {  	s9 =	sadd.s32 $0xFFFFFEF7, lr;
	s5 =	simm.s32 $0xFFFFFFFF;
	p2 =	slt.u32 s8, $0xFFFFF086  }
0x1c: {  	p1 =	slt.u32 s9, $0xF7A;
	s5 =	simm.s32 @!p2 $0x0  }
0x1d: {  	s5 =	simm.s32 @p1 $0x1;
	p0 =	seq.s32 s7, s2  }
0x1e: {  	s7 =	smul.u32 @!p0 $0xF7A, s2;
	p2 =	seq.s32 @!p0 s5, $0x0  }
0x1f: {  	s9 =	smul.u32 $0xF7A, s1;
	s8 =	simm.s32 @!p0 $0x1BF5;
	p2 =	por !p2, p0  }
0x20: {  	[sflag:s8] =	ssyncset.s32 @!p0 $0xFFFFF086;
	s6 =	sadd.s32 @!p0 s3, s7;
	s7 =	simm.s32 @!p0 $0x108  }
0x21: {  	s3 =	sadd.s32 s3, s9;
	s6 =	sadd.s32 @!p0 $0x88, s6;
	s7 =	simm.s32 @p2 $0x1082  }
0x22: {  	[simem:s7], [sflag:s8] =	dma.local @!p0 [hbm:s6], $0xF7A  }
0x23: {  	s9 =	sor.u32 $0xD0000000, s2;
	s6 =	simm.s32 $0x108;
	_ =	swait.ge @!p0 [sflag:s8], $0x0  }
0x24: {  	s3 =	sadd.s32 $0x88, s3;
	s6 =	simm.s32 @!p1 $0x1082;
	[sflag:s4] =	ssyncset.s32 $0xFFFFF086  }
0x25: {  	[simem:s6], [sflag:s4] =	dma.local [hbm:s3], $0xF7A  }
0x26: {  	[smem:$0x3F99] =	sst s1;
	(tag) =	ssettag s2;
	_ =	strace s9  }
0x27: {  	s1 =	sld [smem:$0x3FA9]  }
0x28: {  	s2 =	sld [smem:$0x3FAA]  }
0x29: {  	s4 =	sld [smem:$0x3FAC]  }
0x2a: {  	p0 =	seq.s32 s5, $0x0;
	s5 =	sld [smem:$0x3FAD]  }
0x2b: {  	s6 =	sld [smem:$0x3FAE]  }
0x2c: {  	s7 =	sld [smem:$0x3FAF]  }
0x2d: {  	s3 =	simm.s32 $0x108;
	s8 =	sld [smem:$0x3FB0]  }
0x2e: {  	s3 =	simm.s32 @!p0 $0x1082;
	s9 =	sld [smem:$0x3FB1]  }
0x2f: {  	lr =	sadd.s32 s0, s3;
	s0 =	sld [smem:$0x3FA8]  }
0x30: {  	s3 =	sld [smem:$0x3FAB]  }
0x31: {  	[smem:$0x3FB4] =	sst s10  }
0x32: {  	s10 =	sld [smem:$0x3FB2];
	_ =	sdelay $0x3  }
0x33: {  	p0 =	seq.s32 s10, $0x1;
	s10 =	sld [smem:$0x3FB4];
	_ =	sdelay $0x3  }
0x34: {  	[smem:$0x3FB4] =	sst s10  }
0x35: {  	s10 =	sld [smem:$0x3FB3];
	_ =	sdelay $0x3  }
0x36: {  	p1 =	seq.s32 s10, $0x1;
	s10 =	sld [smem:$0x3FB4];
	_ =	sdelay $0x3  }
0x37: {  	[smem:$0x3FB4] =	sst s10  }
0x38: {  	s10 =	sld [smem:$0x3FB5]  }
0x39: {  	_ = 	snop;
	(pc) =	sbr.ind lr, $3  }
0x3a: {  	_ = 	snop  }
0x3b: {  	_ = 	snop  }
0x3c: {  	p2 =	seq.s32 s10, $0x1;
	s10 =	sld [smem:$0x3FB4]  }
0x3d: {  	_ =	shalt  }
0x3e: {  	_ =	shalt  }
0x3f: {  	_ =	shalt  }
0x40: {  	_ =	shalt  }
0x41: {  	_ =	shalt  }
0x42: {  	_ =	shalt  }
0x43: {  	_ =	shalt  }
0x44: {  	_ =	shalt  }
0x45: {  	_ =	shalt  }
0x46: {  	_ =	shalt  }
0x47: {  	_ =	shalt  }
0x48: {  	_ =	shalt  }
0x49: {  	_ =	shalt  }
0x4a: {  	_ =	shalt  }
0x4b: {  	_ =	shalt  }
0x4c: {  	_ =	shalt  }
0x4d: {  	_ =	shalt  }
0x4e: {  	_ =	shalt  }
0x4f: {  	_ =	shalt  }
0x50: {  	_ =	shalt  }
0x51: {  	_ =	shalt  }
0x52: {  	_ =	shalt  }
0x53: {  	_ =	shalt  }
0x54: {  	_ =	shalt  }
0x55: {  	_ =	shalt  }
0x56: {  	_ =	shalt  }
0x57: {  	_ =	shalt  }
0x58: {  	_ =	shalt  }
0x59: {  	_ =	shalt  }
0x5a: {  	_ =	shalt  }
0x5b: {  	_ =	shalt  }
0x5c: {  	_ =	shalt  }
0x5d: {  	_ =	shalt  }
0x5e: {  	_ =	shalt  }
0x5f: {  	_ =	shalt  }
0x60: {  	_ =	shalt  }
0x61: {  	_ =	shalt  }
0x62: {  	_ =	shalt  }
0x63: {  	_ =	shalt  }
0x64: {  	_ =	shalt  }
0x65: {  	_ =	shalt  }
0x66: {  	_ =	shalt  }
0x67: {  	_ =	shalt  }
0x68: {  	_ =	shalt  }
0x69: {  	_ =	shalt  }
0x6a: {  	_ =	shalt  }
0x6b: {  	_ =	shalt  }
0x6c: {  	_ =	shalt  }
0x6d: {  	_ =	shalt  }
0x6e: {  	_ =	shalt  }
0x6f: {  	_ =	shalt  }
0x70: {  	_ =	shalt  }
0x71: {  	_ =	shalt  }
0x72: {  	_ =	shalt  }
0x73: {  	_ =	shalt  }
0x74: {  	_ =	shalt  }
0x75: {  	_ =	shalt  }
0x76: {  	_ =	shalt  }
0x77: {  	_ =	shalt  }
0x78: {  	_ =	shalt  }
0x79: {  	_ =	shalt  }
0x7a: {  	_ =	shalt  }
0x7b: {  	_ =	shalt  }
0x7c: {  	_ =	shalt  }
0x7d: {  	_ =	shalt  }
0x7e: {  	_ =	shalt  }
0x7f: {  	_ =	shalt  }
0x80: {  	_ =	shalt  }
0x81: {  	_ =	shalt  }
0x82: {  	_ =	shalt  }
0x83: {  	_ =	shalt  }
0x84: {  	_ =	shalt  }
0x85: {  	_ =	shalt  }
0x86: {  	_ =	shalt  }
0x87: {  	_ =	shalt  }
.Lfunc_end0:
.L_simem_size_0:
called_computation_lowered:
.L_overlay_start_0:
0x88: {  	s2 =	sld [smem:$0x3FD9]  }
0x89: {  	s3 =	sld [smem:$0x3FFE];
	_ =	sdelay $0x1  }
0x8a: {  	s1 =	srdreg.scid  }
0x8b: {  	s0 =	sand.u32 $0x1, s1  }
0x8c: {  	s16 =	sshll.u32 s0, $0xA;
	s2 =	sadd.s32 s3, s2  }
0x8d: {  	s2 =	sadd.s32 s2, s16  }
0x8e: {  	[smem:$0x3FC0] =	sst s2  }
0x8f: {  	_ = 	snop  }
0x90: {  	(tm) =	ssettm $0x1  }
0x91: {  	s17 =	sld [smem:$0x3FFB];
	_ =	sdelay $0x3  }
0x92: {  	_ =	strace s17  }
0x93: {  	s2 =	sld [smem:$0x3FFC];
	_ =	sdelay $0x3  }
0x94: {  	_ =	strace s2  }
0x95: {  	s2 =	sld [smem:$0x3FFD];
	_ =	sdelay $0x3  }
0x96: {  	_ =	strace s2  }
0x97: {  	_ =	strace $0x8FFFFFFF  }
0x98: {  	s18 =	sld [smem:$0x3FDB];
	_ =	sdelay $0x1  }
0x99: {  	s19 =	simm.s32 $_scs_section_size  }
0x9a: {  	s4 =	simm.s32 $_size__tile_overlayer_lowered;
	s5 =	simm.s32 $_tile_overlayer_lowered  }
0x9b: {  	s22 =	simm.s32 $0x1BFF;
	s21 =	sshll.u32 s5, $0x1;
	s2 =	sadd.s32 s19, s18  }
0x9c: {  	s6 =	simm.s32 $0x0;
	s20 =	sshll.u32 s4, $0x1;
	s4 =	sadd.s32 s21, s2  }
0x9d: {  	[timem:s6], [sflag:s22] =	dma.local [hbm:s4], s20  }
0x9e: {  	_ =	swait.ge [sflag:s22], s20  }
0x9f: {  	s3 =	ssub.s32 $0x0, s20;
	[sflag:s22] =	ssyncset.done $0x0  }
0xa0: {  	[sflag:s22] =	ssyncadd.s32 s3;
	_ =	sdelay $0x1  }
0xa1: {  	s23 =	simm.s32 $0x1B8B  }
0xa2: {  	_ =	swait.ge [sflag:s23], $0x1  }
0xa3: {  	[sflag:s23] =	ssyncset.done $0x0  }
0xa4: {  	s25 =	simm.s32 $0x1B8E;
	s24 =	sld [smem:$0x3FFE];
	[sflag:s23] =	ssyncadd.s32 $0xFFFFFFFF  }
0xa5: {  	s26 =	simm.s32 $execute0_lowered;
	[smem:$0x3FD2] =	sst s25  }
0xa6: {  	s4 =	sshll.u32 s26, $0x1;
	_ =	strace $0x80000049;
	[dreg:$0x1] =	wrdreg $0xFFFFFFFF  }
0xa7: {  	s28 =	simm.s32 $_size_execute0_lowered;
	s2 =	sadd.s32 s2, s4;
	[dreg:$0x0] =	wrdreg $0x0  }
0xa8: {  	s4 =	sshll.u32 s28, $0x1;
	[dreg:$0x2] =	wrdreg s2  }
0xa9: {  	[dreg:$0x3] =	wrdreg s4  }
0xaa: {  	[dreg:$0x4] =	wrdreg $0xC0  }
0xab: {  	_ =	task [dreg:s6], $0x5FFFF  }
0xac: {  	[dreg:$0x1] =	wrdreg $0xFFFFFFFF  }
0xad: {  	[dreg:$0x0] =	wrdreg $0x60  }
0xae: {  	[dreg:$0x2] =	wrdreg s24  }
0xaf: {  	[dreg:$0x3] =	wrdreg $0x9  }
0xb0: {  	_ =	task.clear_ibuf [dreg:s6], $0x4FFFF;
	_ =	strace $0x90000049  }
0xb1: {  	s29 =	simm.s32 $0x9;
	_ =	strace $0x8000004B  }
0xb2: {  	_ =	swait.ge [sflag:s29], $0x1  }
0xb3: {  	[sflag:s29] =	ssyncadd.s32 $0xFFFFFFFF  }
0xb4: {  	_ =	strace $0x9000004B  }
0xb5: {  	_ =	sfence  }
0xb6: {  	s30 =	sld [smem:$0x0];
	_ =	sdelay $0x2  }
0xb7: {  	s31 =	sshll.u32 s1, $0xD;
	s1 =	sshrl.u32 s1, $0x2  }
0xb8: {  	s3 =	sand.u32 $0x4000, s31;
	s1 =	sadd.s32 s1, s30  }
0xb9: {  	s0 =	sor.u32 s3, s0;
	s1 =	sshll.u32 s1, $0x11  }
0xba: {  	s0 =	sor.u32 s1, s0  }
0xbb: {  	s0 =	sadd.s32 $0x8F2B, s0  }
0xbc: {  	[sflag:s0] =	ssyncadd.remote.s32 $0x1  }
0xbd: {  	_ =	sfence.sel $0xFFFF  }
0xbe: {  	[dreg:$0x0] =	wrdreg $0xFFFFFFFF;
	(pc) =	sbr.abs _section_cstart, $3  }
0xbf: {  	[dreg:$0x1] =	wrdreg $0xFFFFFFFF  }
0xc0: {  	_ =	task.clear_ibuf [dreg:s6], $0x2FFFF;
	_ =	strace $0x9FFFFFFF  }
0xc1: {  	(tm) =	ssettm $0x7FFFFFFF  }
tec
execute0_lowered:
.L_overlay_start_1:
0x0: {  	(tag) =	ssettag $0x1  }
0x1: {  	s0 =	srdreg.scid  }
0x2: {  	s1 =	sshll.u32 s0, $0x4  }
0x3: {  	s0 =	stileid.u32;
	s1 =	sand.u32 $0x10, s1  }
0x4: {  	s1 =	sor.u32 s0, s1  }
0x5: {  	s9 =	rddreg [dreg:$0x0];
	s6 =	simm.s32 $0x1;
	s2 =	smin.u32 s1, $0x8  }
0x6: {  	p0 =	slt.u32 s1, $0x8;
	s2 =	sadd.s32 s1, s2;
	s1 =	simm.s32 $0x200  }
0x7: {  	s7 =	simm.s32 $0x2;
	s2 =	sshll.u32 s2, $0x8;
	s1 =	simm.s32 @!p0 $0x100  }
0x8: {  	s10 =	simm.s32 $0x3;
	s13 =	simm.s32 $0x0;
	s3 =	sadd.s32 s1, s2  }
0x9: {  	s12 =	simm.s32 $0x0;
	s4 =	sadd.s32 $0x4600, s9;
	s3 =	smin.u32 s3, $0x2800  }
.Ltmp0:
0xa: {  	s5 =	sadd.s32 $0x4000, s9;
	s8 =	ssub.s32 s3, s2;
	(pc) =	sbr.rel .LBB2_1-.Ltmp0, $4  }
0xb: {  	s1 =	rddreg [dreg:$0x1];
	_ =	strace $0x8000004A;
	p0 =	sgt.s32 s8, $0x0  }
0xc: {  	s9 =	sadd.s32 $0x2C600, s9;
	[sflag:s6] =	ssyncpa.u1 $0x0;
	s8 =	simm.s32 @!p0 $0x0  }
0xd: {  	s11 =	smov.u32 s2;
	[sflag:s7] =	ssyncpa.u1 $0x0;
	s8 =	sshrl.u32 s8, $0x8  }
0xe: {  	vm0 =	vmmov $0xff;
	vm1 =	vcmask $0x3F20;
	[sflag:s10] =	ssyncpa.u1 $0x0;
	p0 =	por $0x0, $0x0;
	s10 =	sadd.s32 $0x1, s8  }
.LBB2_6:
0xf: {  	[hbm:s17] =	stream.linear.scatter [tilespmem:s14], [sflag:$0x3], $0x400, $0x38;
	[tilespmem:$0x10200] =	vst v63  }
.LBB2_7:
0x10: {  	s13 =	sadd.s32 $0x100, s11  }
0x11: {  	s15 =	smov.u32 s2;
	p2 =	slt.s32 s13, s3  }
0x12: {  	s15 =	smov.u32 @p2 s13;
	p2 =	sne.s32 s12, s10  }
.Ltmp1:
0x13: {  	p1 =	slt.u32 s12, $0x2;
	(pc) =	sbr.rel @!p2 .LBB2_8-.Ltmp1, $4  }
0x14: {  	s14 =	simm.s32 @!p1 $0x3  }
0x15: {  	s16 =	sadd.s32 $0x1, s12;
	_ =	swait.ge @!p1 [sflag:s14], $0x8000  }
0x16: {  	p0 =	por !p0, !p0;
	s13 =	smov.u32 s11;
	[sflag:s14] =	ssyncset.done @!p1 $0x0  }
0x17: {  	s12 =	smov.u32 s16;
	s11 =	smov.u32 s15;
	[sflag:s14] =	ssyncadd.s32 @!p1 $0xFFFF8000  }
.LBB2_1:
0x18: {  	p1 =	sge.u32 s12, s8  }
0x19: {  	s14 =	sxor.u32 @!p1 $0xFFFFFFFF, s12  }
0x1a: {  	s31 =	sadd.s32 $0xFFFFFFFF, s12;
	s15 =	sshrl.u32 @!p1 s11, $0x3;
	s14 =	sshll.u32 @!p1 s14, $0x8  }
0x1b: {  	s16 =	sand.u32 @!p1 $0x7, s11;
	s15 =	sadd.s32 @!p1 s5, s15;
	s14 =	sand.u32 @!p1 $0x100, s14  }
0x1c: {  	[tilespmem:s14], [sflag:$0x2] =	stream.linear.gather @!p1 [hbm4b:s15+s16], $0x100, $0x38;
	[tilespmem:$0x10200] =	vst v63  }
0x1d: {  	p1 =	sge.u32 s31, s8  }
.Ltmp2:
0x1e: {  	_ = 	snop;
	(pc) =	sbr.rel @p1 .LBB2_7-.Ltmp2, $1  }
0x1f: {  	_ =	sdelay $0x3  }
0x20: {  	s14 =	simm.s32 $0x1  }
0x21: {  	_ =	swait.ge [sflag:s7], $0x100;
	s14 =	simm.s32 @!p0 $0x0  }
0x22: {  	[sflag:s7] =	ssyncset.done $0x0;
	s16 =	sshll.u32 s14, $0x8  }
0x23: {  	[sflag:s7] =	ssyncadd.s32 $0xFFFFFF00;
	s15 =	sadd.s32 $0x0, s16  }
0x24: {  	v0 =	vld.msk [tilespmem:s15+$0x0 ss:$0x1], $0xffff;
	_ =	sdelay $0x4  }
0x25: {  	vm2 =	vgt.s32 v0, $0x0  }
0x26: {  	v0 =	vnsel vm2, $0x0, v0  }
0x27: {  	v0 =	vmin.u32 v0, $0x27FF  }
0x28: {  	v0 =	vshll.u32 v0, $0x4;
	_ =	sdelay $0x2  }
0x29: {  	s14 =	sshll.u32 s14, $0xF  }
0x2a: {  	s14 =	sor.u32 $0x200, s14  }
0x2b: {  	[tilespmem:s14], [sflag:$0x1] =	stream.indirect_vreg.gather [hbm:s4], $0x80, v0, vm0, $0x38;
	[tilespmem:$0x10200] =	vst v63  }
0x2c: {  	s17 =	sadd.s32 $0x10, s16;
	s15 =	sadd.s32 $0x400, s14  }
0x2d: {  	[tilespmem:s15], [sflag:$0x1] =	stream.indirect_vreg.gather [hbm:s4], $0x80, v0, vm1, $0x38;
	[tilespmem:$0x10200] =	vst v63  }
0x2e: {  	s18 =	simm.s32 $0x80;
	v0 =	vld.msk [tilespmem:s17+$0x0 ss:$0x1], $0xffff;
	s17 =	smov.u32 s14  }
.LBB2_3:
0x2f: {  	p1 =	sne.s32 s18, $0x3C0;
	_ =	sdelay $0x4  }
0x30: {  	vm2 =	vgt.s32 v0, $0x0  }
0x31: {  	v0 =	vnsel vm2, $0x0, v0  }
0x32: {  	v0 =	vmin.u32 v0, $0x27FF  }
0x33: {  	v0 =	vshll.u32 v0, $0x4;
	_ =	sdelay $0x3  }
.Ltmp3:
0x34: {  	s19 =	sshra.s32 s18, $0x2;
	s17 =	sadd.s32 $0x800, s17;
	(pc) =	sbr.rel @p1 .LBB2_3-.Ltmp3, $4  }
0x35: {  	[tilespmem:s17], [sflag:$0x1] =	stream.indirect_vreg.gather [hbm:s4], $0x80, v0, vm0, $0x38;
	[tilespmem:$0x10200] =	vst v63  }
0x36: {  	s19 =	sadd.s32 s19, s16;
	s20 =	sadd.s32 $0x400, s17  }
0x37: {  	[tilespmem:s20], [sflag:$0x1] =	stream.indirect_vreg.gather [hbm:s4], $0x80, v0, vm1, $0x38;
	[tilespmem:$0x10200] =	vst v63  }
0x38: {  	s18 =	sadd.s32 $0x40, s18;
	v0 =	vld.msk [tilespmem:s19+$0x0 ss:$0x1], $0xffff  }
0x39: {  	_ =	sdelay $0x3  }
0x3a: {  	vm2 =	vgt.s32 v0, $0x0  }
0x3b: {  	v0 =	vnsel vm2, $0x0, v0  }
0x3c: {  	v0 =	vmin.u32 v0, $0x27FF  }
0x3d: {  	v0 =	vshll.u32 v0, $0x4;
	_ =	sdelay $0x3  }
0x3e: {  	s16 =	sadd.s32 $0x800, s17  }
0x3f: {  	[tilespmem:s16], [sflag:$0x1] =	stream.indirect_vreg.gather [hbm:s4], $0x80, v0, vm0, $0x38;
	[tilespmem:$0x10200] =	vst v63  }
0x40: {  	s16 =	sadd.s32 $0x400, s16  }
0x41: {  	[tilespmem:s16], [sflag:$0x1] =	stream.indirect_vreg.gather [hbm:s4], $0x80, v0, vm1, $0x38;
	[tilespmem:$0x10200] =	vst v63  }
0x42: {  	s13 =	sshll.u32 s13, $0x4;
	_ =	swait.ge [sflag:s6], $0x8000  }
0x43: {  	s13 =	sadd.s32 s13, s9;
	[sflag:s6] =	ssyncset.done $0x0  }
0x44: {  	s17 =	sadd.s32 $0x0, s13;
	s16 =	simm.s32 $0x80;
	[sflag:s6] =	ssyncadd.s32 $0xFFFF8000  }
.LBB2_5:
0x45: {  	[hbm:s17] =	stream.linear.scatter [tilespmem:s14], [sflag:$0x3], $0x400, $0x38;
	[tilespmem:$0x10200] =	vst v63  }
0x46: {  	s17 =	smov.u32 s16;
	s14 =	smov.u32 s15;
	p1 =	sne.s32 s16, $0xF80  }
.Ltmp4:
0x47: {  	s16 =	sadd.s32 $0x80, s16;
	(pc) =	sbr.rel @p1 .LBB2_5-.Ltmp4, $2  }
0x48: {  	_ =	sdelay $0x2  }
0x49: {  	s15 =	sadd.s32 $0x400, s15;
	s17 =	sadd.s32 s17, s13  }
.Ltmp5:
0x4a: {  	_ = 	snop;
	(pc) =	sbr.rel .LBB2_6-.Ltmp5, $1  }
0x4b: {  	_ =	sdelay $0x3  }
.LBB2_8:
0x4c: {  	_ =	sfence.sel $0x180000  }
0x4d: {  	s2 =	simm.s32 $0x2;
	[bflag:$0x0] =	sbarrier.arrive $0xFFFF  }
0x4e: {  	s30 =	simm.s32 $0x3;
	[sflag:s2] =	ssyncpa.u1 $0x1  }
0x4f: {  	s31 =	simm.s32 $0x1;
	[sflag:s30] =	ssyncpa.u1 $0x1  }
0x50: {  	[sflag:s31] =	ssyncpa.u1 $0x1  }
0x51: {  	p0 =	sne.s32 s0, $0x0;
	_ =	strace $0x9000004A  }
0x52: {  	s0 =	sadd.s32 @!p0 $0x100000, s1;
	[bflag:$0x2] =	sbarrier.arrive $0xFFFF  }
0x53: {  	[sflag:s0] =	ssyncadd.tile.s32 @!p0 $0x1;
	_ =	shalt  }
.Lfunc_end2:
_tile_overlayer_lowered:
.L_overlay_start_2:
0x54: {  	(tag) =	ssettag $0x2  }
0x55: {  	s0 =	rddreg [dreg:$0x0];
	s2 =	stileid.u32  }
0x56: {  	s1 =	rddreg [dreg:$0x1];
	p0 =	sne.s32 s2, $0x0  }
0x57: {  	s3 =	rddreg [dreg:$0x2];
	[bflag:$0x3] =	sbarrier.arrive $0xFFFF;
	s2 =	simm.s32 @!p0 $0x1C01  }
0x58: {  	[timem:s3], [sflag:s2] =	dma.local @!p0 [hbm:s0], s1  }
0x59: {  	s0 =	simm.s32 @!p0 $0x1  }
0x5a: {  	_ =	swait.ge @!p0 [sflag:s0], s1  }
0x5b: {  	s1 =	ssub.s32 @!p0 $0x0, s1;
	[sflag:s0] =	ssyncset.done @!p0 $0x0  }
0x5c: {  	[sflag:s0] =	ssyncadd.s32 @!p0 s1  }
0x5d: {  	[bflag:$0x3] =	sbarrier.arrive $0xFFFF  }
0x5e: {  	_ =	shalt  }

// kernel: kernel.10.cloned.1.call-start
scs
__scs_entry_jumppad:
0x0: {  	(pc) =	sbr.rel $0x88, $3  }
0x1: {  	(tag) =	ssettag $0x0;
	lr =	simm.s32 $0x1  }
0x2: {  	[smem:$0x3F99] =	sst lr;
	_ =	strace $0xD0000000  }
0x3: {  	_ = 	snop  }
0x4: {  	_ = 	snop  }
0x5: {  	_ = 	snop  }
0x6: {  	_ = 	snop  }
0x7: {  	_ = 	snop  }
__scs_overlays_trampoline_lowered:
0x8: {  	[smem:$0x3FA8] =	sst s0  }
0x9: {  	[smem:$0x3FA9] =	sst s1  }
0xa: {  	[smem:$0x3FAA] =	sst s2  }
0xb: {  	[smem:$0x3FAB] =	sst s3  }
0xc: {  	[smem:$0x3FAC] =	sst s4  }
0xd: {  	[smem:$0x3FAD] =	sst s5  }
0xe: {  	[smem:$0x3FAE] =	sst s6  }
0xf: {  	[smem:$0x3FAF] =	sst s7  }
0x10: {  	[smem:$0x3FB0] =	sst s8  }
0x11: {  	[smem:$0x3FB1] =	sst s9;
	s0 =	simm.s32 @!p0 $0x0  }
0x12: {  	s1 =	sld [smem:$0x3F97];
	s0 =	simm.s32 @p0 $0x1  }
0x13: {  	[smem:$0x3FB2] =	sst s0;
	s0 =	simm.s32 @!p1 $0x0  }
0x14: {  	s2 =	sld [smem:$0x3F96];
	s0 =	simm.s32 @p1 $0x1  }
0x15: {  	[smem:$0x3FB3] =	sst s0;
	s0 =	simm.s32 @!p2 $0x0  }
0x16: {  	s3 =	sld [smem:$0x3FDB];
	s0 =	simm.s32 @p2 $0x1  }
0x17: {  	s4 =	simm.s32 $0x1BF5;
	[smem:$0x3FB5] =	sst s0  }
0x18: {  	s0 =	sld [smem:$0x3F98];
	_ =	swait.ge [sflag:s4], $0x0  }
0x19: {  	s7 =	sld [smem:$0x3F99]  }
0x1a: {  	s8 =	sadd.s32 $0xFFFFE003, lr  }
0x1b: {  	s9 =	sadd.s32 $0xFFFFFEF7, lr;
	s5 =	simm.s32 $0xFFFFFFFF;
	p2 =	slt.u32 s8, $0xFFFFF086  }
0x1c: {  	p1 =	slt.u32 s9, $0xF7A;
	s5 =	simm.s32 @!p2 $0x0  }
0x1d: {  	s5 =	simm.s32 @p1 $0x1;
	p0 =	seq.s32 s7, s2  }
0x1e: {  	s7 =	smul.u32 @!p0 $0xF7A, s2;
	p2 =	seq.s32 @!p0 s5, $0x0  }
0x1f: {  	s9 =	smul.u32 $0xF7A, s1;
	s8 =	simm.s32 @!p0 $0x1BF5;
	p2 =	por !p2, p0  }
0x20: {  	[sflag:s8] =	ssyncset.s32 @!p0 $0xFFFFF086;
	s6 =	sadd.s32 @!p0 s3, s7;
	s7 =	simm.s32 @!p0 $0x108  }
0x21: {  	s3 =	sadd.s32 s3, s9;
	s6 =	sadd.s32 @!p0 $0x88, s6;
	s7 =	simm.s32 @p2 $0x1082  }
0x22: {  	[simem:s7], [sflag:s8] =	dma.local @!p0 [hbm:s6], $0xF7A  }
0x23: {  	s9 =	sor.u32 $0xD0000000, s2;
	s6 =	simm.s32 $0x108;
	_ =	swait.ge @!p0 [sflag:s8], $0x0  }
0x24: {  	s3 =	sadd.s32 $0x88, s3;
	s6 =	simm.s32 @!p1 $0x1082;
	[sflag:s4] =	ssyncset.s32 $0xFFFFF086  }
0x25: {  	[simem:s6], [sflag:s4] =	dma.local [hbm:s3], $0xF7A  }
0x26: {  	[smem:$0x3F99] =	sst s1;
	(tag) =	ssettag s2;
	_ =	strace s9  }
0x27: {  	s1 =	sld [smem:$0x3FA9]  }
0x28: {  	s2 =	sld [smem:$0x3FAA]  }
0x29: {  	s4 =	sld [smem:$0x3FAC]  }
0x2a: {  	p0 =	seq.s32 s5, $0x0;
	s5 =	sld [smem:$0x3FAD]  }
0x2b: {  	s6 =	sld [smem:$0x3FAE]  }
0x2c: {  	s7 =	sld [smem:$0x3FAF]  }
0x2d: {  	s3 =	simm.s32 $0x108;
	s8 =	sld [smem:$0x3FB0]  }
0x2e: {  	s3 =	simm.s32 @!p0 $0x1082;
	s9 =	sld [smem:$0x3FB1]  }
0x2f: {  	lr =	sadd.s32 s0, s3;
	s0 =	sld [smem:$0x3FA8]  }
0x30: {  	s3 =	sld [smem:$0x3FAB]  }
0x31: {  	[smem:$0x3FB4] =	sst s10  }
0x32: {  	s10 =	sld [smem:$0x3FB2];
	_ =	sdelay $0x3  }
0x33: {  	p0 =	seq.s32 s10, $0x1;
	s10 =	sld [smem:$0x3FB4];
	_ =	sdelay $0x3  }
0x34: {  	[smem:$0x3FB4] =	sst s10  }
0x35: {  	s10 =	sld [smem:$0x3FB3];
	_ =	sdelay $0x3  }
0x36: {  	p1 =	seq.s32 s10, $0x1;
	s10 =	sld [smem:$0x3FB4];
	_ =	sdelay $0x3  }
0x37: {  	[smem:$0x3FB4] =	sst s10  }
0x38: {  	s10 =	sld [smem:$0x3FB5]  }
0x39: {  	_ = 	snop;
	(pc) =	sbr.ind lr, $3  }
0x3a: {  	_ = 	snop  }
0x3b: {  	_ = 	snop  }
0x3c: {  	p2 =	seq.s32 s10, $0x1;
	s10 =	sld [smem:$0x3FB4]  }
0x3d: {  	_ =	shalt  }
0x3e: {  	_ =	shalt  }
0x3f: {  	_ =	shalt  }
0x40: {  	_ =	shalt  }
0x41: {  	_ =	shalt  }
0x42: {  	_ =	shalt  }
0x43: {  	_ =	shalt  }
0x44: {  	_ =	shalt  }
0x45: {  	_ =	shalt  }
0x46: {  	_ =	shalt  }
0x47: {  	_ =	shalt  }
0x48: {  	_ =	shalt  }
0x49: {  	_ =	shalt  }
0x4a: {  	_ =	shalt  }
0x4b: {  	_ =	shalt  }
0x4c: {  	_ =	shalt  }
0x4d: {  	_ =	shalt  }
0x4e: {  	_ =	shalt  }
0x4f: {  	_ =	shalt  }
0x50: {  	_ =	shalt  }
0x51: {  	_ =	shalt  }
0x52: {  	_ =	shalt  }
0x53: {  	_ =	shalt  }
0x54: {  	_ =	shalt  }
0x55: {  	_ =	shalt  }
0x56: {  	_ =	shalt  }
0x57: {  	_ =	shalt  }
0x58: {  	_ =	shalt  }
0x59: {  	_ =	shalt  }
0x5a: {  	_ =	shalt  }
0x5b: {  	_ =	shalt  }
0x5c: {  	_ =	shalt  }
0x5d: {  	_ =	shalt  }
0x5e: {  	_ =	shalt  }
0x5f: {  	_ =	shalt  }
0x60: {  	_ =	shalt  }
0x61: {  	_ =	shalt  }
0x62: {  	_ =	shalt  }
0x63: {  	_ =	shalt  }
0x64: {  	_ =	shalt  }
0x65: {  	_ =	shalt  }
0x66: {  	_ =	shalt  }
0x67: {  	_ =	shalt  }
0x68: {  	_ =	shalt  }
0x69: {  	_ =	shalt  }
0x6a: {  	_ =	shalt  }
0x6b: {  	_ =	shalt  }
0x6c: {  	_ =	shalt  }
0x6d: {  	_ =	shalt  }
0x6e: {  	_ =	shalt  }
0x6f: {  	_ =	shalt  }
0x70: {  	_ =	shalt  }
0x71: {  	_ =	shalt  }
0x72: {  	_ =	shalt  }
0x73: {  	_ =	shalt  }
0x74: {  	_ =	shalt  }
0x75: {  	_ =	shalt  }
0x76: {  	_ =	shalt  }
0x77: {  	_ =	shalt  }
0x78: {  	_ =	shalt  }
0x79: {  	_ =	shalt  }
0x7a: {  	_ =	shalt  }
0x7b: {  	_ =	shalt  }
0x7c: {  	_ =	shalt  }
0x7d: {  	_ =	shalt  }
0x7e: {  	_ =	shalt  }
0x7f: {  	_ =	shalt  }
0x80: {  	_ =	shalt  }
0x81: {  	_ =	shalt  }
0x82: {  	_ =	shalt  }
0x83: {  	_ =	shalt  }
0x84: {  	_ =	shalt  }
0x85: {  	_ =	shalt  }
0x86: {  	_ =	shalt  }
0x87: {  	_ =	shalt  }
.Lfunc_end0:
.L_simem_size_0:
called_computation.1_lowered:
.L_overlay_start_0:
0x88: {  	s2 =	sld [smem:$0x3FD9]  }
0x89: {  	s3 =	sld [smem:$0x3FFE];
	_ =	sdelay $0x1  }
0x8a: {  	s1 =	srdreg.scid  }
0x8b: {  	s0 =	sand.u32 $0x1, s1  }
0x8c: {  	s17 =	sshll.u32 s0, $0xA;
	s2 =	sadd.s32 s3, s2  }
0x8d: {  	s2 =	sadd.s32 s2, s17  }
0x8e: {  	[smem:$0x3FC0] =	sst s2  }
0x8f: {  	_ = 	snop  }
0x90: {  	s2 =	sld [smem:$0x3FD0];
	(tm) =	ssettm $0x1  }
0x91: {  	s18 =	sld [smem:$0x3FFB];
	_ =	sdelay $0x3  }
0x92: {  	_ =	strace s18  }
0x93: {  	s3 =	sld [smem:$0x3FFC];
	_ =	sdelay $0x3  }
0x94: {  	_ =	strace s3  }
0x95: {  	s3 =	sld [smem:$0x3FFD];
	_ =	sdelay $0x3  }
0x96: {  	_ =	strace s3  }
0x97: {  	_ =	strace $0x8FFFFFFF  }
0x98: {  	s19 =	sld [smem:$0x3FDB];
	_ =	sdelay $0x1  }
0x99: {  	s4 =	simm.s32 $_scs_section_size  }
0x9a: {  	s5 =	simm.s32 $_size__tile_overlayer_lowered;
	s6 =	simm.s32 $_tile_overlayer_lowered  }
0x9b: {  	s22 =	simm.s32 $0x1BFF;
	s21 =	sshll.u32 s6, $0x1;
	s3 =	sadd.s32 s4, s19  }
0x9c: {  	s7 =	simm.s32 $0x0;
	s20 =	sshll.u32 s5, $0x1;
	s5 =	sadd.s32 s21, s3  }
0x9d: {  	[timem:s7], [sflag:s22] =	dma.local [hbm:s5], s20  }
0x9e: {  	_ =	swait.ge [sflag:s22], s20  }
0x9f: {  	s4 =	ssub.s32 $0x0, s20;
	[sflag:s22] =	ssyncset.done $0x0  }
0xa0: {  	[sflag:s22] =	ssyncadd.s32 s4;
	_ =	sdelay $0x1  }
0xa1: {  	s23 =	simm.s32 $0x1B8B  }
0xa2: {  	_ =	swait.ge [sflag:s23], $0x1  }
0xa3: {  	[sflag:s23] =	ssyncset.done $0x0  }
0xa4: {  	s25 =	simm.s32 $0x1B8E;
	s24 =	sld [smem:$0x3FFE];
	[sflag:s23] =	ssyncadd.s32 $0xFFFFFFFF  }
0xa5: {  	s26 =	simm.s32 $execute0_lowered;
	[smem:$0x3FD2] =	sst s25  }
0xa6: {  	s5 =	sshll.u32 s26, $0x1;
	_ =	strace $0x80000046;
	[dreg:$0x1] =	wrdreg $0xFFFFFFFF  }
0xa7: {  	s28 =	simm.s32 $_size_execute0_lowered;
	s3 =	sadd.s32 s3, s5;
	[dreg:$0x0] =	wrdreg $0x0  }
0xa8: {  	s5 =	sshll.u32 s28, $0x1;
	[dreg:$0x2] =	wrdreg s3  }
0xa9: {  	[dreg:$0x3] =	wrdreg s5  }
0xaa: {  	[dreg:$0x4] =	wrdreg $0xC0  }
0xab: {  	_ =	task [dreg:s7], $0x5FFFF  }
0xac: {  	[dreg:$0x1] =	wrdreg $0xFFFFFFFF  }
0xad: {  	[dreg:$0x0] =	wrdreg $0x60  }
0xae: {  	[dreg:$0x2] =	wrdreg s2  }
0xaf: {  	[dreg:$0x3] =	wrdreg s24  }
0xb0: {  	[dreg:$0x4] =	wrdreg $0x2A800  }
0xb1: {  	[dreg:$0x5] =	wrdreg $0x9  }
0xb2: {  	_ =	task.clear_ibuf [dreg:s7], $0x6FFFF;
	_ =	strace $0x90000046  }
0xb3: {  	s29 =	simm.s32 $0x9;
	_ =	strace $0x80000048  }
0xb4: {  	_ =	swait.ge [sflag:s29], $0x1  }
0xb5: {  	[sflag:s29] =	ssyncadd.s32 $0xFFFFFFFF  }
0xb6: {  	_ =	strace $0x90000048  }
0xb7: {  	_ =	sfence  }
0xb8: {  	s30 =	sld [smem:$0x0];
	_ =	sdelay $0x2  }
0xb9: {  	s31 =	sshll.u32 s1, $0xD;
	s1 =	sshrl.u32 s1, $0x2  }
0xba: {  	s3 =	sand.u32 $0x4000, s31;
	s1 =	sadd.s32 s1, s30  }
0xbb: {  	s0 =	sor.u32 s3, s0;
	s1 =	sshll.u32 s1, $0x11  }
0xbc: {  	s0 =	sor.u32 s1, s0  }
0xbd: {  	s0 =	sadd.s32 $0x8F2B, s0  }
0xbe: {  	[sflag:s0] =	ssyncadd.remote.s32 $0x1  }
0xbf: {  	_ =	sfence.sel $0xFFFF  }
0xc0: {  	[dreg:$0x0] =	wrdreg $0xFFFFFFFF;
	(pc) =	sbr.abs _section_cstart, $3  }
0xc1: {  	[dreg:$0x1] =	wrdreg $0xFFFFFFFF  }
0xc2: {  	_ =	task.clear_ibuf [dreg:s7], $0x2FFFF;
	_ =	strace $0x9FFFFFFF  }
0xc3: {  	(tm) =	ssettm $0x7FFFFFFF  }
tec
execute0_lowered:
.L_overlay_start_1:
0x0: {  	(tag) =	ssettag $0x1  }
0x1: {  	s5 =	rddreg [dreg:$0x0]  }
0x2: {  	s1 =	srdreg.scid;
	s4 =	rddreg [dreg:$0x1]  }
0x3: {  	s0 =	stileid.u32;
	s2 =	rddreg [dreg:$0x2]  }
0x4: {  	s3 =	simm.s32 $0x0;
	s13 =	simm.s32 $0x0;
	s6 =	sand.u32 $0x1, s1  }
0x5: {  	s7 =	smul.u32 $0x280, s0;
	s1 =	rddreg [dreg:$0x3];
	s9 =	sshll.u32 s0, $0x1  }
0x6: {  	[smem:$0x7FF] =	sst s3;
	s11 =	sshll.u32 s0, $0x6;
	s8 =	smul.u32 $0x2800, s6  }
0x7: {  	s9 =	sor.u32 s6, s9;
	s6 =	ssub.s32 $0x2, s6;
	_ =	strace $0x80000047  }
0x8: {  	s9 =	smul.u32 $0x500, s9;
	s31 =	sshrl.u32 s6, $0x1;
	s8 =	sadd.s32 s7, s8  }
0x9: {  	s11 =	sor.u32 $0x1C01, s11;
	s10 =	ssub.s32 s6, s31;
	s8 =	sshrl.u32 s8, $0x3  }
0xa: {  	s5 =	sadd.s32 s5, s9;
	s9 =	simm.s32 $0x1;
	s8 =	sadd.s32 s8, s4  }
0xb: {  	s4 =	sadd.s32 s7, s2;
	s7 =	smax.u32 s10, $0x1;
	s10 =	simm.s32 $0x80  }
0xc: {  	v0 =	vimm.f32 $1.000000000e+00;
	s6 =	sadd.s32 $0x3600, s8;
	s8 =	simm.s32 $0x2800;
	s12 =	sshrl.u32 s4, $0x3  }
.LBB2_1:
0xd: {  	[tilespmem:$0x2800] =	vst v0  }
0xe: {  	[tilespmem:$0x2810] =	vst v0  }
0xf: {  	[tilespmem:$0x2820] =	vst v0  }
0x10: {  	[tilespmem:$0x2830] =	vst v0  }
0x11: {  	[tilespmem:$0x2840] =	vst v0  }
0x12: {  	[tilespmem:$0x2850] =	vst v0  }
0x13: {  	[tilespmem:$0x2860] =	vst v0  }
0x14: {  	[tilespmem:$0x2870] =	vst v0  }
0x15: {  	[tilespmem:$0x2880] =	vst v0  }
0x16: {  	[tilespmem:$0x2890] =	vst v0  }
0x17: {  	[tilespmem:$0x28A0] =	vst v0  }
0x18: {  	[tilespmem:$0x28B0] =	vst v0  }
0x19: {  	[tilespmem:$0x28C0] =	vst v0  }
0x1a: {  	[tilespmem:$0x28D0] =	vst v0  }
0x1b: {  	[tilespmem:$0x28E0] =	vst v0  }
0x1c: {  	[tilespmem:$0x28F0] =	vst v0  }
0x1d: {  	[tilespmem:$0x2900] =	vst v0  }
0x1e: {  	[tilespmem:$0x2910] =	vst v0  }
0x1f: {  	[tilespmem:$0x2920] =	vst v0  }
0x20: {  	[tilespmem:$0x2930] =	vst v0  }
0x21: {  	[tilespmem:$0x2940] =	vst v0  }
0x22: {  	[tilespmem:$0x2950] =	vst v0  }
0x23: {  	[tilespmem:$0x2960] =	vst v0  }
0x24: {  	[tilespmem:$0x2970] =	vst v0  }
0x25: {  	[tilespmem:$0x2980] =	vst v0  }
0x26: {  	[tilespmem:$0x2990] =	vst v0  }
0x27: {  	[tilespmem:$0x29A0] =	vst v0  }
0x28: {  	[tilespmem:$0x29B0] =	vst v0  }
0x29: {  	[tilespmem:$0x29C0] =	vst v0  }
0x2a: {  	[tilespmem:$0x29D0] =	vst v0  }
0x2b: {  	[tilespmem:$0x29E0] =	vst v0  }
0x2c: {  	[tilespmem:$0x29F0] =	vst v0  }
0x2d: {  	[tilespmem:$0x2A00] =	vst v0  }
0x2e: {  	[tilespmem:$0x2A10] =	vst v0  }
0x2f: {  	[tilespmem:$0x2A20] =	vst v0  }
0x30: {  	[tilespmem:$0x2A30] =	vst v0  }
0x31: {  	[tilespmem:$0x2A40] =	vst v0  }
0x32: {  	[tilespmem:$0x2A50] =	vst v0  }
0x33: {  	[tilespmem:$0x2A60] =	vst v0  }
0x34: {  	[tilespmem:$0x2A70] =	vst v0  }
0x35: {  	[spmem:s4] =	stream.linear.scatter [tilespmem:s8], [sflag:$0x1], $0x280, $0x38;
	[tilespmem:$0x2D00] =	vst v63  }
0x36: {  	_ =	swait.ge [sflag:s9], $0x280  }
0x37: {  	[sflag:s9] =	ssyncset.done $0x0  }
0x38: {  	[sflag:s9] =	ssyncadd.s32 $0xFFFFFD80  }
0x39: {  	[tilespmem:s3], [sflag:$0x1] =	stream.linear.gather [hbm4b:s5+s3], $0x2800, $0x38;
	[tilespmem:$0x2D00] =	vst v63  }
0x3a: {  	_ =	swait.ge [sflag:s9], $0x2800  }
0x3b: {  	[sflag:s9] =	ssyncset.done $0x0  }
0x3c: {  	[sflag:s9] =	ssyncadd.s32 $0xFFFFD800  }
0x3d: {  	s14 =	simm.s32 $0x0;
	[bflag:$0x0] =	sbarrier.arrive $0xFFFF  }
0x3e: {  	[spmem:s2] =	stream.indirect.scatter.add.f32 [tilespmem:s8], [sflag:$0x1], $0x1, s14, s10, $0xb8;
	[tilespmem:$0x2D00] =	vst v63  }
0x3f: {  	_ =	swait.ge [sflag:s9], $0x80  }
0x40: {  	s14 =	simm.s32 $0x200;
	[sflag:s9] =	ssyncset.done $0x0  }
.LBB2_2:
0x41: {  	s15 =	sshra.s32 s14, $0x2;
	[sflag:s9] =	ssyncadd.s32 $0xFFFFFF80;
	p0 =	sne.s32 s14, $0x9E00  }
0x42: {  	[spmem:s2] =	stream.indirect.scatter.add.f32 [tilespmem:s8], [sflag:$0x1], $0x1, s15, s10, $0xb8;
	[tilespmem:$0x2D00] =	vst v63  }
.Ltmp0:
0x43: {  	_ = 	snop;
	(pc) =	sbr.rel @p0 .LBB2_2-.Ltmp0, $4  }
0x44: {  	_ = 	snop  }
0x45: {  	s14 =	sadd.s32 $0x200, s14  }
0x46: {  	_ =	swait.ge [sflag:s9], $0x80  }
0x47: {  	[sflag:s9] =	ssyncset.done $0x0  }
0x48: {  	s13 =	sadd.s32 $0x1, s13  }
0x49: {  	[sflag:s9] =	ssyncadd.s32 $0xFFFFFF80;
	p0 =	sne.s32 s13, s7  }
.Ltmp1:
0x4a: {  	[bflag:$0x0] =	sbarrier.arrive $0xFFFF;
	(pc) =	sbr.rel @p0 .LBB2_1-.Ltmp1, $4  }
0x4b: {  	[hbm:s6], [sflag:s11] =	dma.local [spmem:s12], $0x50  }
0x4c: {  	_ =	swait.ge [sflag:s9], $0x50  }
0x4d: {  	[sflag:s9] =	ssyncset.done $0x0  }
0x4e: {  	[sflag:s9] =	ssyncadd.s32 $0xFFFFFFB0  }
0x4f: {  	_ =	sfence.sel $0x180000  }
0x50: {  	[bflag:$0x0] =	sbarrier.arrive $0xFFFF  }
0x51: {  	p0 =	sne.s32 s0, $0x0;
	_ =	strace $0x90000047  }
0x52: {  	s0 =	sadd.s32 @!p0 $0x100000, s1;
	[bflag:$0x2] =	sbarrier.arrive $0xFFFF  }
0x53: {  	[sflag:s0] =	ssyncadd.tile.s32 @!p0 $0x1;
	_ =	shalt  }
.Lfunc_end2:
_tile_overlayer_lowered:
.L_overlay_start_2:
0x54: {  	(tag) =	ssettag $0x2  }
0x55: {  	s0 =	rddreg [dreg:$0x0];
	s2 =	stileid.u32  }
0x56: {  	s1 =	rddreg [dreg:$0x1];
	p0 =	sne.s32 s2, $0x0  }
0x57: {  	s3 =	rddreg [dreg:$0x2];
	[bflag:$0x3] =	sbarrier.arrive $0xFFFF;
	s2 =	simm.s32 @!p0 $0x1C01  }
0x58: {  	[timem:s3], [sflag:s2] =	dma.local @!p0 [hbm:s0], s1  }
0x59: {  	s0 =	simm.s32 @!p0 $0x1  }
0x5a: {  	_ =	swait.ge @!p0 [sflag:s0], s1  }
0x5b: {  	s1 =	ssub.s32 @!p0 $0x0, s1;
	[sflag:s0] =	ssyncset.done @!p0 $0x0  }
0x5c: {  	[sflag:s0] =	ssyncadd.s32 @!p0 s1  }
0x5d: {  	[bflag:$0x3] =	sbarrier.arrive $0xFFFF  }
0x5e: {  	_ =	shalt  }

// kernel: kernel.13.cloned.1.call-start
scs
__scs_entry_jumppad:
0x0: {  	(pc) =	sbr.rel $0x88, $3  }
0x1: {  	(tag) =	ssettag $0x0;
	lr =	simm.s32 $0x1  }
0x2: {  	[smem:$0x3F99] =	sst lr;
	_ =	strace $0xD0000000  }
0x3: {  	_ = 	snop  }
0x4: {  	_ = 	snop  }
0x5: {  	_ = 	snop  }
0x6: {  	_ = 	snop  }
0x7: {  	_ = 	snop  }
__scs_overlays_trampoline_lowered:
0x8: {  	[smem:$0x3FA8] =	sst s0  }
0x9: {  	[smem:$0x3FA9] =	sst s1  }
0xa: {  	[smem:$0x3FAA] =	sst s2  }
0xb: {  	[smem:$0x3FAB] =	sst s3  }
0xc: {  	[smem:$0x3FAC] =	sst s4  }
0xd: {  	[smem:$0x3FAD] =	sst s5  }
0xe: {  	[smem:$0x3FAE] =	sst s6  }
0xf: {  	[smem:$0x3FAF] =	sst s7  }
0x10: {  	[smem:$0x3FB0] =	sst s8  }
0x11: {  	[smem:$0x3FB1] =	sst s9;
	s0 =	simm.s32 @!p0 $0x0  }
0x12: {  	s1 =	sld [smem:$0x3F97];
	s0 =	simm.s32 @p0 $0x1  }
0x13: {  	[smem:$0x3FB2] =	sst s0;
	s0 =	simm.s32 @!p1 $0x0  }
0x14: {  	s2 =	sld [smem:$0x3F96];
	s0 =	simm.s32 @p1 $0x1  }
0x15: {  	[smem:$0x3FB3] =	sst s0;
	s0 =	simm.s32 @!p2 $0x0  }
0x16: {  	s3 =	sld [smem:$0x3FDB];
	s0 =	simm.s32 @p2 $0x1  }
0x17: {  	s4 =	simm.s32 $0x1BF5;
	[smem:$0x3FB5] =	sst s0  }
0x18: {  	s0 =	sld [smem:$0x3F98];
	_ =	swait.ge [sflag:s4], $0x0  }
0x19: {  	s7 =	sld [smem:$0x3F99]  }
0x1a: {  	s8 =	sadd.s32 $0xFFFFE003, lr  }
0x1b: {  	s9 =	sadd.s32 $0xFFFFFEF7, lr;
	s5 =	simm.s32 $0xFFFFFFFF;
	p2 =	slt.u32 s8, $0xFFFFF086  }
0x1c: {  	p1 =	slt.u32 s9, $0xF7A;
	s5 =	simm.s32 @!p2 $0x0  }
0x1d: {  	s5 =	simm.s32 @p1 $0x1;
	p0 =	seq.s32 s7, s2  }
0x1e: {  	s7 =	smul.u32 @!p0 $0xF7A, s2;
	p2 =	seq.s32 @!p0 s5, $0x0  }
0x1f: {  	s9 =	smul.u32 $0xF7A, s1;
	s8 =	simm.s32 @!p0 $0x1BF5;
	p2 =	por !p2, p0  }
0x20: {  	[sflag:s8] =	ssyncset.s32 @!p0 $0xFFFFF086;
	s6 =	sadd.s32 @!p0 s3, s7;
	s7 =	simm.s32 @!p0 $0x108  }
0x21: {  	s3 =	sadd.s32 s3, s9;
	s6 =	sadd.s32 @!p0 $0x88, s6;
	s7 =	simm.s32 @p2 $0x1082  }
0x22: {  	[simem:s7], [sflag:s8] =	dma.local @!p0 [hbm:s6], $0xF7A  }
0x23: {  	s9 =	sor.u32 $0xD0000000, s2;
	s6 =	simm.s32 $0x108;
	_ =	swait.ge @!p0 [sflag:s8], $0x0  }
0x24: {  	s3 =	sadd.s32 $0x88, s3;
	s6 =	simm.s32 @!p1 $0x1082;
	[sflag:s4] =	ssyncset.s32 $0xFFFFF086  }
0x25: {  	[simem:s6], [sflag:s4] =	dma.local [hbm:s3], $0xF7A  }
0x26: {  	[smem:$0x3F99] =	sst s1;
	(tag) =	ssettag s2;
	_ =	strace s9  }
0x27: {  	s1 =	sld [smem:$0x3FA9]  }
0x28: {  	s2 =	sld [smem:$0x3FAA]  }
0x29: {  	s4 =	sld [smem:$0x3FAC]  }
0x2a: {  	p0 =	seq.s32 s5, $0x0;
	s5 =	sld [smem:$0x3FAD]  }
0x2b: {  	s6 =	sld [smem:$0x3FAE]  }
0x2c: {  	s7 =	sld [smem:$0x3FAF]  }
0x2d: {  	s3 =	simm.s32 $0x108;
	s8 =	sld [smem:$0x3FB0]  }
0x2e: {  	s3 =	simm.s32 @!p0 $0x1082;
	s9 =	sld [smem:$0x3FB1]  }
0x2f: {  	lr =	sadd.s32 s0, s3;
	s0 =	sld [smem:$0x3FA8]  }
0x30: {  	s3 =	sld [smem:$0x3FAB]  }
0x31: {  	[smem:$0x3FB4] =	sst s10  }
0x32: {  	s10 =	sld [smem:$0x3FB2];
	_ =	sdelay $0x3  }
0x33: {  	p0 =	seq.s32 s10, $0x1;
	s10 =	sld [smem:$0x3FB4];
	_ =	sdelay $0x3  }
0x34: {  	[smem:$0x3FB4] =	sst s10  }
0x35: {  	s10 =	sld [smem:$0x3FB3];
	_ =	sdelay $0x3  }
0x36: {  	p1 =	seq.s32 s10, $0x1;
	s10 =	sld [smem:$0x3FB4];
	_ =	sdelay $0x3  }
0x37: {  	[smem:$0x3FB4] =	sst s10  }
0x38: {  	s10 =	sld [smem:$0x3FB5]  }
0x39: {  	_ = 	snop;
	(pc) =	sbr.ind lr, $3  }
0x3a: {  	_ = 	snop  }
0x3b: {  	_ = 	snop  }
0x3c: {  	p2 =	seq.s32 s10, $0x1;
	s10 =	sld [smem:$0x3FB4]  }
0x3d: {  	_ =	shalt  }
0x3e: {  	_ =	shalt  }
0x3f: {  	_ =	shalt  }
0x40: {  	_ =	shalt  }
0x41: {  	_ =	shalt  }
0x42: {  	_ =	shalt  }
0x43: {  	_ =	shalt  }
0x44: {  	_ =	shalt  }
0x45: {  	_ =	shalt  }
0x46: {  	_ =	shalt  }
0x47: {  	_ =	shalt  }
0x48: {  	_ =	shalt  }
0x49: {  	_ =	shalt  }
0x4a: {  	_ =	shalt  }
0x4b: {  	_ =	shalt  }
0x4c: {  	_ =	shalt  }
0x4d: {  	_ =	shalt  }
0x4e: {  	_ =	shalt  }
0x4f: {  	_ =	shalt  }
0x50: {  	_ =	shalt  }
0x51: {  	_ =	shalt  }
0x52: {  	_ =	shalt  }
0x53: {  	_ =	shalt  }
0x54: {  	_ =	shalt  }
0x55: {  	_ =	shalt  }
0x56: {  	_ =	shalt  }
0x57: {  	_ =	shalt  }
0x58: {  	_ =	shalt  }
0x59: {  	_ =	shalt  }
0x5a: {  	_ =	shalt  }
0x5b: {  	_ =	shalt  }
0x5c: {  	_ =	shalt  }
0x5d: {  	_ =	shalt  }
0x5e: {  	_ =	shalt  }
0x5f: {  	_ =	shalt  }
0x60: {  	_ =	shalt  }
0x61: {  	_ =	shalt  }
0x62: {  	_ =	shalt  }
0x63: {  	_ =	shalt  }
0x64: {  	_ =	shalt  }
0x65: {  	_ =	shalt  }
0x66: {  	_ =	shalt  }
0x67: {  	_ =	shalt  }
0x68: {  	_ =	shalt  }
0x69: {  	_ =	shalt  }
0x6a: {  	_ =	shalt  }
0x6b: {  	_ =	shalt  }
0x6c: {  	_ =	shalt  }
0x6d: {  	_ =	shalt  }
0x6e: {  	_ =	shalt  }
0x6f: {  	_ =	shalt  }
0x70: {  	_ =	shalt  }
0x71: {  	_ =	shalt  }
0x72: {  	_ =	shalt  }
0x73: {  	_ =	shalt  }
0x74: {  	_ =	shalt  }
0x75: {  	_ =	shalt  }
0x76: {  	_ =	shalt  }
0x77: {  	_ =	shalt  }
0x78: {  	_ =	shalt  }
0x79: {  	_ =	shalt  }
0x7a: {  	_ =	shalt  }
0x7b: {  	_ =	shalt  }
0x7c: {  	_ =	shalt  }
0x7d: {  	_ =	shalt  }
0x7e: {  	_ =	shalt  }
0x7f: {  	_ =	shalt  }
0x80: {  	_ =	shalt  }
0x81: {  	_ =	shalt  }
0x82: {  	_ =	shalt  }
0x83: {  	_ =	shalt  }
0x84: {  	_ =	shalt  }
0x85: {  	_ =	shalt  }
0x86: {  	_ =	shalt  }
0x87: {  	_ =	shalt  }
.Lfunc_end0:
.L_simem_size_0:
called_computation.2_lowered:
.L_overlay_start_0:
0x88: {  	s2 =	sld [smem:$0x3FD9]  }
0x89: {  	s3 =	sld [smem:$0x3FFE];
	_ =	sdelay $0x1  }
0x8a: {  	s1 =	srdreg.scid  }
0x8b: {  	s0 =	sand.u32 $0x1, s1  }
0x8c: {  	s17 =	sshll.u32 s0, $0xA;
	s2 =	sadd.s32 s3, s2  }
0x8d: {  	s2 =	sadd.s32 s2, s17  }
0x8e: {  	[smem:$0x3FC0] =	sst s2  }
0x8f: {  	_ = 	snop  }
0x90: {  	s2 =	sld [smem:$0x3FD0];
	(tm) =	ssettm $0x1  }
0x91: {  	s18 =	sld [smem:$0x3FFB];
	_ =	sdelay $0x3  }
0x92: {  	_ =	strace s18  }
0x93: {  	s3 =	sld [smem:$0x3FFC];
	_ =	sdelay $0x3  }
0x94: {  	_ =	strace s3  }
0x95: {  	s3 =	sld [smem:$0x3FFD];
	_ =	sdelay $0x3  }
0x96: {  	_ =	strace s3  }
0x97: {  	_ =	strace $0x8FFFFFFF  }
0x98: {  	s19 =	sld [smem:$0x3FDB];
	_ =	sdelay $0x1  }
0x99: {  	s4 =	simm.s32 $_scs_section_size  }
0x9a: {  	s5 =	simm.s32 $_size__tile_overlayer_lowered;
	s6 =	simm.s32 $_tile_overlayer_lowered  }
0x9b: {  	s22 =	simm.s32 $0x1BFF;
	s21 =	sshll.u32 s6, $0x1;
	s3 =	sadd.s32 s4, s19  }
0x9c: {  	s7 =	simm.s32 $0x0;
	s20 =	sshll.u32 s5, $0x1;
	s5 =	sadd.s32 s21, s3  }
0x9d: {  	[timem:s7], [sflag:s22] =	dma.local [hbm:s5], s20  }
0x9e: {  	_ =	swait.ge [sflag:s22], s20  }
0x9f: {  	s4 =	ssub.s32 $0x0, s20;
	[sflag:s22] =	ssyncset.done $0x0  }
0xa0: {  	[sflag:s22] =	ssyncadd.s32 s4;
	_ =	sdelay $0x1  }
0xa1: {  	s23 =	simm.s32 $0x1B8B  }
0xa2: {  	_ =	swait.ge [sflag:s23], $0x1  }
0xa3: {  	[sflag:s23] =	ssyncset.done $0x0  }
0xa4: {  	s25 =	simm.s32 $0x1B8E;
	s24 =	sld [smem:$0x3FFE];
	[sflag:s23] =	ssyncadd.s32 $0xFFFFFFFF  }
0xa5: {  	s26 =	simm.s32 $execute0_lowered;
	[smem:$0x3FD2] =	sst s25  }
0xa6: {  	s5 =	sshll.u32 s26, $0x1;
	_ =	strace $0x8000004C;
	[dreg:$0x1] =	wrdreg $0xFFFFFFFF  }
0xa7: {  	s28 =	simm.s32 $_size_execute0_lowered;
	s3 =	sadd.s32 s3, s5;
	[dreg:$0x0] =	wrdreg $0x0  }
0xa8: {  	s5 =	sshll.u32 s28, $0x1;
	[dreg:$0x2] =	wrdreg s3  }
0xa9: {  	[dreg:$0x3] =	wrdreg s5  }
0xaa: {  	[dreg:$0x4] =	wrdreg $0xC0  }
0xab: {  	_ =	task [dreg:s7], $0x5FFFF  }
0xac: {  	[dreg:$0x1] =	wrdreg $0xFFFFFFFF  }
0xad: {  	[dreg:$0x0] =	wrdreg $0x60  }
0xae: {  	[dreg:$0x2] =	wrdreg s24  }
0xaf: {  	[dreg:$0x3] =	wrdreg s2  }
0xb0: {  	[dreg:$0x4] =	wrdreg $0x150000  }
0xb1: {  	[dreg:$0x5] =	wrdreg $0x9  }
0xb2: {  	_ =	task.clear_ibuf [dreg:s7], $0x6FFFF;
	_ =	strace $0x9000004C  }
0xb3: {  	s29 =	simm.s32 $0x9;
	_ =	strace $0x8000004E  }
0xb4: {  	_ =	swait.ge [sflag:s29], $0x1  }
0xb5: {  	[sflag:s29] =	ssyncadd.s32 $0xFFFFFFFF  }
0xb6: {  	_ =	strace $0x9000004E  }
0xb7: {  	_ =	sfence  }
0xb8: {  	s30 =	sld [smem:$0x0];
	_ =	sdelay $0x2  }
0xb9: {  	s31 =	sshll.u32 s1, $0xD;
	s1 =	sshrl.u32 s1, $0x2  }
0xba: {  	s3 =	sand.u32 $0x4000, s31;
	s1 =	sadd.s32 s1, s30  }
0xbb: {  	s0 =	sor.u32 s3, s0;
	s1 =	sshll.u32 s1, $0x11  }
0xbc: {  	s0 =	sor.u32 s1, s0  }
0xbd: {  	s0 =	sadd.s32 $0x8F2B, s0  }
0xbe: {  	[sflag:s0] =	ssyncadd.remote.s32 $0x1  }
0xbf: {  	_ =	sfence.sel $0xFFFF  }
0xc0: {  	[dreg:$0x0] =	wrdreg $0xFFFFFFFF;
	(pc) =	sbr.abs _section_cstart, $3  }
0xc1: {  	[dreg:$0x1] =	wrdreg $0xFFFFFFFF  }
0xc2: {  	_ =	task.clear_ibuf [dreg:s7], $0x2FFFF;
	_ =	strace $0x9FFFFFFF  }
0xc3: {  	(tm) =	ssettm $0x7FFFFFFF  }
tec
execute0_lowered:
.L_overlay_start_1:
0x0: {  	(tag) =	ssettag $0x1  }
0x1: {  	s0 =	rddreg [dreg:$0x0]  }
0x2: {  	s1 =	rddreg [dreg:$0x1]  }
0x3: {  	s2 =	rddreg [dreg:$0x2];
	s7 =	simm.s32 $0x0  }
0x4: {  	s4 =	srdreg.scid;
	s3 =	stileid.u32;
	s14 =	simm.s32 $0x80  }
0x5: {  	s15 =	simm.s32 $0x5000;
	s16 =	simm.s32 $0x7000;
	s18 =	simm.s32 $0x9000  }
0x6: {  	s30 =	simm.s32 $0xD000;
	s31 =	simm.s32 $0x11000;
	s28 =	simm.s32 $0x6  }
0x7: {  	s29 =	simm.s32 $0x8;
	s5 =	sand.u32 $0x1, s4;
	s20 =	sshll.u32 s3, $0x1  }
0x8: {  	s6 =	smul.u32 $0xA000, s3;
	[smem:$0x7FF] =	sst s7;
	s24 =	sshll.u32 s3, $0x6  }
0x9: {  	s4 =	sor.u32 s5, s20;
	s21 =	smul.u32 $0xA0000, s5;
	_ =	strace $0x8000004D  }
0xa: {  	s5 =	ssub.s32 $0x2, s5;
	s3 =	sor.u32 $0x1C09, s24;
	[dreg:$0x4] =	wrdreg s30  }
0xb: {  	s20 =	simm.s32 $0xB000;
	[dreg:$0x5] =	wrdreg s31;
	s24 =	simm.s32 $0x3  }
0xc: {  	s8 =	smul.u32 $0x500, s4;
	s4 =	sadd.s32 $0x3600, s0;
	s10 =	sshrl.u32 s5, $0x1  }
0xd: {  	s22 =	sshrl.u32 s6, $0x3;
	s11 =	sadd.s32 s6, s2;
	[dreg:$0x7] =	wrdreg s3  }
0xe: {  	s7 =	sadd.s32 s6, s21;
	s5 =	ssub.s32 s5, s10;
	s23 =	sadd.s32 s4, s22  }
0xf: {  	s6 =	simm.s32 $0x9;
	s21 =	simm.s32 $0x1;
	s22 =	simm.s32 $0xF000  }
0x10: {  	s9 =	sadd.s32 s8, s0;
	[dreg:$0x6] =	wrdreg s23;
	s1 =	sadd.s32 s1, s8  }
0x11: {  	s7 =	sshrl.u32 s7, $0x3;
	s26 =	smax.u32 s5, $0x1;
	[dreg:$0x9] =	wrdreg s1  }
0x12: {  	s5 =	sshrl.u32 s11, $0x3;
	s23 =	simm.s32 $0x2;
	[dreg:$0xb] =	wrdreg s26  }
0x13: {  	s0 =	sadd.s32 s7, s0;
	s25 =	sadd.s32 $0x54600, s9;
	[dreg:$0xc] =	wrdreg s5  }
0x14: {  	s26 =	simm.s32 $0x4;
	[dreg:$0x8] =	wrdreg s25;
	s0 =	sadd.s32 $0x5E600, s0  }
0x15: {  	s25 =	simm.s32 $0x13000;
	[dreg:$0xa] =	wrdreg s0;
	s0 =	simm.s32 $0x0  }
.LBB2_1:
0x16: {  	s1 =	rddreg [dreg:$0x6]  }
0x17: {  	[spmem:s5], [sflag:s3] =	dma.local [hbm:s1], $0x1400  }
0x18: {  	_ =	swait.ge [sflag:s6], $0x1400  }
0x19: {  	[sflag:s6] =	ssyncset.done $0x0  }
0x1a: {  	s17 =	simm.s32 $0x0;
	s19 =	rddreg [dreg:$0x8];
	[sflag:s6] =	ssyncadd.s32 $0xFFFFEC00  }
0x1b: {  	[tilespmem:s17], [sflag:$0x9] =	stream.linear.gather [hbm4b:s19+s17], $0x2800, $0x38;
	[tilespmem:$0x1F000] =	vst v63  }
0x1c: {  	_ =	swait.ge [sflag:s6], $0x2800  }
0x1d: {  	[sflag:s6] =	ssyncset.done $0x0  }
0x1e: {  	s31 =	simm.s32 $0x2800;
	s30 =	rddreg [dreg:$0x9];
	[sflag:s6] =	ssyncadd.s32 $0xFFFFD800  }
0x1f: {  	[tilespmem:s31], [sflag:$0x9] =	stream.linear.gather [hbm4b:s30+s17], $0x2800, $0x38;
	[tilespmem:$0x1F000] =	vst v63  }
0x20: {  	_ =	swait.ge [sflag:s6], $0x2800  }
0x21: {  	[sflag:s6] =	ssyncset.done $0x0  }
0x22: {  	[sflag:s6] =	ssyncadd.s32 $0xFFFFD800  }
0x23: {  	[bflag:$0x0] =	sbarrier.arrive $0xFFFF  }
0x24: {  	[tilespmem:s15], [sflag:$0x1] =	stream.indirect.gather [hbm4b:s4+s14], $0x40, s17, s14, $0xb8;
	[tilespmem:$0x1F000] =	vst v63  }
0x25: {  	_ = 	snop  }
0x26: {  	[tilespmem:s16], [sflag:$0x2] =	stream.indirect.gather [hbm4b:s4+s14], $0x40, s14, s14, $0xb8;
	[tilespmem:$0x1F000] =	vst v63  }
0x27: {  	p0 =	por $0x1, $0x1;
	s5 =	simm.s32 $0x100  }
0x28: {  	[tilespmem:s18], [sflag:$0x3] =	stream.indirect.gather [hbm4b:s4+s14], $0x40, s5, s14, $0xb8;
	[tilespmem:$0x1F000] =	vst v63  }
0x29: {  	s1 =	simm.s32 @!p0 $0x5;
	s6 =	simm.s32 $0x180  }
0x2a: {  	[tilespmem:s20], [sflag:$0x4] =	stream.indirect.gather [hbm4b:s4+s14], $0x40, s6, s14, $0xb8;
	[tilespmem:$0x1F000] =	vst v63  }
0x2b: {  	_ =	swait.ge @!p0 [sflag:s1], $0x2000  }
0x2c: {  	[sflag:s1] =	ssyncset.done @!p0 $0x0  }
0x2d: {  	s8 =	simm.s32 $0x200;
	s7 =	rddreg [dreg:$0x4];
	[sflag:s1] =	ssyncadd.s32 @!p0 $0xFFFFE000  }
0x2e: {  	[tilespmem:s7], [sflag:$0x5] =	stream.indirect.gather [hbm4b:s4+s14], $0x40, s8, s14, $0xb8;
	[tilespmem:$0x1F000] =	vst v63  }
0x2f: {  	_ =	swait.ge [sflag:s21], $0x2000  }
0x30: {  	[sflag:s21] =	ssyncset.done $0x0  }
0x31: {  	s9 =	simm.s32 $0x2800;
	s5 =	simm.s32 @!p0 $0x6;
	[sflag:s21] =	ssyncadd.s32 $0xFFFFE000  }
0x32: {  	[spmem:s2] =	stream.indirect.scatter.add.f32 [tilespmem:s15], [sflag:$0x1], $0x40, s9, s14, $0xb8;
	[tilespmem:$0x1F000] =	vst v63  }
0x33: {  	_ =	swait.ge @!p0 [sflag:s5], $0x2000  }
0x34: {  	[sflag:s5] =	ssyncset.done @!p0 $0x0  }
0x35: {  	s10 =	simm.s32 $0x280;
	[sflag:s5] =	ssyncadd.s32 @!p0 $0xFFFFE000  }
0x36: {  	[tilespmem:s22], [sflag:$0x6] =	stream.indirect.gather [hbm4b:s4+s14], $0x40, s10, s14, $0xb8;
	[tilespmem:$0x1F000] =	vst v63  }
0x37: {  	_ =	swait.ge [sflag:s23], $0x2000  }
0x38: {  	[sflag:s23] =	ssyncset.done $0x0  }
0x39: {  	s11 =	simm.s32 $0x2880;
	s5 =	simm.s32 @!p0 $0x7;
	[sflag:s23] =	ssyncadd.s32 $0xFFFFE000  }
0x3a: {  	[spmem:s2] =	stream.indirect.scatter.add.f32 [tilespmem:s16], [sflag:$0x2], $0x40, s11, s14, $0xb8;
	[tilespmem:$0x1F000] =	vst v63  }
0x3b: {  	_ =	swait.ge @!p0 [sflag:s5], $0x2000  }
0x3c: {  	[sflag:s5] =	ssyncset.done @!p0 $0x0  }
0x3d: {  	s13 =	simm.s32 $0x300;
	s12 =	rddreg [dreg:$0x5];
	[sflag:s5] =	ssyncadd.s32 @!p0 $0xFFFFE000  }
0x3e: {  	[tilespmem:s12], [sflag:$0x7] =	stream.indirect.gather [hbm4b:s4+s14], $0x40, s13, s14, $0xb8;
	[tilespmem:$0x1F000] =	vst v63  }
0x3f: {  	_ =	swait.ge [sflag:s24], $0x2000  }
0x40: {  	[sflag:s24] =	ssyncset.done $0x0  }
0x41: {  	s17 =	simm.s32 $0x2900;
	s5 =	simm.s32 @!p0 $0x8;
	[sflag:s24] =	ssyncadd.s32 $0xFFFFE000  }
0x42: {  	[spmem:s2] =	stream.indirect.scatter.add.f32 [tilespmem:s18], [sflag:$0x3], $0x40, s17, s14, $0xb8;
	[tilespmem:$0x1F000] =	vst v63  }
0x43: {  	_ =	swait.ge @!p0 [sflag:s5], $0x2000  }
0x44: {  	[sflag:s5] =	ssyncset.done @!p0 $0x0  }
0x45: {  	s19 =	simm.s32 $0x380;
	[sflag:s5] =	ssyncadd.s32 @!p0 $0xFFFFE000  }
0x46: {  	[tilespmem:s25], [sflag:$0x8] =	stream.indirect.gather [hbm4b:s4+s14], $0x40, s19, s14, $0xb8;
	[tilespmem:$0x1F000] =	vst v63  }
0x47: {  	_ =	swait.ge [sflag:s26], $0x2000  }
0x48: {  	p0 =	por $0x0, $0x0;
	[sflag:s26] =	ssyncset.done $0x0  }
0x49: {  	s30 =	simm.s32 $0x2980;
	s5 =	simm.s32 @p0 $0x5;
	[sflag:s26] =	ssyncadd.s32 $0xFFFFE000  }
0x4a: {  	[spmem:s2] =	stream.indirect.scatter.add.f32 [tilespmem:s20], [sflag:$0x4], $0x40, s30, s14, $0xb8;
	[tilespmem:$0x1F000] =	vst v63  }
0x4b: {  	_ =	swait.ge @p0 [sflag:s5], $0x2000  }
0x4c: {  	s1 =	simm.s32 @p0 $0x2A00;
	s7 =	simm.s32 @p0 $0x80;
	[sflag:s5] =	ssyncset.done @p0 $0x0  }
0x4d: {  	s8 =	simm.s32 @p0 $0xD000;
	[sflag:s5] =	ssyncadd.s32 @p0 $0xFFFFE000;
	s5 =	simm.s32 @!p0 $0x1  }
0x4e: {  	[spmem:s2] =	stream.indirect.scatter.add.f32 @p0 [tilespmem:s8], [sflag:$0x5], $0x40, s1, s7, $0xb8;
	[tilespmem:$0x1F000] =	vst v63  }
0x4f: {  	_ =	swait.ge @!p0 [sflag:s5], $0x2000  }
0x50: {  	s1 =	simm.s32 @!p0 $0x400;
	[sflag:s5] =	ssyncset.done @!p0 $0x0  }
0x51: {  	s8 =	simm.s32 @!p0 $0x80;
	[sflag:s5] =	ssyncadd.s32 @!p0 $0xFFFFE000;
	s5 =	simm.s32 @!p0 $0x5000  }
0x52: {  	[tilespmem:s5], [sflag:$0x1] =	stream.indirect.gather @!p0 [hbm4b:s4+s8], $0x40, s1, s8, $0xb8;
	[tilespmem:$0x1F000] =	vst v63  }
0x53: {  	s1 =	simm.s32 @!p0 $0x5  }
0x54: {  	_ =	swait.ge @!p0 [sflag:s1], $0x2000  }
0x55: {  	[sflag:s1] =	ssyncset.done @!p0 $0x0  }
0x56: {  	s5 =	simm.s32 @!p0 $0x2A00;
	[sflag:s1] =	ssyncadd.s32 @!p0 $0xFFFFE000;
	s1 =	simm.s32 @!p0 $0xD000  }
0x57: {  	[spmem:s2] =	stream.indirect.scatter.add.f32 @!p0 [tilespmem:s1], [sflag:$0x5], $0x40, s5, s8, $0xb8;
	[tilespmem:$0x1F000] =	vst v63  }
0x58: {  	s1 =	simm.s32 @!p0 $0x2  }
0x59: {  	_ =	swait.ge @!p0 [sflag:s1], $0x2000  }
0x5a: {  	[sflag:s1] =	ssyncset.done @!p0 $0x0  }
0x5b: {  	s5 =	simm.s32 @!p0 $0x480;
	[sflag:s1] =	ssyncadd.s32 @!p0 $0xFFFFE000;
	s1 =	simm.s32 @!p0 $0x7000  }
0x5c: {  	[tilespmem:s1], [sflag:$0x2] =	stream.indirect.gather @!p0 [hbm4b:s4+s8], $0x40, s5, s8, $0xb8;
	[tilespmem:$0x1F000] =	vst v63  }
0x5d: {  	_ =	swait.ge [sflag:s28], $0x2000  }
0x5e: {  	[sflag:s28] =	ssyncset.done $0x0  }
0x5f: {  	s31 =	simm.s32 $0x2A80;
	s5 =	simm.s32 @p0 $0x7;
	[sflag:s28] =	ssyncadd.s32 $0xFFFFE000  }
0x60: {  	[spmem:s2] =	stream.indirect.scatter.add.f32 [tilespmem:s22], [sflag:$0x6], $0x40, s31, s14, $0xb8;
	[tilespmem:$0x1F000] =	vst v63  }
0x61: {  	_ =	swait.ge @p0 [sflag:s5], $0x2000  }
0x62: {  	[sflag:s5] =	ssyncset.done @p0 $0x0  }
0x63: {  	s1 =	simm.s32 @p0 $0x2B00;
	[sflag:s5] =	ssyncadd.s32 @p0 $0xFFFFE000;
	s5 =	simm.s32 @p0 $0x11000  }
0x64: {  	[spmem:s2] =	stream.indirect.scatter.add.f32 @p0 [tilespmem:s5], [sflag:$0x7], $0x40, s1, s7, $0xb8;
	[tilespmem:$0x1F000] =	vst v63  }
0x65: {  	s1 =	simm.s32 @!p0 $0x3  }
0x66: {  	_ =	swait.ge @!p0 [sflag:s1], $0x2000  }
0x67: {  	[sflag:s1] =	ssyncset.done @!p0 $0x0  }
0x68: {  	s5 =	simm.s32 @!p0 $0x500;
	[sflag:s1] =	ssyncadd.s32 @!p0 $0xFFFFE000;
	s1 =	simm.s32 @!p0 $0x9000  }
0x69: {  	[tilespmem:s1], [sflag:$0x3] =	stream.indirect.gather @!p0 [hbm4b:s4+s8], $0x40, s5, s8, $0xb8;
	[tilespmem:$0x1F000] =	vst v63  }
0x6a: {  	s1 =	simm.s32 @!p0 $0x7  }
0x6b: {  	_ =	swait.ge @!p0 [sflag:s1], $0x2000  }
0x6c: {  	[sflag:s1] =	ssyncset.done @!p0 $0x0  }
0x6d: {  	s5 =	simm.s32 @!p0 $0x2B00;
	[sflag:s1] =	ssyncadd.s32 @!p0 $0xFFFFE000;
	s1 =	simm.s32 @!p0 $0x11000  }
0x6e: {  	[spmem:s2] =	stream.indirect.scatter.add.f32 @!p0 [tilespmem:s1], [sflag:$0x7], $0x40, s5, s8, $0xb8;
	[tilespmem:$0x1F000] =	vst v63  }
0x6f: {  	s1 =	simm.s32 @!p0 $0x4  }
0x70: {  	_ =	swait.ge @!p0 [sflag:s1], $0x2000  }
0x71: {  	p1 =	por $0x0, $0x0;
	s13 =	simm.s32 $0x2000;
	[sflag:s1] =	ssyncset.done @!p0 $0x0  }
0x72: {  	s5 =	simm.s32 @!p0 $0x580;
	[sflag:s1] =	ssyncadd.s32 @!p0 $0xFFFFE000;
	s1 =	simm.s32 @!p0 $0xB000  }
0x73: {  	[tilespmem:s1], [sflag:$0x4] =	stream.indirect.gather @!p0 [hbm4b:s4+s8], $0x40, s5, s8, $0xb8;
	[tilespmem:$0x1F000] =	vst v63  }
0x74: {  	s17 =	simm.s32 $0x2B80;
	s1 =	simm.s32 $0x1000;
	_ =	swait.ge [sflag:s29], $0x2000  }
.LBB2_2:
0x75: {  	[sflag:s29] =	ssyncset.done $0x0  }
0x76: {  	s7 =	simm.s32 @!p1 $0x5;
	[sflag:s29] =	ssyncadd.s32 $0xFFFFE000  }
0x77: {  	[spmem:s2] =	stream.indirect.scatter.add.f32 [tilespmem:s25], [sflag:$0x8], $0x40, s17, s14, $0xb8;
	[tilespmem:$0x1F000] =	vst v63  }
0x78: {  	_ =	swait.ge @!p1 [sflag:s7], $0x2000  }
0x79: {  	s19 =	sshra.s32 s1, $0x2;
	[sflag:s7] =	ssyncset.done @!p1 $0x0  }
0x7a: {  	s30 =	sadd.s32 $0x200, s19;
	s8 =	rddreg [dreg:$0x4];
	[sflag:s7] =	ssyncadd.s32 @!p1 $0xFFFFE000  }
0x7b: {  	[tilespmem:s8], [sflag:$0x5] =	stream.indirect.gather [hbm4b:s4+s14], $0x40, s30, s14, $0xb8;
	[tilespmem:$0x1F000] =	vst v63  }
0x7c: {  	_ =	swait.ge [sflag:s21], $0x2000  }
0x7d: {  	[sflag:s21] =	ssyncset.done $0x0  }
0x7e: {  	s31 =	sadd.s32 $0x2800, s19;
	s8 =	simm.s32 @!p1 $0x6;
	[sflag:s21] =	ssyncadd.s32 $0xFFFFE000  }
0x7f: {  	[spmem:s2] =	stream.indirect.scatter.add.f32 [tilespmem:s15], [sflag:$0x1], $0x40, s31, s14, $0xb8;
	[tilespmem:$0x1F000] =	vst v63  }
0x80: {  	_ =	swait.ge @!p1 [sflag:s8], $0x2000  }
0x81: {  	[sflag:s8] =	ssyncset.done @!p1 $0x0  }
0x82: {  	s3 =	sadd.s32 $0x280, s19;
	[sflag:s8] =	ssyncadd.s32 @!p1 $0xFFFFE000  }
0x83: {  	[tilespmem:s22], [sflag:$0x6] =	stream.indirect.gather [hbm4b:s4+s14], $0x40, s3, s14, $0xb8;
	[tilespmem:$0x1F000] =	vst v63  }
0x84: {  	_ =	swait.ge [sflag:s23], $0x2000  }
0x85: {  	[sflag:s23] =	ssyncset.done $0x0  }
0x86: {  	s6 =	sadd.s32 $0x2880, s19;
	s8 =	simm.s32 @!p1 $0x7;
	[sflag:s23] =	ssyncadd.s32 $0xFFFFE000  }
0x87: {  	[spmem:s2] =	stream.indirect.scatter.add.f32 [tilespmem:s16], [sflag:$0x2], $0x40, s6, s14, $0xb8;
	[tilespmem:$0x1F000] =	vst v63  }
0x88: {  	_ =	swait.ge @!p1 [sflag:s8], $0x2000  }
0x89: {  	[sflag:s8] =	ssyncset.done @!p1 $0x0  }
0x8a: {  	s10 =	sadd.s32 $0x300, s19;
	s9 =	rddreg [dreg:$0x5];
	[sflag:s8] =	ssyncadd.s32 @!p1 $0xFFFFE000  }
0x8b: {  	[tilespmem:s9], [sflag:$0x7] =	stream.indirect.gather [hbm4b:s4+s14], $0x40, s10, s14, $0xb8;
	[tilespmem:$0x1F000] =	vst v63  }
0x8c: {  	_ =	swait.ge [sflag:s24], $0x2000  }
0x8d: {  	[sflag:s24] =	ssyncset.done $0x0  }
0x8e: {  	s11 =	sadd.s32 $0x2900, s19;
	s8 =	simm.s32 @!p1 $0x8;
	[sflag:s24] =	ssyncadd.s32 $0xFFFFE000  }
0x8f: {  	[spmem:s2] =	stream.indirect.scatter.add.f32 [tilespmem:s18], [sflag:$0x3], $0x40, s11, s14, $0xb8;
	[tilespmem:$0x1F000] =	vst v63  }
0x90: {  	_ =	swait.ge @!p1 [sflag:s8], $0x2000  }
0x91: {  	[sflag:s8] =	ssyncset.done @!p1 $0x0  }
0x92: {  	s12 =	sadd.s32 $0x380, s19;
	[sflag:s8] =	ssyncadd.s32 @!p1 $0xFFFFE000  }
0x93: {  	[tilespmem:s25], [sflag:$0x8] =	stream.indirect.gather [hbm4b:s4+s14], $0x40, s12, s14, $0xb8;
	[tilespmem:$0x1F000] =	vst v63  }
0x94: {  	_ =	swait.ge [sflag:s26], $0x2000  }
0x95: {  	p1 =	seq.s32 s1, $0x9000;
	[sflag:s26] =	ssyncset.done $0x0  }
0x96: {  	s30 =	sadd.s32 $0x2980, s19;
	s9 =	simm.s32 @p1 $0x5;
	[sflag:s26] =	ssyncadd.s32 $0xFFFFE000  }
0x97: {  	[spmem:s2] =	stream.indirect.scatter.add.f32 [tilespmem:s20], [sflag:$0x4], $0x40, s30, s14, $0xb8;
	[tilespmem:$0x1F000] =	vst v63  }
0x98: {  	s10 =	sshra.s32 @p1 s1, $0x2;
	_ =	swait.ge @p1 [sflag:s9], $0x2000  }
0x99: {  	s8 =	simm.s32 @p1 $0x80;
	s3 =	simm.s32 @p1 $0xD000;
	[sflag:s9] =	ssyncset.done @p1 $0x0  }
0x9a: {  	s7 =	sadd.s32 @p1 $0x2A00, s10;
	[sflag:s9] =	ssyncadd.s32 @p1 $0xFFFFE000;
	s9 =	simm.s32 @!p1 $0x1  }
0x9b: {  	[spmem:s2] =	stream.indirect.scatter.add.f32 @p1 [tilespmem:s3], [sflag:$0x5], $0x40, s7, s8, $0xb8;
	[tilespmem:$0x1F000] =	vst v63  }
0x9c: {  	s1 =	sshra.s32 @!p1 s1, $0x2;
	_ =	swait.ge @!p1 [sflag:s9], $0x2000  }
0x9d: {  	s6 =	simm.s32 @!p1 $0x5000;
	s11 =	simm.s32 @!p1 $0x5;
	[sflag:s9] =	ssyncset.done @!p1 $0x0  }
0x9e: {  	s30 =	sadd.s32 @!p1 $0x400, s1;
	s7 =	simm.s32 @!p1 $0x80;
	[sflag:s9] =	ssyncadd.s32 @!p1 $0xFFFFE000  }
0x9f: {  	[tilespmem:s6], [sflag:$0x1] =	stream.indirect.gather @!p1 [hbm4b:s4+s7], $0x40, s30, s7, $0xb8;
	[tilespmem:$0x1F000] =	vst v63  }
0xa0: {  	_ =	swait.ge @!p1 [sflag:s11], $0x2000  }
0xa1: {  	s12 =	simm.s32 @!p1 $0xD000;
	[sflag:s11] =	ssyncset.done @!p1 $0x0  }
0xa2: {  	s3 =	sadd.s32 @!p1 $0x2A00, s1;
	[sflag:s11] =	ssyncadd.s32 @!p1 $0xFFFFE000;
	s11 =	simm.s32 @!p1 $0x2  }
0xa3: {  	[spmem:s2] =	stream.indirect.scatter.add.f32 @!p1 [tilespmem:s12], [sflag:$0x5], $0x40, s3, s7, $0xb8;
	[tilespmem:$0x1F000] =	vst v63  }
0xa4: {  	_ =	swait.ge @!p1 [sflag:s11], $0x2000  }
0xa5: {  	s5 =	smov.u32 s13;
	[sflag:s11] =	ssyncset.done @!p1 $0x0  }
0xa6: {  	s31 =	sadd.s32 @!p1 $0x480, s1;
	s3 =	simm.s32 @!p1 $0x7000;
	[sflag:s11] =	ssyncadd.s32 @!p1 $0xFFFFE000  }
0xa7: {  	[tilespmem:s3], [sflag:$0x2] =	stream.indirect.gather @!p1 [hbm4b:s4+s7], $0x40, s31, s7, $0xb8;
	[tilespmem:$0x1F000] =	vst v63  }
0xa8: {  	s9 =	sadd.s32 @!p1 $0x580, s1;
	s6 =	sadd.s32 @!p1 $0x500, s1;
	_ =	swait.ge [sflag:s28], $0x2000  }
0xa9: {  	s30 =	sadd.s32 @!p1 $0x2B00, s1;
	s1 =	smov.u32 s5;
	[sflag:s28] =	ssyncset.done $0x0  }
0xaa: {  	s5 =	simm.s32 @p1 $0x7;
	s31 =	sadd.s32 $0x2A80, s19;
	[sflag:s28] =	ssyncadd.s32 $0xFFFFE000  }
0xab: {  	[spmem:s2] =	stream.indirect.scatter.add.f32 [tilespmem:s22], [sflag:$0x6], $0x40, s31, s14, $0xb8;
	[tilespmem:$0x1F000] =	vst v63  }
0xac: {  	_ =	swait.ge @p1 [sflag:s5], $0x2000  }
0xad: {  	s10 =	sadd.s32 @p1 $0x2B00, s10;
	[sflag:s5] =	ssyncset.done @p1 $0x0  }
0xae: {  	s3 =	simm.s32 @p1 $0x11000;
	[sflag:s5] =	ssyncadd.s32 @p1 $0xFFFFE000;
	s5 =	simm.s32 @!p1 $0x3  }
0xaf: {  	[spmem:s2] =	stream.indirect.scatter.add.f32 @p1 [tilespmem:s3], [sflag:$0x7], $0x40, s10, s8, $0xb8;
	[tilespmem:$0x1F000] =	vst v63  }
0xb0: {  	_ =	swait.ge @!p1 [sflag:s5], $0x2000  }
0xb1: {  	[sflag:s5] =	ssyncset.done @!p1 $0x0  }
0xb2: {  	s3 =	simm.s32 @!p1 $0x9000;
	[sflag:s5] =	ssyncadd.s32 @!p1 $0xFFFFE000;
	s5 =	simm.s32 @!p1 $0x7  }
0xb3: {  	[tilespmem:s3], [sflag:$0x3] =	stream.indirect.gather @!p1 [hbm4b:s4+s7], $0x40, s6, s7, $0xb8;
	[tilespmem:$0x1F000] =	vst v63  }
0xb4: {  	s13 =	sadd.s32 $0x1000, s13;
	_ =	swait.ge @!p1 [sflag:s5], $0x2000  }
0xb5: {  	p0 =	sne.s32 s13, $0xA000;
	[sflag:s5] =	ssyncset.done @!p1 $0x0  }
0xb6: {  	s3 =	simm.s32 @!p1 $0x11000;
	[sflag:s5] =	ssyncadd.s32 @!p1 $0xFFFFE000;
	s5 =	simm.s32 @!p1 $0x4  }
0xb7: {  	[spmem:s2] =	stream.indirect.scatter.add.f32 @!p1 [tilespmem:s3], [sflag:$0x7], $0x40, s30, s7, $0xb8;
	[tilespmem:$0x1F000] =	vst v63  }
.Ltmp0:
0xb8: {  	_ =	swait.ge @!p1 [sflag:s5], $0x2000;
	(pc) =	sbr.rel @p0 .LBB2_2-.Ltmp0, $4  }
0xb9: {  	[sflag:s5] =	ssyncset.done @!p1 $0x0  }
0xba: {  	s3 =	simm.s32 @!p1 $0xB000;
	[sflag:s5] =	ssyncadd.s32 @!p1 $0xFFFFE000  }
0xbb: {  	[tilespmem:s3], [sflag:$0x4] =	stream.indirect.gather @!p1 [hbm4b:s4+s7], $0x40, s9, s7, $0xb8;
	[tilespmem:$0x1F000] =	vst v63  }
0xbc: {  	s17 =	sadd.s32 $0x2B80, s19;
	p1 =	seq.s32 s1, $0x0;
	_ =	swait.ge [sflag:s29], $0x2000  }
0xbd: {  	[sflag:s29] =	ssyncset.done $0x0  }
0xbe: {  	s3 =	simm.s32 @!p1 $0x5;
	[sflag:s29] =	ssyncadd.s32 $0xFFFFE000  }
0xbf: {  	[spmem:s2] =	stream.indirect.scatter.add.f32 [tilespmem:s25], [sflag:$0x8], $0x40, s17, s14, $0xb8;
	[tilespmem:$0x1F000] =	vst v63  }
0xc0: {  	_ =	swait.ge @!p1 [sflag:s3], $0x2000  }
0xc1: {  	s5 =	sshra.s32 s1, $0x2;
	[sflag:s3] =	ssyncset.done @!p1 $0x0  }
0xc2: {  	s17 =	sadd.s32 $0x200, s5;
	s6 =	rddreg [dreg:$0x4];
	[sflag:s3] =	ssyncadd.s32 @!p1 $0xFFFFE000  }
0xc3: {  	[tilespmem:s6], [sflag:$0x5] =	stream.indirect.gather [hbm4b:s4+s14], $0x40, s17, s14, $0xb8;
	[tilespmem:$0x1F000] =	vst v63  }
0xc4: {  	_ =	swait.ge [sflag:s21], $0x2000  }
0xc5: {  	[sflag:s21] =	ssyncset.done $0x0  }
0xc6: {  	s19 =	sadd.s32 $0x2800, s5;
	s6 =	simm.s32 @!p1 $0x6;
	[sflag:s21] =	ssyncadd.s32 $0xFFFFE000  }
0xc7: {  	[spmem:s2] =	stream.indirect.scatter.add.f32 [tilespmem:s15], [sflag:$0x1], $0x40, s19, s14, $0xb8;
	[tilespmem:$0x1F000] =	vst v63  }
0xc8: {  	_ =	swait.ge @!p1 [sflag:s6], $0x2000  }
0xc9: {  	[sflag:s6] =	ssyncset.done @!p1 $0x0  }
0xca: {  	s30 =	sadd.s32 $0x280, s5;
	[sflag:s6] =	ssyncadd.s32 @!p1 $0xFFFFE000  }
0xcb: {  	[tilespmem:s22], [sflag:$0x6] =	stream.indirect.gather [hbm4b:s4+s14], $0x40, s30, s14, $0xb8;
	[tilespmem:$0x1F000] =	vst v63  }
0xcc: {  	_ =	swait.ge [sflag:s23], $0x2000  }
0xcd: {  	[sflag:s23] =	ssyncset.done $0x0  }
0xce: {  	s31 =	sadd.s32 $0x2880, s5;
	s6 =	simm.s32 @!p1 $0x7;
	[sflag:s23] =	ssyncadd.s32 $0xFFFFE000  }
0xcf: {  	[spmem:s2] =	stream.indirect.scatter.add.f32 [tilespmem:s16], [sflag:$0x2], $0x40, s31, s14, $0xb8;
	[tilespmem:$0x1F000] =	vst v63  }
0xd0: {  	_ =	swait.ge @!p1 [sflag:s6], $0x2000  }
0xd1: {  	[sflag:s6] =	ssyncset.done @!p1 $0x0  }
0xd2: {  	s8 =	sadd.s32 $0x300, s5;
	s7 =	rddreg [dreg:$0x5];
	[sflag:s6] =	ssyncadd.s32 @!p1 $0xFFFFE000  }
0xd3: {  	[tilespmem:s7], [sflag:$0x7] =	stream.indirect.gather [hbm4b:s4+s14], $0x40, s8, s14, $0xb8;
	[tilespmem:$0x1F000] =	vst v63  }
0xd4: {  	_ =	swait.ge [sflag:s24], $0x2000  }
0xd5: {  	[sflag:s24] =	ssyncset.done $0x0  }
0xd6: {  	s9 =	sadd.s32 $0x2900, s5;
	s6 =	simm.s32 @!p1 $0x8;
	[sflag:s24] =	ssyncadd.s32 $0xFFFFE000  }
0xd7: {  	[spmem:s2] =	stream.indirect.scatter.add.f32 [tilespmem:s18], [sflag:$0x3], $0x40, s9, s14, $0xb8;
	[tilespmem:$0x1F000] =	vst v63  }
0xd8: {  	_ =	swait.ge @!p1 [sflag:s6], $0x2000  }
0xd9: {  	[sflag:s6] =	ssyncset.done @!p1 $0x0  }
0xda: {  	s10 =	sadd.s32 $0x380, s5;
	[sflag:s6] =	ssyncadd.s32 @!p1 $0xFFFFE000  }
0xdb: {  	[tilespmem:s25], [sflag:$0x8] =	stream.indirect.gather [hbm4b:s4+s14], $0x40, s10, s14, $0xb8;
	[tilespmem:$0x1F000] =	vst v63  }
0xdc: {  	_ =	swait.ge [sflag:s26], $0x2000  }
0xdd: {  	p0 =	seq.s32 s1, $0x9000;
	[sflag:s26] =	ssyncset.done $0x0  }
0xde: {  	s11 =	sadd.s32 $0x2980, s5;
	s6 =	simm.s32 @p0 $0x5;
	[sflag:s26] =	ssyncadd.s32 $0xFFFFE000  }
0xdf: {  	[spmem:s2] =	stream.indirect.scatter.add.f32 [tilespmem:s20], [sflag:$0x4], $0x40, s11, s14, $0xb8;
	[tilespmem:$0x1F000] =	vst v63  }
0xe0: {  	s3 =	sshra.s32 @p0 s1, $0x2;
	_ =	swait.ge @p0 [sflag:s6], $0x2000  }
0xe1: {  	s7 =	sadd.s32 @p0 $0x2A00, s3;
	s8 =	simm.s32 @p0 $0x80;
	[sflag:s6] =	ssyncset.done @p0 $0x0  }
0xe2: {  	s9 =	simm.s32 @p0 $0xD000;
	[sflag:s6] =	ssyncadd.s32 @p0 $0xFFFFE000;
	s6 =	simm.s32 @!p0 $0x1  }
0xe3: {  	[spmem:s2] =	stream.indirect.scatter.add.f32 @p0 [tilespmem:s9], [sflag:$0x5], $0x40, s7, s8, $0xb8;
	[tilespmem:$0x1F000] =	vst v63  }
0xe4: {  	s1 =	sshra.s32 @!p0 s1, $0x2;
	_ =	swait.ge @!p0 [sflag:s6], $0x2000  }
0xe5: {  	s7 =	sadd.s32 @!p0 $0x400, s1;
	[sflag:s6] =	ssyncset.done @!p0 $0x0  }
0xe6: {  	s9 =	simm.s32 @!p0 $0x80;
	[sflag:s6] =	ssyncadd.s32 @!p0 $0xFFFFE000;
	s6 =	simm.s32 @!p0 $0x5000  }
0xe7: {  	[tilespmem:s6], [sflag:$0x1] =	stream.indirect.gather @!p0 [hbm4b:s4+s9], $0x40, s7, s9, $0xb8;
	[tilespmem:$0x1F000] =	vst v63  }
0xe8: {  	s6 =	simm.s32 @!p0 $0x5  }
0xe9: {  	_ =	swait.ge @!p0 [sflag:s6], $0x2000  }
0xea: {  	[sflag:s6] =	ssyncset.done @!p0 $0x0  }
0xeb: {  	s7 =	sadd.s32 @!p0 $0x2A00, s1;
	[sflag:s6] =	ssyncadd.s32 @!p0 $0xFFFFE000;
	s6 =	simm.s32 @!p0 $0xD000  }
0xec: {  	[spmem:s2] =	stream.indirect.scatter.add.f32 @!p0 [tilespmem:s6], [sflag:$0x5], $0x40, s7, s9, $0xb8;
	[tilespmem:$0x1F000] =	vst v63  }
0xed: {  	s6 =	simm.s32 @!p0 $0x2  }
0xee: {  	_ =	swait.ge @!p0 [sflag:s6], $0x2000  }
0xef: {  	[sflag:s6] =	ssyncset.done @!p0 $0x0  }
0xf0: {  	s7 =	sadd.s32 @!p0 $0x480, s1;
	[sflag:s6] =	ssyncadd.s32 @!p0 $0xFFFFE000;
	s6 =	simm.s32 @!p0 $0x7000  }
0xf1: {  	[tilespmem:s6], [sflag:$0x2] =	stream.indirect.gather @!p0 [hbm4b:s4+s9], $0x40, s7, s9, $0xb8;
	[tilespmem:$0x1F000] =	vst v63  }
0xf2: {  	_ =	swait.ge [sflag:s28], $0x2000  }
0xf3: {  	[sflag:s28] =	ssyncset.done $0x0  }
0xf4: {  	s12 =	sadd.s32 $0x2A80, s5;
	s6 =	simm.s32 @p0 $0x7;
	[sflag:s28] =	ssyncadd.s32 $0xFFFFE000  }
0xf5: {  	[spmem:s2] =	stream.indirect.scatter.add.f32 [tilespmem:s22], [sflag:$0x6], $0x40, s12, s14, $0xb8;
	[tilespmem:$0x1F000] =	vst v63  }
0xf6: {  	_ =	swait.ge @p0 [sflag:s6], $0x2000  }
0xf7: {  	[sflag:s6] =	ssyncset.done @p0 $0x0  }
0xf8: {  	s3 =	sadd.s32 @p0 $0x2B00, s3;
	[sflag:s6] =	ssyncadd.s32 @p0 $0xFFFFE000;
	s6 =	simm.s32 @p0 $0x11000  }
0xf9: {  	[spmem:s2] =	stream.indirect.scatter.add.f32 @p0 [tilespmem:s6], [sflag:$0x7], $0x40, s3, s8, $0xb8;
	[tilespmem:$0x1F000] =	vst v63  }
0xfa: {  	s3 =	simm.s32 @!p0 $0x3  }
0xfb: {  	_ =	swait.ge @!p0 [sflag:s3], $0x2000  }
0xfc: {  	[sflag:s3] =	ssyncset.done @!p0 $0x0  }
0xfd: {  	s6 =	sadd.s32 @!p0 $0x500, s1;
	[sflag:s3] =	ssyncadd.s32 @!p0 $0xFFFFE000;
	s3 =	simm.s32 @!p0 $0x9000  }
0xfe: {  	[tilespmem:s3], [sflag:$0x3] =	stream.indirect.gather @!p0 [hbm4b:s4+s9], $0x40, s6, s9, $0xb8;
	[tilespmem:$0x1F000] =	vst v63  }
0xff: {  	s3 =	simm.s32 @!p0 $0x7  }
0x100: {  	_ =	swait.ge @!p0 [sflag:s3], $0x2000  }
0x101: {  	[sflag:s3] =	ssyncset.done @!p0 $0x0  }
0x102: {  	s6 =	sadd.s32 @!p0 $0x2B00, s1;
	[sflag:s3] =	ssyncadd.s32 @!p0 $0xFFFFE000;
	s3 =	simm.s32 @!p0 $0x11000  }
0x103: {  	[spmem:s2] =	stream.indirect.scatter.add.f32 @!p0 [tilespmem:s3], [sflag:$0x7], $0x40, s6, s9, $0xb8;
	[tilespmem:$0x1F000] =	vst v63  }
0x104: {  	s3 =	simm.s32 @!p0 $0x4  }
0x105: {  	_ =	swait.ge @!p0 [sflag:s3], $0x2000  }
0x106: {  	[sflag:s3] =	ssyncset.done @!p0 $0x0  }
0x107: {  	s1 =	sadd.s32 @!p0 $0x580, s1;
	[sflag:s3] =	ssyncadd.s32 @!p0 $0xFFFFE000;
	s3 =	simm.s32 @!p0 $0xB000  }
0x108: {  	[tilespmem:s3], [sflag:$0x4] =	stream.indirect.gather @!p0 [hbm4b:s4+s9], $0x40, s1, s9, $0xb8;
	[tilespmem:$0x1F000] =	vst v63  }
0x109: {  	_ =	swait.ge [sflag:s29], $0x2000  }
0x10a: {  	[sflag:s29] =	ssyncset.done $0x0  }
0x10b: {  	s13 =	sadd.s32 $0x2B80, s5;
	[sflag:s29] =	ssyncadd.s32 $0xFFFFE000  }
0x10c: {  	[spmem:s2] =	stream.indirect.scatter.add.f32 [tilespmem:s25], [sflag:$0x8], $0x40, s13, s14, $0xb8;
	[tilespmem:$0x1F000] =	vst v63  }
0x10d: {  	_ =	swait.ge [sflag:s21], $0x2000  }
0x10e: {  	[sflag:s21] =	ssyncset.done $0x0  }
0x10f: {  	[sflag:s21] =	ssyncadd.s32 $0xFFFFE000  }
0x110: {  	_ =	swait.ge [sflag:s23], $0x2000  }
0x111: {  	[sflag:s23] =	ssyncset.done $0x0  }
0x112: {  	[sflag:s23] =	ssyncadd.s32 $0xFFFFE000  }
0x113: {  	_ =	swait.ge [sflag:s24], $0x2000  }
0x114: {  	[sflag:s24] =	ssyncset.done $0x0  }
0x115: {  	[sflag:s24] =	ssyncadd.s32 $0xFFFFE000  }
0x116: {  	_ =	swait.ge [sflag:s26], $0x2000  }
0x117: {  	[sflag:s26] =	ssyncset.done $0x0  }
0x118: {  	s17 =	simm.s32 $0x5;
	[sflag:s26] =	ssyncadd.s32 $0xFFFFE000  }
0x119: {  	_ =	swait.ge [sflag:s17], $0x2000  }
0x11a: {  	[sflag:s17] =	ssyncset.done $0x0  }
0x11b: {  	[sflag:s17] =	ssyncadd.s32 $0xFFFFE000  }
0x11c: {  	_ =	swait.ge [sflag:s28], $0x2000  }
0x11d: {  	[sflag:s28] =	ssyncset.done $0x0  }
0x11e: {  	s19 =	simm.s32 $0x7;
	[sflag:s28] =	ssyncadd.s32 $0xFFFFE000  }
0x11f: {  	_ =	swait.ge [sflag:s19], $0x2000  }
0x120: {  	[sflag:s19] =	ssyncset.done $0x0  }
0x121: {  	[sflag:s19] =	ssyncadd.s32 $0xFFFFE000  }
0x122: {  	_ =	swait.ge [sflag:s29], $0x2000  }
0x123: {  	[sflag:s29] =	ssyncset.done $0x0  }
0x124: {  	[sflag:s29] =	ssyncadd.s32 $0xFFFFE000  }
0x125: {  	[bflag:$0x0] =	sbarrier.arrive $0xFFFF  }
0x126: {  	s3 =	rddreg [dreg:$0x7]  }
0x127: {  	s30 =	rddreg [dreg:$0xa]  }
0x128: {  	s6 =	simm.s32 $0x9;
	s5 =	rddreg [dreg:$0xc]  }
0x129: {  	[hbm:s30], [sflag:s3] =	dma.local [spmem:s5], $0x1400  }
0x12a: {  	_ =	swait.ge [sflag:s6], $0x1400  }
0x12b: {  	s0 =	sadd.s32 $0x1, s0;
	s31 =	rddreg [dreg:$0xb]  }
0x12c: {  	p0 =	sne.s32 s0, s31  }
.Ltmp1:
0x12d: {  	_ = 	snop;
	(pc) =	sbr.rel @p0 .LBB2_1-.Ltmp1, $3  }
0x12e: {  	_ =	sdelay $0x1  }
0x12f: {  	[sflag:s6] =	ssyncset.done $0x0  }
0x130: {  	[sflag:s6] =	ssyncadd.s32 $0xFFFFEC00  }
0x131: {  	_ =	sfence.sel $0x180000  }
0x132: {  	[bflag:$0x0] =	sbarrier.arrive $0xFFFF  }
0x133: {  	_ =	strace $0x9000004D  }
0x134: {  	s0 =	stileid.u32;
	[bflag:$0x2] =	sbarrier.arrive $0xFFFF  }
0x135: {  	p0 =	sne.s32 s0, $0x0;
	s0 =	rddreg [dreg:$0x3]  }
0x136: {  	s0 =	sadd.s32 @!p0 $0x100000, s0  }
0x137: {  	[sflag:s0] =	ssyncadd.tile.s32 @!p0 $0x1;
	_ =	shalt  }
.Lfunc_end2:
_tile_overlayer_lowered:
.L_overlay_start_2:
0x138: {  	(tag) =	ssettag $0x2  }
0x139: {  	s0 =	rddreg [dreg:$0x0];
	s2 =	stileid.u32  }
0x13a: {  	s1 =	rddreg [dreg:$0x1];
	p0 =	sne.s32 s2, $0x0  }
0x13b: {  	s3 =	rddreg [dreg:$0x2];
	[bflag:$0x3] =	sbarrier.arrive $0xFFFF;
	s2 =	simm.s32 @!p0 $0x1C09  }
0x13c: {  	[timem:s3], [sflag:s2] =	dma.local @!p0 [hbm:s0], s1  }
0x13d: {  	s0 =	simm.s32 @!p0 $0x9  }
0x13e: {  	_ =	swait.ge @!p0 [sflag:s0], s1  }
0x13f: {  	s1 =	ssub.s32 @!p0 $0x0, s1;
	[sflag:s0] =	ssyncset.done @!p0 $0x0  }
0x140: {  	[sflag:s0] =	ssyncadd.s32 @!p0 s1  }
0x141: {  	[bflag:$0x3] =	sbarrier.arrive $0xFFFF  }
0x142: {  	_ =	shalt  }

// kernel: kernel.16.cloned.1.call-start
scs
__scs_entry_jumppad:
0x0: {  	(pc) =	sbr.rel $0x88, $3  }
0x1: {  	(tag) =	ssettag $0x0;
	lr =	simm.s32 $0x1  }
0x2: {  	[smem:$0x3F99] =	sst lr;
	_ =	strace $0xD0000000  }
0x3: {  	_ = 	snop  }
0x4: {  	_ = 	snop  }
0x5: {  	_ = 	snop  }
0x6: {  	_ = 	snop  }
0x7: {  	_ = 	snop  }
__scs_overlays_trampoline_lowered:
0x8: {  	[smem:$0x3FA8] =	sst s0  }
0x9: {  	[smem:$0x3FA9] =	sst s1  }
0xa: {  	[smem:$0x3FAA] =	sst s2  }
0xb: {  	[smem:$0x3FAB] =	sst s3  }
0xc: {  	[smem:$0x3FAC] =	sst s4  }
0xd: {  	[smem:$0x3FAD] =	sst s5  }
0xe: {  	[smem:$0x3FAE] =	sst s6  }
0xf: {  	[smem:$0x3FAF] =	sst s7  }
0x10: {  	[smem:$0x3FB0] =	sst s8  }
0x11: {  	[smem:$0x3FB1] =	sst s9;
	s0 =	simm.s32 @!p0 $0x0  }
0x12: {  	s1 =	sld [smem:$0x3F97];
	s0 =	simm.s32 @p0 $0x1  }
0x13: {  	[smem:$0x3FB2] =	sst s0;
	s0 =	simm.s32 @!p1 $0x0  }
0x14: {  	s2 =	sld [smem:$0x3F96];
	s0 =	simm.s32 @p1 $0x1  }
0x15: {  	[smem:$0x3FB3] =	sst s0;
	s0 =	simm.s32 @!p2 $0x0  }
0x16: {  	s3 =	sld [smem:$0x3FDB];
	s0 =	simm.s32 @p2 $0x1  }
0x17: {  	s4 =	simm.s32 $0x1BF5;
	[smem:$0x3FB5] =	sst s0  }
0x18: {  	s0 =	sld [smem:$0x3F98];
	_ =	swait.ge [sflag:s4], $0x0  }
0x19: {  	s7 =	sld [smem:$0x3F99]  }
0x1a: {  	s8 =	sadd.s32 $0xFFFFE003, lr  }
0x1b: {  	s9 =	sadd.s32 $0xFFFFFEF7, lr;
	s5 =	simm.s32 $0xFFFFFFFF;
	p2 =	slt.u32 s8, $0xFFFFF086  }
0x1c: {  	p1 =	slt.u32 s9, $0xF7A;
	s5 =	simm.s32 @!p2 $0x0  }
0x1d: {  	s5 =	simm.s32 @p1 $0x1;
	p0 =	seq.s32 s7, s2  }
0x1e: {  	s7 =	smul.u32 @!p0 $0xF7A, s2;
	p2 =	seq.s32 @!p0 s5, $0x0  }
0x1f: {  	s9 =	smul.u32 $0xF7A, s1;
	s8 =	simm.s32 @!p0 $0x1BF5;
	p2 =	por !p2, p0  }
0x20: {  	[sflag:s8] =	ssyncset.s32 @!p0 $0xFFFFF086;
	s6 =	sadd.s32 @!p0 s3, s7;
	s7 =	simm.s32 @!p0 $0x108  }
0x21: {  	s3 =	sadd.s32 s3, s9;
	s6 =	sadd.s32 @!p0 $0x88, s6;
	s7 =	simm.s32 @p2 $0x1082  }
0x22: {  	[simem:s7], [sflag:s8] =	dma.local @!p0 [hbm:s6], $0xF7A  }
0x23: {  	s9 =	sor.u32 $0xD0000000, s2;
	s6 =	simm.s32 $0x108;
	_ =	swait.ge @!p0 [sflag:s8], $0x0  }
0x24: {  	s3 =	sadd.s32 $0x88, s3;
	s6 =	simm.s32 @!p1 $0x1082;
	[sflag:s4] =	ssyncset.s32 $0xFFFFF086  }
0x25: {  	[simem:s6], [sflag:s4] =	dma.local [hbm:s3], $0xF7A  }
0x26: {  	[smem:$0x3F99] =	sst s1;
	(tag) =	ssettag s2;
	_ =	strace s9  }
0x27: {  	s1 =	sld [smem:$0x3FA9]  }
0x28: {  	s2 =	sld [smem:$0x3FAA]  }
0x29: {  	s4 =	sld [smem:$0x3FAC]  }
0x2a: {  	p0 =	seq.s32 s5, $0x0;
	s5 =	sld [smem:$0x3FAD]  }
0x2b: {  	s6 =	sld [smem:$0x3FAE]  }
0x2c: {  	s7 =	sld [smem:$0x3FAF]  }
0x2d: {  	s3 =	simm.s32 $0x108;
	s8 =	sld [smem:$0x3FB0]  }
0x2e: {  	s3 =	simm.s32 @!p0 $0x1082;
	s9 =	sld [smem:$0x3FB1]  }
0x2f: {  	lr =	sadd.s32 s0, s3;
	s0 =	sld [smem:$0x3FA8]  }
0x30: {  	s3 =	sld [smem:$0x3FAB]  }
0x31: {  	[smem:$0x3FB4] =	sst s10  }
0x32: {  	s10 =	sld [smem:$0x3FB2];
	_ =	sdelay $0x3  }
0x33: {  	p0 =	seq.s32 s10, $0x1;
	s10 =	sld [smem:$0x3FB4];
	_ =	sdelay $0x3  }
0x34: {  	[smem:$0x3FB4] =	sst s10  }
0x35: {  	s10 =	sld [smem:$0x3FB3];
	_ =	sdelay $0x3  }
0x36: {  	p1 =	seq.s32 s10, $0x1;
	s10 =	sld [smem:$0x3FB4];
	_ =	sdelay $0x3  }
0x37: {  	[smem:$0x3FB4] =	sst s10  }
0x38: {  	s10 =	sld [smem:$0x3FB5]  }
0x39: {  	_ = 	snop;
	(pc) =	sbr.ind lr, $3  }
0x3a: {  	_ = 	snop  }
0x3b: {  	_ = 	snop  }
0x3c: {  	p2 =	seq.s32 s10, $0x1;
	s10 =	sld [smem:$0x3FB4]  }
0x3d: {  	_ =	shalt  }
0x3e: {  	_ =	shalt  }
0x3f: {  	_ =	shalt  }
0x40: {  	_ =	shalt  }
0x41: {  	_ =	shalt  }
0x42: {  	_ =	shalt  }
0x43: {  	_ =	shalt  }
0x44: {  	_ =	shalt  }
0x45: {  	_ =	shalt  }
0x46: {  	_ =	shalt  }
0x47: {  	_ =	shalt  }
0x48: {  	_ =	shalt  }
0x49: {  	_ =	shalt  }
0x4a: {  	_ =	shalt  }
0x4b: {  	_ =	shalt  }
0x4c: {  	_ =	shalt  }
0x4d: {  	_ =	shalt  }
0x4e: {  	_ =	shalt  }
0x4f: {  	_ =	shalt  }
0x50: {  	_ =	shalt  }
0x51: {  	_ =	shalt  }
0x52: {  	_ =	shalt  }
0x53: {  	_ =	shalt  }
0x54: {  	_ =	shalt  }
0x55: {  	_ =	shalt  }
0x56: {  	_ =	shalt  }
0x57: {  	_ =	shalt  }
0x58: {  	_ =	shalt  }
0x59: {  	_ =	shalt  }
0x5a: {  	_ =	shalt  }
0x5b: {  	_ =	shalt  }
0x5c: {  	_ =	shalt  }
0x5d: {  	_ =	shalt  }
0x5e: {  	_ =	shalt  }
0x5f: {  	_ =	shalt  }
0x60: {  	_ =	shalt  }
0x61: {  	_ =	shalt  }
0x62: {  	_ =	shalt  }
0x63: {  	_ =	shalt  }
0x64: {  	_ =	shalt  }
0x65: {  	_ =	shalt  }
0x66: {  	_ =	shalt  }
0x67: {  	_ =	shalt  }
0x68: {  	_ =	shalt  }
0x69: {  	_ =	shalt  }
0x6a: {  	_ =	shalt  }
0x6b: {  	_ =	shalt  }
0x6c: {  	_ =	shalt  }
0x6d: {  	_ =	shalt  }
0x6e: {  	_ =	shalt  }
0x6f: {  	_ =	shalt  }
0x70: {  	_ =	shalt  }
0x71: {  	_ =	shalt  }
0x72: {  	_ =	shalt  }
0x73: {  	_ =	shalt  }
0x74: {  	_ =	shalt  }
0x75: {  	_ =	shalt  }
0x76: {  	_ =	shalt  }
0x77: {  	_ =	shalt  }
0x78: {  	_ =	shalt  }
0x79: {  	_ =	shalt  }
0x7a: {  	_ =	shalt  }
0x7b: {  	_ =	shalt  }
0x7c: {  	_ =	shalt  }
0x7d: {  	_ =	shalt  }
0x7e: {  	_ =	shalt  }
0x7f: {  	_ =	shalt  }
0x80: {  	_ =	shalt  }
0x81: {  	_ =	shalt  }
0x82: {  	_ =	shalt  }
0x83: {  	_ =	shalt  }
0x84: {  	_ =	shalt  }
0x85: {  	_ =	shalt  }
0x86: {  	_ =	shalt  }
0x87: {  	_ =	shalt  }
.Lfunc_end0:
.L_simem_size_0:
called_computation.3_lowered:
.L_overlay_start_0:
0x88: {  	s2 =	sld [smem:$0x3FD9]  }
0x89: {  	s3 =	sld [smem:$0x3FFE];
	_ =	sdelay $0x1  }
0x8a: {  	s1 =	srdreg.scid  }
0x8b: {  	s0 =	sand.u32 $0x1, s1  }
0x8c: {  	s17 =	sshll.u32 s0, $0xA;
	s2 =	sadd.s32 s3, s2  }
0x8d: {  	s2 =	sadd.s32 s2, s17  }
0x8e: {  	[smem:$0x3FC0] =	sst s2  }
0x8f: {  	_ = 	snop  }
0x90: {  	s2 =	sld [smem:$0x3FD0];
	(tm) =	ssettm $0x1  }
0x91: {  	s18 =	sld [smem:$0x3FFB];
	_ =	sdelay $0x3  }
0x92: {  	_ =	strace s18  }
0x93: {  	s3 =	sld [smem:$0x3FFC];
	_ =	sdelay $0x3  }
0x94: {  	_ =	strace s3  }
0x95: {  	s3 =	sld [smem:$0x3FFD];
	_ =	sdelay $0x3  }
0x96: {  	_ =	strace s3  }
0x97: {  	_ =	strace $0x8FFFFFFF  }
0x98: {  	s19 =	sld [smem:$0x3FDB];
	_ =	sdelay $0x1  }
0x99: {  	s4 =	simm.s32 $_scs_section_size  }
0x9a: {  	s5 =	simm.s32 $_size__tile_overlayer_lowered;
	s6 =	simm.s32 $_tile_overlayer_lowered  }
0x9b: {  	s22 =	simm.s32 $0x1BFF;
	s21 =	sshll.u32 s6, $0x1;
	s3 =	sadd.s32 s4, s19  }
0x9c: {  	s7 =	simm.s32 $0x0;
	s20 =	sshll.u32 s5, $0x1;
	s5 =	sadd.s32 s21, s3  }
0x9d: {  	[timem:s7], [sflag:s22] =	dma.local [hbm:s5], s20  }
0x9e: {  	_ =	swait.ge [sflag:s22], s20  }
0x9f: {  	s4 =	ssub.s32 $0x0, s20;
	[sflag:s22] =	ssyncset.done $0x0  }
0xa0: {  	[sflag:s22] =	ssyncadd.s32 s4;
	_ =	sdelay $0x1  }
0xa1: {  	s23 =	simm.s32 $0x1B8B  }
0xa2: {  	_ =	swait.ge [sflag:s23], $0x1  }
0xa3: {  	[sflag:s23] =	ssyncset.done $0x0  }
0xa4: {  	s25 =	simm.s32 $0x1B8E;
	s24 =	sld [smem:$0x3FFE];
	[sflag:s23] =	ssyncadd.s32 $0xFFFFFFFF  }
0xa5: {  	s26 =	simm.s32 $execute0_lowered;
	[smem:$0x3FD2] =	sst s25  }
0xa6: {  	s5 =	sshll.u32 s26, $0x1;
	_ =	strace $0x8000004F;
	[dreg:$0x1] =	wrdreg $0xFFFFFFFF  }
0xa7: {  	s28 =	simm.s32 $_size_execute0_lowered;
	s3 =	sadd.s32 s3, s5;
	[dreg:$0x0] =	wrdreg $0x0  }
0xa8: {  	s5 =	sshll.u32 s28, $0x1;
	[dreg:$0x2] =	wrdreg s3  }
0xa9: {  	[dreg:$0x3] =	wrdreg s5  }
0xaa: {  	[dreg:$0x4] =	wrdreg $0xC0  }
0xab: {  	_ =	task [dreg:s7], $0x5FFFF  }
0xac: {  	[dreg:$0x1] =	wrdreg $0xFFFFFFFF  }
0xad: {  	[dreg:$0x0] =	wrdreg $0x60  }
0xae: {  	[dreg:$0x2] =	wrdreg s24  }
0xaf: {  	[dreg:$0x3] =	wrdreg s2  }
0xb0: {  	[dreg:$0x4] =	wrdreg $0x150000  }
0xb1: {  	[dreg:$0x5] =	wrdreg $0x9  }
0xb2: {  	_ =	task.clear_ibuf [dreg:s7], $0x6FFFF;
	_ =	strace $0x9000004F  }
0xb3: {  	s29 =	simm.s32 $0x9;
	_ =	strace $0x80000051  }
0xb4: {  	_ =	swait.ge [sflag:s29], $0x1  }
0xb5: {  	[sflag:s29] =	ssyncadd.s32 $0xFFFFFFFF  }
0xb6: {  	_ =	strace $0x90000051  }
0xb7: {  	_ =	sfence  }
0xb8: {  	s30 =	sld [smem:$0x0];
	_ =	sdelay $0x2  }
0xb9: {  	s31 =	sshll.u32 s1, $0xD;
	s1 =	sshrl.u32 s1, $0x2  }
0xba: {  	s3 =	sand.u32 $0x4000, s31;
	s1 =	sadd.s32 s1, s30  }
0xbb: {  	s0 =	sor.u32 s3, s0;
	s1 =	sshll.u32 s1, $0x11  }
0xbc: {  	s0 =	sor.u32 s1, s0  }
0xbd: {  	s0 =	sadd.s32 $0x8F2B, s0  }
0xbe: {  	[sflag:s0] =	ssyncadd.remote.s32 $0x1  }
0xbf: {  	_ =	sfence.sel $0xFFFF  }
0xc0: {  	[dreg:$0x0] =	wrdreg $0xFFFFFFFF;
	(pc) =	sbr.abs _section_cstart, $3  }
0xc1: {  	[dreg:$0x1] =	wrdreg $0xFFFFFFFF  }
0xc2: {  	_ =	task.clear_ibuf [dreg:s7], $0x2FFFF;
	_ =	strace $0x9FFFFFFF  }
0xc3: {  	(tm) =	ssettm $0x7FFFFFFF  }
tec
execute0_lowered:
.L_overlay_start_1:
0x0: {  	(tag) =	ssettag $0x1  }
0x1: {  	s0 =	rddreg [dreg:$0x0]  }
0x2: {  	s1 =	rddreg [dreg:$0x1]  }
0x3: {  	s2 =	rddreg [dreg:$0x2];
	s7 =	simm.s32 $0x0  }
0x4: {  	s4 =	srdreg.scid;
	s3 =	stileid.u32;
	s14 =	simm.s32 $0x80  }
0x5: {  	s15 =	simm.s32 $0x5000;
	s16 =	simm.s32 $0x7000;
	s18 =	simm.s32 $0x9000  }
0x6: {  	s30 =	simm.s32 $0xD000;
	s31 =	simm.s32 $0x11000;
	s28 =	simm.s32 $0x6  }
0x7: {  	s29 =	simm.s32 $0x8;
	s5 =	sand.u32 $0x1, s4;
	s20 =	sshll.u32 s3, $0x1  }
0x8: {  	s6 =	smul.u32 $0xA000, s3;
	[smem:$0x7FF] =	sst s7;
	s24 =	sshll.u32 s3, $0x6  }
0x9: {  	s4 =	sor.u32 s5, s20;
	s21 =	smul.u32 $0xA0000, s5;
	_ =	strace $0x80000050  }
0xa: {  	s5 =	ssub.s32 $0x2, s5;
	s3 =	sor.u32 $0x1C09, s24;
	[dreg:$0x4] =	wrdreg s30  }
0xb: {  	s20 =	simm.s32 $0xB000;
	[dreg:$0x5] =	wrdreg s31;
	s24 =	simm.s32 $0x3  }
0xc: {  	s8 =	smul.u32 $0x500, s4;
	s4 =	sadd.s32 $0x3600, s0;
	s10 =	sshrl.u32 s5, $0x1  }
0xd: {  	s22 =	sshrl.u32 s6, $0x3;
	s11 =	sadd.s32 s6, s2;
	[dreg:$0x7] =	wrdreg s3  }
0xe: {  	s7 =	sadd.s32 s6, s21;
	s5 =	ssub.s32 s5, s10;
	s23 =	sadd.s32 s4, s22  }
0xf: {  	s6 =	simm.s32 $0x9;
	s21 =	simm.s32 $0x1;
	s22 =	simm.s32 $0xF000  }
0x10: {  	s9 =	sadd.s32 s8, s0;
	[dreg:$0x6] =	wrdreg s23;
	s1 =	sadd.s32 s1, s8  }
0x11: {  	s7 =	sshrl.u32 s7, $0x3;
	s26 =	smax.u32 s5, $0x1;
	[dreg:$0x9] =	wrdreg s1  }
0x12: {  	s5 =	sshrl.u32 s11, $0x3;
	s23 =	simm.s32 $0x2;
	[dreg:$0xb] =	wrdreg s26  }
0x13: {  	s0 =	sadd.s32 s7, s0;
	s25 =	sadd.s32 $0x54600, s9;
	[dreg:$0xc] =	wrdreg s5  }
0x14: {  	s26 =	simm.s32 $0x4;
	[dreg:$0x8] =	wrdreg s25;
	s0 =	sadd.s32 $0x17600, s0  }
0x15: {  	s25 =	simm.s32 $0x13000;
	[dreg:$0xa] =	wrdreg s0;
	s0 =	simm.s32 $0x0  }
.LBB2_1:
0x16: {  	s1 =	rddreg [dreg:$0x6]  }
0x17: {  	[spmem:s5], [sflag:s3] =	dma.local [hbm:s1], $0x1400  }
0x18: {  	_ =	swait.ge [sflag:s6], $0x1400  }
0x19: {  	[sflag:s6] =	ssyncset.done $0x0  }
0x1a: {  	s17 =	simm.s32 $0x0;
	s19 =	rddreg [dreg:$0x8];
	[sflag:s6] =	ssyncadd.s32 $0xFFFFEC00  }
0x1b: {  	[tilespmem:s17], [sflag:$0x9] =	stream.linear.gather [hbm4b:s19+s17], $0x2800, $0x38;
	[tilespmem:$0x1F000] =	vst v63  }
0x1c: {  	_ =	swait.ge [sflag:s6], $0x2800  }
0x1d: {  	[sflag:s6] =	ssyncset.done $0x0  }
0x1e: {  	s31 =	simm.s32 $0x2800;
	s30 =	rddreg [dreg:$0x9];
	[sflag:s6] =	ssyncadd.s32 $0xFFFFD800  }
0x1f: {  	[tilespmem:s31], [sflag:$0x9] =	stream.linear.gather [hbm4b:s30+s17], $0x2800, $0x38;
	[tilespmem:$0x1F000] =	vst v63  }
0x20: {  	_ =	swait.ge [sflag:s6], $0x2800  }
0x21: {  	[sflag:s6] =	ssyncset.done $0x0  }
0x22: {  	[sflag:s6] =	ssyncadd.s32 $0xFFFFD800  }
0x23: {  	[bflag:$0x0] =	sbarrier.arrive $0xFFFF  }
0x24: {  	[tilespmem:s15], [sflag:$0x1] =	stream.indirect.gather [hbm4b:s4+s14], $0x40, s17, s14, $0xb8;
	[tilespmem:$0x1F000] =	vst v63  }
0x25: {  	_ = 	snop  }
0x26: {  	[tilespmem:s16], [sflag:$0x2] =	stream.indirect.gather [hbm4b:s4+s14], $0x40, s14, s14, $0xb8;
	[tilespmem:$0x1F000] =	vst v63  }
0x27: {  	p0 =	por $0x1, $0x1;
	s5 =	simm.s32 $0x100  }
0x28: {  	[tilespmem:s18], [sflag:$0x3] =	stream.indirect.gather [hbm4b:s4+s14], $0x40, s5, s14, $0xb8;
	[tilespmem:$0x1F000] =	vst v63  }
0x29: {  	s1 =	simm.s32 @!p0 $0x5;
	s6 =	simm.s32 $0x180  }
0x2a: {  	[tilespmem:s20], [sflag:$0x4] =	stream.indirect.gather [hbm4b:s4+s14], $0x40, s6, s14, $0xb8;
	[tilespmem:$0x1F000] =	vst v63  }
0x2b: {  	_ =	swait.ge @!p0 [sflag:s1], $0x2000  }
0x2c: {  	[sflag:s1] =	ssyncset.done @!p0 $0x0  }
0x2d: {  	s8 =	simm.s32 $0x200;
	s7 =	rddreg [dreg:$0x4];
	[sflag:s1] =	ssyncadd.s32 @!p0 $0xFFFFE000  }
0x2e: {  	[tilespmem:s7], [sflag:$0x5] =	stream.indirect.gather [hbm4b:s4+s14], $0x40, s8, s14, $0xb8;
	[tilespmem:$0x1F000] =	vst v63  }
0x2f: {  	_ =	swait.ge [sflag:s21], $0x2000  }
0x30: {  	[sflag:s21] =	ssyncset.done $0x0  }
0x31: {  	s9 =	simm.s32 $0x2800;
	s5 =	simm.s32 @!p0 $0x6;
	[sflag:s21] =	ssyncadd.s32 $0xFFFFE000  }
0x32: {  	[spmem:s2] =	stream.indirect.scatter.add.f32 [tilespmem:s15], [sflag:$0x1], $0x40, s9, s14, $0xb8;
	[tilespmem:$0x1F000] =	vst v63  }
0x33: {  	_ =	swait.ge @!p0 [sflag:s5], $0x2000  }
0x34: {  	[sflag:s5] =	ssyncset.done @!p0 $0x0  }
0x35: {  	s10 =	simm.s32 $0x280;
	[sflag:s5] =	ssyncadd.s32 @!p0 $0xFFFFE000  }
0x36: {  	[tilespmem:s22], [sflag:$0x6] =	stream.indirect.gather [hbm4b:s4+s14], $0x40, s10, s14, $0xb8;
	[tilespmem:$0x1F000] =	vst v63  }
0x37: {  	_ =	swait.ge [sflag:s23], $0x2000  }
0x38: {  	[sflag:s23] =	ssyncset.done $0x0  }
0x39: {  	s11 =	simm.s32 $0x2880;
	s5 =	simm.s32 @!p0 $0x7;
	[sflag:s23] =	ssyncadd.s32 $0xFFFFE000  }
0x3a: {  	[spmem:s2] =	stream.indirect.scatter.add.f32 [tilespmem:s16], [sflag:$0x2], $0x40, s11, s14, $0xb8;
	[tilespmem:$0x1F000] =	vst v63  }
0x3b: {  	_ =	swait.ge @!p0 [sflag:s5], $0x2000  }
0x3c: {  	[sflag:s5] =	ssyncset.done @!p0 $0x0  }
0x3d: {  	s13 =	simm.s32 $0x300;
	s12 =	rddreg [dreg:$0x5];
	[sflag:s5] =	ssyncadd.s32 @!p0 $0xFFFFE000  }
0x3e: {  	[tilespmem:s12], [sflag:$0x7] =	stream.indirect.gather [hbm4b:s4+s14], $0x40, s13, s14, $0xb8;
	[tilespmem:$0x1F000] =	vst v63  }
0x3f: {  	_ =	swait.ge [sflag:s24], $0x2000  }
0x40: {  	[sflag:s24] =	ssyncset.done $0x0  }
0x41: {  	s17 =	simm.s32 $0x2900;
	s5 =	simm.s32 @!p0 $0x8;
	[sflag:s24] =	ssyncadd.s32 $0xFFFFE000  }
0x42: {  	[spmem:s2] =	stream.indirect.scatter.add.f32 [tilespmem:s18], [sflag:$0x3], $0x40, s17, s14, $0xb8;
	[tilespmem:$0x1F000] =	vst v63  }
0x43: {  	_ =	swait.ge @!p0 [sflag:s5], $0x2000  }
0x44: {  	[sflag:s5] =	ssyncset.done @!p0 $0x0  }
0x45: {  	s19 =	simm.s32 $0x380;
	[sflag:s5] =	ssyncadd.s32 @!p0 $0xFFFFE000  }
0x46: {  	[tilespmem:s25], [sflag:$0x8] =	stream.indirect.gather [hbm4b:s4+s14], $0x40, s19, s14, $0xb8;
	[tilespmem:$0x1F000] =	vst v63  }
0x47: {  	_ =	swait.ge [sflag:s26], $0x2000  }
0x48: {  	p0 =	por $0x0, $0x0;
	[sflag:s26] =	ssyncset.done $0x0  }
0x49: {  	s30 =	simm.s32 $0x2980;
	s5 =	simm.s32 @p0 $0x5;
	[sflag:s26] =	ssyncadd.s32 $0xFFFFE000  }
0x4a: {  	[spmem:s2] =	stream.indirect.scatter.add.f32 [tilespmem:s20], [sflag:$0x4], $0x40, s30, s14, $0xb8;
	[tilespmem:$0x1F000] =	vst v63  }
0x4b: {  	_ =	swait.ge @p0 [sflag:s5], $0x2000  }
0x4c: {  	s1 =	simm.s32 @p0 $0x2A00;
	s7 =	simm.s32 @p0 $0x80;
	[sflag:s5] =	ssyncset.done @p0 $0x0  }
0x4d: {  	s8 =	simm.s32 @p0 $0xD000;
	[sflag:s5] =	ssyncadd.s32 @p0 $0xFFFFE000;
	s5 =	simm.s32 @!p0 $0x1  }
0x4e: {  	[spmem:s2] =	stream.indirect.scatter.add.f32 @p0 [tilespmem:s8], [sflag:$0x5], $0x40, s1, s7, $0xb8;
	[tilespmem:$0x1F000] =	vst v63  }
0x4f: {  	_ =	swait.ge @!p0 [sflag:s5], $0x2000  }
0x50: {  	s1 =	simm.s32 @!p0 $0x400;
	[sflag:s5] =	ssyncset.done @!p0 $0x0  }
0x51: {  	s8 =	simm.s32 @!p0 $0x80;
	[sflag:s5] =	ssyncadd.s32 @!p0 $0xFFFFE000;
	s5 =	simm.s32 @!p0 $0x5000  }
0x52: {  	[tilespmem:s5], [sflag:$0x1] =	stream.indirect.gather @!p0 [hbm4b:s4+s8], $0x40, s1, s8, $0xb8;
	[tilespmem:$0x1F000] =	vst v63  }
0x53: {  	s1 =	simm.s32 @!p0 $0x5  }
0x54: {  	_ =	swait.ge @!p0 [sflag:s1], $0x2000  }
0x55: {  	[sflag:s1] =	ssyncset.done @!p0 $0x0  }
0x56: {  	s5 =	simm.s32 @!p0 $0x2A00;
	[sflag:s1] =	ssyncadd.s32 @!p0 $0xFFFFE000;
	s1 =	simm.s32 @!p0 $0xD000  }
0x57: {  	[spmem:s2] =	stream.indirect.scatter.add.f32 @!p0 [tilespmem:s1], [sflag:$0x5], $0x40, s5, s8, $0xb8;
	[tilespmem:$0x1F000] =	vst v63  }
0x58: {  	s1 =	simm.s32 @!p0 $0x2  }
0x59: {  	_ =	swait.ge @!p0 [sflag:s1], $0x2000  }
0x5a: {  	[sflag:s1] =	ssyncset.done @!p0 $0x0  }
0x5b: {  	s5 =	simm.s32 @!p0 $0x480;
	[sflag:s1] =	ssyncadd.s32 @!p0 $0xFFFFE000;
	s1 =	simm.s32 @!p0 $0x7000  }
0x5c: {  	[tilespmem:s1], [sflag:$0x2] =	stream.indirect.gather @!p0 [hbm4b:s4+s8], $0x40, s5, s8, $0xb8;
	[tilespmem:$0x1F000] =	vst v63  }
0x5d: {  	_ =	swait.ge [sflag:s28], $0x2000  }
0x5e: {  	[sflag:s28] =	ssyncset.done $0x0  }
0x5f: {  	s31 =	simm.s32 $0x2A80;
	s5 =	simm.s32 @p0 $0x7;
	[sflag:s28] =	ssyncadd.s32 $0xFFFFE000  }
0x60: {  	[spmem:s2] =	stream.indirect.scatter.add.f32 [tilespmem:s22], [sflag:$0x6], $0x40, s31, s14, $0xb8;
	[tilespmem:$0x1F000] =	vst v63  }
0x61: {  	_ =	swait.ge @p0 [sflag:s5], $0x2000  }
0x62: {  	[sflag:s5] =	ssyncset.done @p0 $0x0  }
0x63: {  	s1 =	simm.s32 @p0 $0x2B00;
	[sflag:s5] =	ssyncadd.s32 @p0 $0xFFFFE000;
	s5 =	simm.s32 @p0 $0x11000  }
0x64: {  	[spmem:s2] =	stream.indirect.scatter.add.f32 @p0 [tilespmem:s5], [sflag:$0x7], $0x40, s1, s7, $0xb8;
	[tilespmem:$0x1F000] =	vst v63  }
0x65: {  	s1 =	simm.s32 @!p0 $0x3  }
0x66: {  	_ =	swait.ge @!p0 [sflag:s1], $0x2000  }
0x67: {  	[sflag:s1] =	ssyncset.done @!p0 $0x0  }
0x68: {  	s5 =	simm.s32 @!p0 $0x500;
	[sflag:s1] =	ssyncadd.s32 @!p0 $0xFFFFE000;
	s1 =	simm.s32 @!p0 $0x9000  }
0x69: {  	[tilespmem:s1], [sflag:$0x3] =	stream.indirect.gather @!p0 [hbm4b:s4+s8], $0x40, s5, s8, $0xb8;
	[tilespmem:$0x1F000] =	vst v63  }
0x6a: {  	s1 =	simm.s32 @!p0 $0x7  }
0x6b: {  	_ =	swait.ge @!p0 [sflag:s1], $0x2000  }
0x6c: {  	[sflag:s1] =	ssyncset.done @!p0 $0x0  }
0x6d: {  	s5 =	simm.s32 @!p0 $0x2B00;
	[sflag:s1] =	ssyncadd.s32 @!p0 $0xFFFFE000;
	s1 =	simm.s32 @!p0 $0x11000  }
0x6e: {  	[spmem:s2] =	stream.indirect.scatter.add.f32 @!p0 [tilespmem:s1], [sflag:$0x7], $0x40, s5, s8, $0xb8;
	[tilespmem:$0x1F000] =	vst v63  }
0x6f: {  	s1 =	simm.s32 @!p0 $0x4  }
0x70: {  	_ =	swait.ge @!p0 [sflag:s1], $0x2000  }
0x71: {  	p1 =	por $0x0, $0x0;
	s13 =	simm.s32 $0x2000;
	[sflag:s1] =	ssyncset.done @!p0 $0x0  }
0x72: {  	s5 =	simm.s32 @!p0 $0x580;
	[sflag:s1] =	ssyncadd.s32 @!p0 $0xFFFFE000;
	s1 =	simm.s32 @!p0 $0xB000  }
0x73: {  	[tilespmem:s1], [sflag:$0x4] =	stream.indirect.gather @!p0 [hbm4b:s4+s8], $0x40, s5, s8, $0xb8;
	[tilespmem:$0x1F000] =	vst v63  }
0x74: {  	s17 =	simm.s32 $0x2B80;
	s1 =	simm.s32 $0x1000;
	_ =	swait.ge [sflag:s29], $0x2000  }
.LBB2_2:
0x75: {  	[sflag:s29] =	ssyncset.done $0x0  }
0x76: {  	s7 =	simm.s32 @!p1 $0x5;
	[sflag:s29] =	ssyncadd.s32 $0xFFFFE000  }
0x77: {  	[spmem:s2] =	stream.indirect.scatter.add.f32 [tilespmem:s25], [sflag:$0x8], $0x40, s17, s14, $0xb8;
	[tilespmem:$0x1F000] =	vst v63  }
0x78: {  	_ =	swait.ge @!p1 [sflag:s7], $0x2000  }
0x79: {  	s19 =	sshra.s32 s1, $0x2;
	[sflag:s7] =	ssyncset.done @!p1 $0x0  }
0x7a: {  	s30 =	sadd.s32 $0x200, s19;
	s8 =	rddreg [dreg:$0x4];
	[sflag:s7] =	ssyncadd.s32 @!p1 $0xFFFFE000  }
0x7b: {  	[tilespmem:s8], [sflag:$0x5] =	stream.indirect.gather [hbm4b:s4+s14], $0x40, s30, s14, $0xb8;
	[tilespmem:$0x1F000] =	vst v63  }
0x7c: {  	_ =	swait.ge [sflag:s21], $0x2000  }
0x7d: {  	[sflag:s21] =	ssyncset.done $0x0  }
0x7e: {  	s31 =	sadd.s32 $0x2800, s19;
	s8 =	simm.s32 @!p1 $0x6;
	[sflag:s21] =	ssyncadd.s32 $0xFFFFE000  }
0x7f: {  	[spmem:s2] =	stream.indirect.scatter.add.f32 [tilespmem:s15], [sflag:$0x1], $0x40, s31, s14, $0xb8;
	[tilespmem:$0x1F000] =	vst v63  }
0x80: {  	_ =	swait.ge @!p1 [sflag:s8], $0x2000  }
0x81: {  	[sflag:s8] =	ssyncset.done @!p1 $0x0  }
0x82: {  	s3 =	sadd.s32 $0x280, s19;
	[sflag:s8] =	ssyncadd.s32 @!p1 $0xFFFFE000  }
0x83: {  	[tilespmem:s22], [sflag:$0x6] =	stream.indirect.gather [hbm4b:s4+s14], $0x40, s3, s14, $0xb8;
	[tilespmem:$0x1F000] =	vst v63  }
0x84: {  	_ =	swait.ge [sflag:s23], $0x2000  }
0x85: {  	[sflag:s23] =	ssyncset.done $0x0  }
0x86: {  	s6 =	sadd.s32 $0x2880, s19;
	s8 =	simm.s32 @!p1 $0x7;
	[sflag:s23] =	ssyncadd.s32 $0xFFFFE000  }
0x87: {  	[spmem:s2] =	stream.indirect.scatter.add.f32 [tilespmem:s16], [sflag:$0x2], $0x40, s6, s14, $0xb8;
	[tilespmem:$0x1F000] =	vst v63  }
0x88: {  	_ =	swait.ge @!p1 [sflag:s8], $0x2000  }
0x89: {  	[sflag:s8] =	ssyncset.done @!p1 $0x0  }
0x8a: {  	s10 =	sadd.s32 $0x300, s19;
	s9 =	rddreg [dreg:$0x5];
	[sflag:s8] =	ssyncadd.s32 @!p1 $0xFFFFE000  }
0x8b: {  	[tilespmem:s9], [sflag:$0x7] =	stream.indirect.gather [hbm4b:s4+s14], $0x40, s10, s14, $0xb8;
	[tilespmem:$0x1F000] =	vst v63  }
0x8c: {  	_ =	swait.ge [sflag:s24], $0x2000  }
0x8d: {  	[sflag:s24] =	ssyncset.done $0x0  }
0x8e: {  	s11 =	sadd.s32 $0x2900, s19;
	s8 =	simm.s32 @!p1 $0x8;
	[sflag:s24] =	ssyncadd.s32 $0xFFFFE000  }
0x8f: {  	[spmem:s2] =	stream.indirect.scatter.add.f32 [tilespmem:s18], [sflag:$0x3], $0x40, s11, s14, $0xb8;
	[tilespmem:$0x1F000] =	vst v63  }
0x90: {  	_ =	swait.ge @!p1 [sflag:s8], $0x2000  }
0x91: {  	[sflag:s8] =	ssyncset.done @!p1 $0x0  }
0x92: {  	s12 =	sadd.s32 $0x380, s19;
	[sflag:s8] =	ssyncadd.s32 @!p1 $0xFFFFE000  }
0x93: {  	[tilespmem:s25], [sflag:$0x8] =	stream.indirect.gather [hbm4b:s4+s14], $0x40, s12, s14, $0xb8;
	[tilespmem:$0x1F000] =	vst v63  }
0x94: {  	_ =	swait.ge [sflag:s26], $0x2000  }
0x95: {  	p1 =	seq.s32 s1, $0x9000;
	[sflag:s26] =	ssyncset.done $0x0  }
0x96: {  	s30 =	sadd.s32 $0x2980, s19;
	s9 =	simm.s32 @p1 $0x5;
	[sflag:s26] =	ssyncadd.s32 $0xFFFFE000  }
0x97: {  	[spmem:s2] =	stream.indirect.scatter.add.f32 [tilespmem:s20], [sflag:$0x4], $0x40, s30, s14, $0xb8;
	[tilespmem:$0x1F000] =	vst v63  }
0x98: {  	s10 =	sshra.s32 @p1 s1, $0x2;
	_ =	swait.ge @p1 [sflag:s9], $0x2000  }
0x99: {  	s8 =	simm.s32 @p1 $0x80;
	s3 =	simm.s32 @p1 $0xD000;
	[sflag:s9] =	ssyncset.done @p1 $0x0  }
0x9a: {  	s7 =	sadd.s32 @p1 $0x2A00, s10;
	[sflag:s9] =	ssyncadd.s32 @p1 $0xFFFFE000;
	s9 =	simm.s32 @!p1 $0x1  }
0x9b: {  	[spmem:s2] =	stream.indirect.scatter.add.f32 @p1 [tilespmem:s3], [sflag:$0x5], $0x40, s7, s8, $0xb8;
	[tilespmem:$0x1F000] =	vst v63  }
0x9c: {  	s1 =	sshra.s32 @!p1 s1, $0x2;
	_ =	swait.ge @!p1 [sflag:s9], $0x2000  }
0x9d: {  	s6 =	simm.s32 @!p1 $0x5000;
	s11 =	simm.s32 @!p1 $0x5;
	[sflag:s9] =	ssyncset.done @!p1 $0x0  }
0x9e: {  	s30 =	sadd.s32 @!p1 $0x400, s1;
	s7 =	simm.s32 @!p1 $0x80;
	[sflag:s9] =	ssyncadd.s32 @!p1 $0xFFFFE000  }
0x9f: {  	[tilespmem:s6], [sflag:$0x1] =	stream.indirect.gather @!p1 [hbm4b:s4+s7], $0x40, s30, s7, $0xb8;
	[tilespmem:$0x1F000] =	vst v63  }
0xa0: {  	_ =	swait.ge @!p1 [sflag:s11], $0x2000  }
0xa1: {  	s12 =	simm.s32 @!p1 $0xD000;
	[sflag:s11] =	ssyncset.done @!p1 $0x0  }
0xa2: {  	s3 =	sadd.s32 @!p1 $0x2A00, s1;
	[sflag:s11] =	ssyncadd.s32 @!p1 $0xFFFFE000;
	s11 =	simm.s32 @!p1 $0x2  }
0xa3: {  	[spmem:s2] =	stream.indirect.scatter.add.f32 @!p1 [tilespmem:s12], [sflag:$0x5], $0x40, s3, s7, $0xb8;
	[tilespmem:$0x1F000] =	vst v63  }
0xa4: {  	_ =	swait.ge @!p1 [sflag:s11], $0x2000  }
0xa5: {  	s5 =	smov.u32 s13;
	[sflag:s11] =	ssyncset.done @!p1 $0x0  }
0xa6: {  	s31 =	sadd.s32 @!p1 $0x480, s1;
	s3 =	simm.s32 @!p1 $0x7000;
	[sflag:s11] =	ssyncadd.s32 @!p1 $0xFFFFE000  }
0xa7: {  	[tilespmem:s3], [sflag:$0x2] =	stream.indirect.gather @!p1 [hbm4b:s4+s7], $0x40, s31, s7, $0xb8;
	[tilespmem:$0x1F000] =	vst v63  }
0xa8: {  	s9 =	sadd.s32 @!p1 $0x580, s1;
	s6 =	sadd.s32 @!p1 $0x500, s1;
	_ =	swait.ge [sflag:s28], $0x2000  }
0xa9: {  	s30 =	sadd.s32 @!p1 $0x2B00, s1;
	s1 =	smov.u32 s5;
	[sflag:s28] =	ssyncset.done $0x0  }
0xaa: {  	s5 =	simm.s32 @p1 $0x7;
	s31 =	sadd.s32 $0x2A80, s19;
	[sflag:s28] =	ssyncadd.s32 $0xFFFFE000  }
0xab: {  	[spmem:s2] =	stream.indirect.scatter.add.f32 [tilespmem:s22], [sflag:$0x6], $0x40, s31, s14, $0xb8;
	[tilespmem:$0x1F000] =	vst v63  }
0xac: {  	_ =	swait.ge @p1 [sflag:s5], $0x2000  }
0xad: {  	s10 =	sadd.s32 @p1 $0x2B00, s10;
	[sflag:s5] =	ssyncset.done @p1 $0x0  }
0xae: {  	s3 =	simm.s32 @p1 $0x11000;
	[sflag:s5] =	ssyncadd.s32 @p1 $0xFFFFE000;
	s5 =	simm.s32 @!p1 $0x3  }
0xaf: {  	[spmem:s2] =	stream.indirect.scatter.add.f32 @p1 [tilespmem:s3], [sflag:$0x7], $0x40, s10, s8, $0xb8;
	[tilespmem:$0x1F000] =	vst v63  }
0xb0: {  	_ =	swait.ge @!p1 [sflag:s5], $0x2000  }
0xb1: {  	[sflag:s5] =	ssyncset.done @!p1 $0x0  }
0xb2: {  	s3 =	simm.s32 @!p1 $0x9000;
	[sflag:s5] =	ssyncadd.s32 @!p1 $0xFFFFE000;
	s5 =	simm.s32 @!p1 $0x7  }
0xb3: {  	[tilespmem:s3], [sflag:$0x3] =	stream.indirect.gather @!p1 [hbm4b:s4+s7], $0x40, s6, s7, $0xb8;
	[tilespmem:$0x1F000] =	vst v63  }
0xb4: {  	s13 =	sadd.s32 $0x1000, s13;
	_ =	swait.ge @!p1 [sflag:s5], $0x2000  }
0xb5: {  	p0 =	sne.s32 s13, $0xA000;
	[sflag:s5] =	ssyncset.done @!p1 $0x0  }
0xb6: {  	s3 =	simm.s32 @!p1 $0x11000;
	[sflag:s5] =	ssyncadd.s32 @!p1 $0xFFFFE000;
	s5 =	simm.s32 @!p1 $0x4  }
0xb7: {  	[spmem:s2] =	stream.indirect.scatter.add.f32 @!p1 [tilespmem:s3], [sflag:$0x7], $0x40, s30, s7, $0xb8;
	[tilespmem:$0x1F000] =	vst v63  }
.Ltmp0:
0xb8: {  	_ =	swait.ge @!p1 [sflag:s5], $0x2000;
	(pc) =	sbr.rel @p0 .LBB2_2-.Ltmp0, $4  }
0xb9: {  	[sflag:s5] =	ssyncset.done @!p1 $0x0  }
0xba: {  	s3 =	simm.s32 @!p1 $0xB000;
	[sflag:s5] =	ssyncadd.s32 @!p1 $0xFFFFE000  }
0xbb: {  	[tilespmem:s3], [sflag:$0x4] =	stream.indirect.gather @!p1 [hbm4b:s4+s7], $0x40, s9, s7, $0xb8;
	[tilespmem:$0x1F000] =	vst v63  }
0xbc: {  	s17 =	sadd.s32 $0x2B80, s19;
	p1 =	seq.s32 s1, $0x0;
	_ =	swait.ge [sflag:s29], $0x2000  }
0xbd: {  	[sflag:s29] =	ssyncset.done $0x0  }
0xbe: {  	s3 =	simm.s32 @!p1 $0x5;
	[sflag:s29] =	ssyncadd.s32 $0xFFFFE000  }
0xbf: {  	[spmem:s2] =	stream.indirect.scatter.add.f32 [tilespmem:s25], [sflag:$0x8], $0x40, s17, s14, $0xb8;
	[tilespmem:$0x1F000] =	vst v63  }
0xc0: {  	_ =	swait.ge @!p1 [sflag:s3], $0x2000  }
0xc1: {  	s5 =	sshra.s32 s1, $0x2;
	[sflag:s3] =	ssyncset.done @!p1 $0x0  }
0xc2: {  	s17 =	sadd.s32 $0x200, s5;
	s6 =	rddreg [dreg:$0x4];
	[sflag:s3] =	ssyncadd.s32 @!p1 $0xFFFFE000  }
0xc3: {  	[tilespmem:s6], [sflag:$0x5] =	stream.indirect.gather [hbm4b:s4+s14], $0x40, s17, s14, $0xb8;
	[tilespmem:$0x1F000] =	vst v63  }
0xc4: {  	_ =	swait.ge [sflag:s21], $0x2000  }
0xc5: {  	[sflag:s21] =	ssyncset.done $0x0  }
0xc6: {  	s19 =	sadd.s32 $0x2800, s5;
	s6 =	simm.s32 @!p1 $0x6;
	[sflag:s21] =	ssyncadd.s32 $0xFFFFE000  }
0xc7: {  	[spmem:s2] =	stream.indirect.scatter.add.f32 [tilespmem:s15], [sflag:$0x1], $0x40, s19, s14, $0xb8;
	[tilespmem:$0x1F000] =	vst v63  }
0xc8: {  	_ =	swait.ge @!p1 [sflag:s6], $0x2000  }
0xc9: {  	[sflag:s6] =	ssyncset.done @!p1 $0x0  }
0xca: {  	s30 =	sadd.s32 $0x280, s5;
	[sflag:s6] =	ssyncadd.s32 @!p1 $0xFFFFE000  }
0xcb: {  	[tilespmem:s22], [sflag:$0x6] =	stream.indirect.gather [hbm4b:s4+s14], $0x40, s30, s14, $0xb8;
	[tilespmem:$0x1F000] =	vst v63  }
0xcc: {  	_ =	swait.ge [sflag:s23], $0x2000  }
0xcd: {  	[sflag:s23] =	ssyncset.done $0x0  }
0xce: {  	s31 =	sadd.s32 $0x2880, s5;
	s6 =	simm.s32 @!p1 $0x7;
	[sflag:s23] =	ssyncadd.s32 $0xFFFFE000  }
0xcf: {  	[spmem:s2] =	stream.indirect.scatter.add.f32 [tilespmem:s16], [sflag:$0x2], $0x40, s31, s14, $0xb8;
	[tilespmem:$0x1F000] =	vst v63  }
0xd0: {  	_ =	swait.ge @!p1 [sflag:s6], $0x2000  }
0xd1: {  	[sflag:s6] =	ssyncset.done @!p1 $0x0  }
0xd2: {  	s8 =	sadd.s32 $0x300, s5;
	s7 =	rddreg [dreg:$0x5];
	[sflag:s6] =	ssyncadd.s32 @!p1 $0xFFFFE000  }
0xd3: {  	[tilespmem:s7], [sflag:$0x7] =	stream.indirect.gather [hbm4b:s4+s14], $0x40, s8, s14, $0xb8;
	[tilespmem:$0x1F000] =	vst v63  }
0xd4: {  	_ =	swait.ge [sflag:s24], $0x2000  }
0xd5: {  	[sflag:s24] =	ssyncset.done $0x0  }
0xd6: {  	s9 =	sadd.s32 $0x2900, s5;
	s6 =	simm.s32 @!p1 $0x8;
	[sflag:s24] =	ssyncadd.s32 $0xFFFFE000  }
0xd7: {  	[spmem:s2] =	stream.indirect.scatter.add.f32 [tilespmem:s18], [sflag:$0x3], $0x40, s9, s14, $0xb8;
	[tilespmem:$0x1F000] =	vst v63  }
0xd8: {  	_ =	swait.ge @!p1 [sflag:s6], $0x2000  }
0xd9: {  	[sflag:s6] =	ssyncset.done @!p1 $0x0  }
0xda: {  	s10 =	sadd.s32 $0x380, s5;
	[sflag:s6] =	ssyncadd.s32 @!p1 $0xFFFFE000  }
0xdb: {  	[tilespmem:s25], [sflag:$0x8] =	stream.indirect.gather [hbm4b:s4+s14], $0x40, s10, s14, $0xb8;
	[tilespmem:$0x1F000] =	vst v63  }
0xdc: {  	_ =	swait.ge [sflag:s26], $0x2000  }
0xdd: {  	p0 =	seq.s32 s1, $0x9000;
	[sflag:s26] =	ssyncset.done $0x0  }
0xde: {  	s11 =	sadd.s32 $0x2980, s5;
	s6 =	simm.s32 @p0 $0x5;
	[sflag:s26] =	ssyncadd.s32 $0xFFFFE000  }
0xdf: {  	[spmem:s2] =	stream.indirect.scatter.add.f32 [tilespmem:s20], [sflag:$0x4], $0x40, s11, s14, $0xb8;
	[tilespmem:$0x1F000] =	vst v63  }
0xe0: {  	s3 =	sshra.s32 @p0 s1, $0x2;
	_ =	swait.ge @p0 [sflag:s6], $0x2000  }
0xe1: {  	s7 =	sadd.s32 @p0 $0x2A00, s3;
	s8 =	simm.s32 @p0 $0x80;
	[sflag:s6] =	ssyncset.done @p0 $0x0  }
0xe2: {  	s9 =	simm.s32 @p0 $0xD000;
	[sflag:s6] =	ssyncadd.s32 @p0 $0xFFFFE000;
	s6 =	simm.s32 @!p0 $0x1  }
0xe3: {  	[spmem:s2] =	stream.indirect.scatter.add.f32 @p0 [tilespmem:s9], [sflag:$0x5], $0x40, s7, s8, $0xb8;
	[tilespmem:$0x1F000] =	vst v63  }
0xe4: {  	s1 =	sshra.s32 @!p0 s1, $0x2;
	_ =	swait.ge @!p0 [sflag:s6], $0x2000  }
0xe5: {  	s7 =	sadd.s32 @!p0 $0x400, s1;
	[sflag:s6] =	ssyncset.done @!p0 $0x0  }
0xe6: {  	s9 =	simm.s32 @!p0 $0x80;
	[sflag:s6] =	ssyncadd.s32 @!p0 $0xFFFFE000;
	s6 =	simm.s32 @!p0 $0x5000  }
0xe7: {  	[tilespmem:s6], [sflag:$0x1] =	stream.indirect.gather @!p0 [hbm4b:s4+s9], $0x40, s7, s9, $0xb8;
	[tilespmem:$0x1F000] =	vst v63  }
0xe8: {  	s6 =	simm.s32 @!p0 $0x5  }
0xe9: {  	_ =	swait.ge @!p0 [sflag:s6], $0x2000  }
0xea: {  	[sflag:s6] =	ssyncset.done @!p0 $0x0  }
0xeb: {  	s7 =	sadd.s32 @!p0 $0x2A00, s1;
	[sflag:s6] =	ssyncadd.s32 @!p0 $0xFFFFE000;
	s6 =	simm.s32 @!p0 $0xD000  }
0xec: {  	[spmem:s2] =	stream.indirect.scatter.add.f32 @!p0 [tilespmem:s6], [sflag:$0x5], $0x40, s7, s9, $0xb8;
	[tilespmem:$0x1F000] =	vst v63  }
0xed: {  	s6 =	simm.s32 @!p0 $0x2  }
0xee: {  	_ =	swait.ge @!p0 [sflag:s6], $0x2000  }
0xef: {  	[sflag:s6] =	ssyncset.done @!p0 $0x0  }
0xf0: {  	s7 =	sadd.s32 @!p0 $0x480, s1;
	[sflag:s6] =	ssyncadd.s32 @!p0 $0xFFFFE000;
	s6 =	simm.s32 @!p0 $0x7000  }
0xf1: {  	[tilespmem:s6], [sflag:$0x2] =	stream.indirect.gather @!p0 [hbm4b:s4+s9], $0x40, s7, s9, $0xb8;
	[tilespmem:$0x1F000] =	vst v63  }
0xf2: {  	_ =	swait.ge [sflag:s28], $0x2000  }
0xf3: {  	[sflag:s28] =	ssyncset.done $0x0  }
0xf4: {  	s12 =	sadd.s32 $0x2A80, s5;
	s6 =	simm.s32 @p0 $0x7;
	[sflag:s28] =	ssyncadd.s32 $0xFFFFE000  }
0xf5: {  	[spmem:s2] =	stream.indirect.scatter.add.f32 [tilespmem:s22], [sflag:$0x6], $0x40, s12, s14, $0xb8;
	[tilespmem:$0x1F000] =	vst v63  }
0xf6: {  	_ =	swait.ge @p0 [sflag:s6], $0x2000  }
0xf7: {  	[sflag:s6] =	ssyncset.done @p0 $0x0  }
0xf8: {  	s3 =	sadd.s32 @p0 $0x2B00, s3;
	[sflag:s6] =	ssyncadd.s32 @p0 $0xFFFFE000;
	s6 =	simm.s32 @p0 $0x11000  }
0xf9: {  	[spmem:s2] =	stream.indirect.scatter.add.f32 @p0 [tilespmem:s6], [sflag:$0x7], $0x40, s3, s8, $0xb8;
	[tilespmem:$0x1F000] =	vst v63  }
0xfa: {  	s3 =	simm.s32 @!p0 $0x3  }
0xfb: {  	_ =	swait.ge @!p0 [sflag:s3], $0x2000  }
0xfc: {  	[sflag:s3] =	ssyncset.done @!p0 $0x0  }
0xfd: {  	s6 =	sadd.s32 @!p0 $0x500, s1;
	[sflag:s3] =	ssyncadd.s32 @!p0 $0xFFFFE000;
	s3 =	simm.s32 @!p0 $0x9000  }
0xfe: {  	[tilespmem:s3], [sflag:$0x3] =	stream.indirect.gather @!p0 [hbm4b:s4+s9], $0x40, s6, s9, $0xb8;
	[tilespmem:$0x1F000] =	vst v63  }
0xff: {  	s3 =	simm.s32 @!p0 $0x7  }
0x100: {  	_ =	swait.ge @!p0 [sflag:s3], $0x2000  }
0x101: {  	[sflag:s3] =	ssyncset.done @!p0 $0x0  }
0x102: {  	s6 =	sadd.s32 @!p0 $0x2B00, s1;
	[sflag:s3] =	ssyncadd.s32 @!p0 $0xFFFFE000;
	s3 =	simm.s32 @!p0 $0x11000  }
0x103: {  	[spmem:s2] =	stream.indirect.scatter.add.f32 @!p0 [tilespmem:s3], [sflag:$0x7], $0x40, s6, s9, $0xb8;
	[tilespmem:$0x1F000] =	vst v63  }
0x104: {  	s3 =	simm.s32 @!p0 $0x4  }
0x105: {  	_ =	swait.ge @!p0 [sflag:s3], $0x2000  }
0x106: {  	[sflag:s3] =	ssyncset.done @!p0 $0x0  }
0x107: {  	s1 =	sadd.s32 @!p0 $0x580, s1;
	[sflag:s3] =	ssyncadd.s32 @!p0 $0xFFFFE000;
	s3 =	simm.s32 @!p0 $0xB000  }
0x108: {  	[tilespmem:s3], [sflag:$0x4] =	stream.indirect.gather @!p0 [hbm4b:s4+s9], $0x40, s1, s9, $0xb8;
	[tilespmem:$0x1F000] =	vst v63  }
0x109: {  	_ =	swait.ge [sflag:s29], $0x2000  }
0x10a: {  	[sflag:s29] =	ssyncset.done $0x0  }
0x10b: {  	s13 =	sadd.s32 $0x2B80, s5;
	[sflag:s29] =	ssyncadd.s32 $0xFFFFE000  }
0x10c: {  	[spmem:s2] =	stream.indirect.scatter.add.f32 [tilespmem:s25], [sflag:$0x8], $0x40, s13, s14, $0xb8;
	[tilespmem:$0x1F000] =	vst v63  }
0x10d: {  	_ =	swait.ge [sflag:s21], $0x2000  }
0x10e: {  	[sflag:s21] =	ssyncset.done $0x0  }
0x10f: {  	[sflag:s21] =	ssyncadd.s32 $0xFFFFE000  }
0x110: {  	_ =	swait.ge [sflag:s23], $0x2000  }
0x111: {  	[sflag:s23] =	ssyncset.done $0x0  }
0x112: {  	[sflag:s23] =	ssyncadd.s32 $0xFFFFE000  }
0x113: {  	_ =	swait.ge [sflag:s24], $0x2000  }
0x114: {  	[sflag:s24] =	ssyncset.done $0x0  }
0x115: {  	[sflag:s24] =	ssyncadd.s32 $0xFFFFE000  }
0x116: {  	_ =	swait.ge [sflag:s26], $0x2000  }
0x117: {  	[sflag:s26] =	ssyncset.done $0x0  }
0x118: {  	s17 =	simm.s32 $0x5;
	[sflag:s26] =	ssyncadd.s32 $0xFFFFE000  }
0x119: {  	_ =	swait.ge [sflag:s17], $0x2000  }
0x11a: {  	[sflag:s17] =	ssyncset.done $0x0  }
0x11b: {  	[sflag:s17] =	ssyncadd.s32 $0xFFFFE000  }
0x11c: {  	_ =	swait.ge [sflag:s28], $0x2000  }
0x11d: {  	[sflag:s28] =	ssyncset.done $0x0  }
0x11e: {  	s19 =	simm.s32 $0x7;
	[sflag:s28] =	ssyncadd.s32 $0xFFFFE000  }
0x11f: {  	_ =	swait.ge [sflag:s19], $0x2000  }
0x120: {  	[sflag:s19] =	ssyncset.done $0x0  }
0x121: {  	[sflag:s19] =	ssyncadd.s32 $0xFFFFE000  }
0x122: {  	_ =	swait.ge [sflag:s29], $0x2000  }
0x123: {  	[sflag:s29] =	ssyncset.done $0x0  }
0x124: {  	[sflag:s29] =	ssyncadd.s32 $0xFFFFE000  }
0x125: {  	[bflag:$0x0] =	sbarrier.arrive $0xFFFF  }
0x126: {  	s3 =	rddreg [dreg:$0x7]  }
0x127: {  	s30 =	rddreg [dreg:$0xa]  }
0x128: {  	s6 =	simm.s32 $0x9;
	s5 =	rddreg [dreg:$0xc]  }
0x129: {  	[hbm:s30], [sflag:s3] =	dma.local [spmem:s5], $0x1400  }
0x12a: {  	_ =	swait.ge [sflag:s6], $0x1400  }
0x12b: {  	s0 =	sadd.s32 $0x1, s0;
	s31 =	rddreg [dreg:$0xb]  }
0x12c: {  	p0 =	sne.s32 s0, s31  }
.Ltmp1:
0x12d: {  	_ = 	snop;
	(pc) =	sbr.rel @p0 .LBB2_1-.Ltmp1, $3  }
0x12e: {  	_ =	sdelay $0x1  }
0x12f: {  	[sflag:s6] =	ssyncset.done $0x0  }
0x130: {  	[sflag:s6] =	ssyncadd.s32 $0xFFFFEC00  }
0x131: {  	_ =	sfence.sel $0x180000  }
0x132: {  	[bflag:$0x0] =	sbarrier.arrive $0xFFFF  }
0x133: {  	_ =	strace $0x90000050  }
0x134: {  	s0 =	stileid.u32;
	[bflag:$0x2] =	sbarrier.arrive $0xFFFF  }
0x135: {  	p0 =	sne.s32 s0, $0x0;
	s0 =	rddreg [dreg:$0x3]  }
0x136: {  	s0 =	sadd.s32 @!p0 $0x100000, s0  }
0x137: {  	[sflag:s0] =	ssyncadd.tile.s32 @!p0 $0x1;
	_ =	shalt  }
.Lfunc_end2:
_tile_overlayer_lowered:
.L_overlay_start_2:
0x138: {  	(tag) =	ssettag $0x2  }
0x139: {  	s0 =	rddreg [dreg:$0x0];
	s2 =	stileid.u32  }
0x13a: {  	s1 =	rddreg [dreg:$0x1];
	p0 =	sne.s32 s2, $0x0  }
0x13b: {  	s3 =	rddreg [dreg:$0x2];
	[bflag:$0x3] =	sbarrier.arrive $0xFFFF;
	s2 =	simm.s32 @!p0 $0x1C09  }
0x13c: {  	[timem:s3], [sflag:s2] =	dma.local @!p0 [hbm:s0], s1  }
0x13d: {  	s0 =	simm.s32 @!p0 $0x9  }
0x13e: {  	_ =	swait.ge @!p0 [sflag:s0], s1  }
0x13f: {  	s1 =	ssub.s32 @!p0 $0x0, s1;
	[sflag:s0] =	ssyncset.done @!p0 $0x0  }
0x140: {  	[sflag:s0] =	ssyncadd.s32 @!p0 s1  }
0x141: {  	[bflag:$0x3] =	sbarrier.arrive $0xFFFF  }
0x142: {  	_ =	shalt  }

// kernel: kernel.19.cloned.1.call-start
scs
__scs_entry_jumppad:
0x0: {  	(pc) =	sbr.rel $0x88, $3  }
0x1: {  	(tag) =	ssettag $0x0;
	lr =	simm.s32 $0x1  }
0x2: {  	[smem:$0x3F99] =	sst lr;
	_ =	strace $0xD0000000  }
0x3: {  	_ = 	snop  }
0x4: {  	_ = 	snop  }
0x5: {  	_ = 	snop  }
0x6: {  	_ = 	snop  }
0x7: {  	_ = 	snop  }
__scs_overlays_trampoline_lowered:
0x8: {  	[smem:$0x3FA8] =	sst s0  }
0x9: {  	[smem:$0x3FA9] =	sst s1  }
0xa: {  	[smem:$0x3FAA] =	sst s2  }
0xb: {  	[smem:$0x3FAB] =	sst s3  }
0xc: {  	[smem:$0x3FAC] =	sst s4  }
0xd: {  	[smem:$0x3FAD] =	sst s5  }
0xe: {  	[smem:$0x3FAE] =	sst s6  }
0xf: {  	[smem:$0x3FAF] =	sst s7  }
0x10: {  	[smem:$0x3FB0] =	sst s8  }
0x11: {  	[smem:$0x3FB1] =	sst s9;
	s0 =	simm.s32 @!p0 $0x0  }
0x12: {  	s1 =	sld [smem:$0x3F97];
	s0 =	simm.s32 @p0 $0x1  }
0x13: {  	[smem:$0x3FB2] =	sst s0;
	s0 =	simm.s32 @!p1 $0x0  }
0x14: {  	s2 =	sld [smem:$0x3F96];
	s0 =	simm.s32 @p1 $0x1  }
0x15: {  	[smem:$0x3FB3] =	sst s0;
	s0 =	simm.s32 @!p2 $0x0  }
0x16: {  	s3 =	sld [smem:$0x3FDB];
	s0 =	simm.s32 @p2 $0x1  }
0x17: {  	s4 =	simm.s32 $0x1BF5;
	[smem:$0x3FB5] =	sst s0  }
0x18: {  	s0 =	sld [smem:$0x3F98];
	_ =	swait.ge [sflag:s4], $0x0  }
0x19: {  	s7 =	sld [smem:$0x3F99]  }
0x1a: {  	s8 =	sadd.s32 $0xFFFFE003, lr  }
0x1b: {  	s9 =	sadd.s32 $0xFFFFFEF7, lr;
	s5 =	simm.s32 $0xFFFFFFFF;
	p2 =	slt.u32 s8, $0xFFFFF086  }
0x1c: {  	p1 =	slt.u32 s9, $0xF7A;
	s5 =	simm.s32 @!p2 $0x0  }
0x1d: {  	s5 =	simm.s32 @p1 $0x1;
	p0 =	seq.s32 s7, s2  }
0x1e: {  	s7 =	smul.u32 @!p0 $0xF7A, s2;
	p2 =	seq.s32 @!p0 s5, $0x0  }
0x1f: {  	s9 =	smul.u32 $0xF7A, s1;
	s8 =	simm.s32 @!p0 $0x1BF5;
	p2 =	por !p2, p0  }
0x20: {  	[sflag:s8] =	ssyncset.s32 @!p0 $0xFFFFF086;
	s6 =	sadd.s32 @!p0 s3, s7;
	s7 =	simm.s32 @!p0 $0x108  }
0x21: {  	s3 =	sadd.s32 s3, s9;
	s6 =	sadd.s32 @!p0 $0x88, s6;
	s7 =	simm.s32 @p2 $0x1082  }
0x22: {  	[simem:s7], [sflag:s8] =	dma.local @!p0 [hbm:s6], $0xF7A  }
0x23: {  	s9 =	sor.u32 $0xD0000000, s2;
	s6 =	simm.s32 $0x108;
	_ =	swait.ge @!p0 [sflag:s8], $0x0  }
0x24: {  	s3 =	sadd.s32 $0x88, s3;
	s6 =	simm.s32 @!p1 $0x1082;
	[sflag:s4] =	ssyncset.s32 $0xFFFFF086  }
0x25: {  	[simem:s6], [sflag:s4] =	dma.local [hbm:s3], $0xF7A  }
0x26: {  	[smem:$0x3F99] =	sst s1;
	(tag) =	ssettag s2;
	_ =	strace s9  }
0x27: {  	s1 =	sld [smem:$0x3FA9]  }
0x28: {  	s2 =	sld [smem:$0x3FAA]  }
0x29: {  	s4 =	sld [smem:$0x3FAC]  }
0x2a: {  	p0 =	seq.s32 s5, $0x0;
	s5 =	sld [smem:$0x3FAD]  }
0x2b: {  	s6 =	sld [smem:$0x3FAE]  }
0x2c: {  	s7 =	sld [smem:$0x3FAF]  }
0x2d: {  	s3 =	simm.s32 $0x108;
	s8 =	sld [smem:$0x3FB0]  }
0x2e: {  	s3 =	simm.s32 @!p0 $0x1082;
	s9 =	sld [smem:$0x3FB1]  }
0x2f: {  	lr =	sadd.s32 s0, s3;
	s0 =	sld [smem:$0x3FA8]  }
0x30: {  	s3 =	sld [smem:$0x3FAB]  }
0x31: {  	[smem:$0x3FB4] =	sst s10  }
0x32: {  	s10 =	sld [smem:$0x3FB2];
	_ =	sdelay $0x3  }
0x33: {  	p0 =	seq.s32 s10, $0x1;
	s10 =	sld [smem:$0x3FB4];
	_ =	sdelay $0x3  }
0x34: {  	[smem:$0x3FB4] =	sst s10  }
0x35: {  	s10 =	sld [smem:$0x3FB3];
	_ =	sdelay $0x3  }
0x36: {  	p1 =	seq.s32 s10, $0x1;
	s10 =	sld [smem:$0x3FB4];
	_ =	sdelay $0x3  }
0x37: {  	[smem:$0x3FB4] =	sst s10  }
0x38: {  	s10 =	sld [smem:$0x3FB5]  }
0x39: {  	_ = 	snop;
	(pc) =	sbr.ind lr, $3  }
0x3a: {  	_ = 	snop  }
0x3b: {  	_ = 	snop  }
0x3c: {  	p2 =	seq.s32 s10, $0x1;
	s10 =	sld [smem:$0x3FB4]  }
0x3d: {  	_ =	shalt  }
0x3e: {  	_ =	shalt  }
0x3f: {  	_ =	shalt  }
0x40: {  	_ =	shalt  }
0x41: {  	_ =	shalt  }
0x42: {  	_ =	shalt  }
0x43: {  	_ =	shalt  }
0x44: {  	_ =	shalt  }
0x45: {  	_ =	shalt  }
0x46: {  	_ =	shalt  }
0x47: {  	_ =	shalt  }
0x48: {  	_ =	shalt  }
0x49: {  	_ =	shalt  }
0x4a: {  	_ =	shalt  }
0x4b: {  	_ =	shalt  }
0x4c: {  	_ =	shalt  }
0x4d: {  	_ =	shalt  }
0x4e: {  	_ =	shalt  }
0x4f: {  	_ =	shalt  }
0x50: {  	_ =	shalt  }
0x51: {  	_ =	shalt  }
0x52: {  	_ =	shalt  }
0x53: {  	_ =	shalt  }
0x54: {  	_ =	shalt  }
0x55: {  	_ =	shalt  }
0x56: {  	_ =	shalt  }
0x57: {  	_ =	shalt  }
0x58: {  	_ =	shalt  }
0x59: {  	_ =	shalt  }
0x5a: {  	_ =	shalt  }
0x5b: {  	_ =	shalt  }
0x5c: {  	_ =	shalt  }
0x5d: {  	_ =	shalt  }
0x5e: {  	_ =	shalt  }
0x5f: {  	_ =	shalt  }
0x60: {  	_ =	shalt  }
0x61: {  	_ =	shalt  }
0x62: {  	_ =	shalt  }
0x63: {  	_ =	shalt  }
0x64: {  	_ =	shalt  }
0x65: {  	_ =	shalt  }
0x66: {  	_ =	shalt  }
0x67: {  	_ =	shalt  }
0x68: {  	_ =	shalt  }
0x69: {  	_ =	shalt  }
0x6a: {  	_ =	shalt  }
0x6b: {  	_ =	shalt  }
0x6c: {  	_ =	shalt  }
0x6d: {  	_ =	shalt  }
0x6e: {  	_ =	shalt  }
0x6f: {  	_ =	shalt  }
0x70: {  	_ =	shalt  }
0x71: {  	_ =	shalt  }
0x72: {  	_ =	shalt  }
0x73: {  	_ =	shalt  }
0x74: {  	_ =	shalt  }
0x75: {  	_ =	shalt  }
0x76: {  	_ =	shalt  }
0x77: {  	_ =	shalt  }
0x78: {  	_ =	shalt  }
0x79: {  	_ =	shalt  }
0x7a: {  	_ =	shalt  }
0x7b: {  	_ =	shalt  }
0x7c: {  	_ =	shalt  }
0x7d: {  	_ =	shalt  }
0x7e: {  	_ =	shalt  }
0x7f: {  	_ =	shalt  }
0x80: {  	_ =	shalt  }
0x81: {  	_ =	shalt  }
0x82: {  	_ =	shalt  }
0x83: {  	_ =	shalt  }
0x84: {  	_ =	shalt  }
0x85: {  	_ =	shalt  }
0x86: {  	_ =	shalt  }
0x87: {  	_ =	shalt  }
.Lfunc_end0:
.L_simem_size_0:
called_computation.4_lowered:
.L_overlay_start_0:
0x88: {  	s2 =	sld [smem:$0x3FD9]  }
0x89: {  	s3 =	sld [smem:$0x3FFE];
	_ =	sdelay $0x1  }
0x8a: {  	s1 =	srdreg.scid  }
0x8b: {  	s0 =	sand.u32 $0x1, s1  }
0x8c: {  	s17 =	sshll.u32 s0, $0xA;
	s2 =	sadd.s32 s3, s2  }
0x8d: {  	s2 =	sadd.s32 s2, s17  }
0x8e: {  	[smem:$0x3FC0] =	sst s2  }
0x8f: {  	_ = 	snop  }
0x90: {  	s2 =	sld [smem:$0x3FD0];
	(tm) =	ssettm $0x1  }
0x91: {  	s18 =	sld [smem:$0x3FFB];
	_ =	sdelay $0x3  }
0x92: {  	_ =	strace s18  }
0x93: {  	s3 =	sld [smem:$0x3FFC];
	_ =	sdelay $0x3  }
0x94: {  	_ =	strace s3  }
0x95: {  	s3 =	sld [smem:$0x3FFD];
	_ =	sdelay $0x3  }
0x96: {  	_ =	strace s3  }
0x97: {  	_ =	strace $0x8FFFFFFF  }
0x98: {  	s19 =	sld [smem:$0x3FDB];
	_ =	sdelay $0x1  }
0x99: {  	s4 =	simm.s32 $_scs_section_size  }
0x9a: {  	s5 =	simm.s32 $_size__tile_overlayer_lowered;
	s6 =	simm.s32 $_tile_overlayer_lowered  }
0x9b: {  	s22 =	simm.s32 $0x1BFF;
	s21 =	sshll.u32 s6, $0x1;
	s3 =	sadd.s32 s4, s19  }
0x9c: {  	s7 =	simm.s32 $0x0;
	s20 =	sshll.u32 s5, $0x1;
	s5 =	sadd.s32 s21, s3  }
0x9d: {  	[timem:s7], [sflag:s22] =	dma.local [hbm:s5], s20  }
0x9e: {  	_ =	swait.ge [sflag:s22], s20  }
0x9f: {  	s4 =	ssub.s32 $0x0, s20;
	[sflag:s22] =	ssyncset.done $0x0  }
0xa0: {  	[sflag:s22] =	ssyncadd.s32 s4;
	_ =	sdelay $0x1  }
0xa1: {  	s23 =	simm.s32 $0x1B8B  }
0xa2: {  	_ =	swait.ge [sflag:s23], $0x1  }
0xa3: {  	[sflag:s23] =	ssyncset.done $0x0  }
0xa4: {  	s25 =	simm.s32 $0x1B8E;
	s24 =	sld [smem:$0x3FFE];
	[sflag:s23] =	ssyncadd.s32 $0xFFFFFFFF  }
0xa5: {  	s26 =	simm.s32 $execute0_lowered;
	[smem:$0x3FD2] =	sst s25  }
0xa6: {  	s5 =	sshll.u32 s26, $0x1;
	_ =	strace $0x80000052;
	[dreg:$0x1] =	wrdreg $0xFFFFFFFF  }
0xa7: {  	s28 =	simm.s32 $_size_execute0_lowered;
	s3 =	sadd.s32 s3, s5;
	[dreg:$0x0] =	wrdreg $0x0  }
0xa8: {  	s5 =	sshll.u32 s28, $0x1;
	[dreg:$0x2] =	wrdreg s3  }
0xa9: {  	[dreg:$0x3] =	wrdreg s5  }
0xaa: {  	[dreg:$0x4] =	wrdreg $0xC0  }
0xab: {  	_ =	task [dreg:s7], $0x5FFFF  }
0xac: {  	[dreg:$0x1] =	wrdreg $0xFFFFFFFF  }
0xad: {  	[dreg:$0x0] =	wrdreg $0x60  }
0xae: {  	[dreg:$0x2] =	wrdreg s24  }
0xaf: {  	[dreg:$0x3] =	wrdreg s2  }
0xb0: {  	[dreg:$0x4] =	wrdreg $0x150000  }
0xb1: {  	[dreg:$0x5] =	wrdreg $0x9  }
0xb2: {  	_ =	task.clear_ibuf [dreg:s7], $0x6FFFF;
	_ =	strace $0x90000052  }
0xb3: {  	s29 =	simm.s32 $0x9;
	_ =	strace $0x80000054  }
0xb4: {  	_ =	swait.ge [sflag:s29], $0x1  }
0xb5: {  	[sflag:s29] =	ssyncadd.s32 $0xFFFFFFFF  }
0xb6: {  	_ =	strace $0x90000054  }
0xb7: {  	_ =	sfence  }
0xb8: {  	s30 =	sld [smem:$0x0];
	_ =	sdelay $0x2  }
0xb9: {  	s31 =	sshll.u32 s1, $0xD;
	s1 =	sshrl.u32 s1, $0x2  }
0xba: {  	s3 =	sand.u32 $0x4000, s31;
	s1 =	sadd.s32 s1, s30  }
0xbb: {  	s0 =	sor.u32 s3, s0;
	s1 =	sshll.u32 s1, $0x11  }
0xbc: {  	s0 =	sor.u32 s1, s0  }
0xbd: {  	s0 =	sadd.s32 $0x8F2B, s0  }
0xbe: {  	[sflag:s0] =	ssyncadd.remote.s32 $0x1  }
0xbf: {  	_ =	sfence.sel $0xFFFF  }
0xc0: {  	[dreg:$0x0] =	wrdreg $0xFFFFFFFF;
	(pc) =	sbr.abs _section_cstart, $3  }
0xc1: {  	[dreg:$0x1] =	wrdreg $0xFFFFFFFF  }
0xc2: {  	_ =	task.clear_ibuf [dreg:s7], $0x2FFFF;
	_ =	strace $0x9FFFFFFF  }
0xc3: {  	(tm) =	ssettm $0x7FFFFFFF  }
tec
execute0_lowered:
.L_overlay_start_1:
0x0: {  	(tag) =	ssettag $0x1  }
0x1: {  	s0 =	rddreg [dreg:$0x0]  }
0x2: {  	s1 =	rddreg [dreg:$0x1]  }
0x3: {  	s2 =	rddreg [dreg:$0x2];
	s7 =	simm.s32 $0x0  }
0x4: {  	s4 =	srdreg.scid;
	s3 =	stileid.u32;
	s14 =	simm.s32 $0x80  }
0x5: {  	s15 =	simm.s32 $0x5000;
	s16 =	simm.s32 $0x7000;
	s18 =	simm.s32 $0x9000  }
0x6: {  	s30 =	simm.s32 $0xD000;
	s31 =	simm.s32 $0x11000;
	s28 =	simm.s32 $0x6  }
0x7: {  	s29 =	simm.s32 $0x8;
	s5 =	sand.u32 $0x1, s4;
	s20 =	sshll.u32 s3, $0x1  }
0x8: {  	s6 =	smul.u32 $0xA000, s3;
	[smem:$0x7FF] =	sst s7;
	s24 =	sshll.u32 s3, $0x6  }
0x9: {  	s4 =	sor.u32 s5, s20;
	s21 =	smul.u32 $0xA0000, s5;
	_ =	strace $0x80000053  }
0xa: {  	s5 =	ssub.s32 $0x2, s5;
	s3 =	sor.u32 $0x1C09, s24;
	[dreg:$0x4] =	wrdreg s30  }
0xb: {  	s20 =	simm.s32 $0xB000;
	[dreg:$0x5] =	wrdreg s31;
	s24 =	simm.s32 $0x3  }
0xc: {  	s8 =	smul.u32 $0x500, s4;
	s4 =	sadd.s32 $0x3600, s0;
	s10 =	sshrl.u32 s5, $0x1  }
0xd: {  	s22 =	sshrl.u32 s6, $0x3;
	s11 =	sadd.s32 s6, s2;
	[dreg:$0x7] =	wrdreg s3  }
0xe: {  	s7 =	sadd.s32 s6, s21;
	s5 =	ssub.s32 s5, s10;
	s23 =	sadd.s32 s4, s22  }
0xf: {  	s6 =	simm.s32 $0x9;
	s21 =	simm.s32 $0x1;
	s22 =	simm.s32 $0xF000  }
0x10: {  	s9 =	sadd.s32 s8, s0;
	[dreg:$0x6] =	wrdreg s23;
	s1 =	sadd.s32 s1, s8  }
0x11: {  	s7 =	sshrl.u32 s7, $0x3;
	s26 =	smax.u32 s5, $0x1;
	[dreg:$0x9] =	wrdreg s1  }
0x12: {  	s5 =	sshrl.u32 s11, $0x3;
	s23 =	simm.s32 $0x2;
	[dreg:$0xb] =	wrdreg s26  }
0x13: {  	s0 =	sadd.s32 s7, s0;
	s25 =	sadd.s32 $0x54600, s9;
	[dreg:$0xc] =	wrdreg s5  }
0x14: {  	s26 =	simm.s32 $0x4;
	[dreg:$0x8] =	wrdreg s25;
	s0 =	sadd.s32 $0x17600, s0  }
0x15: {  	s25 =	simm.s32 $0x13000;
	[dreg:$0xa] =	wrdreg s0;
	s0 =	simm.s32 $0x0  }
.LBB2_1:
0x16: {  	s1 =	rddreg [dreg:$0x6]  }
0x17: {  	[spmem:s5], [sflag:s3] =	dma.local [hbm:s1], $0x1400  }
0x18: {  	_ =	swait.ge [sflag:s6], $0x1400  }
0x19: {  	[sflag:s6] =	ssyncset.done $0x0  }
0x1a: {  	s17 =	simm.s32 $0x0;
	s19 =	rddreg [dreg:$0x8];
	[sflag:s6] =	ssyncadd.s32 $0xFFFFEC00  }
0x1b: {  	[tilespmem:s17], [sflag:$0x9] =	stream.linear.gather [hbm4b:s19+s17], $0x2800, $0x38;
	[tilespmem:$0x1F000] =	vst v63  }
0x1c: {  	_ =	swait.ge [sflag:s6], $0x2800  }
0x1d: {  	[sflag:s6] =	ssyncset.done $0x0  }
0x1e: {  	s31 =	simm.s32 $0x2800;
	s30 =	rddreg [dreg:$0x9];
	[sflag:s6] =	ssyncadd.s32 $0xFFFFD800  }
0x1f: {  	[tilespmem:s31], [sflag:$0x9] =	stream.linear.gather [hbm4b:s30+s17], $0x2800, $0x38;
	[tilespmem:$0x1F000] =	vst v63  }
0x20: {  	_ =	swait.ge [sflag:s6], $0x2800  }
0x21: {  	[sflag:s6] =	ssyncset.done $0x0  }
0x22: {  	[sflag:s6] =	ssyncadd.s32 $0xFFFFD800  }
0x23: {  	[bflag:$0x0] =	sbarrier.arrive $0xFFFF  }
0x24: {  	[tilespmem:s15], [sflag:$0x1] =	stream.indirect.gather [hbm4b:s4+s14], $0x40, s17, s14, $0xb8;
	[tilespmem:$0x1F000] =	vst v63  }
0x25: {  	_ = 	snop  }
0x26: {  	[tilespmem:s16], [sflag:$0x2] =	stream.indirect.gather [hbm4b:s4+s14], $0x40, s14, s14, $0xb8;
	[tilespmem:$0x1F000] =	vst v63  }
0x27: {  	p0 =	por $0x1, $0x1;
	s5 =	simm.s32 $0x100  }
0x28: {  	[tilespmem:s18], [sflag:$0x3] =	stream.indirect.gather [hbm4b:s4+s14], $0x40, s5, s14, $0xb8;
	[tilespmem:$0x1F000] =	vst v63  }
0x29: {  	s1 =	simm.s32 @!p0 $0x5;
	s6 =	simm.s32 $0x180  }
0x2a: {  	[tilespmem:s20], [sflag:$0x4] =	stream.indirect.gather [hbm4b:s4+s14], $0x40, s6, s14, $0xb8;
	[tilespmem:$0x1F000] =	vst v63  }
0x2b: {  	_ =	swait.ge @!p0 [sflag:s1], $0x2000  }
0x2c: {  	[sflag:s1] =	ssyncset.done @!p0 $0x0  }
0x2d: {  	s8 =	simm.s32 $0x200;
	s7 =	rddreg [dreg:$0x4];
	[sflag:s1] =	ssyncadd.s32 @!p0 $0xFFFFE000  }
0x2e: {  	[tilespmem:s7], [sflag:$0x5] =	stream.indirect.gather [hbm4b:s4+s14], $0x40, s8, s14, $0xb8;
	[tilespmem:$0x1F000] =	vst v63  }
0x2f: {  	_ =	swait.ge [sflag:s21], $0x2000  }
0x30: {  	[sflag:s21] =	ssyncset.done $0x0  }
0x31: {  	s9 =	simm.s32 $0x2800;
	s5 =	simm.s32 @!p0 $0x6;
	[sflag:s21] =	ssyncadd.s32 $0xFFFFE000  }
0x32: {  	[spmem:s2] =	stream.indirect.scatter.add.f32 [tilespmem:s15], [sflag:$0x1], $0x40, s9, s14, $0xb8;
	[tilespmem:$0x1F000] =	vst v63  }
0x33: {  	_ =	swait.ge @!p0 [sflag:s5], $0x2000  }
0x34: {  	[sflag:s5] =	ssyncset.done @!p0 $0x0  }
0x35: {  	s10 =	simm.s32 $0x280;
	[sflag:s5] =	ssyncadd.s32 @!p0 $0xFFFFE000  }
0x36: {  	[tilespmem:s22], [sflag:$0x6] =	stream.indirect.gather [hbm4b:s4+s14], $0x40, s10, s14, $0xb8;
	[tilespmem:$0x1F000] =	vst v63  }
0x37: {  	_ =	swait.ge [sflag:s23], $0x2000  }
0x38: {  	[sflag:s23] =	ssyncset.done $0x0  }
0x39: {  	s11 =	simm.s32 $0x2880;
	s5 =	simm.s32 @!p0 $0x7;
	[sflag:s23] =	ssyncadd.s32 $0xFFFFE000  }
0x3a: {  	[spmem:s2] =	stream.indirect.scatter.add.f32 [tilespmem:s16], [sflag:$0x2], $0x40, s11, s14, $0xb8;
	[tilespmem:$0x1F000] =	vst v63  }
0x3b: {  	_ =	swait.ge @!p0 [sflag:s5], $0x2000  }
0x3c: {  	[sflag:s5] =	ssyncset.done @!p0 $0x0  }
0x3d: {  	s13 =	simm.s32 $0x300;
	s12 =	rddreg [dreg:$0x5];
	[sflag:s5] =	ssyncadd.s32 @!p0 $0xFFFFE000  }
0x3e: {  	[tilespmem:s12], [sflag:$0x7] =	stream.indirect.gather [hbm4b:s4+s14], $0x40, s13, s14, $0xb8;
	[tilespmem:$0x1F000] =	vst v63  }
0x3f: {  	_ =	swait.ge [sflag:s24], $0x2000  }
0x40: {  	[sflag:s24] =	ssyncset.done $0x0  }
0x41: {  	s17 =	simm.s32 $0x2900;
	s5 =	simm.s32 @!p0 $0x8;
	[sflag:s24] =	ssyncadd.s32 $0xFFFFE000  }
0x42: {  	[spmem:s2] =	stream.indirect.scatter.add.f32 [tilespmem:s18], [sflag:$0x3], $0x40, s17, s14, $0xb8;
	[tilespmem:$0x1F000] =	vst v63  }
0x43: {  	_ =	swait.ge @!p0 [sflag:s5], $0x2000  }
0x44: {  	[sflag:s5] =	ssyncset.done @!p0 $0x0  }
0x45: {  	s19 =	simm.s32 $0x380;
	[sflag:s5] =	ssyncadd.s32 @!p0 $0xFFFFE000  }
0x46: {  	[tilespmem:s25], [sflag:$0x8] =	stream.indirect.gather [hbm4b:s4+s14], $0x40, s19, s14, $0xb8;
	[tilespmem:$0x1F000] =	vst v63  }
0x47: {  	_ =	swait.ge [sflag:s26], $0x2000  }
0x48: {  	p0 =	por $0x0, $0x0;
	[sflag:s26] =	ssyncset.done $0x0  }
0x49: {  	s30 =	simm.s32 $0x2980;
	s5 =	simm.s32 @p0 $0x5;
	[sflag:s26] =	ssyncadd.s32 $0xFFFFE000  }
0x4a: {  	[spmem:s2] =	stream.indirect.scatter.add.f32 [tilespmem:s20], [sflag:$0x4], $0x40, s30, s14, $0xb8;
	[tilespmem:$0x1F000] =	vst v63  }
0x4b: {  	_ =	swait.ge @p0 [sflag:s5], $0x2000  }
0x4c: {  	s1 =	simm.s32 @p0 $0x2A00;
	s7 =	simm.s32 @p0 $0x80;
	[sflag:s5] =	ssyncset.done @p0 $0x0  }
0x4d: {  	s8 =	simm.s32 @p0 $0xD000;
	[sflag:s5] =	ssyncadd.s32 @p0 $0xFFFFE000;
	s5 =	simm.s32 @!p0 $0x1  }
0x4e: {  	[spmem:s2] =	stream.indirect.scatter.add.f32 @p0 [tilespmem:s8], [sflag:$0x5], $0x40, s1, s7, $0xb8;
	[tilespmem:$0x1F000] =	vst v63  }
0x4f: {  	_ =	swait.ge @!p0 [sflag:s5], $0x2000  }
0x50: {  	s1 =	simm.s32 @!p0 $0x400;
	[sflag:s5] =	ssyncset.done @!p0 $0x0  }
0x51: {  	s8 =	simm.s32 @!p0 $0x80;
	[sflag:s5] =	ssyncadd.s32 @!p0 $0xFFFFE000;
	s5 =	simm.s32 @!p0 $0x5000  }
0x52: {  	[tilespmem:s5], [sflag:$0x1] =	stream.indirect.gather @!p0 [hbm4b:s4+s8], $0x40, s1, s8, $0xb8;
	[tilespmem:$0x1F000] =	vst v63  }
0x53: {  	s1 =	simm.s32 @!p0 $0x5  }
0x54: {  	_ =	swait.ge @!p0 [sflag:s1], $0x2000  }
0x55: {  	[sflag:s1] =	ssyncset.done @!p0 $0x0  }
0x56: {  	s5 =	simm.s32 @!p0 $0x2A00;
	[sflag:s1] =	ssyncadd.s32 @!p0 $0xFFFFE000;
	s1 =	simm.s32 @!p0 $0xD000  }
0x57: {  	[spmem:s2] =	stream.indirect.scatter.add.f32 @!p0 [tilespmem:s1], [sflag:$0x5], $0x40, s5, s8, $0xb8;
	[tilespmem:$0x1F000] =	vst v63  }
0x58: {  	s1 =	simm.s32 @!p0 $0x2  }
0x59: {  	_ =	swait.ge @!p0 [sflag:s1], $0x2000  }
0x5a: {  	[sflag:s1] =	ssyncset.done @!p0 $0x0  }
0x5b: {  	s5 =	simm.s32 @!p0 $0x480;
	[sflag:s1] =	ssyncadd.s32 @!p0 $0xFFFFE000;
	s1 =	simm.s32 @!p0 $0x7000  }
0x5c: {  	[tilespmem:s1], [sflag:$0x2] =	stream.indirect.gather @!p0 [hbm4b:s4+s8], $0x40, s5, s8, $0xb8;
	[tilespmem:$0x1F000] =	vst v63  }
0x5d: {  	_ =	swait.ge [sflag:s28], $0x2000  }
0x5e: {  	[sflag:s28] =	ssyncset.done $0x0  }
0x5f: {  	s31 =	simm.s32 $0x2A80;
	s5 =	simm.s32 @p0 $0x7;
	[sflag:s28] =	ssyncadd.s32 $0xFFFFE000  }
0x60: {  	[spmem:s2] =	stream.indirect.scatter.add.f32 [tilespmem:s22], [sflag:$0x6], $0x40, s31, s14, $0xb8;
	[tilespmem:$0x1F000] =	vst v63  }
0x61: {  	_ =	swait.ge @p0 [sflag:s5], $0x2000  }
0x62: {  	[sflag:s5] =	ssyncset.done @p0 $0x0  }
0x63: {  	s1 =	simm.s32 @p0 $0x2B00;
	[sflag:s5] =	ssyncadd.s32 @p0 $0xFFFFE000;
	s5 =	simm.s32 @p0 $0x11000  }
0x64: {  	[spmem:s2] =	stream.indirect.scatter.add.f32 @p0 [tilespmem:s5], [sflag:$0x7], $0x40, s1, s7, $0xb8;
	[tilespmem:$0x1F000] =	vst v63  }
0x65: {  	s1 =	simm.s32 @!p0 $0x3  }
0x66: {  	_ =	swait.ge @!p0 [sflag:s1], $0x2000  }
0x67: {  	[sflag:s1] =	ssyncset.done @!p0 $0x0  }
0x68: {  	s5 =	simm.s32 @!p0 $0x500;
	[sflag:s1] =	ssyncadd.s32 @!p0 $0xFFFFE000;
	s1 =	simm.s32 @!p0 $0x9000  }
0x69: {  	[tilespmem:s1], [sflag:$0x3] =	stream.indirect.gather @!p0 [hbm4b:s4+s8], $0x40, s5, s8, $0xb8;
	[tilespmem:$0x1F000] =	vst v63  }
0x6a: {  	s1 =	simm.s32 @!p0 $0x7  }
0x6b: {  	_ =	swait.ge @!p0 [sflag:s1], $0x2000  }
0x6c: {  	[sflag:s1] =	ssyncset.done @!p0 $0x0  }
0x6d: {  	s5 =	simm.s32 @!p0 $0x2B00;
	[sflag:s1] =	ssyncadd.s32 @!p0 $0xFFFFE000;
	s1 =	simm.s32 @!p0 $0x11000  }
0x6e: {  	[spmem:s2] =	stream.indirect.scatter.add.f32 @!p0 [tilespmem:s1], [sflag:$0x7], $0x40, s5, s8, $0xb8;
	[tilespmem:$0x1F000] =	vst v63  }
0x6f: {  	s1 =	simm.s32 @!p0 $0x4  }
0x70: {  	_ =	swait.ge @!p0 [sflag:s1], $0x2000  }
0x71: {  	p1 =	por $0x0, $0x0;
	s13 =	simm.s32 $0x2000;
	[sflag:s1] =	ssyncset.done @!p0 $0x0  }
0x72: {  	s5 =	simm.s32 @!p0 $0x580;
	[sflag:s1] =	ssyncadd.s32 @!p0 $0xFFFFE000;
	s1 =	simm.s32 @!p0 $0xB000  }
0x73: {  	[tilespmem:s1], [sflag:$0x4] =	stream.indirect.gather @!p0 [hbm4b:s4+s8], $0x40, s5, s8, $0xb8;
	[tilespmem:$0x1F000] =	vst v63  }
0x74: {  	s17 =	simm.s32 $0x2B80;
	s1 =	simm.s32 $0x1000;
	_ =	swait.ge [sflag:s29], $0x2000  }
.LBB2_2:
0x75: {  	[sflag:s29] =	ssyncset.done $0x0  }
0x76: {  	s7 =	simm.s32 @!p1 $0x5;
	[sflag:s29] =	ssyncadd.s32 $0xFFFFE000  }
0x77: {  	[spmem:s2] =	stream.indirect.scatter.add.f32 [tilespmem:s25], [sflag:$0x8], $0x40, s17, s14, $0xb8;
	[tilespmem:$0x1F000] =	vst v63  }
0x78: {  	_ =	swait.ge @!p1 [sflag:s7], $0x2000  }
0x79: {  	s19 =	sshra.s32 s1, $0x2;
	[sflag:s7] =	ssyncset.done @!p1 $0x0  }
0x7a: {  	s30 =	sadd.s32 $0x200, s19;
	s8 =	rddreg [dreg:$0x4];
	[sflag:s7] =	ssyncadd.s32 @!p1 $0xFFFFE000  }
0x7b: {  	[tilespmem:s8], [sflag:$0x5] =	stream.indirect.gather [hbm4b:s4+s14], $0x40, s30, s14, $0xb8;
	[tilespmem:$0x1F000] =	vst v63  }
0x7c: {  	_ =	swait.ge [sflag:s21], $0x2000  }
0x7d: {  	[sflag:s21] =	ssyncset.done $0x0  }
0x7e: {  	s31 =	sadd.s32 $0x2800, s19;
	s8 =	simm.s32 @!p1 $0x6;
	[sflag:s21] =	ssyncadd.s32 $0xFFFFE000  }
0x7f: {  	[spmem:s2] =	stream.indirect.scatter.add.f32 [tilespmem:s15], [sflag:$0x1], $0x40, s31, s14, $0xb8;
	[tilespmem:$0x1F000] =	vst v63  }
0x80: {  	_ =	swait.ge @!p1 [sflag:s8], $0x2000  }
0x81: {  	[sflag:s8] =	ssyncset.done @!p1 $0x0  }
0x82: {  	s3 =	sadd.s32 $0x280, s19;
	[sflag:s8] =	ssyncadd.s32 @!p1 $0xFFFFE000  }
0x83: {  	[tilespmem:s22], [sflag:$0x6] =	stream.indirect.gather [hbm4b:s4+s14], $0x40, s3, s14, $0xb8;
	[tilespmem:$0x1F000] =	vst v63  }
0x84: {  	_ =	swait.ge [sflag:s23], $0x2000  }
0x85: {  	[sflag:s23] =	ssyncset.done $0x0  }
0x86: {  	s6 =	sadd.s32 $0x2880, s19;
	s8 =	simm.s32 @!p1 $0x7;
	[sflag:s23] =	ssyncadd.s32 $0xFFFFE000  }
0x87: {  	[spmem:s2] =	stream.indirect.scatter.add.f32 [tilespmem:s16], [sflag:$0x2], $0x40, s6, s14, $0xb8;
	[tilespmem:$0x1F000] =	vst v63  }
0x88: {  	_ =	swait.ge @!p1 [sflag:s8], $0x2000  }
0x89: {  	[sflag:s8] =	ssyncset.done @!p1 $0x0  }
0x8a: {  	s10 =	sadd.s32 $0x300, s19;
	s9 =	rddreg [dreg:$0x5];
	[sflag:s8] =	ssyncadd.s32 @!p1 $0xFFFFE000  }
0x8b: {  	[tilespmem:s9], [sflag:$0x7] =	stream.indirect.gather [hbm4b:s4+s14], $0x40, s10, s14, $0xb8;
	[tilespmem:$0x1F000] =	vst v63  }
0x8c: {  	_ =	swait.ge [sflag:s24], $0x2000  }
0x8d: {  	[sflag:s24] =	ssyncset.done $0x0  }
0x8e: {  	s11 =	sadd.s32 $0x2900, s19;
	s8 =	simm.s32 @!p1 $0x8;
	[sflag:s24] =	ssyncadd.s32 $0xFFFFE000  }
0x8f: {  	[spmem:s2] =	stream.indirect.scatter.add.f32 [tilespmem:s18], [sflag:$0x3], $0x40, s11, s14, $0xb8;
	[tilespmem:$0x1F000] =	vst v63  }
0x90: {  	_ =	swait.ge @!p1 [sflag:s8], $0x2000  }
0x91: {  	[sflag:s8] =	ssyncset.done @!p1 $0x0  }
0x92: {  	s12 =	sadd.s32 $0x380, s19;
	[sflag:s8] =	ssyncadd.s32 @!p1 $0xFFFFE000  }
0x93: {  	[tilespmem:s25], [sflag:$0x8] =	stream.indirect.gather [hbm4b:s4+s14], $0x40, s12, s14, $0xb8;
	[tilespmem:$0x1F000] =	vst v63  }
0x94: {  	_ =	swait.ge [sflag:s26], $0x2000  }
0x95: {  	p1 =	seq.s32 s1, $0x9000;
	[sflag:s26] =	ssyncset.done $0x0  }
0x96: {  	s30 =	sadd.s32 $0x2980, s19;
	s9 =	simm.s32 @p1 $0x5;
	[sflag:s26] =	ssyncadd.s32 $0xFFFFE000  }
0x97: {  	[spmem:s2] =	stream.indirect.scatter.add.f32 [tilespmem:s20], [sflag:$0x4], $0x40, s30, s14, $0xb8;
	[tilespmem:$0x1F000] =	vst v63  }
0x98: {  	s10 =	sshra.s32 @p1 s1, $0x2;
	_ =	swait.ge @p1 [sflag:s9], $0x2000  }
0x99: {  	s8 =	simm.s32 @p1 $0x80;
	s3 =	simm.s32 @p1 $0xD000;
	[sflag:s9] =	ssyncset.done @p1 $0x0  }
0x9a: {  	s7 =	sadd.s32 @p1 $0x2A00, s10;
	[sflag:s9] =	ssyncadd.s32 @p1 $0xFFFFE000;
	s9 =	simm.s32 @!p1 $0x1  }
0x9b: {  	[spmem:s2] =	stream.indirect.scatter.add.f32 @p1 [tilespmem:s3], [sflag:$0x5], $0x40, s7, s8, $0xb8;
	[tilespmem:$0x1F000] =	vst v63  }
0x9c: {  	s1 =	sshra.s32 @!p1 s1, $0x2;
	_ =	swait.ge @!p1 [sflag:s9], $0x2000  }
0x9d: {  	s6 =	simm.s32 @!p1 $0x5000;
	s11 =	simm.s32 @!p1 $0x5;
	[sflag:s9] =	ssyncset.done @!p1 $0x0  }
0x9e: {  	s30 =	sadd.s32 @!p1 $0x400, s1;
	s7 =	simm.s32 @!p1 $0x80;
	[sflag:s9] =	ssyncadd.s32 @!p1 $0xFFFFE000  }
0x9f: {  	[tilespmem:s6], [sflag:$0x1] =	stream.indirect.gather @!p1 [hbm4b:s4+s7], $0x40, s30, s7, $0xb8;
	[tilespmem:$0x1F000] =	vst v63  }
0xa0: {  	_ =	swait.ge @!p1 [sflag:s11], $0x2000  }
0xa1: {  	s12 =	simm.s32 @!p1 $0xD000;
	[sflag:s11] =	ssyncset.done @!p1 $0x0  }
0xa2: {  	s3 =	sadd.s32 @!p1 $0x2A00, s1;
	[sflag:s11] =	ssyncadd.s32 @!p1 $0xFFFFE000;
	s11 =	simm.s32 @!p1 $0x2  }
0xa3: {  	[spmem:s2] =	stream.indirect.scatter.add.f32 @!p1 [tilespmem:s12], [sflag:$0x5], $0x40, s3, s7, $0xb8;
	[tilespmem:$0x1F000] =	vst v63  }
0xa4: {  	_ =	swait.ge @!p1 [sflag:s11], $0x2000  }
0xa5: {  	s5 =	smov.u32 s13;
	[sflag:s11] =	ssyncset.done @!p1 $0x0  }
0xa6: {  	s31 =	sadd.s32 @!p1 $0x480, s1;
	s3 =	simm.s32 @!p1 $0x7000;
	[sflag:s11] =	ssyncadd.s32 @!p1 $0xFFFFE000  }
0xa7: {  	[tilespmem:s3], [sflag:$0x2] =	stream.indirect.gather @!p1 [hbm4b:s4+s7], $0x40, s31, s7, $0xb8;
	[tilespmem:$0x1F000] =	vst v63  }
0xa8: {  	s9 =	sadd.s32 @!p1 $0x580, s1;
	s6 =	sadd.s32 @!p1 $0x500, s1;
	_ =	swait.ge [sflag:s28], $0x2000  }
0xa9: {  	s30 =	sadd.s32 @!p1 $0x2B00, s1;
	s1 =	smov.u32 s5;
	[sflag:s28] =	ssyncset.done $0x0  }
0xaa: {  	s5 =	simm.s32 @p1 $0x7;
	s31 =	sadd.s32 $0x2A80, s19;
	[sflag:s28] =	ssyncadd.s32 $0xFFFFE000  }
0xab: {  	[spmem:s2] =	stream.indirect.scatter.add.f32 [tilespmem:s22], [sflag:$0x6], $0x40, s31, s14, $0xb8;
	[tilespmem:$0x1F000] =	vst v63  }
0xac: {  	_ =	swait.ge @p1 [sflag:s5], $0x2000  }
0xad: {  	s10 =	sadd.s32 @p1 $0x2B00, s10;
	[sflag:s5] =	ssyncset.done @p1 $0x0  }
0xae: {  	s3 =	simm.s32 @p1 $0x11000;
	[sflag:s5] =	ssyncadd.s32 @p1 $0xFFFFE000;
	s5 =	simm.s32 @!p1 $0x3  }
0xaf: {  	[spmem:s2] =	stream.indirect.scatter.add.f32 @p1 [tilespmem:s3], [sflag:$0x7], $0x40, s10, s8, $0xb8;
	[tilespmem:$0x1F000] =	vst v63  }
0xb0: {  	_ =	swait.ge @!p1 [sflag:s5], $0x2000  }
0xb1: {  	[sflag:s5] =	ssyncset.done @!p1 $0x0  }
0xb2: {  	s3 =	simm.s32 @!p1 $0x9000;
	[sflag:s5] =	ssyncadd.s32 @!p1 $0xFFFFE000;
	s5 =	simm.s32 @!p1 $0x7  }
0xb3: {  	[tilespmem:s3], [sflag:$0x3] =	stream.indirect.gather @!p1 [hbm4b:s4+s7], $0x40, s6, s7, $0xb8;
	[tilespmem:$0x1F000] =	vst v63  }
0xb4: {  	s13 =	sadd.s32 $0x1000, s13;
	_ =	swait.ge @!p1 [sflag:s5], $0x2000  }
0xb5: {  	p0 =	sne.s32 s13, $0xA000;
	[sflag:s5] =	ssyncset.done @!p1 $0x0  }
0xb6: {  	s3 =	simm.s32 @!p1 $0x11000;
	[sflag:s5] =	ssyncadd.s32 @!p1 $0xFFFFE000;
	s5 =	simm.s32 @!p1 $0x4  }
0xb7: {  	[spmem:s2] =	stream.indirect.scatter.add.f32 @!p1 [tilespmem:s3], [sflag:$0x7], $0x40, s30, s7, $0xb8;
	[tilespmem:$0x1F000] =	vst v63  }
.Ltmp0:
0xb8: {  	_ =	swait.ge @!p1 [sflag:s5], $0x2000;
	(pc) =	sbr.rel @p0 .LBB2_2-.Ltmp0, $4  }
0xb9: {  	[sflag:s5] =	ssyncset.done @!p1 $0x0  }
0xba: {  	s3 =	simm.s32 @!p1 $0xB000;
	[sflag:s5] =	ssyncadd.s32 @!p1 $0xFFFFE000  }
0xbb: {  	[tilespmem:s3], [sflag:$0x4] =	stream.indirect.gather @!p1 [hbm4b:s4+s7], $0x40, s9, s7, $0xb8;
	[tilespmem:$0x1F000] =	vst v63  }
0xbc: {  	s17 =	sadd.s32 $0x2B80, s19;
	p1 =	seq.s32 s1, $0x0;
	_ =	swait.ge [sflag:s29], $0x2000  }
0xbd: {  	[sflag:s29] =	ssyncset.done $0x0  }
0xbe: {  	s3 =	simm.s32 @!p1 $0x5;
	[sflag:s29] =	ssyncadd.s32 $0xFFFFE000  }
0xbf: {  	[spmem:s2] =	stream.indirect.scatter.add.f32 [tilespmem:s25], [sflag:$0x8], $0x40, s17, s14, $0xb8;
	[tilespmem:$0x1F000] =	vst v63  }
0xc0: {  	_ =	swait.ge @!p1 [sflag:s3], $0x2000  }
0xc1: {  	s5 =	sshra.s32 s1, $0x2;
	[sflag:s3] =	ssyncset.done @!p1 $0x0  }
0xc2: {  	s17 =	sadd.s32 $0x200, s5;
	s6 =	rddreg [dreg:$0x4];
	[sflag:s3] =	ssyncadd.s32 @!p1 $0xFFFFE000  }
0xc3: {  	[tilespmem:s6], [sflag:$0x5] =	stream.indirect.gather [hbm4b:s4+s14], $0x40, s17, s14, $0xb8;
	[tilespmem:$0x1F000] =	vst v63  }
0xc4: {  	_ =	swait.ge [sflag:s21], $0x2000  }
0xc5: {  	[sflag:s21] =	ssyncset.done $0x0  }
0xc6: {  	s19 =	sadd.s32 $0x2800, s5;
	s6 =	simm.s32 @!p1 $0x6;
	[sflag:s21] =	ssyncadd.s32 $0xFFFFE000  }
0xc7: {  	[spmem:s2] =	stream.indirect.scatter.add.f32 [tilespmem:s15], [sflag:$0x1], $0x40, s19, s14, $0xb8;
	[tilespmem:$0x1F000] =	vst v63  }
0xc8: {  	_ =	swait.ge @!p1 [sflag:s6], $0x2000  }
0xc9: {  	[sflag:s6] =	ssyncset.done @!p1 $0x0  }
0xca: {  	s30 =	sadd.s32 $0x280, s5;
	[sflag:s6] =	ssyncadd.s32 @!p1 $0xFFFFE000  }
0xcb: {  	[tilespmem:s22], [sflag:$0x6] =	stream.indirect.gather [hbm4b:s4+s14], $0x40, s30, s14, $0xb8;
	[tilespmem:$0x1F000] =	vst v63  }
0xcc: {  	_ =	swait.ge [sflag:s23], $0x2000  }
0xcd: {  	[sflag:s23] =	ssyncset.done $0x0  }
0xce: {  	s31 =	sadd.s32 $0x2880, s5;
	s6 =	simm.s32 @!p1 $0x7;
	[sflag:s23] =	ssyncadd.s32 $0xFFFFE000  }
0xcf: {  	[spmem:s2] =	stream.indirect.scatter.add.f32 [tilespmem:s16], [sflag:$0x2], $0x40, s31, s14, $0xb8;
	[tilespmem:$0x1F000] =	vst v63  }
0xd0: {  	_ =	swait.ge @!p1 [sflag:s6], $0x2000  }
0xd1: {  	[sflag:s6] =	ssyncset.done @!p1 $0x0  }
0xd2: {  	s8 =	sadd.s32 $0x300, s5;
	s7 =	rddreg [dreg:$0x5];
	[sflag:s6] =	ssyncadd.s32 @!p1 $0xFFFFE000  }
0xd3: {  	[tilespmem:s7], [sflag:$0x7] =	stream.indirect.gather [hbm4b:s4+s14], $0x40, s8, s14, $0xb8;
	[tilespmem:$0x1F000] =	vst v63  }
0xd4: {  	_ =	swait.ge [sflag:s24], $0x2000  }
0xd5: {  	[sflag:s24] =	ssyncset.done $0x0  }
0xd6: {  	s9 =	sadd.s32 $0x2900, s5;
	s6 =	simm.s32 @!p1 $0x8;
	[sflag:s24] =	ssyncadd.s32 $0xFFFFE000  }
0xd7: {  	[spmem:s2] =	stream.indirect.scatter.add.f32 [tilespmem:s18], [sflag:$0x3], $0x40, s9, s14, $0xb8;
	[tilespmem:$0x1F000] =	vst v63  }
0xd8: {  	_ =	swait.ge @!p1 [sflag:s6], $0x2000  }
0xd9: {  	[sflag:s6] =	ssyncset.done @!p1 $0x0  }
0xda: {  	s10 =	sadd.s32 $0x380, s5;
	[sflag:s6] =	ssyncadd.s32 @!p1 $0xFFFFE000  }
0xdb: {  	[tilespmem:s25], [sflag:$0x8] =	stream.indirect.gather [hbm4b:s4+s14], $0x40, s10, s14, $0xb8;
	[tilespmem:$0x1F000] =	vst v63  }
0xdc: {  	_ =	swait.ge [sflag:s26], $0x2000  }
0xdd: {  	p0 =	seq.s32 s1, $0x9000;
	[sflag:s26] =	ssyncset.done $0x0  }
0xde: {  	s11 =	sadd.s32 $0x2980, s5;
	s6 =	simm.s32 @p0 $0x5;
	[sflag:s26] =	ssyncadd.s32 $0xFFFFE000  }
0xdf: {  	[spmem:s2] =	stream.indirect.scatter.add.f32 [tilespmem:s20], [sflag:$0x4], $0x40, s11, s14, $0xb8;
	[tilespmem:$0x1F000] =	vst v63  }
0xe0: {  	s3 =	sshra.s32 @p0 s1, $0x2;
	_ =	swait.ge @p0 [sflag:s6], $0x2000  }
0xe1: {  	s7 =	sadd.s32 @p0 $0x2A00, s3;
	s8 =	simm.s32 @p0 $0x80;
	[sflag:s6] =	ssyncset.done @p0 $0x0  }
0xe2: {  	s9 =	simm.s32 @p0 $0xD000;
	[sflag:s6] =	ssyncadd.s32 @p0 $0xFFFFE000;
	s6 =	simm.s32 @!p0 $0x1  }
0xe3: {  	[spmem:s2] =	stream.indirect.scatter.add.f32 @p0 [tilespmem:s9], [sflag:$0x5], $0x40, s7, s8, $0xb8;
	[tilespmem:$0x1F000] =	vst v63  }
0xe4: {  	s1 =	sshra.s32 @!p0 s1, $0x2;
	_ =	swait.ge @!p0 [sflag:s6], $0x2000  }
0xe5: {  	s7 =	sadd.s32 @!p0 $0x400, s1;
	[sflag:s6] =	ssyncset.done @!p0 $0x0  }
0xe6: {  	s9 =	simm.s32 @!p0 $0x80;
	[sflag:s6] =	ssyncadd.s32 @!p0 $0xFFFFE000;
	s6 =	simm.s32 @!p0 $0x5000  }
0xe7: {  	[tilespmem:s6], [sflag:$0x1] =	stream.indirect.gather @!p0 [hbm4b:s4+s9], $0x40, s7, s9, $0xb8;
	[tilespmem:$0x1F000] =	vst v63  }
0xe8: {  	s6 =	simm.s32 @!p0 $0x5  }
0xe9: {  	_ =	swait.ge @!p0 [sflag:s6], $0x2000  }
0xea: {  	[sflag:s6] =	ssyncset.done @!p0 $0x0  }
0xeb: {  	s7 =	sadd.s32 @!p0 $0x2A00, s1;
	[sflag:s6] =	ssyncadd.s32 @!p0 $0xFFFFE000;
	s6 =	simm.s32 @!p0 $0xD000  }
0xec: {  	[spmem:s2] =	stream.indirect.scatter.add.f32 @!p0 [tilespmem:s6], [sflag:$0x5], $0x40, s7, s9, $0xb8;
	[tilespmem:$0x1F000] =	vst v63  }
0xed: {  	s6 =	simm.s32 @!p0 $0x2  }
0xee: {  	_ =	swait.ge @!p0 [sflag:s6], $0x2000  }
0xef: {  	[sflag:s6] =	ssyncset.done @!p0 $0x0  }
0xf0: {  	s7 =	sadd.s32 @!p0 $0x480, s1;
	[sflag:s6] =	ssyncadd.s32 @!p0 $0xFFFFE000;
	s6 =	simm.s32 @!p0 $0x7000  }
0xf1: {  	[tilespmem:s6], [sflag:$0x2] =	stream.indirect.gather @!p0 [hbm4b:s4+s9], $0x40, s7, s9, $0xb8;
	[tilespmem:$0x1F000] =	vst v63  }
0xf2: {  	_ =	swait.ge [sflag:s28], $0x2000  }
0xf3: {  	[sflag:s28] =	ssyncset.done $0x0  }
0xf4: {  	s12 =	sadd.s32 $0x2A80, s5;
	s6 =	simm.s32 @p0 $0x7;
	[sflag:s28] =	ssyncadd.s32 $0xFFFFE000  }
0xf5: {  	[spmem:s2] =	stream.indirect.scatter.add.f32 [tilespmem:s22], [sflag:$0x6], $0x40, s12, s14, $0xb8;
	[tilespmem:$0x1F000] =	vst v63  }
0xf6: {  	_ =	swait.ge @p0 [sflag:s6], $0x2000  }
0xf7: {  	[sflag:s6] =	ssyncset.done @p0 $0x0  }
0xf8: {  	s3 =	sadd.s32 @p0 $0x2B00, s3;
	[sflag:s6] =	ssyncadd.s32 @p0 $0xFFFFE000;
	s6 =	simm.s32 @p0 $0x11000  }
0xf9: {  	[spmem:s2] =	stream.indirect.scatter.add.f32 @p0 [tilespmem:s6], [sflag:$0x7], $0x40, s3, s8, $0xb8;
	[tilespmem:$0x1F000] =	vst v63  }
0xfa: {  	s3 =	simm.s32 @!p0 $0x3  }
0xfb: {  	_ =	swait.ge @!p0 [sflag:s3], $0x2000  }
0xfc: {  	[sflag:s3] =	ssyncset.done @!p0 $0x0  }
0xfd: {  	s6 =	sadd.s32 @!p0 $0x500, s1;
	[sflag:s3] =	ssyncadd.s32 @!p0 $0xFFFFE000;
	s3 =	simm.s32 @!p0 $0x9000  }
0xfe: {  	[tilespmem:s3], [sflag:$0x3] =	stream.indirect.gather @!p0 [hbm4b:s4+s9], $0x40, s6, s9, $0xb8;
	[tilespmem:$0x1F000] =	vst v63  }
0xff: {  	s3 =	simm.s32 @!p0 $0x7  }
0x100: {  	_ =	swait.ge @!p0 [sflag:s3], $0x2000  }
0x101: {  	[sflag:s3] =	ssyncset.done @!p0 $0x0  }
0x102: {  	s6 =	sadd.s32 @!p0 $0x2B00, s1;
	[sflag:s3] =	ssyncadd.s32 @!p0 $0xFFFFE000;
	s3 =	simm.s32 @!p0 $0x11000  }
0x103: {  	[spmem:s2] =	stream.indirect.scatter.add.f32 @!p0 [tilespmem:s3], [sflag:$0x7], $0x40, s6, s9, $0xb8;
	[tilespmem:$0x1F000] =	vst v63  }
0x104: {  	s3 =	simm.s32 @!p0 $0x4  }
0x105: {  	_ =	swait.ge @!p0 [sflag:s3], $0x2000  }
0x106: {  	[sflag:s3] =	ssyncset.done @!p0 $0x0  }
0x107: {  	s1 =	sadd.s32 @!p0 $0x580, s1;
	[sflag:s3] =	ssyncadd.s32 @!p0 $0xFFFFE000;
	s3 =	simm.s32 @!p0 $0xB000  }
0x108: {  	[tilespmem:s3], [sflag:$0x4] =	stream.indirect.gather @!p0 [hbm4b:s4+s9], $0x40, s1, s9, $0xb8;
	[tilespmem:$0x1F000] =	vst v63  }
0x109: {  	_ =	swait.ge [sflag:s29], $0x2000  }
0x10a: {  	[sflag:s29] =	ssyncset.done $0x0  }
0x10b: {  	s13 =	sadd.s32 $0x2B80, s5;
	[sflag:s29] =	ssyncadd.s32 $0xFFFFE000  }
0x10c: {  	[spmem:s2] =	stream.indirect.scatter.add.f32 [tilespmem:s25], [sflag:$0x8], $0x40, s13, s14, $0xb8;
	[tilespmem:$0x1F000] =	vst v63  }
0x10d: {  	_ =	swait.ge [sflag:s21], $0x2000  }
0x10e: {  	[sflag:s21] =	ssyncset.done $0x0  }
0x10f: {  	[sflag:s21] =	ssyncadd.s32 $0xFFFFE000  }
0x110: {  	_ =	swait.ge [sflag:s23], $0x2000  }
0x111: {  	[sflag:s23] =	ssyncset.done $0x0  }
0x112: {  	[sflag:s23] =	ssyncadd.s32 $0xFFFFE000  }
0x113: {  	_ =	swait.ge [sflag:s24], $0x2000  }
0x114: {  	[sflag:s24] =	ssyncset.done $0x0  }
0x115: {  	[sflag:s24] =	ssyncadd.s32 $0xFFFFE000  }
0x116: {  	_ =	swait.ge [sflag:s26], $0x2000  }
0x117: {  	[sflag:s26] =	ssyncset.done $0x0  }
0x118: {  	s17 =	simm.s32 $0x5;
	[sflag:s26] =	ssyncadd.s32 $0xFFFFE000  }
0x119: {  	_ =	swait.ge [sflag:s17], $0x2000  }
0x11a: {  	[sflag:s17] =	ssyncset.done $0x0  }
0x11b: {  	[sflag:s17] =	ssyncadd.s32 $0xFFFFE000  }
0x11c: {  	_ =	swait.ge [sflag:s28], $0x2000  }
0x11d: {  	[sflag:s28] =	ssyncset.done $0x0  }
0x11e: {  	s19 =	simm.s32 $0x7;
	[sflag:s28] =	ssyncadd.s32 $0xFFFFE000  }
0x11f: {  	_ =	swait.ge [sflag:s19], $0x2000  }
0x120: {  	[sflag:s19] =	ssyncset.done $0x0  }
0x121: {  	[sflag:s19] =	ssyncadd.s32 $0xFFFFE000  }
0x122: {  	_ =	swait.ge [sflag:s29], $0x2000  }
0x123: {  	[sflag:s29] =	ssyncset.done $0x0  }
0x124: {  	[sflag:s29] =	ssyncadd.s32 $0xFFFFE000  }
0x125: {  	[bflag:$0x0] =	sbarrier.arrive $0xFFFF  }
0x126: {  	s3 =	rddreg [dreg:$0x7]  }
0x127: {  	s30 =	rddreg [dreg:$0xa]  }
0x128: {  	s6 =	simm.s32 $0x9;
	s5 =	rddreg [dreg:$0xc]  }
0x129: {  	[hbm:s30], [sflag:s3] =	dma.local [spmem:s5], $0x1400  }
0x12a: {  	_ =	swait.ge [sflag:s6], $0x1400  }
0x12b: {  	s0 =	sadd.s32 $0x1, s0;
	s31 =	rddreg [dreg:$0xb]  }
0x12c: {  	p0 =	sne.s32 s0, s31  }
.Ltmp1:
0x12d: {  	_ = 	snop;
	(pc) =	sbr.rel @p0 .LBB2_1-.Ltmp1, $3  }
0x12e: {  	_ =	sdelay $0x1  }
0x12f: {  	[sflag:s6] =	ssyncset.done $0x0  }
0x130: {  	[sflag:s6] =	ssyncadd.s32 $0xFFFFEC00  }
0x131: {  	_ =	sfence.sel $0x180000  }
0x132: {  	[bflag:$0x0] =	sbarrier.arrive $0xFFFF  }
0x133: {  	_ =	strace $0x90000053  }
0x134: {  	s0 =	stileid.u32;
	[bflag:$0x2] =	sbarrier.arrive $0xFFFF  }
0x135: {  	p0 =	sne.s32 s0, $0x0;
	s0 =	rddreg [dreg:$0x3]  }
0x136: {  	s0 =	sadd.s32 @!p0 $0x100000, s0  }
0x137: {  	[sflag:s0] =	ssyncadd.tile.s32 @!p0 $0x1;
	_ =	shalt  }
.Lfunc_end2:
_tile_overlayer_lowered:
.L_overlay_start_2:
0x138: {  	(tag) =	ssettag $0x2  }
0x139: {  	s0 =	rddreg [dreg:$0x0];
	s2 =	stileid.u32  }
0x13a: {  	s1 =	rddreg [dreg:$0x1];
	p0 =	sne.s32 s2, $0x0  }
0x13b: {  	s3 =	rddreg [dreg:$0x2];
	[bflag:$0x3] =	sbarrier.arrive $0xFFFF;
	s2 =	simm.s32 @!p0 $0x1C09  }
0x13c: {  	[timem:s3], [sflag:s2] =	dma.local @!p0 [hbm:s0], s1  }
0x13d: {  	s0 =	simm.s32 @!p0 $0x9  }
0x13e: {  	_ =	swait.ge @!p0 [sflag:s0], s1  }
0x13f: {  	s1 =	ssub.s32 @!p0 $0x0, s1;
	[sflag:s0] =	ssyncset.done @!p0 $0x0  }
0x140: {  	[sflag:s0] =	ssyncadd.s32 @!p0 s1  }
0x141: {  	[bflag:$0x3] =	sbarrier.arrive $0xFFFF  }
0x142: {  	_ =	shalt  }

</sc_bundles>
